<compile_context>
chip_gen: v7x
topology: tpu7x:2x2x1
jax: 0.10.2.dev20260603
libtpu: 0.0.44.dev20260713+nightly
codegen_flags: <defaults>
</compile_context>

<pallas_src>
import functools

import jax
import jax.numpy as jnp
from jax import lax
from jax.experimental import pallas as pl
from jax.experimental.pallas import tpu as pltpu
from jax.experimental.pallas import tpu_sc as plsc

B, L, D = 256, 144, 768
N_PATCH = 576
N = B * L
NW = 32
ROWS_PER_W = N // NW
C = 24
NCHUNK = ROWS_PER_W // C
NBUF = 3
NBLK = NCHUNK // NBUF
LANES = 16

_mesh = plsc.VectorSubcoreMesh(core_axis_name="c", subcore_axis_name="s")


@functools.partial(
    pl.kernel,
    mesh=_mesh,
    out_type=jax.ShapeDtypeStruct((N, D), jnp.float32),
    scratch_types=(
        [pltpu.VMEM((ROWS_PER_W,), jnp.int32)]
        + [pltpu.VMEM((C, D), jnp.float32) for _ in range(2 * NBUF)]
        + [pltpu.SemaphoreType.DMA for _ in range(3 * NBUF)]
    ),
)
def _pe_add(x_hbm, idx_hbm, table_hbm, out_hbm, idx_all,
            xv0, xv1, xv2, rv0, rv1, rv2,
            sx0, sx1, sx2, sg0, sg1, sg2, so0, so1, so2):
    xv = [xv0, xv1, xv2]
    rv = [rv0, rv1, rv2]
    sx = [sx0, sx1, sx2]
    sg = [sg0, sg1, sg2]
    so = [so0, so1, so2]

    wid = lax.axis_index("s") * 2 + lax.axis_index("c")
    base_w = wid * ROWS_PER_W

    pltpu.sync_copy(idx_hbm.at[pl.ds(base_w, ROWS_PER_W)], idx_all)
    for i in range(ROWS_PER_W // LANES):
        sl = pl.ds(i * LANES, LANES)
        idx_all[sl] = idx_all[sl] + 1

    def start_loads(g, b):
        pltpu.async_copy(x_hbm.at[pl.ds(base_w + g * C, C)], xv[b], sx[b])
        pltpu.async_copy(table_hbm.at[idx_all.at[pl.ds(g * C, C)]], rv[b], sg[b])

    for g in range(NBUF - 1):
        start_loads(g, g)

    def block(blk, carry):
        g0 = blk * NBUF
        for j in range(NBUF):
            g = g0 + j
            b = j
            b2 = (j + 2) % NBUF
            pltpu.make_async_copy(x_hbm.at[pl.ds(base_w, C)], xv[b], sx[b]).wait()
            pltpu.make_async_copy(x_hbm.at[pl.ds(base_w, C)], rv[b], sg[b]).wait()

            @plsc.parallel_loop(0, C, 1, unroll=2)
            def add_row(r):
                for k in range(D // LANES):
                    sl = pl.ds(k * LANES, LANES)
                    plsc.addupdate(rv[b].at[r, sl], xv[b][r, sl])

            pltpu.async_copy(rv[b], out_hbm.at[pl.ds(base_w + g * C, C)], so[b])

            def drain_prev_scatter():
                pltpu.make_async_copy(
                    rv[b2], out_hbm.at[pl.ds(base_w, C)], so[b2]).wait()

            def prefetch():
                drain_prev_scatter()
                start_loads(g + 2, b2)

            if j == 0:
                pl.when(blk > 0)(drain_prev_scatter)
                start_loads(g + 2, b2)
            else:
                pl.when(blk < NBLK - 1)(prefetch)
        return carry

    lax.fori_loop(0, NBLK, block, 0)

    for b in range(NBUF):
        pltpu.make_async_copy(rv[b], out_hbm.at[pl.ds(base_w, C)], so[b]).wait()


def kernel(unmask_patch_embed, unmask_idx, cls_encode, pe_encode):
    del cls_encode
    x = unmask_patch_embed.reshape(N, D)
    idx = unmask_idx.reshape(N).astype(jnp.int32)
    table = pe_encode.reshape(N_PATCH + 1, D)
    out = _pe_add(x, idx, table)
    return out.reshape(B, L, D)

# --- scband reference (transcript-rebuilt; emitter-appended) ---
"""Pipeline reference for scband-class-position-encode-29892972380828 (READ-ONLY COPY).

The authoritative reference and input builder live on the scoring server;
editing this copy changes nothing except your own understanding.
"""

import jax, jax.numpy as jnp
import numpy as np

B, L, D = 256, 144, 768
N_PATCH = 576

def setup_inputs(seed: int = 0) -> dict:
    key = jax.random.key(seed)
    k1, k2, k3, k4 = jax.random.split(key, 4)
    unmask_patch_embed = jax.random.normal(k1, (B, L, D), dtype=jnp.float32)
    unmask_idx = jax.random.randint(k2, (B, L), 0, N_PATCH).astype(jnp.int64)
    # learned params sized per init_kwargs
    cls_encode = jax.random.normal(k3, (1, 1, D), dtype=jnp.float32)
    pe_encode = jax.random.normal(k4, (1, N_PATCH + 1, D), dtype=jnp.float32)
    return {
        "unmask_patch_embed": unmask_patch_embed,
        "unmask_idx": unmask_idx,
        "cls_encode": cls_encode,
        "pe_encode": pe_encode,
    }

def reference(unmask_patch_embed, unmask_idx, cls_encode, pe_encode):
    # pe = x + pe_encode.squeeze(0)[unmask_idx + 1, :]
    pe_table = jnp.squeeze(pe_encode, axis=0)  # [N_PATCH+1, D]
    gathered = jnp.take(pe_table, unmask_idx + 1, axis=0)  # [B, L, D]
    pe = unmask_patch_embed + gathered
    return pe

if __name__ == "__main__":
    import jax
    _d = setup_inputs()
    print(jax.jit(kernel)(*tuple(_d.values())))

</pallas_src>

<mosaic_0001>
#map = affine_map<(d0, d1) -> (0, 0)>
#map1 = affine_map<(d0, d1) -> (0)>
module attributes {stable_mosaic.version = 14 : i64} {
  func.func @_pe_add(%arg0: i32, %arg1: i32, %arg2: memref<36864x768xf32, #tpu.memory_space<hbm>>, %arg3: memref<36864xi32, #tpu.memory_space<hbm>>, %arg4: memref<577x768xf32, #tpu.memory_space<hbm>>, %arg5: memref<36864x768xf32, #tpu.memory_space<hbm>>, %arg6: memref<1152xi32, #tpu.memory_space<vmem>>, %arg7: memref<24x768xf32, #tpu.memory_space<vmem>>, %arg8: memref<24x768xf32, #tpu.memory_space<vmem>>, %arg9: memref<24x768xf32, #tpu.memory_space<vmem>>, %arg10: memref<24x768xf32, #tpu.memory_space<vmem>>, %arg11: memref<24x768xf32, #tpu.memory_space<vmem>>, %arg12: memref<24x768xf32, #tpu.memory_space<vmem>>, %arg13: memref<!tpu.dma_semaphore, #tpu.memory_space<semaphore_mem>>, %arg14: memref<!tpu.dma_semaphore, #tpu.memory_space<semaphore_mem>>, %arg15: memref<!tpu.dma_semaphore, #tpu.memory_space<semaphore_mem>>, %arg16: memref<!tpu.dma_semaphore, #tpu.memory_space<semaphore_mem>>, %arg17: memref<!tpu.dma_semaphore, #tpu.memory_space<semaphore_mem>>, %arg18: memref<!tpu.dma_semaphore, #tpu.memory_space<semaphore_mem>>, %arg19: memref<!tpu.dma_semaphore, #tpu.memory_space<semaphore_mem>>, %arg20: memref<!tpu.dma_semaphore, #tpu.memory_space<semaphore_mem>>, %arg21: memref<!tpu.dma_semaphore, #tpu.memory_space<semaphore_mem>>) attributes {dimension_semantics = [#tpu.dimension_semantics<core_parallel>, #tpu.dimension_semantics<subcore_parallel>], iteration_bounds = array<i64: 2, 16>, scalar_prefetch = 0 : i64, scratch_operands = 16 : i64, tpu.core_type = #tpu.core_type<sc_vector_subcore>, window_params = [{transform_indices = #map}, {transform_indices = #map1}, {transform_indices = #map}, {transform_indices = #map}]} {
    %mul3A = arith.constant 2 : i32
    %mul3A_0 = arith.muli %arg1, %mul3A : i32
    %add3A = arith.addi %mul3A_0, %arg0 : i32
    %mul3A_1 = arith.constant 1152 : i32
    %mul3A_2 = arith.muli %add3A, %mul3A_1 : i32
    "tpu.region"() ({
      %run_scoped3A = tpu.sem_alloc : memref<!tpu.dma_semaphore, #tpu.memory_space<semaphore_mem>>
      %dma_start3A_758 = tpu.memref_slice %arg3[%mul3A_2] : memref<36864xi32, #tpu.memory_space<hbm>> -> memref<1152xi32, #tpu.memory_space<hbm>>
      %dma_start3A_759 = tpu.memref_slice %arg3[%mul3A_2] : memref<36864xi32, #tpu.memory_space<hbm>> -> memref<1152xi32, #tpu.memory_space<hbm>>
      tpu.enqueue_dma source(%dma_start3A_759 : memref<1152xi32, #tpu.memory_space<hbm>>) target(%arg6 : memref<1152xi32, #tpu.memory_space<vmem>>) target_semaphore(%run_scoped3A : memref<!tpu.dma_semaphore, #tpu.memory_space<semaphore_mem>>)
      %dma_wait3A_760 = tpu.memref_slice %arg3[%mul3A_2] : memref<36864xi32, #tpu.memory_space<hbm>> -> memref<1152xi32, #tpu.memory_space<hbm>>
      %dma_wait3A_761 = tpu.memref_slice %arg3[%mul3A_2] : memref<36864xi32, #tpu.memory_space<hbm>> -> memref<1152xi32, #tpu.memory_space<hbm>>
      tpu.wait_dma2 semaphore(%run_scoped3A : memref<!tpu.dma_semaphore, #tpu.memory_space<semaphore_mem>>) src(%dma_wait3A_761 : memref<1152xi32, #tpu.memory_space<hbm>>) dst(%arg6 : memref<1152xi32, #tpu.memory_space<vmem>>)
      tpu.yield
    }) : () -> ()
    %get3A = arith.constant 0 : index
    %get3A_3 = tpu.vector_load %arg6[%get3A] {strides = array<i32>} : memref<1152xi32, #tpu.memory_space<vmem>>, vector<16xi32>,
    %get3A_4 = vector.shape_cast %get3A_3 : vector<16xi32> to vector<16xi32>
    %add3A_5 = arith.constant 1 : i32
    %add3A_6 = vector.broadcast %add3A_5 : i32 to vector<16xi32>
    %add3A_7 = arith.addi %get3A_4, %add3A_6 : vector<16xi32>
    %swap3A = arith.constant 0 : index
    %swap3A_8 = tpu.vector_load %arg6[%swap3A] {strides = array<i32>} : memref<1152xi32, #tpu.memory_space<vmem>>, vector<16xi32>,
    %swap3A_9 = vector.shape_cast %swap3A_8 : vector<16xi32> to vector<16xi32>
    %swap3A_10 = vector.shape_cast %add3A_7 : vector<16xi32> to vector<16xi32>
    tpu.vector_store %arg6[%swap3A], %swap3A_10 {strides = array<i32>} : memref<1152xi32, #tpu.memory_space<vmem>>, vector<16xi32>,
    %get3A_11 = arith.constant 16 : index
    %get3A_12 = tpu.vector_load %arg6[%get3A_11] {strides = array<i32>} : memref<1152xi32, #tpu.memory_space<vmem>>, vector<16xi32>,
    %get3A_13 = vector.shape_cast %get3A_12 : vector<16xi32> to vector<16xi32>
    %add3A_14 = arith.constant 1 : i32
    %add3A_15 = vector.broadcast %add3A_14 : i32 to vector<16xi32>
    %add3A_16 = arith.addi %get3A_13, %add3A_15 : vector<16xi32>
    %swap3A_17 = arith.constant 16 : index
    %swap3A_18 = tpu.vector_load %arg6[%swap3A_17] {strides = array<i32>} : memref<1152xi32, #tpu.memory_space<vmem>>, vector<16xi32>,
    %swap3A_19 = vector.shape_cast %swap3A_18 : vector<16xi32> to vector<16xi32>
    %swap3A_20 = vector.shape_cast %add3A_16 : vector<16xi32> to vector<16xi32>
    tpu.vector_store %arg6[%swap3A_17], %swap3A_20 {strides = array<i32>} : memref<1152xi32, #tpu.memory_space<vmem>>, vector<16xi32>,
    %get3A_21 = arith.constant 32 : index
    %get3A_22 = tpu.vector_load %arg6[%get3A_21] {strides = array<i32>} : memref<1152xi32, #tpu.memory_space<vmem>>, vector<16xi32>,
    %get3A_23 = vector.shape_cast %get3A_22 : vector<16xi32> to vector<16xi32>
    %add3A_24 = arith.constant 1 : i32
    %add3A_25 = vector.broadcast %add3A_24 : i32 to vector<16xi32>
    %add3A_26 = arith.addi %get3A_23, %add3A_25 : vector<16xi32>
    %swap3A_27 = arith.constant 32 : index
    %swap3A_28 = tpu.vector_load %arg6[%swap3A_27] {strides = array<i32>} : memref<1152xi32, #tpu.memory_space<vmem>>, vector<16xi32>,
    %swap3A_29 = vector.shape_cast %swap3A_28 : vector<16xi32> to vector<16xi32>
    %swap3A_30 = vector.shape_cast %add3A_26 : vector<16xi32> to vector<16xi32>
    tpu.vector_store %arg6[%swap3A_27], %swap3A_30 {strides = array<i32>} : memref<1152xi32, #tpu.memory_space<vmem>>, vector<16xi32>,
    %get3A_31 = arith.constant 48 : index
    %get3A_32 = tpu.vector_load %arg6[%get3A_31] {strides = array<i32>} : memref<1152xi32, #tpu.memory_space<vmem>>, vector<16xi32>,
    %get3A_33 = vector.shape_cast %get3A_32 : vector<16xi32> to vector<16xi32>
    %add3A_34 = arith.constant 1 : i32
    %add3A_35 = vector.broadcast %add3A_34 : i32 to vector<16xi32>
    %add3A_36 = arith.addi %get3A_33, %add3A_35 : vector<16xi32>
    %swap3A_37 = arith.constant 48 : index
    %swap3A_38 = tpu.vector_load %arg6[%swap3A_37] {strides = array<i32>} : memref<1152xi32, #tpu.memory_space<vmem>>, vector<16xi32>,
    %swap3A_39 = vector.shape_cast %swap3A_38 : vector<16xi32> to vector<16xi32>
    %swap3A_40 = vector.shape_cast %add3A_36 : vector<16xi32> to vector<16xi32>
    tpu.vector_store %arg6[%swap3A_37], %swap3A_40 {strides = array<i32>} : memref<1152xi32, #tpu.memory_space<vmem>>, vector<16xi32>,
    %get3A_41 = arith.constant 64 : index
    %get3A_42 = tpu.vector_load %arg6[%get3A_41] {strides = array<i32>} : memref<1152xi32, #tpu.memory_space<vmem>>, vector<16xi32>,
    %get3A_43 = vector.shape_cast %get3A_42 : vector<16xi32> to vector<16xi32>
    %add3A_44 = arith.constant 1 : i32
    %add3A_45 = vector.broadcast %add3A_44 : i32 to vector<16xi32>
    %add3A_46 = arith.addi %get3A_43, %add3A_45 : vector<16xi32>
    %swap3A_47 = arith.constant 64 : index
    %swap3A_48 = tpu.vector_load %arg6[%swap3A_47] {strides = array<i32>} : memref<1152xi32, #tpu.memory_space<vmem>>, vector<16xi32>,
    %swap3A_49 = vector.shape_cast %swap3A_48 : vector<16xi32> to vector<16xi32>
    %swap3A_50 = vector.shape_cast %add3A_46 : vector<16xi32> to vector<16xi32>
    tpu.vector_store %arg6[%swap3A_47], %swap3A_50 {strides = array<i32>} : memref<1152xi32, #tpu.memory_space<vmem>>, vector<16xi32>,
    %get3A_51 = arith.constant 80 : index
    %get3A_52 = tpu.vector_load %arg6[%get3A_51] {strides = array<i32>} : memref<1152xi32, #tpu.memory_space<vmem>>, vector<16xi32>,
    %get3A_53 = vector.shape_cast %get3A_52 : vector<16xi32> to vector<16xi32>
    %add3A_54 = arith.constant 1 : i32
    %add3A_55 = vector.broadcast %add3A_54 : i32 to vector<16xi32>
    %add3A_56 = arith.addi %get3A_53, %add3A_55 : vector<16xi32>
    %swap3A_57 = arith.constant 80 : index
    %swap3A_58 = tpu.vector_load %arg6[%swap3A_57] {strides = array<i32>} : memref<1152xi32, #tpu.memory_space<vmem>>, vector<16xi32>,
    %swap3A_59 = vector.shape_cast %swap3A_58 : vector<16xi32> to vector<16xi32>
    %swap3A_60 = vector.shape_cast %add3A_56 : vector<16xi32> to vector<16xi32>
    tpu.vector_store %arg6[%swap3A_57], %swap3A_60 {strides = array<i32>} : memref<1152xi32, #tpu.memory_space<vmem>>, vector<16xi32>,
    %get3A_61 = arith.constant 96 : index
    %get3A_62 = tpu.vector_load %arg6[%get3A_61] {strides = array<i32>} : memref<1152xi32, #tpu.memory_space<vmem>>, vector<16xi32>,
    %get3A_63 = vector.shape_cast %get3A_62 : vector<16xi32> to vector<16xi32>
    %add3A_64 = arith.constant 1 : i32
    %add3A_65 = vector.broadcast %add3A_64 : i32 to vector<16xi32>
    %add3A_66 = arith.addi %get3A_63, %add3A_65 : vector<16xi32>
    %swap3A_67 = arith.constant 96 : index
    %swap3A_68 = tpu.vector_load %arg6[%swap3A_67] {strides = array<i32>} : memref<1152xi32, #tpu.memory_space<vmem>>, vector<16xi32>,
    %swap3A_69 = vector.shape_cast %swap3A_68 : vector<16xi32> to vector<16xi32>
    %swap3A_70 = vector.shape_cast %add3A_66 : vector<16xi32> to vector<16xi32>
    tpu.vector_store %arg6[%swap3A_67], %swap3A_70 {strides = array<i32>} : memref<1152xi32, #tpu.memory_space<vmem>>, vector<16xi32>,
    %get3A_71 = arith.constant 112 : index
    %get3A_72 = tpu.vector_load %arg6[%get3A_71] {strides = array<i32>} : memref<1152xi32, #tpu.memory_space<vmem>>, vector<16xi32>,
    %get3A_73 = vector.shape_cast %get3A_72 : vector<16xi32> to vector<16xi32>
    %add3A_74 = arith.constant 1 : i32
    %add3A_75 = vector.broadcast %add3A_74 : i32 to vector<16xi32>
    %add3A_76 = arith.addi %get3A_73, %add3A_75 : vector<16xi32>
    %swap3A_77 = arith.constant 112 : index
    %swap3A_78 = tpu.vector_load %arg6[%swap3A_77] {strides = array<i32>} : memref<1152xi32, #tpu.memory_space<vmem>>, vector<16xi32>,
    %swap3A_79 = vector.shape_cast %swap3A_78 : vector<16xi32> to vector<16xi32>
    %swap3A_80 = vector.shape_cast %add3A_76 : vector<16xi32> to vector<16xi32>
    tpu.vector_store %arg6[%swap3A_77], %swap3A_80 {strides = array<i32>} : memref<1152xi32, #tpu.memory_space<vmem>>, vector<16xi32>,
    %get3A_81 = arith.constant 128 : index
    %get3A_82 = tpu.vector_load %arg6[%get3A_81] {strides = array<i32>} : memref<1152xi32, #tpu.memory_space<vmem>>, vector<16xi32>,
    %get3A_83 = vector.shape_cast %get3A_82 : vector<16xi32> to vector<16xi32>
    %add3A_84 = arith.constant 1 : i32
    %add3A_85 = vector.broadcast %add3A_84 : i32 to vector<16xi32>
    %add3A_86 = arith.addi %get3A_83, %add3A_85 : vector<16xi32>
    %swap3A_87 = arith.constant 128 : index
    %swap3A_88 = tpu.vector_load %arg6[%swap3A_87] {strides = array<i32>} : memref<1152xi32, #tpu.memory_space<vmem>>, vector<16xi32>,
    %swap3A_89 = vector.shape_cast %swap3A_88 : vector<16xi32> to vector<16xi32>
    %swap3A_90 = vector.shape_cast %add3A_86 : vector<16xi32> to vector<16xi32>
    tpu.vector_store %arg6[%swap3A_87], %swap3A_90 {strides = array<i32>} : memref<1152xi32, #tpu.memory_space<vmem>>, vector<16xi32>,
    %get3A_91 = arith.constant 144 : index
    %get3A_92 = tpu.vector_load %arg6[%get3A_91] {strides = array<i32>} : memref<1152xi32, #tpu.memory_space<vmem>>, vector<16xi32>,
    %get3A_93 = vector.shape_cast %get3A_92 : vector<16xi32> to vector<16xi32>
    %add3A_94 = arith.constant 1 : i32
    %add3A_95 = vector.broadcast %add3A_94 : i32 to vector<16xi32>
    %add3A_96 = arith.addi %get3A_93, %add3A_95 : vector<16xi32>
    %swap3A_97 = arith.constant 144 : index
    %swap3A_98 = tpu.vector_load %arg6[%swap3A_97] {strides = array<i32>} : memref<1152xi32, #tpu.memory_space<vmem>>, vector<16xi32>,
    %swap3A_99 = vector.shape_cast %swap3A_98 : vector<16xi32> to vector<16xi32>
    %swap3A_100 = vector.shape_cast %add3A_96 : vector<16xi32> to vector<16xi32>
    tpu.vector_store %arg6[%swap3A_97], %swap3A_100 {strides = array<i32>} : memref<1152xi32, #tpu.memory_space<vmem>>, vector<16xi32>,
    %get3A_101 = arith.constant 160 : index
    %get3A_102 = tpu.vector_load %arg6[%get3A_101] {strides = array<i32>} : memref<1152xi32, #tpu.memory_space<vmem>>, vector<16xi32>,
    %get3A_103 = vector.shape_cast %get3A_102 : vector<16xi32> to vector<16xi32>
    %add3A_104 = arith.constant 1 : i32
    %add3A_105 = vector.broadcast %add3A_104 : i32 to vector<16xi32>
    %add3A_106 = arith.addi %get3A_103, %add3A_105 : vector<16xi32>
    %swap3A_107 = arith.constant 160 : index
    %swap3A_108 = tpu.vector_load %arg6[%swap3A_107] {strides = array<i32>} : memref<1152xi32, #tpu.memory_space<vmem>>, vector<16xi32>,
    %swap3A_109 = vector.shape_cast %swap3A_108 : vector<16xi32> to vector<16xi32>
    %swap3A_110 = vector.shape_cast %add3A_106 : vector<16xi32> to vector<16xi32>
    tpu.vector_store %arg6[%swap3A_107], %swap3A_110 {strides = array<i32>} : memref<1152xi32, #tpu.memory_space<vmem>>, vector<16xi32>,
    %get3A_111 = arith.constant 176 : index
    %get3A_112 = tpu.vector_load %arg6[%get3A_111] {strides = array<i32>} : memref<1152xi32, #tpu.memory_space<vmem>>, vector<16xi32>,
    %get3A_113 = vector.shape_cast %get3A_112 : vector<16xi32> to vector<16xi32>
    %add3A_114 = arith.constant 1 : i32
    %add3A_115 = vector.broadcast %add3A_114 : i32 to vector<16xi32>
    %add3A_116 = arith.addi %get3A_113, %add3A_115 : vector<16xi32>
    %swap3A_117 = arith.constant 176 : index
    %swap3A_118 = tpu.vector_load %arg6[%swap3A_117] {strides = array<i32>} : memref<1152xi32, #tpu.memory_space<vmem>>, vector<16xi32>,
    %swap3A_119 = vector.shape_cast %swap3A_118 : vector<16xi32> to vector<16xi32>
    %swap3A_120 = vector.shape_cast %add3A_116 : vector<16xi32> to vector<16xi32>
    tpu.vector_store %arg6[%swap3A_117], %swap3A_120 {strides = array<i32>} : memref<1152xi32, #tpu.memory_space<vmem>>, vector<16xi32>,
    %get3A_121 = arith.constant 192 : index
    %get3A_122 = tpu.vector_load %arg6[%get3A_121] {strides = array<i32>} : memref<1152xi32, #tpu.memory_space<vmem>>, vector<16xi32>,
    %get3A_123 = vector.shape_cast %get3A_122 : vector<16xi32> to vector<16xi32>
    %add3A_124 = arith.constant 1 : i32
    %add3A_125 = vector.broadcast %add3A_124 : i32 to vector<16xi32>
    %add3A_126 = arith.addi %get3A_123, %add3A_125 : vector<16xi32>
    %swap3A_127 = arith.constant 192 : index
    %swap3A_128 = tpu.vector_load %arg6[%swap3A_127] {strides = array<i32>} : memref<1152xi32, #tpu.memory_space<vmem>>, vector<16xi32>,
    %swap3A_129 = vector.shape_cast %swap3A_128 : vector<16xi32> to vector<16xi32>
    %swap3A_130 = vector.shape_cast %add3A_126 : vector<16xi32> to vector<16xi32>
    tpu.vector_store %arg6[%swap3A_127], %swap3A_130 {strides = array<i32>} : memref<1152xi32, #tpu.memory_space<vmem>>, vector<16xi32>,
    %get3A_131 = arith.constant 208 : index
    %get3A_132 = tpu.vector_load %arg6[%get3A_131] {strides = array<i32>} : memref<1152xi32, #tpu.memory_space<vmem>>, vector<16xi32>,
    %get3A_133 = vector.shape_cast %get3A_132 : vector<16xi32> to vector<16xi32>
    %add3A_134 = arith.constant 1 : i32
    %add3A_135 = vector.broadcast %add3A_134 : i32 to vector<16xi32>
    %add3A_136 = arith.addi %get3A_133, %add3A_135 : vector<16xi32>
    %swap3A_137 = arith.constant 208 : index
    %swap3A_138 = tpu.vector_load %arg6[%swap3A_137] {strides = array<i32>} : memref<1152xi32, #tpu.memory_space<vmem>>, vector<16xi32>,
    %swap3A_139 = vector.shape_cast %swap3A_138 : vector<16xi32> to vector<16xi32>
    %swap3A_140 = vector.shape_cast %add3A_136 : vector<16xi32> to vector<16xi32>
    tpu.vector_store %arg6[%swap3A_137], %swap3A_140 {strides = array<i32>} : memref<1152xi32, #tpu.memory_space<vmem>>, vector<16xi32>,
    %get3A_141 = arith.constant 224 : index
    %get3A_142 = tpu.vector_load %arg6[%get3A_141] {strides = array<i32>} : memref<1152xi32, #tpu.memory_space<vmem>>, vector<16xi32>,
    %get3A_143 = vector.shape_cast %get3A_142 : vector<16xi32> to vector<16xi32>
    %add3A_144 = arith.constant 1 : i32
    %add3A_145 = vector.broadcast %add3A_144 : i32 to vector<16xi32>
    %add3A_146 = arith.addi %get3A_143, %add3A_145 : vector<16xi32>
    %swap3A_147 = arith.constant 224 : index
    %swap3A_148 = tpu.vector_load %arg6[%swap3A_147] {strides = array<i32>} : memref<1152xi32, #tpu.memory_space<vmem>>, vector<16xi32>,
    %swap3A_149 = vector.shape_cast %swap3A_148 : vector<16xi32> to vector<16xi32>
    %swap3A_150 = vector.shape_cast %add3A_146 : vector<16xi32> to vector<16xi32>
    tpu.vector_store %arg6[%swap3A_147], %swap3A_150 {strides = array<i32>} : memref<1152xi32, #tpu.memory_space<vmem>>, vector<16xi32>,
    %get3A_151 = arith.constant 240 : index
    %get3A_152 = tpu.vector_load %arg6[%get3A_151] {strides = array<i32>} : memref<1152xi32, #tpu.memory_space<vmem>>, vector<16xi32>,
    %get3A_153 = vector.shape_cast %get3A_152 : vector<16xi32> to vector<16xi32>
    %add3A_154 = arith.constant 1 : i32
    %add3A_155 = vector.broadcast %add3A_154 : i32 to vector<16xi32>
    %add3A_156 = arith.addi %get3A_153, %add3A_155 : vector<16xi32>
    %swap3A_157 = arith.constant 240 : index
    %swap3A_158 = tpu.vector_load %arg6[%swap3A_157] {strides = array<i32>} : memref<1152xi32, #tpu.memory_space<vmem>>, vector<16xi32>,
    %swap3A_159 = vector.shape_cast %swap3A_158 : vector<16xi32> to vector<16xi32>
    %swap3A_160 = vector.shape_cast %add3A_156 : vector<16xi32> to vector<16xi32>
    tpu.vector_store %arg6[%swap3A_157], %swap3A_160 {strides = array<i32>} : memref<1152xi32, #tpu.memory_space<vmem>>, vector<16xi32>,
    %get3A_161 = arith.constant 256 : index
    %get3A_162 = tpu.vector_load %arg6[%get3A_161] {strides = array<i32>} : memref<1152xi32, #tpu.memory_space<vmem>>, vector<16xi32>,
    %get3A_163 = vector.shape_cast %get3A_162 : vector<16xi32> to vector<16xi32>
    %add3A_164 = arith.constant 1 : i32
    %add3A_165 = vector.broadcast %add3A_164 : i32 to vector<16xi32>
    %add3A_166 = arith.addi %get3A_163, %add3A_165 : vector<16xi32>
    %swap3A_167 = arith.constant 256 : index
    %swap3A_168 = tpu.vector_load %arg6[%swap3A_167] {strides = array<i32>} : memref<1152xi32, #tpu.memory_space<vmem>>, vector<16xi32>,
    %swap3A_169 = vector.shape_cast %swap3A_168 : vector<16xi32> to vector<16xi32>
    %swap3A_170 = vector.shape_cast %add3A_166 : vector<16xi32> to vector<16xi32>
    tpu.vector_store %arg6[%swap3A_167], %swap3A_170 {strides = array<i32>} : memref<1152xi32, #tpu.memory_space<vmem>>, vector<16xi32>,
    %get3A_171 = arith.constant 272 : index
    %get3A_172 = tpu.vector_load %arg6[%get3A_171] {strides = array<i32>} : memref<1152xi32, #tpu.memory_space<vmem>>, vector<16xi32>,
    %get3A_173 = vector.shape_cast %get3A_172 : vector<16xi32> to vector<16xi32>
    %add3A_174 = arith.constant 1 : i32
    %add3A_175 = vector.broadcast %add3A_174 : i32 to vector<16xi32>
    %add3A_176 = arith.addi %get3A_173, %add3A_175 : vector<16xi32>
    %swap3A_177 = arith.constant 272 : index
    %swap3A_178 = tpu.vector_load %arg6[%swap3A_177] {strides = array<i32>} : memref<1152xi32, #tpu.memory_space<vmem>>, vector<16xi32>,
    %swap3A_179 = vector.shape_cast %swap3A_178 : vector<16xi32> to vector<16xi32>
    %swap3A_180 = vector.shape_cast %add3A_176 : vector<16xi32> to vector<16xi32>
    tpu.vector_store %arg6[%swap3A_177], %swap3A_180 {strides = array<i32>} : memref<1152xi32, #tpu.memory_space<vmem>>, vector<16xi32>,
    %get3A_181 = arith.constant 288 : index
    %get3A_182 = tpu.vector_load %arg6[%get3A_181] {strides = array<i32>} : memref<1152xi32, #tpu.memory_space<vmem>>, vector<16xi32>,
    %get3A_183 = vector.shape_cast %get3A_182 : vector<16xi32> to vector<16xi32>
    %add3A_184 = arith.constant 1 : i32
    %add3A_185 = vector.broadcast %add3A_184 : i32 to vector<16xi32>
    %add3A_186 = arith.addi %get3A_183, %add3A_185 : vector<16xi32>
    %swap3A_187 = arith.constant 288 : index
    %swap3A_188 = tpu.vector_load %arg6[%swap3A_187] {strides = array<i32>} : memref<1152xi32, #tpu.memory_space<vmem>>, vector<16xi32>,
    %swap3A_189 = vector.shape_cast %swap3A_188 : vector<16xi32> to vector<16xi32>
    %swap3A_190 = vector.shape_cast %add3A_186 : vector<16xi32> to vector<16xi32>
    tpu.vector_store %arg6[%swap3A_187], %swap3A_190 {strides = array<i32>} : memref<1152xi32, #tpu.memory_space<vmem>>, vector<16xi32>,
    %get3A_191 = arith.constant 304 : index
    %get3A_192 = tpu.vector_load %arg6[%get3A_191] {strides = array<i32>} : memref<1152xi32, #tpu.memory_space<vmem>>, vector<16xi32>,
    %get3A_193 = vector.shape_cast %get3A_192 : vector<16xi32> to vector<16xi32>
    %add3A_194 = arith.constant 1 : i32
    %add3A_195 = vector.broadcast %add3A_194 : i32 to vector<16xi32>
    %add3A_196 = arith.addi %get3A_193, %add3A_195 : vector<16xi32>
    %swap3A_197 = arith.constant 304 : index
    %swap3A_198 = tpu.vector_load %arg6[%swap3A_197] {strides = array<i32>} : memref<1152xi32, #tpu.memory_space<vmem>>, vector<16xi32>,
    %swap3A_199 = vector.shape_cast %swap3A_198 : vector<16xi32> to vector<16xi32>
    %swap3A_200 = vector.shape_cast %add3A_196 : vector<16xi32> to vector<16xi32>
    tpu.vector_store %arg6[%swap3A_197], %swap3A_200 {strides = array<i32>} : memref<1152xi32, #tpu.memory_space<vmem>>, vector<16xi32>,
    %get3A_201 = arith.constant 320 : index
    %get3A_202 = tpu.vector_load %arg6[%get3A_201] {strides = array<i32>} : memref<1152xi32, #tpu.memory_space<vmem>>, vector<16xi32>,
    %get3A_203 = vector.shape_cast %get3A_202 : vector<16xi32> to vector<16xi32>
    %add3A_204 = arith.constant 1 : i32
    %add3A_205 = vector.broadcast %add3A_204 : i32 to vector<16xi32>
    %add3A_206 = arith.addi %get3A_203, %add3A_205 : vector<16xi32>
    %swap3A_207 = arith.constant 320 : index
    %swap3A_208 = tpu.vector_load %arg6[%swap3A_207] {strides = array<i32>} : memref<1152xi32, #tpu.memory_space<vmem>>, vector<16xi32>,
    %swap3A_209 = vector.shape_cast %swap3A_208 : vector<16xi32> to vector<16xi32>
    %swap3A_210 = vector.shape_cast %add3A_206 : vector<16xi32> to vector<16xi32>
    tpu.vector_store %arg6[%swap3A_207], %swap3A_210 {strides = array<i32>} : memref<1152xi32, #tpu.memory_space<vmem>>, vector<16xi32>,
    %get3A_211 = arith.constant 336 : index
    %get3A_212 = tpu.vector_load %arg6[%get3A_211] {strides = array<i32>} : memref<1152xi32, #tpu.memory_space<vmem>>, vector<16xi32>,
    %get3A_213 = vector.shape_cast %get3A_212 : vector<16xi32> to vector<16xi32>
    %add3A_214 = arith.constant 1 : i32
    %add3A_215 = vector.broadcast %add3A_214 : i32 to vector<16xi32>
    %add3A_216 = arith.addi %get3A_213, %add3A_215 : vector<16xi32>
    %swap3A_217 = arith.constant 336 : index
    %swap3A_218 = tpu.vector_load %arg6[%swap3A_217] {strides = array<i32>} : memref<1152xi32, #tpu.memory_space<vmem>>, vector<16xi32>,
    %swap3A_219 = vector.shape_cast %swap3A_218 : vector<16xi32> to vector<16xi32>
    %swap3A_220 = vector.shape_cast %add3A_216 : vector<16xi32> to vector<16xi32>
    tpu.vector_store %arg6[%swap3A_217], %swap3A_220 {strides = array<i32>} : memref<1152xi32, #tpu.memory_space<vmem>>, vector<16xi32>,
    %get3A_221 = arith.constant 352 : index
    %get3A_222 = tpu.vector_load %arg6[%get3A_221] {strides = array<i32>} : memref<1152xi32, #tpu.memory_space<vmem>>, vector<16xi32>,
    %get3A_223 = vector.shape_cast %get3A_222 : vector<16xi32> to vector<16xi32>
    %add3A_224 = arith.constant 1 : i32
    %add3A_225 = vector.broadcast %add3A_224 : i32 to vector<16xi32>
    %add3A_226 = arith.addi %get3A_223, %add3A_225 : vector<16xi32>
    %swap3A_227 = arith.constant 352 : index
    %swap3A_228 = tpu.vector_load %arg6[%swap3A_227] {strides = array<i32>} : memref<1152xi32, #tpu.memory_space<vmem>>, vector<16xi32>,
    %swap3A_229 = vector.shape_cast %swap3A_228 : vector<16xi32> to vector<16xi32>
    %swap3A_230 = vector.shape_cast %add3A_226 : vector<16xi32> to vector<16xi32>
    tpu.vector_store %arg6[%swap3A_227], %swap3A_230 {strides = array<i32>} : memref<1152xi32, #tpu.memory_space<vmem>>, vector<16xi32>,
    %get3A_231 = arith.constant 368 : index
    %get3A_232 = tpu.vector_load %arg6[%get3A_231] {strides = array<i32>} : memref<1152xi32, #tpu.memory_space<vmem>>, vector<16xi32>,
    %get3A_233 = vector.shape_cast %get3A_232 : vector<16xi32> to vector<16xi32>
    %add3A_234 = arith.constant 1 : i32
    %add3A_235 = vector.broadcast %add3A_234 : i32 to vector<16xi32>
    %add3A_236 = arith.addi %get3A_233, %add3A_235 : vector<16xi32>
    %swap3A_237 = arith.constant 368 : index
    %swap3A_238 = tpu.vector_load %arg6[%swap3A_237] {strides = array<i32>} : memref<1152xi32, #tpu.memory_space<vmem>>, vector<16xi32>,
    %swap3A_239 = vector.shape_cast %swap3A_238 : vector<16xi32> to vector<16xi32>
    %swap3A_240 = vector.shape_cast %add3A_236 : vector<16xi32> to vector<16xi32>
    tpu.vector_store %arg6[%swap3A_237], %swap3A_240 {strides = array<i32>} : memref<1152xi32, #tpu.memory_space<vmem>>, vector<16xi32>,
    %get3A_241 = arith.constant 384 : index
    %get3A_242 = tpu.vector_load %arg6[%get3A_241] {strides = array<i32>} : memref<1152xi32, #tpu.memory_space<vmem>>, vector<16xi32>,
    %get3A_243 = vector.shape_cast %get3A_242 : vector<16xi32> to vector<16xi32>
    %add3A_244 = arith.constant 1 : i32
    %add3A_245 = vector.broadcast %add3A_244 : i32 to vector<16xi32>
    %add3A_246 = arith.addi %get3A_243, %add3A_245 : vector<16xi32>
    %swap3A_247 = arith.constant 384 : index
    %swap3A_248 = tpu.vector_load %arg6[%swap3A_247] {strides = array<i32>} : memref<1152xi32, #tpu.memory_space<vmem>>, vector<16xi32>,
    %swap3A_249 = vector.shape_cast %swap3A_248 : vector<16xi32> to vector<16xi32>
    %swap3A_250 = vector.shape_cast %add3A_246 : vector<16xi32> to vector<16xi32>
    tpu.vector_store %arg6[%swap3A_247], %swap3A_250 {strides = array<i32>} : memref<1152xi32, #tpu.memory_space<vmem>>, vector<16xi32>,
    %get3A_251 = arith.constant 400 : index
    %get3A_252 = tpu.vector_load %arg6[%get3A_251] {strides = array<i32>} : memref<1152xi32, #tpu.memory_space<vmem>>, vector<16xi32>,
    %get3A_253 = vector.shape_cast %get3A_252 : vector<16xi32> to vector<16xi32>
    %add3A_254 = arith.constant 1 : i32
    %add3A_255 = vector.broadcast %add3A_254 : i32 to vector<16xi32>
    %add3A_256 = arith.addi %get3A_253, %add3A_255 : vector<16xi32>
    %swap3A_257 = arith.constant 400 : index
    %swap3A_258 = tpu.vector_load %arg6[%swap3A_257] {strides = array<i32>} : memref<1152xi32, #tpu.memory_space<vmem>>, vector<16xi32>,
    %swap3A_259 = vector.shape_cast %swap3A_258 : vector<16xi32> to vector<16xi32>
    %swap3A_260 = vector.shape_cast %add3A_256 : vector<16xi32> to vector<16xi32>
    tpu.vector_store %arg6[%swap3A_257], %swap3A_260 {strides = array<i32>} : memref<1152xi32, #tpu.memory_space<vmem>>, vector<16xi32>,
    %get3A_261 = arith.constant 416 : index
    %get3A_262 = tpu.vector_load %arg6[%get3A_261] {strides = array<i32>} : memref<1152xi32, #tpu.memory_space<vmem>>, vector<16xi32>,
    %get3A_263 = vector.shape_cast %get3A_262 : vector<16xi32> to vector<16xi32>
    %add3A_264 = arith.constant 1 : i32
    %add3A_265 = vector.broadcast %add3A_264 : i32 to vector<16xi32>
    %add3A_266 = arith.addi %get3A_263, %add3A_265 : vector<16xi32>
    %swap3A_267 = arith.constant 416 : index
    %swap3A_268 = tpu.vector_load %arg6[%swap3A_267] {strides = array<i32>} : memref<1152xi32, #tpu.memory_space<vmem>>, vector<16xi32>,
    %swap3A_269 = vector.shape_cast %swap3A_268 : vector<16xi32> to vector<16xi32>
    %swap3A_270 = vector.shape_cast %add3A_266 : vector<16xi32> to vector<16xi32>
    tpu.vector_store %arg6[%swap3A_267], %swap3A_270 {strides = array<i32>} : memref<1152xi32, #tpu.memory_space<vmem>>, vector<16xi32>,
    %get3A_271 = arith.constant 432 : index
    %get3A_272 = tpu.vector_load %arg6[%get3A_271] {strides = array<i32>} : memref<1152xi32, #tpu.memory_space<vmem>>, vector<16xi32>,
    %get3A_273 = vector.shape_cast %get3A_272 : vector<16xi32> to vector<16xi32>
    %add3A_274 = arith.constant 1 : i32
    %add3A_275 = vector.broadcast %add3A_274 : i32 to vector<16xi32>
    %add3A_276 = arith.addi %get3A_273, %add3A_275 : vector<16xi32>
    %swap3A_277 = arith.constant 432 : index
    %swap3A_278 = tpu.vector_load %arg6[%swap3A_277] {strides = array<i32>} : memref<1152xi32, #tpu.memory_space<vmem>>, vector<16xi32>,
    %swap3A_279 = vector.shape_cast %swap3A_278 : vector<16xi32> to vector<16xi32>
    %swap3A_280 = vector.shape_cast %add3A_276 : vector<16xi32> to vector<16xi32>
    tpu.vector_store %arg6[%swap3A_277], %swap3A_280 {strides = array<i32>} : memref<1152xi32, #tpu.memory_space<vmem>>, vector<16xi32>,
    %get3A_281 = arith.constant 448 : index
    %get3A_282 = tpu.vector_load %arg6[%get3A_281] {strides = array<i32>} : memref<1152xi32, #tpu.memory_space<vmem>>, vector<16xi32>,
    %get3A_283 = vector.shape_cast %get3A_282 : vector<16xi32> to vector<16xi32>
    %add3A_284 = arith.constant 1 : i32
    %add3A_285 = vector.broadcast %add3A_284 : i32 to vector<16xi32>
    %add3A_286 = arith.addi %get3A_283, %add3A_285 : vector<16xi32>
    %swap3A_287 = arith.constant 448 : index
    %swap3A_288 = tpu.vector_load %arg6[%swap3A_287] {strides = array<i32>} : memref<1152xi32, #tpu.memory_space<vmem>>, vector<16xi32>,
    %swap3A_289 = vector.shape_cast %swap3A_288 : vector<16xi32> to vector<16xi32>
    %swap3A_290 = vector.shape_cast %add3A_286 : vector<16xi32> to vector<16xi32>
    tpu.vector_store %arg6[%swap3A_287], %swap3A_290 {strides = array<i32>} : memref<1152xi32, #tpu.memory_space<vmem>>, vector<16xi32>,
    %get3A_291 = arith.constant 464 : index
    %get3A_292 = tpu.vector_load %arg6[%get3A_291] {strides = array<i32>} : memref<1152xi32, #tpu.memory_space<vmem>>, vector<16xi32>,
    %get3A_293 = vector.shape_cast %get3A_292 : vector<16xi32> to vector<16xi32>
    %add3A_294 = arith.constant 1 : i32
    %add3A_295 = vector.broadcast %add3A_294 : i32 to vector<16xi32>
    %add3A_296 = arith.addi %get3A_293, %add3A_295 : vector<16xi32>
    %swap3A_297 = arith.constant 464 : index
    %swap3A_298 = tpu.vector_load %arg6[%swap3A_297] {strides = array<i32>} : memref<1152xi32, #tpu.memory_space<vmem>>, vector<16xi32>,
    %swap3A_299 = vector.shape_cast %swap3A_298 : vector<16xi32> to vector<16xi32>
    %swap3A_300 = vector.shape_cast %add3A_296 : vector<16xi32> to vector<16xi32>
    tpu.vector_store %arg6[%swap3A_297], %swap3A_300 {strides = array<i32>} : memref<1152xi32, #tpu.memory_space<vmem>>, vector<16xi32>,
    %get3A_301 = arith.constant 480 : index
    %get3A_302 = tpu.vector_load %arg6[%get3A_301] {strides = array<i32>} : memref<1152xi32, #tpu.memory_space<vmem>>, vector<16xi32>,
    %get3A_303 = vector.shape_cast %get3A_302 : vector<16xi32> to vector<16xi32>
    %add3A_304 = arith.constant 1 : i32
    %add3A_305 = vector.broadcast %add3A_304 : i32 to vector<16xi32>
    %add3A_306 = arith.addi %get3A_303, %add3A_305 : vector<16xi32>
    %swap3A_307 = arith.constant 480 : index
    %swap3A_308 = tpu.vector_load %arg6[%swap3A_307] {strides = array<i32>} : memref<1152xi32, #tpu.memory_space<vmem>>, vector<16xi32>,
    %swap3A_309 = vector.shape_cast %swap3A_308 : vector<16xi32> to vector<16xi32>
    %swap3A_310 = vector.shape_cast %add3A_306 : vector<16xi32> to vector<16xi32>
    tpu.vector_store %arg6[%swap3A_307], %swap3A_310 {strides = array<i32>} : memref<1152xi32, #tpu.memory_space<vmem>>, vector<16xi32>,
    %get3A_311 = arith.constant 496 : index
    %get3A_312 = tpu.vector_load %arg6[%get3A_311] {strides = array<i32>} : memref<1152xi32, #tpu.memory_space<vmem>>, vector<16xi32>,
    %get3A_313 = vector.shape_cast %get3A_312 : vector<16xi32> to vector<16xi32>
    %add3A_314 = arith.constant 1 : i32
    %add3A_315 = vector.broadcast %add3A_314 : i32 to vector<16xi32>
    %add3A_316 = arith.addi %get3A_313, %add3A_315 : vector<16xi32>
    %swap3A_317 = arith.constant 496 : index
    %swap3A_318 = tpu.vector_load %arg6[%swap3A_317] {strides = array<i32>} : memref<1152xi32, #tpu.memory_space<vmem>>, vector<16xi32>,
    %swap3A_319 = vector.shape_cast %swap3A_318 : vector<16xi32> to vector<16xi32>
    %swap3A_320 = vector.shape_cast %add3A_316 : vector<16xi32> to vector<16xi32>
    tpu.vector_store %arg6[%swap3A_317], %swap3A_320 {strides = array<i32>} : memref<1152xi32, #tpu.memory_space<vmem>>, vector<16xi32>,
    %get3A_321 = arith.constant 512 : index
    %get3A_322 = tpu.vector_load %arg6[%get3A_321] {strides = array<i32>} : memref<1152xi32, #tpu.memory_space<vmem>>, vector<16xi32>,
    %get3A_323 = vector.shape_cast %get3A_322 : vector<16xi32> to vector<16xi32>
    %add3A_324 = arith.constant 1 : i32
    %add3A_325 = vector.broadcast %add3A_324 : i32 to vector<16xi32>
    %add3A_326 = arith.addi %get3A_323, %add3A_325 : vector<16xi32>
    %swap3A_327 = arith.constant 512 : index
    %swap3A_328 = tpu.vector_load %arg6[%swap3A_327] {strides = array<i32>} : memref<1152xi32, #tpu.memory_space<vmem>>, vector<16xi32>,
    %swap3A_329 = vector.shape_cast %swap3A_328 : vector<16xi32> to vector<16xi32>
    %swap3A_330 = vector.shape_cast %add3A_326 : vector<16xi32> to vector<16xi32>
    tpu.vector_store %arg6[%swap3A_327], %swap3A_330 {strides = array<i32>} : memref<1152xi32, #tpu.memory_space<vmem>>, vector<16xi32>,
    %get3A_331 = arith.constant 528 : index
    %get3A_332 = tpu.vector_load %arg6[%get3A_331] {strides = array<i32>} : memref<1152xi32, #tpu.memory_space<vmem>>, vector<16xi32>,
    %get3A_333 = vector.shape_cast %get3A_332 : vector<16xi32> to vector<16xi32>
    %add3A_334 = arith.constant 1 : i32
    %add3A_335 = vector.broadcast %add3A_334 : i32 to vector<16xi32>
    %add3A_336 = arith.addi %get3A_333, %add3A_335 : vector<16xi32>
    %swap3A_337 = arith.constant 528 : index
    %swap3A_338 = tpu.vector_load %arg6[%swap3A_337] {strides = array<i32>} : memref<1152xi32, #tpu.memory_space<vmem>>, vector<16xi32>,
    %swap3A_339 = vector.shape_cast %swap3A_338 : vector<16xi32> to vector<16xi32>
    %swap3A_340 = vector.shape_cast %add3A_336 : vector<16xi32> to vector<16xi32>
    tpu.vector_store %arg6[%swap3A_337], %swap3A_340 {strides = array<i32>} : memref<1152xi32, #tpu.memory_space<vmem>>, vector<16xi32>,
    %get3A_341 = arith.constant 544 : index
    %get3A_342 = tpu.vector_load %arg6[%get3A_341] {strides = array<i32>} : memref<1152xi32, #tpu.memory_space<vmem>>, vector<16xi32>,
    %get3A_343 = vector.shape_cast %get3A_342 : vector<16xi32> to vector<16xi32>
    %add3A_344 = arith.constant 1 : i32
    %add3A_345 = vector.broadcast %add3A_344 : i32 to vector<16xi32>
    %add3A_346 = arith.addi %get3A_343, %add3A_345 : vector<16xi32>
    %swap3A_347 = arith.constant 544 : index
    %swap3A_348 = tpu.vector_load %arg6[%swap3A_347] {strides = array<i32>} : memref<1152xi32, #tpu.memory_space<vmem>>, vector<16xi32>,
    %swap3A_349 = vector.shape_cast %swap3A_348 : vector<16xi32> to vector<16xi32>
    %swap3A_350 = vector.shape_cast %add3A_346 : vector<16xi32> to vector<16xi32>
    tpu.vector_store %arg6[%swap3A_347], %swap3A_350 {strides = array<i32>} : memref<1152xi32, #tpu.memory_space<vmem>>, vector<16xi32>,
    %get3A_351 = arith.constant 560 : index
    %get3A_352 = tpu.vector_load %arg6[%get3A_351] {strides = array<i32>} : memref<1152xi32, #tpu.memory_space<vmem>>, vector<16xi32>,
    %get3A_353 = vector.shape_cast %get3A_352 : vector<16xi32> to vector<16xi32>
    %add3A_354 = arith.constant 1 : i32
    %add3A_355 = vector.broadcast %add3A_354 : i32 to vector<16xi32>
    %add3A_356 = arith.addi %get3A_353, %add3A_355 : vector<16xi32>
    %swap3A_357 = arith.constant 560 : index
    %swap3A_358 = tpu.vector_load %arg6[%swap3A_357] {strides = array<i32>} : memref<1152xi32, #tpu.memory_space<vmem>>, vector<16xi32>,
    %swap3A_359 = vector.shape_cast %swap3A_358 : vector<16xi32> to vector<16xi32>
    %swap3A_360 = vector.shape_cast %add3A_356 : vector<16xi32> to vector<16xi32>
    tpu.vector_store %arg6[%swap3A_357], %swap3A_360 {strides = array<i32>} : memref<1152xi32, #tpu.memory_space<vmem>>, vector<16xi32>,
    %get3A_361 = arith.constant 576 : index
    %get3A_362 = tpu.vector_load %arg6[%get3A_361] {strides = array<i32>} : memref<1152xi32, #tpu.memory_space<vmem>>, vector<16xi32>,
    %get3A_363 = vector.shape_cast %get3A_362 : vector<16xi32> to vector<16xi32>
    %add3A_364 = arith.constant 1 : i32
    %add3A_365 = vector.broadcast %add3A_364 : i32 to vector<16xi32>
    %add3A_366 = arith.addi %get3A_363, %add3A_365 : vector<16xi32>
    %swap3A_367 = arith.constant 576 : index
    %swap3A_368 = tpu.vector_load %arg6[%swap3A_367] {strides = array<i32>} : memref<1152xi32, #tpu.memory_space<vmem>>, vector<16xi32>,
    %swap3A_369 = vector.shape_cast %swap3A_368 : vector<16xi32> to vector<16xi32>
    %swap3A_370 = vector.shape_cast %add3A_366 : vector<16xi32> to vector<16xi32>
    tpu.vector_store %arg6[%swap3A_367], %swap3A_370 {strides = array<i32>} : memref<1152xi32, #tpu.memory_space<vmem>>, vector<16xi32>,
    %get3A_371 = arith.constant 592 : index
    %get3A_372 = tpu.vector_load %arg6[%get3A_371] {strides = array<i32>} : memref<1152xi32, #tpu.memory_space<vmem>>, vector<16xi32>,
    %get3A_373 = vector.shape_cast %get3A_372 : vector<16xi32> to vector<16xi32>
    %add3A_374 = arith.constant 1 : i32
    %add3A_375 = vector.broadcast %add3A_374 : i32 to vector<16xi32>
    %add3A_376 = arith.addi %get3A_373, %add3A_375 : vector<16xi32>
    %swap3A_377 = arith.constant 592 : index
    %swap3A_378 = tpu.vector_load %arg6[%swap3A_377] {strides = array<i32>} : memref<1152xi32, #tpu.memory_space<vmem>>, vector<16xi32>,
    %swap3A_379 = vector.shape_cast %swap3A_378 : vector<16xi32> to vector<16xi32>
    %swap3A_380 = vector.shape_cast %add3A_376 : vector<16xi32> to vector<16xi32>
    tpu.vector_store %arg6[%swap3A_377], %swap3A_380 {strides = array<i32>} : memref<1152xi32, #tpu.memory_space<vmem>>, vector<16xi32>,
    %get3A_381 = arith.constant 608 : index
    %get3A_382 = tpu.vector_load %arg6[%get3A_381] {strides = array<i32>} : memref<1152xi32, #tpu.memory_space<vmem>>, vector<16xi32>,
    %get3A_383 = vector.shape_cast %get3A_382 : vector<16xi32> to vector<16xi32>
    %add3A_384 = arith.constant 1 : i32
    %add3A_385 = vector.broadcast %add3A_384 : i32 to vector<16xi32>
    %add3A_386 = arith.addi %get3A_383, %add3A_385 : vector<16xi32>
    %swap3A_387 = arith.constant 608 : index
    %swap3A_388 = tpu.vector_load %arg6[%swap3A_387] {strides = array<i32>} : memref<1152xi32, #tpu.memory_space<vmem>>, vector<16xi32>,
    %swap3A_389 = vector.shape_cast %swap3A_388 : vector<16xi32> to vector<16xi32>
    %swap3A_390 = vector.shape_cast %add3A_386 : vector<16xi32> to vector<16xi32>
    tpu.vector_store %arg6[%swap3A_387], %swap3A_390 {strides = array<i32>} : memref<1152xi32, #tpu.memory_space<vmem>>, vector<16xi32>,
    %get3A_391 = arith.constant 624 : index
    %get3A_392 = tpu.vector_load %arg6[%get3A_391] {strides = array<i32>} : memref<1152xi32, #tpu.memory_space<vmem>>, vector<16xi32>,
    %get3A_393 = vector.shape_cast %get3A_392 : vector<16xi32> to vector<16xi32>
    %add3A_394 = arith.constant 1 : i32
    %add3A_395 = vector.broadcast %add3A_394 : i32 to vector<16xi32>
    %add3A_396 = arith.addi %get3A_393, %add3A_395 : vector<16xi32>
    %swap3A_397 = arith.constant 624 : index
    %swap3A_398 = tpu.vector_load %arg6[%swap3A_397] {strides = array<i32>} : memref<1152xi32, #tpu.memory_space<vmem>>, vector<16xi32>,
    %swap3A_399 = vector.shape_cast %swap3A_398 : vector<16xi32> to vector<16xi32>
    %swap3A_400 = vector.shape_cast %add3A_396 : vector<16xi32> to vector<16xi32>
    tpu.vector_store %arg6[%swap3A_397], %swap3A_400 {strides = array<i32>} : memref<1152xi32, #tpu.memory_space<vmem>>, vector<16xi32>,
    %get3A_401 = arith.constant 640 : index
    %get3A_402 = tpu.vector_load %arg6[%get3A_401] {strides = array<i32>} : memref<1152xi32, #tpu.memory_space<vmem>>, vector<16xi32>,
    %get3A_403 = vector.shape_cast %get3A_402 : vector<16xi32> to vector<16xi32>
    %add3A_404 = arith.constant 1 : i32
    %add3A_405 = vector.broadcast %add3A_404 : i32 to vector<16xi32>
    %add3A_406 = arith.addi %get3A_403, %add3A_405 : vector<16xi32>
    %swap3A_407 = arith.constant 640 : index
    %swap3A_408 = tpu.vector_load %arg6[%swap3A_407] {strides = array<i32>} : memref<1152xi32, #tpu.memory_space<vmem>>, vector<16xi32>,
    %swap3A_409 = vector.shape_cast %swap3A_408 : vector<16xi32> to vector<16xi32>
    %swap3A_410 = vector.shape_cast %add3A_406 : vector<16xi32> to vector<16xi32>
    tpu.vector_store %arg6[%swap3A_407], %swap3A_410 {strides = array<i32>} : memref<1152xi32, #tpu.memory_space<vmem>>, vector<16xi32>,
    %get3A_411 = arith.constant 656 : index
    %get3A_412 = tpu.vector_load %arg6[%get3A_411] {strides = array<i32>} : memref<1152xi32, #tpu.memory_space<vmem>>, vector<16xi32>,
    %get3A_413 = vector.shape_cast %get3A_412 : vector<16xi32> to vector<16xi32>
    %add3A_414 = arith.constant 1 : i32
    %add3A_415 = vector.broadcast %add3A_414 : i32 to vector<16xi32>
    %add3A_416 = arith.addi %get3A_413, %add3A_415 : vector<16xi32>
    %swap3A_417 = arith.constant 656 : index
    %swap3A_418 = tpu.vector_load %arg6[%swap3A_417] {strides = array<i32>} : memref<1152xi32, #tpu.memory_space<vmem>>, vector<16xi32>,
    %swap3A_419 = vector.shape_cast %swap3A_418 : vector<16xi32> to vector<16xi32>
    %swap3A_420 = vector.shape_cast %add3A_416 : vector<16xi32> to vector<16xi32>
    tpu.vector_store %arg6[%swap3A_417], %swap3A_420 {strides = array<i32>} : memref<1152xi32, #tpu.memory_space<vmem>>, vector<16xi32>,
    %get3A_421 = arith.constant 672 : index
    %get3A_422 = tpu.vector_load %arg6[%get3A_421] {strides = array<i32>} : memref<1152xi32, #tpu.memory_space<vmem>>, vector<16xi32>,
    %get3A_423 = vector.shape_cast %get3A_422 : vector<16xi32> to vector<16xi32>
    %add3A_424 = arith.constant 1 : i32
    %add3A_425 = vector.broadcast %add3A_424 : i32 to vector<16xi32>
    %add3A_426 = arith.addi %get3A_423, %add3A_425 : vector<16xi32>
    %swap3A_427 = arith.constant 672 : index
    %swap3A_428 = tpu.vector_load %arg6[%swap3A_427] {strides = array<i32>} : memref<1152xi32, #tpu.memory_space<vmem>>, vector<16xi32>,
    %swap3A_429 = vector.shape_cast %swap3A_428 : vector<16xi32> to vector<16xi32>
    %swap3A_430 = vector.shape_cast %add3A_426 : vector<16xi32> to vector<16xi32>
    tpu.vector_store %arg6[%swap3A_427], %swap3A_430 {strides = array<i32>} : memref<1152xi32, #tpu.memory_space<vmem>>, vector<16xi32>,
    %get3A_431 = arith.constant 688 : index
    %get3A_432 = tpu.vector_load %arg6[%get3A_431] {strides = array<i32>} : memref<1152xi32, #tpu.memory_space<vmem>>, vector<16xi32>,
    %get3A_433 = vector.shape_cast %get3A_432 : vector<16xi32> to vector<16xi32>
    %add3A_434 = arith.constant 1 : i32
    %add3A_435 = vector.broadcast %add3A_434 : i32 to vector<16xi32>
    %add3A_436 = arith.addi %get3A_433, %add3A_435 : vector<16xi32>
    %swap3A_437 = arith.constant 688 : index
    %swap3A_438 = tpu.vector_load %arg6[%swap3A_437] {strides = array<i32>} : memref<1152xi32, #tpu.memory_space<vmem>>, vector<16xi32>,
    %swap3A_439 = vector.shape_cast %swap3A_438 : vector<16xi32> to vector<16xi32>
    %swap3A_440 = vector.shape_cast %add3A_436 : vector<16xi32> to vector<16xi32>
    tpu.vector_store %arg6[%swap3A_437], %swap3A_440 {strides = array<i32>} : memref<1152xi32, #tpu.memory_space<vmem>>, vector<16xi32>,
    %get3A_441 = arith.constant 704 : index
    %get3A_442 = tpu.vector_load %arg6[%get3A_441] {strides = array<i32>} : memref<1152xi32, #tpu.memory_space<vmem>>, vector<16xi32>,
    %get3A_443 = vector.shape_cast %get3A_442 : vector<16xi32> to vector<16xi32>
    %add3A_444 = arith.constant 1 : i32
    %add3A_445 = vector.broadcast %add3A_444 : i32 to vector<16xi32>
    %add3A_446 = arith.addi %get3A_443, %add3A_445 : vector<16xi32>
    %swap3A_447 = arith.constant 704 : index
    %swap3A_448 = tpu.vector_load %arg6[%swap3A_447] {strides = array<i32>} : memref<1152xi32, #tpu.memory_space<vmem>>, vector<16xi32>,
    %swap3A_449 = vector.shape_cast %swap3A_448 : vector<16xi32> to vector<16xi32>
    %swap3A_450 = vector.shape_cast %add3A_446 : vector<16xi32> to vector<16xi32>
    tpu.vector_store %arg6[%swap3A_447], %swap3A_450 {strides = array<i32>} : memref<1152xi32, #tpu.memory_space<vmem>>, vector<16xi32>,
    %get3A_451 = arith.constant 720 : index
    %get3A_452 = tpu.vector_load %arg6[%get3A_451] {strides = array<i32>} : memref<1152xi32, #tpu.memory_space<vmem>>, vector<16xi32>,
    %get3A_453 = vector.shape_cast %get3A_452 : vector<16xi32> to vector<16xi32>
    %add3A_454 = arith.constant 1 : i32
    %add3A_455 = vector.broadcast %add3A_454 : i32 to vector<16xi32>
    %add3A_456 = arith.addi %get3A_453, %add3A_455 : vector<16xi32>
    %swap3A_457 = arith.constant 720 : index
    %swap3A_458 = tpu.vector_load %arg6[%swap3A_457] {strides = array<i32>} : memref<1152xi32, #tpu.memory_space<vmem>>, vector<16xi32>,
    %swap3A_459 = vector.shape_cast %swap3A_458 : vector<16xi32> to vector<16xi32>
    %swap3A_460 = vector.shape_cast %add3A_456 : vector<16xi32> to vector<16xi32>
    tpu.vector_store %arg6[%swap3A_457], %swap3A_460 {strides = array<i32>} : memref<1152xi32, #tpu.memory_space<vmem>>, vector<16xi32>,
    %get3A_461 = arith.constant 736 : index
    %get3A_462 = tpu.vector_load %arg6[%get3A_461] {strides = array<i32>} : memref<1152xi32, #tpu.memory_space<vmem>>, vector<16xi32>,
    %get3A_463 = vector.shape_cast %get3A_462 : vector<16xi32> to vector<16xi32>
    %add3A_464 = arith.constant 1 : i32
    %add3A_465 = vector.broadcast %add3A_464 : i32 to vector<16xi32>
    %add3A_466 = arith.addi %get3A_463, %add3A_465 : vector<16xi32>
    %swap3A_467 = arith.constant 736 : index
    %swap3A_468 = tpu.vector_load %arg6[%swap3A_467] {strides = array<i32>} : memref<1152xi32, #tpu.memory_space<vmem>>, vector<16xi32>,
    %swap3A_469 = vector.shape_cast %swap3A_468 : vector<16xi32> to vector<16xi32>
    %swap3A_470 = vector.shape_cast %add3A_466 : vector<16xi32> to vector<16xi32>
    tpu.vector_store %arg6[%swap3A_467], %swap3A_470 {strides = array<i32>} : memref<1152xi32, #tpu.memory_space<vmem>>, vector<16xi32>,
    %get3A_471 = arith.constant 752 : index
    %get3A_472 = tpu.vector_load %arg6[%get3A_471] {strides = array<i32>} : memref<1152xi32, #tpu.memory_space<vmem>>, vector<16xi32>,
    %get3A_473 = vector.shape_cast %get3A_472 : vector<16xi32> to vector<16xi32>
    %add3A_474 = arith.constant 1 : i32
    %add3A_475 = vector.broadcast %add3A_474 : i32 to vector<16xi32>
    %add3A_476 = arith.addi %get3A_473, %add3A_475 : vector<16xi32>
    %swap3A_477 = arith.constant 752 : index
    %swap3A_478 = tpu.vector_load %arg6[%swap3A_477] {strides = array<i32>} : memref<1152xi32, #tpu.memory_space<vmem>>, vector<16xi32>,
    %swap3A_479 = vector.shape_cast %swap3A_478 : vector<16xi32> to vector<16xi32>
    %swap3A_480 = vector.shape_cast %add3A_476 : vector<16xi32> to vector<16xi32>
    tpu.vector_store %arg6[%swap3A_477], %swap3A_480 {strides = array<i32>} : memref<1152xi32, #tpu.memory_space<vmem>>, vector<16xi32>,
    %get3A_481 = arith.constant 768 : index
    %get3A_482 = tpu.vector_load %arg6[%get3A_481] {strides = array<i32>} : memref<1152xi32, #tpu.memory_space<vmem>>, vector<16xi32>,
    %get3A_483 = vector.shape_cast %get3A_482 : vector<16xi32> to vector<16xi32>
    %add3A_484 = arith.constant 1 : i32
    %add3A_485 = vector.broadcast %add3A_484 : i32 to vector<16xi32>
    %add3A_486 = arith.addi %get3A_483, %add3A_485 : vector<16xi32>
    %swap3A_487 = arith.constant 768 : index
    %swap3A_488 = tpu.vector_load %arg6[%swap3A_487] {strides = array<i32>} : memref<1152xi32, #tpu.memory_space<vmem>>, vector<16xi32>,
    %swap3A_489 = vector.shape_cast %swap3A_488 : vector<16xi32> to vector<16xi32>
    %swap3A_490 = vector.shape_cast %add3A_486 : vector<16xi32> to vector<16xi32>
    tpu.vector_store %arg6[%swap3A_487], %swap3A_490 {strides = array<i32>} : memref<1152xi32, #tpu.memory_space<vmem>>, vector<16xi32>,
    %get3A_491 = arith.constant 784 : index
    %get3A_492 = tpu.vector_load %arg6[%get3A_491] {strides = array<i32>} : memref<1152xi32, #tpu.memory_space<vmem>>, vector<16xi32>,
    %get3A_493 = vector.shape_cast %get3A_492 : vector<16xi32> to vector<16xi32>
    %add3A_494 = arith.constant 1 : i32
    %add3A_495 = vector.broadcast %add3A_494 : i32 to vector<16xi32>
    %add3A_496 = arith.addi %get3A_493, %add3A_495 : vector<16xi32>
    %swap3A_497 = arith.constant 784 : index
    %swap3A_498 = tpu.vector_load %arg6[%swap3A_497] {strides = array<i32>} : memref<1152xi32, #tpu.memory_space<vmem>>, vector<16xi32>,
    %swap3A_499 = vector.shape_cast %swap3A_498 : vector<16xi32> to vector<16xi32>
    %swap3A_500 = vector.shape_cast %add3A_496 : vector<16xi32> to vector<16xi32>
    tpu.vector_store %arg6[%swap3A_497], %swap3A_500 {strides = array<i32>} : memref<1152xi32, #tpu.memory_space<vmem>>, vector<16xi32>,
    %get3A_501 = arith.constant 800 : index
    %get3A_502 = tpu.vector_load %arg6[%get3A_501] {strides = array<i32>} : memref<1152xi32, #tpu.memory_space<vmem>>, vector<16xi32>,
    %get3A_503 = vector.shape_cast %get3A_502 : vector<16xi32> to vector<16xi32>
    %add3A_504 = arith.constant 1 : i32
    %add3A_505 = vector.broadcast %add3A_504 : i32 to vector<16xi32>
    %add3A_506 = arith.addi %get3A_503, %add3A_505 : vector<16xi32>
    %swap3A_507 = arith.constant 800 : index
    %swap3A_508 = tpu.vector_load %arg6[%swap3A_507] {strides = array<i32>} : memref<1152xi32, #tpu.memory_space<vmem>>, vector<16xi32>,
    %swap3A_509 = vector.shape_cast %swap3A_508 : vector<16xi32> to vector<16xi32>
    %swap3A_510 = vector.shape_cast %add3A_506 : vector<16xi32> to vector<16xi32>
    tpu.vector_store %arg6[%swap3A_507], %swap3A_510 {strides = array<i32>} : memref<1152xi32, #tpu.memory_space<vmem>>, vector<16xi32>,
    %get3A_511 = arith.constant 816 : index
    %get3A_512 = tpu.vector_load %arg6[%get3A_511] {strides = array<i32>} : memref<1152xi32, #tpu.memory_space<vmem>>, vector<16xi32>,
    %get3A_513 = vector.shape_cast %get3A_512 : vector<16xi32> to vector<16xi32>
    %add3A_514 = arith.constant 1 : i32
    %add3A_515 = vector.broadcast %add3A_514 : i32 to vector<16xi32>
    %add3A_516 = arith.addi %get3A_513, %add3A_515 : vector<16xi32>
    %swap3A_517 = arith.constant 816 : index
    %swap3A_518 = tpu.vector_load %arg6[%swap3A_517] {strides = array<i32>} : memref<1152xi32, #tpu.memory_space<vmem>>, vector<16xi32>,
    %swap3A_519 = vector.shape_cast %swap3A_518 : vector<16xi32> to vector<16xi32>
    %swap3A_520 = vector.shape_cast %add3A_516 : vector<16xi32> to vector<16xi32>
    tpu.vector_store %arg6[%swap3A_517], %swap3A_520 {strides = array<i32>} : memref<1152xi32, #tpu.memory_space<vmem>>, vector<16xi32>,
    %get3A_521 = arith.constant 832 : index
    %get3A_522 = tpu.vector_load %arg6[%get3A_521] {strides = array<i32>} : memref<1152xi32, #tpu.memory_space<vmem>>, vector<16xi32>,
    %get3A_523 = vector.shape_cast %get3A_522 : vector<16xi32> to vector<16xi32>
    %add3A_524 = arith.constant 1 : i32
    %add3A_525 = vector.broadcast %add3A_524 : i32 to vector<16xi32>
    %add3A_526 = arith.addi %get3A_523, %add3A_525 : vector<16xi32>
    %swap3A_527 = arith.constant 832 : index
    %swap3A_528 = tpu.vector_load %arg6[%swap3A_527] {strides = array<i32>} : memref<1152xi32, #tpu.memory_space<vmem>>, vector<16xi32>,
    %swap3A_529 = vector.shape_cast %swap3A_528 : vector<16xi32> to vector<16xi32>
    %swap3A_530 = vector.shape_cast %add3A_526 : vector<16xi32> to vector<16xi32>
    tpu.vector_store %arg6[%swap3A_527], %swap3A_530 {strides = array<i32>} : memref<1152xi32, #tpu.memory_space<vmem>>, vector<16xi32>,
    %get3A_531 = arith.constant 848 : index
    %get3A_532 = tpu.vector_load %arg6[%get3A_531] {strides = array<i32>} : memref<1152xi32, #tpu.memory_space<vmem>>, vector<16xi32>,
    %get3A_533 = vector.shape_cast %get3A_532 : vector<16xi32> to vector<16xi32>
    %add3A_534 = arith.constant 1 : i32
    %add3A_535 = vector.broadcast %add3A_534 : i32 to vector<16xi32>
    %add3A_536 = arith.addi %get3A_533, %add3A_535 : vector<16xi32>
    %swap3A_537 = arith.constant 848 : index
    %swap3A_538 = tpu.vector_load %arg6[%swap3A_537] {strides = array<i32>} : memref<1152xi32, #tpu.memory_space<vmem>>, vector<16xi32>,
    %swap3A_539 = vector.shape_cast %swap3A_538 : vector<16xi32> to vector<16xi32>
    %swap3A_540 = vector.shape_cast %add3A_536 : vector<16xi32> to vector<16xi32>
    tpu.vector_store %arg6[%swap3A_537], %swap3A_540 {strides = array<i32>} : memref<1152xi32, #tpu.memory_space<vmem>>, vector<16xi32>,
    %get3A_541 = arith.constant 864 : index
    %get3A_542 = tpu.vector_load %arg6[%get3A_541] {strides = array<i32>} : memref<1152xi32, #tpu.memory_space<vmem>>, vector<16xi32>,
    %get3A_543 = vector.shape_cast %get3A_542 : vector<16xi32> to vector<16xi32>
    %add3A_544 = arith.constant 1 : i32
    %add3A_545 = vector.broadcast %add3A_544 : i32 to vector<16xi32>
    %add3A_546 = arith.addi %get3A_543, %add3A_545 : vector<16xi32>
    %swap3A_547 = arith.constant 864 : index
    %swap3A_548 = tpu.vector_load %arg6[%swap3A_547] {strides = array<i32>} : memref<1152xi32, #tpu.memory_space<vmem>>, vector<16xi32>,
    %swap3A_549 = vector.shape_cast %swap3A_548 : vector<16xi32> to vector<16xi32>
    %swap3A_550 = vector.shape_cast %add3A_546 : vector<16xi32> to vector<16xi32>
    tpu.vector_store %arg6[%swap3A_547], %swap3A_550 {strides = array<i32>} : memref<1152xi32, #tpu.memory_space<vmem>>, vector<16xi32>,
    %get3A_551 = arith.constant 880 : index
    %get3A_552 = tpu.vector_load %arg6[%get3A_551] {strides = array<i32>} : memref<1152xi32, #tpu.memory_space<vmem>>, vector<16xi32>,
    %get3A_553 = vector.shape_cast %get3A_552 : vector<16xi32> to vector<16xi32>
    %add3A_554 = arith.constant 1 : i32
    %add3A_555 = vector.broadcast %add3A_554 : i32 to vector<16xi32>
    %add3A_556 = arith.addi %get3A_553, %add3A_555 : vector<16xi32>
    %swap3A_557 = arith.constant 880 : index
    %swap3A_558 = tpu.vector_load %arg6[%swap3A_557] {strides = array<i32>} : memref<1152xi32, #tpu.memory_space<vmem>>, vector<16xi32>,
    %swap3A_559 = vector.shape_cast %swap3A_558 : vector<16xi32> to vector<16xi32>
    %swap3A_560 = vector.shape_cast %add3A_556 : vector<16xi32> to vector<16xi32>
    tpu.vector_store %arg6[%swap3A_557], %swap3A_560 {strides = array<i32>} : memref<1152xi32, #tpu.memory_space<vmem>>, vector<16xi32>,
    %get3A_561 = arith.constant 896 : index
    %get3A_562 = tpu.vector_load %arg6[%get3A_561] {strides = array<i32>} : memref<1152xi32, #tpu.memory_space<vmem>>, vector<16xi32>,
    %get3A_563 = vector.shape_cast %get3A_562 : vector<16xi32> to vector<16xi32>
    %add3A_564 = arith.constant 1 : i32
    %add3A_565 = vector.broadcast %add3A_564 : i32 to vector<16xi32>
    %add3A_566 = arith.addi %get3A_563, %add3A_565 : vector<16xi32>
    %swap3A_567 = arith.constant 896 : index
    %swap3A_568 = tpu.vector_load %arg6[%swap3A_567] {strides = array<i32>} : memref<1152xi32, #tpu.memory_space<vmem>>, vector<16xi32>,
    %swap3A_569 = vector.shape_cast %swap3A_568 : vector<16xi32> to vector<16xi32>
    %swap3A_570 = vector.shape_cast %add3A_566 : vector<16xi32> to vector<16xi32>
    tpu.vector_store %arg6[%swap3A_567], %swap3A_570 {strides = array<i32>} : memref<1152xi32, #tpu.memory_space<vmem>>, vector<16xi32>,
    %get3A_571 = arith.constant 912 : index
    %get3A_572 = tpu.vector_load %arg6[%get3A_571] {strides = array<i32>} : memref<1152xi32, #tpu.memory_space<vmem>>, vector<16xi32>,
    %get3A_573 = vector.shape_cast %get3A_572 : vector<16xi32> to vector<16xi32>
    %add3A_574 = arith.constant 1 : i32
    %add3A_575 = vector.broadcast %add3A_574 : i32 to vector<16xi32>
    %add3A_576 = arith.addi %get3A_573, %add3A_575 : vector<16xi32>
    %swap3A_577 = arith.constant 912 : index
    %swap3A_578 = tpu.vector_load %arg6[%swap3A_577] {strides = array<i32>} : memref<1152xi32, #tpu.memory_space<vmem>>, vector<16xi32>,
    %swap3A_579 = vector.shape_cast %swap3A_578 : vector<16xi32> to vector<16xi32>
    %swap3A_580 = vector.shape_cast %add3A_576 : vector<16xi32> to vector<16xi32>
    tpu.vector_store %arg6[%swap3A_577], %swap3A_580 {strides = array<i32>} : memref<1152xi32, #tpu.memory_space<vmem>>, vector<16xi32>,
    %get3A_581 = arith.constant 928 : index
    %get3A_582 = tpu.vector_load %arg6[%get3A_581] {strides = array<i32>} : memref<1152xi32, #tpu.memory_space<vmem>>, vector<16xi32>,
    %get3A_583 = vector.shape_cast %get3A_582 : vector<16xi32> to vector<16xi32>
    %add3A_584 = arith.constant 1 : i32
    %add3A_585 = vector.broadcast %add3A_584 : i32 to vector<16xi32>
    %add3A_586 = arith.addi %get3A_583, %add3A_585 : vector<16xi32>
    %swap3A_587 = arith.constant 928 : index
    %swap3A_588 = tpu.vector_load %arg6[%swap3A_587] {strides = array<i32>} : memref<1152xi32, #tpu.memory_space<vmem>>, vector<16xi32>,
    %swap3A_589 = vector.shape_cast %swap3A_588 : vector<16xi32> to vector<16xi32>
    %swap3A_590 = vector.shape_cast %add3A_586 : vector<16xi32> to vector<16xi32>
    tpu.vector_store %arg6[%swap3A_587], %swap3A_590 {strides = array<i32>} : memref<1152xi32, #tpu.memory_space<vmem>>, vector<16xi32>,
    %get3A_591 = arith.constant 944 : index
    %get3A_592 = tpu.vector_load %arg6[%get3A_591] {strides = array<i32>} : memref<1152xi32, #tpu.memory_space<vmem>>, vector<16xi32>,
    %get3A_593 = vector.shape_cast %get3A_592 : vector<16xi32> to vector<16xi32>
    %add3A_594 = arith.constant 1 : i32
    %add3A_595 = vector.broadcast %add3A_594 : i32 to vector<16xi32>
    %add3A_596 = arith.addi %get3A_593, %add3A_595 : vector<16xi32>
    %swap3A_597 = arith.constant 944 : index
    %swap3A_598 = tpu.vector_load %arg6[%swap3A_597] {strides = array<i32>} : memref<1152xi32, #tpu.memory_space<vmem>>, vector<16xi32>,
    %swap3A_599 = vector.shape_cast %swap3A_598 : vector<16xi32> to vector<16xi32>
    %swap3A_600 = vector.shape_cast %add3A_596 : vector<16xi32> to vector<16xi32>
    tpu.vector_store %arg6[%swap3A_597], %swap3A_600 {strides = array<i32>} : memref<1152xi32, #tpu.memory_space<vmem>>, vector<16xi32>,
    %get3A_601 = arith.constant 960 : index
    %get3A_602 = tpu.vector_load %arg6[%get3A_601] {strides = array<i32>} : memref<1152xi32, #tpu.memory_space<vmem>>, vector<16xi32>,
    %get3A_603 = vector.shape_cast %get3A_602 : vector<16xi32> to vector<16xi32>
    %add3A_604 = arith.constant 1 : i32
    %add3A_605 = vector.broadcast %add3A_604 : i32 to vector<16xi32>
    %add3A_606 = arith.addi %get3A_603, %add3A_605 : vector<16xi32>
    %swap3A_607 = arith.constant 960 : index
    %swap3A_608 = tpu.vector_load %arg6[%swap3A_607] {strides = array<i32>} : memref<1152xi32, #tpu.memory_space<vmem>>, vector<16xi32>,
    %swap3A_609 = vector.shape_cast %swap3A_608 : vector<16xi32> to vector<16xi32>
    %swap3A_610 = vector.shape_cast %add3A_606 : vector<16xi32> to vector<16xi32>
    tpu.vector_store %arg6[%swap3A_607], %swap3A_610 {strides = array<i32>} : memref<1152xi32, #tpu.memory_space<vmem>>, vector<16xi32>,
    %get3A_611 = arith.constant 976 : index
    %get3A_612 = tpu.vector_load %arg6[%get3A_611] {strides = array<i32>} : memref<1152xi32, #tpu.memory_space<vmem>>, vector<16xi32>,
    %get3A_613 = vector.shape_cast %get3A_612 : vector<16xi32> to vector<16xi32>
    %add3A_614 = arith.constant 1 : i32
    %add3A_615 = vector.broadcast %add3A_614 : i32 to vector<16xi32>
    %add3A_616 = arith.addi %get3A_613, %add3A_615 : vector<16xi32>
    %swap3A_617 = arith.constant 976 : index
    %swap3A_618 = tpu.vector_load %arg6[%swap3A_617] {strides = array<i32>} : memref<1152xi32, #tpu.memory_space<vmem>>, vector<16xi32>,
    %swap3A_619 = vector.shape_cast %swap3A_618 : vector<16xi32> to vector<16xi32>
    %swap3A_620 = vector.shape_cast %add3A_616 : vector<16xi32> to vector<16xi32>
    tpu.vector_store %arg6[%swap3A_617], %swap3A_620 {strides = array<i32>} : memref<1152xi32, #tpu.memory_space<vmem>>, vector<16xi32>,
    %get3A_621 = arith.constant 992 : index
    %get3A_622 = tpu.vector_load %arg6[%get3A_621] {strides = array<i32>} : memref<1152xi32, #tpu.memory_space<vmem>>, vector<16xi32>,
    %get3A_623 = vector.shape_cast %get3A_622 : vector<16xi32> to vector<16xi32>
    %add3A_624 = arith.constant 1 : i32
    %add3A_625 = vector.broadcast %add3A_624 : i32 to vector<16xi32>
    %add3A_626 = arith.addi %get3A_623, %add3A_625 : vector<16xi32>
    %swap3A_627 = arith.constant 992 : index
    %swap3A_628 = tpu.vector_load %arg6[%swap3A_627] {strides = array<i32>} : memref<1152xi32, #tpu.memory_space<vmem>>, vector<16xi32>,
    %swap3A_629 = vector.shape_cast %swap3A_628 : vector<16xi32> to vector<16xi32>
    %swap3A_630 = vector.shape_cast %add3A_626 : vector<16xi32> to vector<16xi32>
    tpu.vector_store %arg6[%swap3A_627], %swap3A_630 {strides = array<i32>} : memref<1152xi32, #tpu.memory_space<vmem>>, vector<16xi32>,
    %get3A_631 = arith.constant 1008 : index
    %get3A_632 = tpu.vector_load %arg6[%get3A_631] {strides = array<i32>} : memref<1152xi32, #tpu.memory_space<vmem>>, vector<16xi32>,
    %get3A_633 = vector.shape_cast %get3A_632 : vector<16xi32> to vector<16xi32>
    %add3A_634 = arith.constant 1 : i32
    %add3A_635 = vector.broadcast %add3A_634 : i32 to vector<16xi32>
    %add3A_636 = arith.addi %get3A_633, %add3A_635 : vector<16xi32>
    %swap3A_637 = arith.constant 1008 : index
    %swap3A_638 = tpu.vector_load %arg6[%swap3A_637] {strides = array<i32>} : memref<1152xi32, #tpu.memory_space<vmem>>, vector<16xi32>,
    %swap3A_639 = vector.shape_cast %swap3A_638 : vector<16xi32> to vector<16xi32>
    %swap3A_640 = vector.shape_cast %add3A_636 : vector<16xi32> to vector<16xi32>
    tpu.vector_store %arg6[%swap3A_637], %swap3A_640 {strides = array<i32>} : memref<1152xi32, #tpu.memory_space<vmem>>, vector<16xi32>,
    %get3A_641 = arith.constant 1024 : index
    %get3A_642 = tpu.vector_load %arg6[%get3A_641] {strides = array<i32>} : memref<1152xi32, #tpu.memory_space<vmem>>, vector<16xi32>,
    %get3A_643 = vector.shape_cast %get3A_642 : vector<16xi32> to vector<16xi32>
    %add3A_644 = arith.constant 1 : i32
    %add3A_645 = vector.broadcast %add3A_644 : i32 to vector<16xi32>
    %add3A_646 = arith.addi %get3A_643, %add3A_645 : vector<16xi32>
    %swap3A_647 = arith.constant 1024 : index
    %swap3A_648 = tpu.vector_load %arg6[%swap3A_647] {strides = array<i32>} : memref<1152xi32, #tpu.memory_space<vmem>>, vector<16xi32>,
    %swap3A_649 = vector.shape_cast %swap3A_648 : vector<16xi32> to vector<16xi32>
    %swap3A_650 = vector.shape_cast %add3A_646 : vector<16xi32> to vector<16xi32>
    tpu.vector_store %arg6[%swap3A_647], %swap3A_650 {strides = array<i32>} : memref<1152xi32, #tpu.memory_space<vmem>>, vector<16xi32>,
    %get3A_651 = arith.constant 1040 : index
    %get3A_652 = tpu.vector_load %arg6[%get3A_651] {strides = array<i32>} : memref<1152xi32, #tpu.memory_space<vmem>>, vector<16xi32>,
    %get3A_653 = vector.shape_cast %get3A_652 : vector<16xi32> to vector<16xi32>
    %add3A_654 = arith.constant 1 : i32
    %add3A_655 = vector.broadcast %add3A_654 : i32 to vector<16xi32>
    %add3A_656 = arith.addi %get3A_653, %add3A_655 : vector<16xi32>
    %swap3A_657 = arith.constant 1040 : index
    %swap3A_658 = tpu.vector_load %arg6[%swap3A_657] {strides = array<i32>} : memref<1152xi32, #tpu.memory_space<vmem>>, vector<16xi32>,
    %swap3A_659 = vector.shape_cast %swap3A_658 : vector<16xi32> to vector<16xi32>
    %swap3A_660 = vector.shape_cast %add3A_656 : vector<16xi32> to vector<16xi32>
    tpu.vector_store %arg6[%swap3A_657], %swap3A_660 {strides = array<i32>} : memref<1152xi32, #tpu.memory_space<vmem>>, vector<16xi32>,
    %get3A_661 = arith.constant 1056 : index
    %get3A_662 = tpu.vector_load %arg6[%get3A_661] {strides = array<i32>} : memref<1152xi32, #tpu.memory_space<vmem>>, vector<16xi32>,
    %get3A_663 = vector.shape_cast %get3A_662 : vector<16xi32> to vector<16xi32>
    %add3A_664 = arith.constant 1 : i32
    %add3A_665 = vector.broadcast %add3A_664 : i32 to vector<16xi32>
    %add3A_666 = arith.addi %get3A_663, %add3A_665 : vector<16xi32>
    %swap3A_667 = arith.constant 1056 : index
    %swap3A_668 = tpu.vector_load %arg6[%swap3A_667] {strides = array<i32>} : memref<1152xi32, #tpu.memory_space<vmem>>, vector<16xi32>,
    %swap3A_669 = vector.shape_cast %swap3A_668 : vector<16xi32> to vector<16xi32>
    %swap3A_670 = vector.shape_cast %add3A_666 : vector<16xi32> to vector<16xi32>
    tpu.vector_store %arg6[%swap3A_667], %swap3A_670 {strides = array<i32>} : memref<1152xi32, #tpu.memory_space<vmem>>, vector<16xi32>,
    %get3A_671 = arith.constant 1072 : index
    %get3A_672 = tpu.vector_load %arg6[%get3A_671] {strides = array<i32>} : memref<1152xi32, #tpu.memory_space<vmem>>, vector<16xi32>,
    %get3A_673 = vector.shape_cast %get3A_672 : vector<16xi32> to vector<16xi32>
    %add3A_674 = arith.constant 1 : i32
    %add3A_675 = vector.broadcast %add3A_674 : i32 to vector<16xi32>
    %add3A_676 = arith.addi %get3A_673, %add3A_675 : vector<16xi32>
    %swap3A_677 = arith.constant 1072 : index
    %swap3A_678 = tpu.vector_load %arg6[%swap3A_677] {strides = array<i32>} : memref<1152xi32, #tpu.memory_space<vmem>>, vector<16xi32>,
    %swap3A_679 = vector.shape_cast %swap3A_678 : vector<16xi32> to vector<16xi32>
    %swap3A_680 = vector.shape_cast %add3A_676 : vector<16xi32> to vector<16xi32>
    tpu.vector_store %arg6[%swap3A_677], %swap3A_680 {strides = array<i32>} : memref<1152xi32, #tpu.memory_space<vmem>>, vector<16xi32>,
    %get3A_681 = arith.constant 1088 : index
    %get3A_682 = tpu.vector_load %arg6[%get3A_681] {strides = array<i32>} : memref<1152xi32, #tpu.memory_space<vmem>>, vector<16xi32>,
    %get3A_683 = vector.shape_cast %get3A_682 : vector<16xi32> to vector<16xi32>
    %add3A_684 = arith.constant 1 : i32
    %add3A_685 = vector.broadcast %add3A_684 : i32 to vector<16xi32>
    %add3A_686 = arith.addi %get3A_683, %add3A_685 : vector<16xi32>
    %swap3A_687 = arith.constant 1088 : index
    %swap3A_688 = tpu.vector_load %arg6[%swap3A_687] {strides = array<i32>} : memref<1152xi32, #tpu.memory_space<vmem>>, vector<16xi32>,
    %swap3A_689 = vector.shape_cast %swap3A_688 : vector<16xi32> to vector<16xi32>
    %swap3A_690 = vector.shape_cast %add3A_686 : vector<16xi32> to vector<16xi32>
    tpu.vector_store %arg6[%swap3A_687], %swap3A_690 {strides = array<i32>} : memref<1152xi32, #tpu.memory_space<vmem>>, vector<16xi32>,
    %get3A_691 = arith.constant 1104 : index
    %get3A_692 = tpu.vector_load %arg6[%get3A_691] {strides = array<i32>} : memref<1152xi32, #tpu.memory_space<vmem>>, vector<16xi32>,
    %get3A_693 = vector.shape_cast %get3A_692 : vector<16xi32> to vector<16xi32>
    %add3A_694 = arith.constant 1 : i32
    %add3A_695 = vector.broadcast %add3A_694 : i32 to vector<16xi32>
    %add3A_696 = arith.addi %get3A_693, %add3A_695 : vector<16xi32>
    %swap3A_697 = arith.constant 1104 : index
    %swap3A_698 = tpu.vector_load %arg6[%swap3A_697] {strides = array<i32>} : memref<1152xi32, #tpu.memory_space<vmem>>, vector<16xi32>,
    %swap3A_699 = vector.shape_cast %swap3A_698 : vector<16xi32> to vector<16xi32>
    %swap3A_700 = vector.shape_cast %add3A_696 : vector<16xi32> to vector<16xi32>
    tpu.vector_store %arg6[%swap3A_697], %swap3A_700 {strides = array<i32>} : memref<1152xi32, #tpu.memory_space<vmem>>, vector<16xi32>,
    %get3A_701 = arith.constant 1120 : index
    %get3A_702 = tpu.vector_load %arg6[%get3A_701] {strides = array<i32>} : memref<1152xi32, #tpu.memory_space<vmem>>, vector<16xi32>,
    %get3A_703 = vector.shape_cast %get3A_702 : vector<16xi32> to vector<16xi32>
    %add3A_704 = arith.constant 1 : i32
    %add3A_705 = vector.broadcast %add3A_704 : i32 to vector<16xi32>
    %add3A_706 = arith.addi %get3A_703, %add3A_705 : vector<16xi32>
    %swap3A_707 = arith.constant 1120 : index
    %swap3A_708 = tpu.vector_load %arg6[%swap3A_707] {strides = array<i32>} : memref<1152xi32, #tpu.memory_space<vmem>>, vector<16xi32>,
    %swap3A_709 = vector.shape_cast %swap3A_708 : vector<16xi32> to vector<16xi32>
    %swap3A_710 = vector.shape_cast %add3A_706 : vector<16xi32> to vector<16xi32>
    tpu.vector_store %arg6[%swap3A_707], %swap3A_710 {strides = array<i32>} : memref<1152xi32, #tpu.memory_space<vmem>>, vector<16xi32>,
    %get3A_711 = arith.constant 1136 : index
    %get3A_712 = tpu.vector_load %arg6[%get3A_711] {strides = array<i32>} : memref<1152xi32, #tpu.memory_space<vmem>>, vector<16xi32>,
    %get3A_713 = vector.shape_cast %get3A_712 : vector<16xi32> to vector<16xi32>
    %add3A_714 = arith.constant 1 : i32
    %add3A_715 = vector.broadcast %add3A_714 : i32 to vector<16xi32>
    %add3A_716 = arith.addi %get3A_713, %add3A_715 : vector<16xi32>
    %swap3A_717 = arith.constant 1136 : index
    %swap3A_718 = tpu.vector_load %arg6[%swap3A_717] {strides = array<i32>} : memref<1152xi32, #tpu.memory_space<vmem>>, vector<16xi32>,
    %swap3A_719 = vector.shape_cast %swap3A_718 : vector<16xi32> to vector<16xi32>
    %swap3A_720 = vector.shape_cast %add3A_716 : vector<16xi32> to vector<16xi32>
    tpu.vector_store %arg6[%swap3A_717], %swap3A_720 {strides = array<i32>} : memref<1152xi32, #tpu.memory_space<vmem>>, vector<16xi32>,
    %add3A_721 = arith.constant 0 : i32
    %add3A_722 = arith.addi %mul3A_2, %add3A_721 : i32
    %dma_start3A = arith.constant 0 : i32
    %dma_start3A_723 = tpu.memref_slice %arg2[%add3A_722, %dma_start3A] : memref<36864x768xf32, #tpu.memory_space<hbm>> -> memref<24x768xf32, #tpu.memory_space<hbm>>
    %dma_start3A_724 = arith.constant 0 : i32
    %dma_start3A_725 = tpu.memref_slice %arg2[%add3A_722, %dma_start3A_724] : memref<36864x768xf32, #tpu.memory_space<hbm>> -> memref<24x768xf32, #tpu.memory_space<hbm>>
    tpu.enqueue_dma source(%dma_start3A_725 : memref<24x768xf32, #tpu.memory_space<hbm>>) target(%arg7 : memref<24x768xf32, #tpu.memory_space<vmem>>) target_semaphore(%arg13 : memref<!tpu.dma_semaphore, #tpu.memory_space<semaphore_mem>>)
    %dma_start3A_726 = arith.constant 0 : i32
    %dma_start3A_727 = tpu.memref_slice %arg6[%dma_start3A_726] : memref<1152xi32, #tpu.memory_space<vmem>> -> memref<24xi32, #tpu.memory_space<vmem>>
    %dma_start3A_728 = arith.constant 0 : i32
    %dma_start3A_729 = arith.constant 0 : i32
    %dma_start3A_730 = tpu.memref_slice %arg4[%dma_start3A_728, %dma_start3A_729] : memref<577x768xf32, #tpu.memory_space<hbm>> -> memref<577x768xf32, #tpu.memory_space<hbm>>
    tpu.enqueue_indirect_dma source(%dma_start3A_730 : memref<577x768xf32, #tpu.memory_space<hbm>>) target(%arg10 : memref<24x768xf32, #tpu.memory_space<vmem>>) offsets(%dma_start3A_727 : memref<24xi32, #tpu.memory_space<vmem>>) semaphore(%arg16 : memref<!tpu.dma_semaphore, #tpu.memory_space<semaphore_mem>>)
    %add3A_731 = arith.constant 24 : i32
    %add3A_732 = arith.addi %mul3A_2, %add3A_731 : i32
    %dma_start3A_733 = arith.constant 0 : i32
    %dma_start3A_734 = tpu.memref_slice %arg2[%add3A_732, %dma_start3A_733] : memref<36864x768xf32, #tpu.memory_space<hbm>> -> memref<24x768xf32, #tpu.memory_space<hbm>>
    %dma_start3A_735 = arith.constant 0 : i32
    %dma_start3A_736 = tpu.memref_slice %arg2[%add3A_732, %dma_start3A_735] : memref<36864x768xf32, #tpu.memory_space<hbm>> -> memref<24x768xf32, #tpu.memory_space<hbm>>
    tpu.enqueue_dma source(%dma_start3A_736 : memref<24x768xf32, #tpu.memory_space<hbm>>) target(%arg8 : memref<24x768xf32, #tpu.memory_space<vmem>>) target_semaphore(%arg14 : memref<!tpu.dma_semaphore, #tpu.memory_space<semaphore_mem>>)
    %dma_start3A_737 = arith.constant 24 : i32
    %dma_start3A_738 = tpu.memref_slice %arg6[%dma_start3A_737] : memref<1152xi32, #tpu.memory_space<vmem>> -> memref<24xi32, #tpu.memory_space<vmem>>
    %dma_start3A_739 = arith.constant 0 : i32
    %dma_start3A_740 = arith.constant 0 : i32
    %dma_start3A_741 = tpu.memref_slice %arg4[%dma_start3A_739, %dma_start3A_740] : memref<577x768xf32, #tpu.memory_space<hbm>> -> memref<577x768xf32, #tpu.memory_space<hbm>>
    tpu.enqueue_indirect_dma source(%dma_start3A_741 : memref<577x768xf32, #tpu.memory_space<hbm>>) target(%arg11 : memref<24x768xf32, #tpu.memory_space<vmem>>) offsets(%dma_start3A_738 : memref<24xi32, #tpu.memory_space<vmem>>) semaphore(%arg17 : memref<!tpu.dma_semaphore, #tpu.memory_space<semaphore_mem>>)
    %scan3A = arith.constant 0 : i32
    %scan3A_742 = arith.constant 0 : i32
    %scan3A_743 = arith.constant 16 : i32
    %scan3A_744 = arith.addi %scan3A_742, %scan3A_743 : i32
    %scan3A_745 = arith.constant 1 : i32
    scf.for %scan3A_758 = %scan3A_742 to %scan3A_744 step %scan3A_745  : i32 {
      %mul3A_759 = arith.constant 3 : i32
      %mul3A_760 = arith.muli %scan3A_758, %mul3A_759 : i32
      %add3A_761 = arith.constant 0 : i32
      %add3A_762 = arith.addi %mul3A_760, %add3A_761 : i32
      %dma_wait3A_763 = arith.constant 0 : i32
      %dma_wait3A_764 = tpu.memref_slice %arg2[%mul3A_2, %dma_wait3A_763] : memref<36864x768xf32, #tpu.memory_space<hbm>> -> memref<24x768xf32, #tpu.memory_space<hbm>>
      %dma_wait3A_765 = arith.constant 0 : i32
      %dma_wait3A_766 = tpu.memref_slice %arg2[%mul3A_2, %dma_wait3A_765] : memref<36864x768xf32, #tpu.memory_space<hbm>> -> memref<24x768xf32, #tpu.memory_space<hbm>>
      tpu.wait_dma2 semaphore(%arg13 : memref<!tpu.dma_semaphore, #tpu.memory_space<semaphore_mem>>) src(%dma_wait3A_766 : memref<24x768xf32, #tpu.memory_space<hbm>>) dst(%arg7 : memref<24x768xf32, #tpu.memory_space<vmem>>)
      %dma_wait3A_767 = arith.constant 0 : i32
      %dma_wait3A_768 = tpu.memref_slice %arg2[%mul3A_2, %dma_wait3A_767] : memref<36864x768xf32, #tpu.memory_space<hbm>> -> memref<24x768xf32, #tpu.memory_space<hbm>>
      %dma_wait3A_769 = arith.constant 0 : i32
      %dma_wait3A_770 = tpu.memref_slice %arg2[%mul3A_2, %dma_wait3A_769] : memref<36864x768xf32, #tpu.memory_space<hbm>> -> memref<24x768xf32, #tpu.memory_space<hbm>>
      tpu.wait_dma2 semaphore(%arg16 : memref<!tpu.dma_semaphore, #tpu.memory_space<semaphore_mem>>) src(%dma_wait3A_770 : memref<24x768xf32, #tpu.memory_space<hbm>>) dst(%arg10 : memref<24x768xf32, #tpu.memory_space<vmem>>)
      %parallel_loop3A = arith.constant 0 : i32
      %parallel_loop3A_771 = arith.constant 24 : i32
      %parallel_loop3A_772 = arith.constant 1 : i32
      scf.for %parallel_loop3A_846 = %parallel_loop3A to %parallel_loop3A_771 step %parallel_loop3A_772  : i32 {
        %parallel_loop3A_847 = arith.index_cast %parallel_loop3A_846 : i32 to index
        %parallel_loop3A_848 = arith.constant 0 : index
        %parallel_loop3A_849 = tpu.vector_load %arg7[%parallel_loop3A_847, %parallel_loop3A_848] {strides = array<i32>} : memref<24x768xf32, #tpu.memory_space<vmem>>, vector<1x16xf32>,
        %parallel_loop3A_850 = vector.shape_cast %parallel_loop3A_849 : vector<1x16xf32> to vector<16xf32>
        %parallel_loop3A_851 = arith.index_cast %parallel_loop3A_846 : i32 to index
        %parallel_loop3A_852 = arith.constant 0 : index
        %parallel_loop3A_853 = tpu.vector_load %arg10[%parallel_loop3A_851, %parallel_loop3A_852] {strides = array<i32>} : memref<24x768xf32, #tpu.memory_space<vmem>>, vector<1x16xf32>,
        %parallel_loop3A_854 = vector.shape_cast %parallel_loop3A_853 : vector<1x16xf32> to vector<16xf32>
        %parallel_loop3A_855 = vector.shape_cast %parallel_loop3A_850 : vector<16xf32> to vector<1x16xf32>
        tpu.vector_store %arg10[%parallel_loop3A_851, %parallel_loop3A_852], %parallel_loop3A_855 {add = true, strides = array<i32>} : memref<24x768xf32, #tpu.memory_space<vmem>>, vector<1x16xf32>,
        %parallel_loop3A_856 = arith.index_cast %parallel_loop3A_846 : i32 to index
        %parallel_loop3A_857 = arith.constant 16 : index
        %parallel_loop3A_858 = tpu.vector_load %arg7[%parallel_loop3A_856, %parallel_loop3A_857] {strides = array<i32>} : memref<24x768xf32, #tpu.memory_space<vmem>>, vector<1x16xf32>,
        %parallel_loop3A_859 = vector.shape_cast %parallel_loop3A_858 : vector<1x16xf32> to vector<16xf32>
        %parallel_loop3A_860 = arith.index_cast %parallel_loop3A_846 : i32 to index
        %parallel_loop3A_861 = arith.constant 16 : index
        %parallel_loop3A_862 = tpu.vector_load %arg10[%parallel_loop3A_860, %parallel_loop3A_861] {strides = array<i32>} : memref<24x768xf32, #tpu.memory_space<vmem>>, vector<1x16xf32>,
        %parallel_loop3A_863 = vector.shape_cast %parallel_loop3A_862 : vector<1x16xf32> to vector<16xf32>
        %parallel_loop3A_864 = vector.shape_cast %parallel_loop3A_859 : vector<16xf32> to vector<1x16xf32>
        tpu.vector_store %arg10[%parallel_loop3A_860, %parallel_loop3A_861], %parallel_loop3A_864 {add = true, strides = array<i32>} : memref<24x768xf32, #tpu.memory_space<vmem>>, vector<1x16xf32>,
        %parallel_loop3A_865 = arith.index_cast %parallel_loop3A_846 : i32 to index
        %parallel_loop3A_866 = arith.constant 32 : index
        %parallel_loop3A_867 = tpu.vector_load %arg7[%parallel_loop3A_865, %parallel_loop3A_866] {strides = array<i32>} : memref<24x768xf32, #tpu.memory_space<vmem>>, vector<1x16xf32>,
        %parallel_loop3A_868 = vector.shape_cast %parallel_loop3A_867 : vector<1x16xf32> to vector<16xf32>
        %parallel_loop3A_869 = arith.index_cast %parallel_loop3A_846 : i32 to index
        %parallel_loop3A_870 = arith.constant 32 : index
        %parallel_loop3A_871 = tpu.vector_load %arg10[%parallel_loop3A_869, %parallel_loop3A_870] {strides = array<i32>} : memref<24x768xf32, #tpu.memory_space<vmem>>, vector<1x16xf32>,
        %parallel_loop3A_872 = vector.shape_cast %parallel_loop3A_871 : vector<1x16xf32> to vector<16xf32>
        %parallel_loop3A_873 = vector.shape_cast %parallel_loop3A_868 : vector<16xf32> to vector<1x16xf32>
        tpu.vector_store %arg10[%parallel_loop3A_869, %parallel_loop3A_870], %parallel_loop3A_873 {add = true, strides = array<i32>} : memref<24x768xf32, #tpu.memory_space<vmem>>, vector<1x16xf32>,
        %parallel_loop3A_874 = arith.index_cast %parallel_loop3A_846 : i32 to index
        %parallel_loop3A_875 = arith.constant 48 : index
        %parallel_loop3A_876 = tpu.vector_load %arg7[%parallel_loop3A_874, %parallel_loop3A_875] {strides = array<i32>} : memref<24x768xf32, #tpu.memory_space<vmem>>, vector<1x16xf32>,
        %parallel_loop3A_877 = vector.shape_cast %parallel_loop3A_876 : vector<1x16xf32> to vector<16xf32>
        %parallel_loop3A_878 = arith.index_cast %parallel_loop3A_846 : i32 to index
        %parallel_loop3A_879 = arith.constant 48 : index
        %parallel_loop3A_880 = tpu.vector_load %arg10[%parallel_loop3A_878, %parallel_loop3A_879] {strides = array<i32>} : memref<24x768xf32, #tpu.memory_space<vmem>>, vector<1x16xf32>,
        %parallel_loop3A_881 = vector.shape_cast %parallel_loop3A_880 : vector<1x16xf32> to vector<16xf32>
        %parallel_loop3A_882 = vector.shape_cast %parallel_loop3A_877 : vector<16xf32> to vector<1x16xf32>
        tpu.vector_store %arg10[%parallel_loop3A_878, %parallel_loop3A_879], %parallel_loop3A_882 {add = true, strides = array<i32>} : memref<24x768xf32, #tpu.memory_space<vmem>>, vector<1x16xf32>,
        %parallel_loop3A_883 = arith.index_cast %parallel_loop3A_846 : i32 to index
        %parallel_loop3A_884 = arith.constant 64 : index
        %parallel_loop3A_885 = tpu.vector_load %arg7[%parallel_loop3A_883, %parallel_loop3A_884] {strides = array<i32>} : memref<24x768xf32, #tpu.memory_space<vmem>>, vector<1x16xf32>,
        %parallel_loop3A_886 = vector.shape_cast %parallel_loop3A_885 : vector<1x16xf32> to vector<16xf32>
        %parallel_loop3A_887 = arith.index_cast %parallel_loop3A_846 : i32 to index
        %parallel_loop3A_888 = arith.constant 64 : index
        %parallel_loop3A_889 = tpu.vector_load %arg10[%parallel_loop3A_887, %parallel_loop3A_888] {strides = array<i32>} : memref<24x768xf32, #tpu.memory_space<vmem>>, vector<1x16xf32>,
        %parallel_loop3A_890 = vector.shape_cast %parallel_loop3A_889 : vector<1x16xf32> to vector<16xf32>
        %parallel_loop3A_891 = vector.shape_cast %parallel_loop3A_886 : vector<16xf32> to vector<1x16xf32>
        tpu.vector_store %arg10[%parallel_loop3A_887, %parallel_loop3A_888], %parallel_loop3A_891 {add = true, strides = array<i32>} : memref<24x768xf32, #tpu.memory_space<vmem>>, vector<1x16xf32>,
        %parallel_loop3A_892 = arith.index_cast %parallel_loop3A_846 : i32 to index
        %parallel_loop3A_893 = arith.constant 80 : index
        %parallel_loop3A_894 = tpu.vector_load %arg7[%parallel_loop3A_892, %parallel_loop3A_893] {strides = array<i32>} : memref<24x768xf32, #tpu.memory_space<vmem>>, vector<1x16xf32>,
        %parallel_loop3A_895 = vector.shape_cast %parallel_loop3A_894 : vector<1x16xf32> to vector<16xf32>
        %parallel_loop3A_896 = arith.index_cast %parallel_loop3A_846 : i32 to index
        %parallel_loop3A_897 = arith.constant 80 : index
        %parallel_loop3A_898 = tpu.vector_load %arg10[%parallel_loop3A_896, %parallel_loop3A_897] {strides = array<i32>} : memref<24x768xf32, #tpu.memory_space<vmem>>, vector<1x16xf32>,
        %parallel_loop3A_899 = vector.shape_cast %parallel_loop3A_898 : vector<1x16xf32> to vector<16xf32>
        %parallel_loop3A_900 = vector.shape_cast %parallel_loop3A_895 : vector<16xf32> to vector<1x16xf32>
        tpu.vector_store %arg10[%parallel_loop3A_896, %parallel_loop3A_897], %parallel_loop3A_900 {add = true, strides = array<i32>} : memref<24x768xf32, #tpu.memory_space<vmem>>, vector<1x16xf32>,
        %parallel_loop3A_901 = arith.index_cast %parallel_loop3A_846 : i32 to index
        %parallel_loop3A_902 = arith.constant 96 : index
        %parallel_loop3A_903 = tpu.vector_load %arg7[%parallel_loop3A_901, %parallel_loop3A_902] {strides = array<i32>} : memref<24x768xf32, #tpu.memory_space<vmem>>, vector<1x16xf32>,
        %parallel_loop3A_904 = vector.shape_cast %parallel_loop3A_903 : vector<1x16xf32> to vector<16xf32>
        %parallel_loop3A_905 = arith.index_cast %parallel_loop3A_846 : i32 to index
        %parallel_loop3A_906 = arith.constant 96 : index
        %parallel_loop3A_907 = tpu.vector_load %arg10[%parallel_loop3A_905, %parallel_loop3A_906] {strides = array<i32>} : memref<24x768xf32, #tpu.memory_space<vmem>>, vector<1x16xf32>,
        %parallel_loop3A_908 = vector.shape_cast %parallel_loop3A_907 : vector<1x16xf32> to vector<16xf32>
        %parallel_loop3A_909 = vector.shape_cast %parallel_loop3A_904 : vector<16xf32> to vector<1x16xf32>
        tpu.vector_store %arg10[%parallel_loop3A_905, %parallel_loop3A_906], %parallel_loop3A_909 {add = true, strides = array<i32>} : memref<24x768xf32, #tpu.memory_space<vmem>>, vector<1x16xf32>,
        %parallel_loop3A_910 = arith.index_cast %parallel_loop3A_846 : i32 to index
        %parallel_loop3A_911 = arith.constant 112 : index
        %parallel_loop3A_912 = tpu.vector_load %arg7[%parallel_loop3A_910, %parallel_loop3A_911] {strides = array<i32>} : memref<24x768xf32, #tpu.memory_space<vmem>>, vector<1x16xf32>,
        %parallel_loop3A_913 = vector.shape_cast %parallel_loop3A_912 : vector<1x16xf32> to vector<16xf32>
        %parallel_loop3A_914 = arith.index_cast %parallel_loop3A_846 : i32 to index
        %parallel_loop3A_915 = arith.constant 112 : index
        %parallel_loop3A_916 = tpu.vector_load %arg10[%parallel_loop3A_914, %parallel_loop3A_915] {strides = array<i32>} : memref<24x768xf32, #tpu.memory_space<vmem>>, vector<1x16xf32>,
        %parallel_loop3A_917 = vector.shape_cast %parallel_loop3A_916 : vector<1x16xf32> to vector<16xf32>
        %parallel_loop3A_918 = vector.shape_cast %parallel_loop3A_913 : vector<16xf32> to vector<1x16xf32>
        tpu.vector_store %arg10[%parallel_loop3A_914, %parallel_loop3A_915], %parallel_loop3A_918 {add = true, strides = array<i32>} : memref<24x768xf32, #tpu.memory_space<vmem>>, vector<1x16xf32>,
        %parallel_loop3A_919 = arith.index_cast %parallel_loop3A_846 : i32 to index
        %parallel_loop3A_920 = arith.constant 128 : index
        %parallel_loop3A_921 = tpu.vector_load %arg7[%parallel_loop3A_919, %parallel_loop3A_920] {strides = array<i32>} : memref<24x768xf32, #tpu.memory_space<vmem>>, vector<1x16xf32>,
        %parallel_loop3A_922 = vector.shape_cast %parallel_loop3A_921 : vector<1x16xf32> to vector<16xf32>
        %parallel_loop3A_923 = arith.index_cast %parallel_loop3A_846 : i32 to index
        %parallel_loop3A_924 = arith.constant 128 : index
        %parallel_loop3A_925 = tpu.vector_load %arg10[%parallel_loop3A_923, %parallel_loop3A_924] {strides = array<i32>} : memref<24x768xf32, #tpu.memory_space<vmem>>, vector<1x16xf32>,
        %parallel_loop3A_926 = vector.shape_cast %parallel_loop3A_925 : vector<1x16xf32> to vector<16xf32>
        %parallel_loop3A_927 = vector.shape_cast %parallel_loop3A_922 : vector<16xf32> to vector<1x16xf32>
        tpu.vector_store %arg10[%parallel_loop3A_923, %parallel_loop3A_924], %parallel_loop3A_927 {add = true, strides = array<i32>} : memref<24x768xf32, #tpu.memory_space<vmem>>, vector<1x16xf32>,
        %parallel_loop3A_928 = arith.index_cast %parallel_loop3A_846 : i32 to index
        %parallel_loop3A_929 = arith.constant 144 : index
        %parallel_loop3A_930 = tpu.vector_load %arg7[%parallel_loop3A_928, %parallel_loop3A_929] {strides = array<i32>} : memref<24x768xf32, #tpu.memory_space<vmem>>, vector<1x16xf32>,
        %parallel_loop3A_931 = vector.shape_cast %parallel_loop3A_930 : vector<1x16xf32> to vector<16xf32>
        %parallel_loop3A_932 = arith.index_cast %parallel_loop3A_846 : i32 to index
        %parallel_loop3A_933 = arith.constant 144 : index
        %parallel_loop3A_934 = tpu.vector_load %arg10[%parallel_loop3A_932, %parallel_loop3A_933] {strides = array<i32>} : memref<24x768xf32, #tpu.memory_space<vmem>>, vector<1x16xf32>,
        %parallel_loop3A_935 = vector.shape_cast %parallel_loop3A_934 : vector<1x16xf32> to vector<16xf32>
        %parallel_loop3A_936 = vector.shape_cast %parallel_loop3A_931 : vector<16xf32> to vector<1x16xf32>
        tpu.vector_store %arg10[%parallel_loop3A_932, %parallel_loop3A_933], %parallel_loop3A_936 {add = true, strides = array<i32>} : memref<24x768xf32, #tpu.memory_space<vmem>>, vector<1x16xf32>,
        %parallel_loop3A_937 = arith.index_cast %parallel_loop3A_846 : i32 to index
        %parallel_loop3A_938 = arith.constant 160 : index
        %parallel_loop3A_939 = tpu.vector_load %arg7[%parallel_loop3A_937, %parallel_loop3A_938] {strides = array<i32>} : memref<24x768xf32, #tpu.memory_space<vmem>>, vector<1x16xf32>,
        %parallel_loop3A_940 = vector.shape_cast %parallel_loop3A_939 : vector<1x16xf32> to vector<16xf32>
        %parallel_loop3A_941 = arith.index_cast %parallel_loop3A_846 : i32 to index
        %parallel_loop3A_942 = arith.constant 160 : index
        %parallel_loop3A_943 = tpu.vector_load %arg10[%parallel_loop3A_941, %parallel_loop3A_942] {strides = array<i32>} : memref<24x768xf32, #tpu.memory_space<vmem>>, vector<1x16xf32>,
        %parallel_loop3A_944 = vector.shape_cast %parallel_loop3A_943 : vector<1x16xf32> to vector<16xf32>
        %parallel_loop3A_945 = vector.shape_cast %parallel_loop3A_940 : vector<16xf32> to vector<1x16xf32>
        tpu.vector_store %arg10[%parallel_loop3A_941, %parallel_loop3A_942], %parallel_loop3A_945 {add = true, strides = array<i32>} : memref<24x768xf32, #tpu.memory_space<vmem>>, vector<1x16xf32>,
        %parallel_loop3A_946 = arith.index_cast %parallel_loop3A_846 : i32 to index
        %parallel_loop3A_947 = arith.constant 176 : index
        %parallel_loop3A_948 = tpu.vector_load %arg7[%parallel_loop3A_946, %parallel_loop3A_947] {strides = array<i32>} : memref<24x768xf32, #tpu.memory_space<vmem>>, vector<1x16xf32>,
        %parallel_loop3A_949 = vector.shape_cast %parallel_loop3A_948 : vector<1x16xf32> to vector<16xf32>
        %parallel_loop3A_950 = arith.index_cast %parallel_loop3A_846 : i32 to index
        %parallel_loop3A_951 = arith.constant 176 : index
        %parallel_loop3A_952 = tpu.vector_load %arg10[%parallel_loop3A_950, %parallel_loop3A_951] {strides = array<i32>} : memref<24x768xf32, #tpu.memory_space<vmem>>, vector<1x16xf32>,
        %parallel_loop3A_953 = vector.shape_cast %parallel_loop3A_952 : vector<1x16xf32> to vector<16xf32>
        %parallel_loop3A_954 = vector.shape_cast %parallel_loop3A_949 : vector<16xf32> to vector<1x16xf32>
        tpu.vector_store %arg10[%parallel_loop3A_950, %parallel_loop3A_951], %parallel_loop3A_954 {add = true, strides = array<i32>} : memref<24x768xf32, #tpu.memory_space<vmem>>, vector<1x16xf32>,
        %parallel_loop3A_955 = arith.index_cast %parallel_loop3A_846 : i32 to index
        %parallel_loop3A_956 = arith.constant 192 : index
        %parallel_loop3A_957 = tpu.vector_load %arg7[%parallel_loop3A_955, %parallel_loop3A_956] {strides = array<i32>} : memref<24x768xf32, #tpu.memory_space<vmem>>, vector<1x16xf32>,
        %parallel_loop3A_958 = vector.shape_cast %parallel_loop3A_957 : vector<1x16xf32> to vector<16xf32>
        %parallel_loop3A_959 = arith.index_cast %parallel_loop3A_846 : i32 to index
        %parallel_loop3A_960 = arith.constant 192 : index
        %parallel_loop3A_961 = tpu.vector_load %arg10[%parallel_loop3A_959, %parallel_loop3A_960] {strides = array<i32>} : memref<24x768xf32, #tpu.memory_space<vmem>>, vector<1x16xf32>,
        %parallel_loop3A_962 = vector.shape_cast %parallel_loop3A_961 : vector<1x16xf32> to vector<16xf32>
        %parallel_loop3A_963 = vector.shape_cast %parallel_loop3A_958 : vector<16xf32> to vector<1x16xf32>
        tpu.vector_store %arg10[%parallel_loop3A_959, %parallel_loop3A_960], %parallel_loop3A_963 {add = true, strides = array<i32>} : memref<24x768xf32, #tpu.memory_space<vmem>>, vector<1x16xf32>,
        %parallel_loop3A_964 = arith.index_cast %parallel_loop3A_846 : i32 to index
        %parallel_loop3A_965 = arith.constant 208 : index
        %parallel_loop3A_966 = tpu.vector_load %arg7[%parallel_loop3A_964, %parallel_loop3A_965] {strides = array<i32>} : memref<24x768xf32, #tpu.memory_space<vmem>>, vector<1x16xf32>,
        %parallel_loop3A_967 = vector.shape_cast %parallel_loop3A_966 : vector<1x16xf32> to vector<16xf32>
        %parallel_loop3A_968 = arith.index_cast %parallel_loop3A_846 : i32 to index
        %parallel_loop3A_969 = arith.constant 208 : index
        %parallel_loop3A_970 = tpu.vector_load %arg10[%parallel_loop3A_968, %parallel_loop3A_969] {strides = array<i32>} : memref<24x768xf32, #tpu.memory_space<vmem>>, vector<1x16xf32>,
        %parallel_loop3A_971 = vector.shape_cast %parallel_loop3A_970 : vector<1x16xf32> to vector<16xf32>
        %parallel_loop3A_972 = vector.shape_cast %parallel_loop3A_967 : vector<16xf32> to vector<1x16xf32>
        tpu.vector_store %arg10[%parallel_loop3A_968, %parallel_loop3A_969], %parallel_loop3A_972 {add = true, strides = array<i32>} : memref<24x768xf32, #tpu.memory_space<vmem>>, vector<1x16xf32>,
        %parallel_loop3A_973 = arith.index_cast %parallel_loop3A_846 : i32 to index
        %parallel_loop3A_974 = arith.constant 224 : index
        %parallel_loop3A_975 = tpu.vector_load %arg7[%parallel_loop3A_973, %parallel_loop3A_974] {strides = array<i32>} : memref<24x768xf32, #tpu.memory_space<vmem>>, vector<1x16xf32>,
        %parallel_loop3A_976 = vector.shape_cast %parallel_loop3A_975 : vector<1x16xf32> to vector<16xf32>
        %parallel_loop3A_977 = arith.index_cast %parallel_loop3A_846 : i32 to index
        %parallel_loop3A_978 = arith.constant 224 : index
        %parallel_loop3A_979 = tpu.vector_load %arg10[%parallel_loop3A_977, %parallel_loop3A_978] {strides = array<i32>} : memref<24x768xf32, #tpu.memory_space<vmem>>, vector<1x16xf32>,
        %parallel_loop3A_980 = vector.shape_cast %parallel_loop3A_979 : vector<1x16xf32> to vector<16xf32>
        %parallel_loop3A_981 = vector.shape_cast %parallel_loop3A_976 : vector<16xf32> to vector<1x16xf32>
        tpu.vector_store %arg10[%parallel_loop3A_977, %parallel_loop3A_978], %parallel_loop3A_981 {add = true, strides = array<i32>} : memref<24x768xf32, #tpu.memory_space<vmem>>, vector<1x16xf32>,
        %parallel_loop3A_982 = arith.index_cast %parallel_loop3A_846 : i32 to index
        %parallel_loop3A_983 = arith.constant 240 : index
        %parallel_loop3A_984 = tpu.vector_load %arg7[%parallel_loop3A_982, %parallel_loop3A_983] {strides = array<i32>} : memref<24x768xf32, #tpu.memory_space<vmem>>, vector<1x16xf32>,
        %parallel_loop3A_985 = vector.shape_cast %parallel_loop3A_984 : vector<1x16xf32> to vector<16xf32>
        %parallel_loop3A_986 = arith.index_cast %parallel_loop3A_846 : i32 to index
        %parallel_loop3A_987 = arith.constant 240 : index
        %parallel_loop3A_988 = tpu.vector_load %arg10[%parallel_loop3A_986, %parallel_loop3A_987] {strides = array<i32>} : memref<24x768xf32, #tpu.memory_space<vmem>>, vector<1x16xf32>,
        %parallel_loop3A_989 = vector.shape_cast %parallel_loop3A_988 : vector<1x16xf32> to vector<16xf32>
        %parallel_loop3A_990 = vector.shape_cast %parallel_loop3A_985 : vector<16xf32> to vector<1x16xf32>
        tpu.vector_store %arg10[%parallel_loop3A_986, %parallel_loop3A_987], %parallel_loop3A_990 {add = true, strides = array<i32>} : memref<24x768xf32, #tpu.memory_space<vmem>>, vector<1x16xf32>,
        %parallel_loop3A_991 = arith.index_cast %parallel_loop3A_846 : i32 to index
        %parallel_loop3A_992 = arith.constant 256 : index
        %parallel_loop3A_993 = tpu.vector_load %arg7[%parallel_loop3A_991, %parallel_loop3A_992] {strides = array<i32>} : memref<24x768xf32, #tpu.memory_space<vmem>>, vector<1x16xf32>,
        %parallel_loop3A_994 = vector.shape_cast %parallel_loop3A_993 : vector<1x16xf32> to vector<16xf32>
        %parallel_loop3A_995 = arith.index_cast %parallel_loop3A_846 : i32 to index
        %parallel_loop3A_996 = arith.constant 256 : index
        %parallel_loop3A_997 = tpu.vector_load %arg10[%parallel_loop3A_995, %parallel_loop3A_996] {strides = array<i32>} : memref<24x768xf32, #tpu.memory_space<vmem>>, vector<1x16xf32>,
        %parallel_loop3A_998 = vector.shape_cast %parallel_loop3A_997 : vector<1x16xf32> to vector<16xf32>
        %parallel_loop3A_999 = vector.shape_cast %parallel_loop3A_994 : vector<16xf32> to vector<1x16xf32>
        tpu.vector_store %arg10[%parallel_loop3A_995, %parallel_loop3A_996], %parallel_loop3A_999 {add = true, strides = array<i32>} : memref<24x768xf32, #tpu.memory_space<vmem>>, vector<1x16xf32>,
        %parallel_loop3A_1000 = arith.index_cast %parallel_loop3A_846 : i32 to index
        %parallel_loop3A_1001 = arith.constant 272 : index
        %parallel_loop3A_1002 = tpu.vector_load %arg7[%parallel_loop3A_1000, %parallel_loop3A_1001] {strides = array<i32>} : memref<24x768xf32, #tpu.memory_space<vmem>>, vector<1x16xf32>,
        %parallel_loop3A_1003 = vector.shape_cast %parallel_loop3A_1002 : vector<1x16xf32> to vector<16xf32>
        %parallel_loop3A_1004 = arith.index_cast %parallel_loop3A_846 : i32 to index
        %parallel_loop3A_1005 = arith.constant 272 : index
        %parallel_loop3A_1006 = tpu.vector_load %arg10[%parallel_loop3A_1004, %parallel_loop3A_1005] {strides = array<i32>} : memref<24x768xf32, #tpu.memory_space<vmem>>, vector<1x16xf32>,
        %parallel_loop3A_1007 = vector.shape_cast %parallel_loop3A_1006 : vector<1x16xf32> to vector<16xf32>
        %parallel_loop3A_1008 = vector.shape_cast %parallel_loop3A_1003 : vector<16xf32> to vector<1x16xf32>
        tpu.vector_store %arg10[%parallel_loop3A_1004, %parallel_loop3A_1005], %parallel_loop3A_1008 {add = true, strides = array<i32>} : memref<24x768xf32, #tpu.memory_space<vmem>>, vector<1x16xf32>,
        %parallel_loop3A_1009 = arith.index_cast %parallel_loop3A_846 : i32 to index
        %parallel_loop3A_1010 = arith.constant 288 : index
        %parallel_loop3A_1011 = tpu.vector_load %arg7[%parallel_loop3A_1009, %parallel_loop3A_1010] {strides = array<i32>} : memref<24x768xf32, #tpu.memory_space<vmem>>, vector<1x16xf32>,
        %parallel_loop3A_1012 = vector.shape_cast %parallel_loop3A_1011 : vector<1x16xf32> to vector<16xf32>
        %parallel_loop3A_1013 = arith.index_cast %parallel_loop3A_846 : i32 to index
        %parallel_loop3A_1014 = arith.constant 288 : index
        %parallel_loop3A_1015 = tpu.vector_load %arg10[%parallel_loop3A_1013, %parallel_loop3A_1014] {strides = array<i32>} : memref<24x768xf32, #tpu.memory_space<vmem>>, vector<1x16xf32>,
        %parallel_loop3A_1016 = vector.shape_cast %parallel_loop3A_1015 : vector<1x16xf32> to vector<16xf32>
        %parallel_loop3A_1017 = vector.shape_cast %parallel_loop3A_1012 : vector<16xf32> to vector<1x16xf32>
        tpu.vector_store %arg10[%parallel_loop3A_1013, %parallel_loop3A_1014], %parallel_loop3A_1017 {add = true, strides = array<i32>} : memref<24x768xf32, #tpu.memory_space<vmem>>, vector<1x16xf32>,
        %parallel_loop3A_1018 = arith.index_cast %parallel_loop3A_846 : i32 to index
        %parallel_loop3A_1019 = arith.constant 304 : index
        %parallel_loop3A_1020 = tpu.vector_load %arg7[%parallel_loop3A_1018, %parallel_loop3A_1019] {strides = array<i32>} : memref<24x768xf32, #tpu.memory_space<vmem>>, vector<1x16xf32>,
        %parallel_loop3A_1021 = vector.shape_cast %parallel_loop3A_1020 : vector<1x16xf32> to vector<16xf32>
        %parallel_loop3A_1022 = arith.index_cast %parallel_loop3A_846 : i32 to index
        %parallel_loop3A_1023 = arith.constant 304 : index
        %parallel_loop3A_1024 = tpu.vector_load %arg10[%parallel_loop3A_1022, %parallel_loop3A_1023] {strides = array<i32>} : memref<24x768xf32, #tpu.memory_space<vmem>>, vector<1x16xf32>,
        %parallel_loop3A_1025 = vector.shape_cast %parallel_loop3A_1024 : vector<1x16xf32> to vector<16xf32>
        %parallel_loop3A_1026 = vector.shape_cast %parallel_loop3A_1021 : vector<16xf32> to vector<1x16xf32>
        tpu.vector_store %arg10[%parallel_loop3A_1022, %parallel_loop3A_1023], %parallel_loop3A_1026 {add = true, strides = array<i32>} : memref<24x768xf32, #tpu.memory_space<vmem>>, vector<1x16xf32>,
        %parallel_loop3A_1027 = arith.index_cast %parallel_loop3A_846 : i32 to index
        %parallel_loop3A_1028 = arith.constant 320 : index
        %parallel_loop3A_1029 = tpu.vector_load %arg7[%parallel_loop3A_1027, %parallel_loop3A_1028] {strides = array<i32>} : memref<24x768xf32, #tpu.memory_space<vmem>>, vector<1x16xf32>,
        %parallel_loop3A_1030 = vector.shape_cast %parallel_loop3A_1029 : vector<1x16xf32> to vector<16xf32>
        %parallel_loop3A_1031 = arith.index_cast %parallel_loop3A_846 : i32 to index
        %parallel_loop3A_1032 = arith.constant 320 : index
        %parallel_loop3A_1033 = tpu.vector_load %arg10[%parallel_loop3A_1031, %parallel_loop3A_1032] {strides = array<i32>} : memref<24x768xf32, #tpu.memory_space<vmem>>, vector<1x16xf32>,
        %parallel_loop3A_1034 = vector.shape_cast %parallel_loop3A_1033 : vector<1x16xf32> to vector<16xf32>
        %parallel_loop3A_1035 = vector.shape_cast %parallel_loop3A_1030 : vector<16xf32> to vector<1x16xf32>
        tpu.vector_store %arg10[%parallel_loop3A_1031, %parallel_loop3A_1032], %parallel_loop3A_1035 {add = true, strides = array<i32>} : memref<24x768xf32, #tpu.memory_space<vmem>>, vector<1x16xf32>,
        %parallel_loop3A_1036 = arith.index_cast %parallel_loop3A_846 : i32 to index
        %parallel_loop3A_1037 = arith.constant 336 : index
        %parallel_loop3A_1038 = tpu.vector_load %arg7[%parallel_loop3A_1036, %parallel_loop3A_1037] {strides = array<i32>} : memref<24x768xf32, #tpu.memory_space<vmem>>, vector<1x16xf32>,
        %parallel_loop3A_1039 = vector.shape_cast %parallel_loop3A_1038 : vector<1x16xf32> to vector<16xf32>
        %parallel_loop3A_1040 = arith.index_cast %parallel_loop3A_846 : i32 to index
        %parallel_loop3A_1041 = arith.constant 336 : index
        %parallel_loop3A_1042 = tpu.vector_load %arg10[%parallel_loop3A_1040, %parallel_loop3A_1041] {strides = array<i32>} : memref<24x768xf32, #tpu.memory_space<vmem>>, vector<1x16xf32>,
        %parallel_loop3A_1043 = vector.shape_cast %parallel_loop3A_1042 : vector<1x16xf32> to vector<16xf32>
        %parallel_loop3A_1044 = vector.shape_cast %parallel_loop3A_1039 : vector<16xf32> to vector<1x16xf32>
        tpu.vector_store %arg10[%parallel_loop3A_1040, %parallel_loop3A_1041], %parallel_loop3A_1044 {add = true, strides = array<i32>} : memref<24x768xf32, #tpu.memory_space<vmem>>, vector<1x16xf32>,
        %parallel_loop3A_1045 = arith.index_cast %parallel_loop3A_846 : i32 to index
        %parallel_loop3A_1046 = arith.constant 352 : index
        %parallel_loop3A_1047 = tpu.vector_load %arg7[%parallel_loop3A_1045, %parallel_loop3A_1046] {strides = array<i32>} : memref<24x768xf32, #tpu.memory_space<vmem>>, vector<1x16xf32>,
        %parallel_loop3A_1048 = vector.shape_cast %parallel_loop3A_1047 : vector<1x16xf32> to vector<16xf32>
        %parallel_loop3A_1049 = arith.index_cast %parallel_loop3A_846 : i32 to index
        %parallel_loop3A_1050 = arith.constant 352 : index
        %parallel_loop3A_1051 = tpu.vector_load %arg10[%parallel_loop3A_1049, %parallel_loop3A_1050] {strides = array<i32>} : memref<24x768xf32, #tpu.memory_space<vmem>>, vector<1x16xf32>,
        %parallel_loop3A_1052 = vector.shape_cast %parallel_loop3A_1051 : vector<1x16xf32> to vector<16xf32>
        %parallel_loop3A_1053 = vector.shape_cast %parallel_loop3A_1048 : vector<16xf32> to vector<1x16xf32>
        tpu.vector_store %arg10[%parallel_loop3A_1049, %parallel_loop3A_1050], %parallel_loop3A_1053 {add = true, strides = array<i32>} : memref<24x768xf32, #tpu.memory_space<vmem>>, vector<1x16xf32>,
        %parallel_loop3A_1054 = arith.index_cast %parallel_loop3A_846 : i32 to index
        %parallel_loop3A_1055 = arith.constant 368 : index
        %parallel_loop3A_1056 = tpu.vector_load %arg7[%parallel_loop3A_1054, %parallel_loop3A_1055] {strides = array<i32>} : memref<24x768xf32, #tpu.memory_space<vmem>>, vector<1x16xf32>,
        %parallel_loop3A_1057 = vector.shape_cast %parallel_loop3A_1056 : vector<1x16xf32> to vector<16xf32>
        %parallel_loop3A_1058 = arith.index_cast %parallel_loop3A_846 : i32 to index
        %parallel_loop3A_1059 = arith.constant 368 : index
        %parallel_loop3A_1060 = tpu.vector_load %arg10[%parallel_loop3A_1058, %parallel_loop3A_1059] {strides = array<i32>} : memref<24x768xf32, #tpu.memory_space<vmem>>, vector<1x16xf32>,
        %parallel_loop3A_1061 = vector.shape_cast %parallel_loop3A_1060 : vector<1x16xf32> to vector<16xf32>
        %parallel_loop3A_1062 = vector.shape_cast %parallel_loop3A_1057 : vector<16xf32> to vector<1x16xf32>
        tpu.vector_store %arg10[%parallel_loop3A_1058, %parallel_loop3A_1059], %parallel_loop3A_1062 {add = true, strides = array<i32>} : memref<24x768xf32, #tpu.memory_space<vmem>>, vector<1x16xf32>,
        %parallel_loop3A_1063 = arith.index_cast %parallel_loop3A_846 : i32 to index
        %parallel_loop3A_1064 = arith.constant 384 : index
        %parallel_loop3A_1065 = tpu.vector_load %arg7[%parallel_loop3A_1063, %parallel_loop3A_1064] {strides = array<i32>} : memref<24x768xf32, #tpu.memory_space<vmem>>, vector<1x16xf32>,
        %parallel_loop3A_1066 = vector.shape_cast %parallel_loop3A_1065 : vector<1x16xf32> to vector<16xf32>
        %parallel_loop3A_1067 = arith.index_cast %parallel_loop3A_846 : i32 to index
        %parallel_loop3A_1068 = arith.constant 384 : index
        %parallel_loop3A_1069 = tpu.vector_load %arg10[%parallel_loop3A_1067, %parallel_loop3A_1068] {strides = array<i32>} : memref<24x768xf32, #tpu.memory_space<vmem>>, vector<1x16xf32>,
        %parallel_loop3A_1070 = vector.shape_cast %parallel_loop3A_1069 : vector<1x16xf32> to vector<16xf32>
        %parallel_loop3A_1071 = vector.shape_cast %parallel_loop3A_1066 : vector<16xf32> to vector<1x16xf32>
        tpu.vector_store %arg10[%parallel_loop3A_1067, %parallel_loop3A_1068], %parallel_loop3A_1071 {add = true, strides = array<i32>} : memref<24x768xf32, #tpu.memory_space<vmem>>, vector<1x16xf32>,
        %parallel_loop3A_1072 = arith.index_cast %parallel_loop3A_846 : i32 to index
        %parallel_loop3A_1073 = arith.constant 400 : index
        %parallel_loop3A_1074 = tpu.vector_load %arg7[%parallel_loop3A_1072, %parallel_loop3A_1073] {strides = array<i32>} : memref<24x768xf32, #tpu.memory_space<vmem>>, vector<1x16xf32>,
        %parallel_loop3A_1075 = vector.shape_cast %parallel_loop3A_1074 : vector<1x16xf32> to vector<16xf32>
        %parallel_loop3A_1076 = arith.index_cast %parallel_loop3A_846 : i32 to index
        %parallel_loop3A_1077 = arith.constant 400 : index
        %parallel_loop3A_1078 = tpu.vector_load %arg10[%parallel_loop3A_1076, %parallel_loop3A_1077] {strides = array<i32>} : memref<24x768xf32, #tpu.memory_space<vmem>>, vector<1x16xf32>,
        %parallel_loop3A_1079 = vector.shape_cast %parallel_loop3A_1078 : vector<1x16xf32> to vector<16xf32>
        %parallel_loop3A_1080 = vector.shape_cast %parallel_loop3A_1075 : vector<16xf32> to vector<1x16xf32>
        tpu.vector_store %arg10[%parallel_loop3A_1076, %parallel_loop3A_1077], %parallel_loop3A_1080 {add = true, strides = array<i32>} : memref<24x768xf32, #tpu.memory_space<vmem>>, vector<1x16xf32>,
        %parallel_loop3A_1081 = arith.index_cast %parallel_loop3A_846 : i32 to index
        %parallel_loop3A_1082 = arith.constant 416 : index
        %parallel_loop3A_1083 = tpu.vector_load %arg7[%parallel_loop3A_1081, %parallel_loop3A_1082] {strides = array<i32>} : memref<24x768xf32, #tpu.memory_space<vmem>>, vector<1x16xf32>,
        %parallel_loop3A_1084 = vector.shape_cast %parallel_loop3A_1083 : vector<1x16xf32> to vector<16xf32>
        %parallel_loop3A_1085 = arith.index_cast %parallel_loop3A_846 : i32 to index
        %parallel_loop3A_1086 = arith.constant 416 : index
        %parallel_loop3A_1087 = tpu.vector_load %arg10[%parallel_loop3A_1085, %parallel_loop3A_1086] {strides = array<i32>} : memref<24x768xf32, #tpu.memory_space<vmem>>, vector<1x16xf32>,
        %parallel_loop3A_1088 = vector.shape_cast %parallel_loop3A_1087 : vector<1x16xf32> to vector<16xf32>
        %parallel_loop3A_1089 = vector.shape_cast %parallel_loop3A_1084 : vector<16xf32> to vector<1x16xf32>
        tpu.vector_store %arg10[%parallel_loop3A_1085, %parallel_loop3A_1086], %parallel_loop3A_1089 {add = true, strides = array<i32>} : memref<24x768xf32, #tpu.memory_space<vmem>>, vector<1x16xf32>,
        %parallel_loop3A_1090 = arith.index_cast %parallel_loop3A_846 : i32 to index
        %parallel_loop3A_1091 = arith.constant 432 : index
        %parallel_loop3A_1092 = tpu.vector_load %arg7[%parallel_loop3A_1090, %parallel_loop3A_1091] {strides = array<i32>} : memref<24x768xf32, #tpu.memory_space<vmem>>, vector<1x16xf32>,
        %parallel_loop3A_1093 = vector.shape_cast %parallel_loop3A_1092 : vector<1x16xf32> to vector<16xf32>
        %parallel_loop3A_1094 = arith.index_cast %parallel_loop3A_846 : i32 to index
        %parallel_loop3A_1095 = arith.constant 432 : index
        %parallel_loop3A_1096 = tpu.vector_load %arg10[%parallel_loop3A_1094, %parallel_loop3A_1095] {strides = array<i32>} : memref<24x768xf32, #tpu.memory_space<vmem>>, vector<1x16xf32>,
        %parallel_loop3A_1097 = vector.shape_cast %parallel_loop3A_1096 : vector<1x16xf32> to vector<16xf32>
        %parallel_loop3A_1098 = vector.shape_cast %parallel_loop3A_1093 : vector<16xf32> to vector<1x16xf32>
        tpu.vector_store %arg10[%parallel_loop3A_1094, %parallel_loop3A_1095], %parallel_loop3A_1098 {add = true, strides = array<i32>} : memref<24x768xf32, #tpu.memory_space<vmem>>, vector<1x16xf32>,
        %parallel_loop3A_1099 = arith.index_cast %parallel_loop3A_846 : i32 to index
        %parallel_loop3A_1100 = arith.constant 448 : index
        %parallel_loop3A_1101 = tpu.vector_load %arg7[%parallel_loop3A_1099, %parallel_loop3A_1100] {strides = array<i32>} : memref<24x768xf32, #tpu.memory_space<vmem>>, vector<1x16xf32>,
        %parallel_loop3A_1102 = vector.shape_cast %parallel_loop3A_1101 : vector<1x16xf32> to vector<16xf32>
        %parallel_loop3A_1103 = arith.index_cast %parallel_loop3A_846 : i32 to index
        %parallel_loop3A_1104 = arith.constant 448 : index
        %parallel_loop3A_1105 = tpu.vector_load %arg10[%parallel_loop3A_1103, %parallel_loop3A_1104] {strides = array<i32>} : memref<24x768xf32, #tpu.memory_space<vmem>>, vector<1x16xf32>,
        %parallel_loop3A_1106 = vector.shape_cast %parallel_loop3A_1105 : vector<1x16xf32> to vector<16xf32>
        %parallel_loop3A_1107 = vector.shape_cast %parallel_loop3A_1102 : vector<16xf32> to vector<1x16xf32>
        tpu.vector_store %arg10[%parallel_loop3A_1103, %parallel_loop3A_1104], %parallel_loop3A_1107 {add = true, strides = array<i32>} : memref<24x768xf32, #tpu.memory_space<vmem>>, vector<1x16xf32>,
        %parallel_loop3A_1108 = arith.index_cast %parallel_loop3A_846 : i32 to index
        %parallel_loop3A_1109 = arith.constant 464 : index
        %parallel_loop3A_1110 = tpu.vector_load %arg7[%parallel_loop3A_1108, %parallel_loop3A_1109] {strides = array<i32>} : memref<24x768xf32, #tpu.memory_space<vmem>>, vector<1x16xf32>,
        %parallel_loop3A_1111 = vector.shape_cast %parallel_loop3A_1110 : vector<1x16xf32> to vector<16xf32>
        %parallel_loop3A_1112 = arith.index_cast %parallel_loop3A_846 : i32 to index
        %parallel_loop3A_1113 = arith.constant 464 : index
        %parallel_loop3A_1114 = tpu.vector_load %arg10[%parallel_loop3A_1112, %parallel_loop3A_1113] {strides = array<i32>} : memref<24x768xf32, #tpu.memory_space<vmem>>, vector<1x16xf32>,
        %parallel_loop3A_1115 = vector.shape_cast %parallel_loop3A_1114 : vector<1x16xf32> to vector<16xf32>
        %parallel_loop3A_1116 = vector.shape_cast %parallel_loop3A_1111 : vector<16xf32> to vector<1x16xf32>
        tpu.vector_store %arg10[%parallel_loop3A_1112, %parallel_loop3A_1113], %parallel_loop3A_1116 {add = true, strides = array<i32>} : memref<24x768xf32, #tpu.memory_space<vmem>>, vector<1x16xf32>,
        %parallel_loop3A_1117 = arith.index_cast %parallel_loop3A_846 : i32 to index
        %parallel_loop3A_1118 = arith.constant 480 : index
        %parallel_loop3A_1119 = tpu.vector_load %arg7[%parallel_loop3A_1117, %parallel_loop3A_1118] {strides = array<i32>} : memref<24x768xf32, #tpu.memory_space<vmem>>, vector<1x16xf32>,
        %parallel_loop3A_1120 = vector.shape_cast %parallel_loop3A_1119 : vector<1x16xf32> to vector<16xf32>
        %parallel_loop3A_1121 = arith.index_cast %parallel_loop3A_846 : i32 to index
        %parallel_loop3A_1122 = arith.constant 480 : index
        %parallel_loop3A_1123 = tpu.vector_load %arg10[%parallel_loop3A_1121, %parallel_loop3A_1122] {strides = array<i32>} : memref<24x768xf32, #tpu.memory_space<vmem>>, vector<1x16xf32>,
        %parallel_loop3A_1124 = vector.shape_cast %parallel_loop3A_1123 : vector<1x16xf32> to vector<16xf32>
        %parallel_loop3A_1125 = vector.shape_cast %parallel_loop3A_1120 : vector<16xf32> to vector<1x16xf32>
        tpu.vector_store %arg10[%parallel_loop3A_1121, %parallel_loop3A_1122], %parallel_loop3A_1125 {add = true, strides = array<i32>} : memref<24x768xf32, #tpu.memory_space<vmem>>, vector<1x16xf32>,
        %parallel_loop3A_1126 = arith.index_cast %parallel_loop3A_846 : i32 to index
        %parallel_loop3A_1127 = arith.constant 496 : index
        %parallel_loop3A_1128 = tpu.vector_load %arg7[%parallel_loop3A_1126, %parallel_loop3A_1127] {strides = array<i32>} : memref<24x768xf32, #tpu.memory_space<vmem>>, vector<1x16xf32>,
        %parallel_loop3A_1129 = vector.shape_cast %parallel_loop3A_1128 : vector<1x16xf32> to vector<16xf32>
        %parallel_loop3A_1130 = arith.index_cast %parallel_loop3A_846 : i32 to index
        %parallel_loop3A_1131 = arith.constant 496 : index
        %parallel_loop3A_1132 = tpu.vector_load %arg10[%parallel_loop3A_1130, %parallel_loop3A_1131] {strides = array<i32>} : memref<24x768xf32, #tpu.memory_space<vmem>>, vector<1x16xf32>,
        %parallel_loop3A_1133 = vector.shape_cast %parallel_loop3A_1132 : vector<1x16xf32> to vector<16xf32>
        %parallel_loop3A_1134 = vector.shape_cast %parallel_loop3A_1129 : vector<16xf32> to vector<1x16xf32>
        tpu.vector_store %arg10[%parallel_loop3A_1130, %parallel_loop3A_1131], %parallel_loop3A_1134 {add = true, strides = array<i32>} : memref<24x768xf32, #tpu.memory_space<vmem>>, vector<1x16xf32>,
        %parallel_loop3A_1135 = arith.index_cast %parallel_loop3A_846 : i32 to index
        %parallel_loop3A_1136 = arith.constant 512 : index
        %parallel_loop3A_1137 = tpu.vector_load %arg7[%parallel_loop3A_1135, %parallel_loop3A_1136] {strides = array<i32>} : memref<24x768xf32, #tpu.memory_space<vmem>>, vector<1x16xf32>,
        %parallel_loop3A_1138 = vector.shape_cast %parallel_loop3A_1137 : vector<1x16xf32> to vector<16xf32>
        %parallel_loop3A_1139 = arith.index_cast %parallel_loop3A_846 : i32 to index
        %parallel_loop3A_1140 = arith.constant 512 : index
        %parallel_loop3A_1141 = tpu.vector_load %arg10[%parallel_loop3A_1139, %parallel_loop3A_1140] {strides = array<i32>} : memref<24x768xf32, #tpu.memory_space<vmem>>, vector<1x16xf32>,
        %parallel_loop3A_1142 = vector.shape_cast %parallel_loop3A_1141 : vector<1x16xf32> to vector<16xf32>
        %parallel_loop3A_1143 = vector.shape_cast %parallel_loop3A_1138 : vector<16xf32> to vector<1x16xf32>
        tpu.vector_store %arg10[%parallel_loop3A_1139, %parallel_loop3A_1140], %parallel_loop3A_1143 {add = true, strides = array<i32>} : memref<24x768xf32, #tpu.memory_space<vmem>>, vector<1x16xf32>,
        %parallel_loop3A_1144 = arith.index_cast %parallel_loop3A_846 : i32 to index
        %parallel_loop3A_1145 = arith.constant 528 : index
        %parallel_loop3A_1146 = tpu.vector_load %arg7[%parallel_loop3A_1144, %parallel_loop3A_1145] {strides = array<i32>} : memref<24x768xf32, #tpu.memory_space<vmem>>, vector<1x16xf32>,
        %parallel_loop3A_1147 = vector.shape_cast %parallel_loop3A_1146 : vector<1x16xf32> to vector<16xf32>
        %parallel_loop3A_1148 = arith.index_cast %parallel_loop3A_846 : i32 to index
        %parallel_loop3A_1149 = arith.constant 528 : index
        %parallel_loop3A_1150 = tpu.vector_load %arg10[%parallel_loop3A_1148, %parallel_loop3A_1149] {strides = array<i32>} : memref<24x768xf32, #tpu.memory_space<vmem>>, vector<1x16xf32>,
        %parallel_loop3A_1151 = vector.shape_cast %parallel_loop3A_1150 : vector<1x16xf32> to vector<16xf32>
        %parallel_loop3A_1152 = vector.shape_cast %parallel_loop3A_1147 : vector<16xf32> to vector<1x16xf32>
        tpu.vector_store %arg10[%parallel_loop3A_1148, %parallel_loop3A_1149], %parallel_loop3A_1152 {add = true, strides = array<i32>} : memref<24x768xf32, #tpu.memory_space<vmem>>, vector<1x16xf32>,
        %parallel_loop3A_1153 = arith.index_cast %parallel_loop3A_846 : i32 to index
        %parallel_loop3A_1154 = arith.constant 544 : index
        %parallel_loop3A_1155 = tpu.vector_load %arg7[%parallel_loop3A_1153, %parallel_loop3A_1154] {strides = array<i32>} : memref<24x768xf32, #tpu.memory_space<vmem>>, vector<1x16xf32>,
        %parallel_loop3A_1156 = vector.shape_cast %parallel_loop3A_1155 : vector<1x16xf32> to vector<16xf32>
        %parallel_loop3A_1157 = arith.index_cast %parallel_loop3A_846 : i32 to index
        %parallel_loop3A_1158 = arith.constant 544 : index
        %parallel_loop3A_1159 = tpu.vector_load %arg10[%parallel_loop3A_1157, %parallel_loop3A_1158] {strides = array<i32>} : memref<24x768xf32, #tpu.memory_space<vmem>>, vector<1x16xf32>,
        %parallel_loop3A_1160 = vector.shape_cast %parallel_loop3A_1159 : vector<1x16xf32> to vector<16xf32>
        %parallel_loop3A_1161 = vector.shape_cast %parallel_loop3A_1156 : vector<16xf32> to vector<1x16xf32>
        tpu.vector_store %arg10[%parallel_loop3A_1157, %parallel_loop3A_1158], %parallel_loop3A_1161 {add = true, strides = array<i32>} : memref<24x768xf32, #tpu.memory_space<vmem>>, vector<1x16xf32>,
        %parallel_loop3A_1162 = arith.index_cast %parallel_loop3A_846 : i32 to index
        %parallel_loop3A_1163 = arith.constant 560 : index
        %parallel_loop3A_1164 = tpu.vector_load %arg7[%parallel_loop3A_1162, %parallel_loop3A_1163] {strides = array<i32>} : memref<24x768xf32, #tpu.memory_space<vmem>>, vector<1x16xf32>,
        %parallel_loop3A_1165 = vector.shape_cast %parallel_loop3A_1164 : vector<1x16xf32> to vector<16xf32>
        %parallel_loop3A_1166 = arith.index_cast %parallel_loop3A_846 : i32 to index
        %parallel_loop3A_1167 = arith.constant 560 : index
        %parallel_loop3A_1168 = tpu.vector_load %arg10[%parallel_loop3A_1166, %parallel_loop3A_1167] {strides = array<i32>} : memref<24x768xf32, #tpu.memory_space<vmem>>, vector<1x16xf32>,
        %parallel_loop3A_1169 = vector.shape_cast %parallel_loop3A_1168 : vector<1x16xf32> to vector<16xf32>
        %parallel_loop3A_1170 = vector.shape_cast %parallel_loop3A_1165 : vector<16xf32> to vector<1x16xf32>
        tpu.vector_store %arg10[%parallel_loop3A_1166, %parallel_loop3A_1167], %parallel_loop3A_1170 {add = true, strides = array<i32>} : memref<24x768xf32, #tpu.memory_space<vmem>>, vector<1x16xf32>,
        %parallel_loop3A_1171 = arith.index_cast %parallel_loop3A_846 : i32 to index
        %parallel_loop3A_1172 = arith.constant 576 : index
        %parallel_loop3A_1173 = tpu.vector_load %arg7[%parallel_loop3A_1171, %parallel_loop3A_1172] {strides = array<i32>} : memref<24x768xf32, #tpu.memory_space<vmem>>, vector<1x16xf32>,
        %parallel_loop3A_1174 = vector.shape_cast %parallel_loop3A_1173 : vector<1x16xf32> to vector<16xf32>
        %parallel_loop3A_1175 = arith.index_cast %parallel_loop3A_846 : i32 to index
        %parallel_loop3A_1176 = arith.constant 576 : index
        %parallel_loop3A_1177 = tpu.vector_load %arg10[%parallel_loop3A_1175, %parallel_loop3A_1176] {strides = array<i32>} : memref<24x768xf32, #tpu.memory_space<vmem>>, vector<1x16xf32>,
        %parallel_loop3A_1178 = vector.shape_cast %parallel_loop3A_1177 : vector<1x16xf32> to vector<16xf32>
        %parallel_loop3A_1179 = vector.shape_cast %parallel_loop3A_1174 : vector<16xf32> to vector<1x16xf32>
        tpu.vector_store %arg10[%parallel_loop3A_1175, %parallel_loop3A_1176], %parallel_loop3A_1179 {add = true, strides = array<i32>} : memref<24x768xf32, #tpu.memory_space<vmem>>, vector<1x16xf32>,
        %parallel_loop3A_1180 = arith.index_cast %parallel_loop3A_846 : i32 to index
        %parallel_loop3A_1181 = arith.constant 592 : index
        %parallel_loop3A_1182 = tpu.vector_load %arg7[%parallel_loop3A_1180, %parallel_loop3A_1181] {strides = array<i32>} : memref<24x768xf32, #tpu.memory_space<vmem>>, vector<1x16xf32>,
        %parallel_loop3A_1183 = vector.shape_cast %parallel_loop3A_1182 : vector<1x16xf32> to vector<16xf32>
        %parallel_loop3A_1184 = arith.index_cast %parallel_loop3A_846 : i32 to index
        %parallel_loop3A_1185 = arith.constant 592 : index
        %parallel_loop3A_1186 = tpu.vector_load %arg10[%parallel_loop3A_1184, %parallel_loop3A_1185] {strides = array<i32>} : memref<24x768xf32, #tpu.memory_space<vmem>>, vector<1x16xf32>,
        %parallel_loop3A_1187 = vector.shape_cast %parallel_loop3A_1186 : vector<1x16xf32> to vector<16xf32>
        %parallel_loop3A_1188 = vector.shape_cast %parallel_loop3A_1183 : vector<16xf32> to vector<1x16xf32>
        tpu.vector_store %arg10[%parallel_loop3A_1184, %parallel_loop3A_1185], %parallel_loop3A_1188 {add = true, strides = array<i32>} : memref<24x768xf32, #tpu.memory_space<vmem>>, vector<1x16xf32>,
        %parallel_loop3A_1189 = arith.index_cast %parallel_loop3A_846 : i32 to index
        %parallel_loop3A_1190 = arith.constant 608 : index
        %parallel_loop3A_1191 = tpu.vector_load %arg7[%parallel_loop3A_1189, %parallel_loop3A_1190] {strides = array<i32>} : memref<24x768xf32, #tpu.memory_space<vmem>>, vector<1x16xf32>,
        %parallel_loop3A_1192 = vector.shape_cast %parallel_loop3A_1191 : vector<1x16xf32> to vector<16xf32>
        %parallel_loop3A_1193 = arith.index_cast %parallel_loop3A_846 : i32 to index
        %parallel_loop3A_1194 = arith.constant 608 : index
        %parallel_loop3A_1195 = tpu.vector_load %arg10[%parallel_loop3A_1193, %parallel_loop3A_1194] {strides = array<i32>} : memref<24x768xf32, #tpu.memory_space<vmem>>, vector<1x16xf32>,
        %parallel_loop3A_1196 = vector.shape_cast %parallel_loop3A_1195 : vector<1x16xf32> to vector<16xf32>
        %parallel_loop3A_1197 = vector.shape_cast %parallel_loop3A_1192 : vector<16xf32> to vector<1x16xf32>
        tpu.vector_store %arg10[%parallel_loop3A_1193, %parallel_loop3A_1194], %parallel_loop3A_1197 {add = true, strides = array<i32>} : memref<24x768xf32, #tpu.memory_space<vmem>>, vector<1x16xf32>,
        %parallel_loop3A_1198 = arith.index_cast %parallel_loop3A_846 : i32 to index
        %parallel_loop3A_1199 = arith.constant 624 : index
        %parallel_loop3A_1200 = tpu.vector_load %arg7[%parallel_loop3A_1198, %parallel_loop3A_1199] {strides = array<i32>} : memref<24x768xf32, #tpu.memory_space<vmem>>, vector<1x16xf32>,
        %parallel_loop3A_1201 = vector.shape_cast %parallel_loop3A_1200 : vector<1x16xf32> to vector<16xf32>
        %parallel_loop3A_1202 = arith.index_cast %parallel_loop3A_846 : i32 to index
        %parallel_loop3A_1203 = arith.constant 624 : index
        %parallel_loop3A_1204 = tpu.vector_load %arg10[%parallel_loop3A_1202, %parallel_loop3A_1203] {strides = array<i32>} : memref<24x768xf32, #tpu.memory_space<vmem>>, vector<1x16xf32>,
        %parallel_loop3A_1205 = vector.shape_cast %parallel_loop3A_1204 : vector<1x16xf32> to vector<16xf32>
        %parallel_loop3A_1206 = vector.shape_cast %parallel_loop3A_1201 : vector<16xf32> to vector<1x16xf32>
        tpu.vector_store %arg10[%parallel_loop3A_1202, %parallel_loop3A_1203], %parallel_loop3A_1206 {add = true, strides = array<i32>} : memref<24x768xf32, #tpu.memory_space<vmem>>, vector<1x16xf32>,
        %parallel_loop3A_1207 = arith.index_cast %parallel_loop3A_846 : i32 to index
        %parallel_loop3A_1208 = arith.constant 640 : index
        %parallel_loop3A_1209 = tpu.vector_load %arg7[%parallel_loop3A_1207, %parallel_loop3A_1208] {strides = array<i32>} : memref<24x768xf32, #tpu.memory_space<vmem>>, vector<1x16xf32>,
        %parallel_loop3A_1210 = vector.shape_cast %parallel_loop3A_1209 : vector<1x16xf32> to vector<16xf32>
        %parallel_loop3A_1211 = arith.index_cast %parallel_loop3A_846 : i32 to index
        %parallel_loop3A_1212 = arith.constant 640 : index
        %parallel_loop3A_1213 = tpu.vector_load %arg10[%parallel_loop3A_1211, %parallel_loop3A_1212] {strides = array<i32>} : memref<24x768xf32, #tpu.memory_space<vmem>>, vector<1x16xf32>,
        %parallel_loop3A_1214 = vector.shape_cast %parallel_loop3A_1213 : vector<1x16xf32> to vector<16xf32>
        %parallel_loop3A_1215 = vector.shape_cast %parallel_loop3A_1210 : vector<16xf32> to vector<1x16xf32>
        tpu.vector_store %arg10[%parallel_loop3A_1211, %parallel_loop3A_1212], %parallel_loop3A_1215 {add = true, strides = array<i32>} : memref<24x768xf32, #tpu.memory_space<vmem>>, vector<1x16xf32>,
        %parallel_loop3A_1216 = arith.index_cast %parallel_loop3A_846 : i32 to index
        %parallel_loop3A_1217 = arith.constant 656 : index
        %parallel_loop3A_1218 = tpu.vector_load %arg7[%parallel_loop3A_1216, %parallel_loop3A_1217] {strides = array<i32>} : memref<24x768xf32, #tpu.memory_space<vmem>>, vector<1x16xf32>,
        %parallel_loop3A_1219 = vector.shape_cast %parallel_loop3A_1218 : vector<1x16xf32> to vector<16xf32>
        %parallel_loop3A_1220 = arith.index_cast %parallel_loop3A_846 : i32 to index
        %parallel_loop3A_1221 = arith.constant 656 : index
        %parallel_loop3A_1222 = tpu.vector_load %arg10[%parallel_loop3A_1220, %parallel_loop3A_1221] {strides = array<i32>} : memref<24x768xf32, #tpu.memory_space<vmem>>, vector<1x16xf32>,
        %parallel_loop3A_1223 = vector.shape_cast %parallel_loop3A_1222 : vector<1x16xf32> to vector<16xf32>
        %parallel_loop3A_1224 = vector.shape_cast %parallel_loop3A_1219 : vector<16xf32> to vector<1x16xf32>
        tpu.vector_store %arg10[%parallel_loop3A_1220, %parallel_loop3A_1221], %parallel_loop3A_1224 {add = true, strides = array<i32>} : memref<24x768xf32, #tpu.memory_space<vmem>>, vector<1x16xf32>,
        %parallel_loop3A_1225 = arith.index_cast %parallel_loop3A_846 : i32 to index
        %parallel_loop3A_1226 = arith.constant 672 : index
        %parallel_loop3A_1227 = tpu.vector_load %arg7[%parallel_loop3A_1225, %parallel_loop3A_1226] {strides = array<i32>} : memref<24x768xf32, #tpu.memory_space<vmem>>, vector<1x16xf32>,
        %parallel_loop3A_1228 = vector.shape_cast %parallel_loop3A_1227 : vector<1x16xf32> to vector<16xf32>
        %parallel_loop3A_1229 = arith.index_cast %parallel_loop3A_846 : i32 to index
        %parallel_loop3A_1230 = arith.constant 672 : index
        %parallel_loop3A_1231 = tpu.vector_load %arg10[%parallel_loop3A_1229, %parallel_loop3A_1230] {strides = array<i32>} : memref<24x768xf32, #tpu.memory_space<vmem>>, vector<1x16xf32>,
        %parallel_loop3A_1232 = vector.shape_cast %parallel_loop3A_1231 : vector<1x16xf32> to vector<16xf32>
        %parallel_loop3A_1233 = vector.shape_cast %parallel_loop3A_1228 : vector<16xf32> to vector<1x16xf32>
        tpu.vector_store %arg10[%parallel_loop3A_1229, %parallel_loop3A_1230], %parallel_loop3A_1233 {add = true, strides = array<i32>} : memref<24x768xf32, #tpu.memory_space<vmem>>, vector<1x16xf32>,
        %parallel_loop3A_1234 = arith.index_cast %parallel_loop3A_846 : i32 to index
        %parallel_loop3A_1235 = arith.constant 688 : index
        %parallel_loop3A_1236 = tpu.vector_load %arg7[%parallel_loop3A_1234, %parallel_loop3A_1235] {strides = array<i32>} : memref<24x768xf32, #tpu.memory_space<vmem>>, vector<1x16xf32>,
        %parallel_loop3A_1237 = vector.shape_cast %parallel_loop3A_1236 : vector<1x16xf32> to vector<16xf32>
        %parallel_loop3A_1238 = arith.index_cast %parallel_loop3A_846 : i32 to index
        %parallel_loop3A_1239 = arith.constant 688 : index
        %parallel_loop3A_1240 = tpu.vector_load %arg10[%parallel_loop3A_1238, %parallel_loop3A_1239] {strides = array<i32>} : memref<24x768xf32, #tpu.memory_space<vmem>>, vector<1x16xf32>,
        %parallel_loop3A_1241 = vector.shape_cast %parallel_loop3A_1240 : vector<1x16xf32> to vector<16xf32>
        %parallel_loop3A_1242 = vector.shape_cast %parallel_loop3A_1237 : vector<16xf32> to vector<1x16xf32>
        tpu.vector_store %arg10[%parallel_loop3A_1238, %parallel_loop3A_1239], %parallel_loop3A_1242 {add = true, strides = array<i32>} : memref<24x768xf32, #tpu.memory_space<vmem>>, vector<1x16xf32>,
        %parallel_loop3A_1243 = arith.index_cast %parallel_loop3A_846 : i32 to index
        %parallel_loop3A_1244 = arith.constant 704 : index
        %parallel_loop3A_1245 = tpu.vector_load %arg7[%parallel_loop3A_1243, %parallel_loop3A_1244] {strides = array<i32>} : memref<24x768xf32, #tpu.memory_space<vmem>>, vector<1x16xf32>,
        %parallel_loop3A_1246 = vector.shape_cast %parallel_loop3A_1245 : vector<1x16xf32> to vector<16xf32>
        %parallel_loop3A_1247 = arith.index_cast %parallel_loop3A_846 : i32 to index
        %parallel_loop3A_1248 = arith.constant 704 : index
        %parallel_loop3A_1249 = tpu.vector_load %arg10[%parallel_loop3A_1247, %parallel_loop3A_1248] {strides = array<i32>} : memref<24x768xf32, #tpu.memory_space<vmem>>, vector<1x16xf32>,
        %parallel_loop3A_1250 = vector.shape_cast %parallel_loop3A_1249 : vector<1x16xf32> to vector<16xf32>
        %parallel_loop3A_1251 = vector.shape_cast %parallel_loop3A_1246 : vector<16xf32> to vector<1x16xf32>
        tpu.vector_store %arg10[%parallel_loop3A_1247, %parallel_loop3A_1248], %parallel_loop3A_1251 {add = true, strides = array<i32>} : memref<24x768xf32, #tpu.memory_space<vmem>>, vector<1x16xf32>,
        %parallel_loop3A_1252 = arith.index_cast %parallel_loop3A_846 : i32 to index
        %parallel_loop3A_1253 = arith.constant 720 : index
        %parallel_loop3A_1254 = tpu.vector_load %arg7[%parallel_loop3A_1252, %parallel_loop3A_1253] {strides = array<i32>} : memref<24x768xf32, #tpu.memory_space<vmem>>, vector<1x16xf32>,
        %parallel_loop3A_1255 = vector.shape_cast %parallel_loop3A_1254 : vector<1x16xf32> to vector<16xf32>
        %parallel_loop3A_1256 = arith.index_cast %parallel_loop3A_846 : i32 to index
        %parallel_loop3A_1257 = arith.constant 720 : index
        %parallel_loop3A_1258 = tpu.vector_load %arg10[%parallel_loop3A_1256, %parallel_loop3A_1257] {strides = array<i32>} : memref<24x768xf32, #tpu.memory_space<vmem>>, vector<1x16xf32>,
        %parallel_loop3A_1259 = vector.shape_cast %parallel_loop3A_1258 : vector<1x16xf32> to vector<16xf32>
        %parallel_loop3A_1260 = vector.shape_cast %parallel_loop3A_1255 : vector<16xf32> to vector<1x16xf32>
        tpu.vector_store %arg10[%parallel_loop3A_1256, %parallel_loop3A_1257], %parallel_loop3A_1260 {add = true, strides = array<i32>} : memref<24x768xf32, #tpu.memory_space<vmem>>, vector<1x16xf32>,
        %parallel_loop3A_1261 = arith.index_cast %parallel_loop3A_846 : i32 to index
        %parallel_loop3A_1262 = arith.constant 736 : index
        %parallel_loop3A_1263 = tpu.vector_load %arg7[%parallel_loop3A_1261, %parallel_loop3A_1262] {strides = array<i32>} : memref<24x768xf32, #tpu.memory_space<vmem>>, vector<1x16xf32>,
        %parallel_loop3A_1264 = vector.shape_cast %parallel_loop3A_1263 : vector<1x16xf32> to vector<16xf32>
        %parallel_loop3A_1265 = arith.index_cast %parallel_loop3A_846 : i32 to index
        %parallel_loop3A_1266 = arith.constant 736 : index
        %parallel_loop3A_1267 = tpu.vector_load %arg10[%parallel_loop3A_1265, %parallel_loop3A_1266] {strides = array<i32>} : memref<24x768xf32, #tpu.memory_space<vmem>>, vector<1x16xf32>,
        %parallel_loop3A_1268 = vector.shape_cast %parallel_loop3A_1267 : vector<1x16xf32> to vector<16xf32>
        %parallel_loop3A_1269 = vector.shape_cast %parallel_loop3A_1264 : vector<16xf32> to vector<1x16xf32>
        tpu.vector_store %arg10[%parallel_loop3A_1265, %parallel_loop3A_1266], %parallel_loop3A_1269 {add = true, strides = array<i32>} : memref<24x768xf32, #tpu.memory_space<vmem>>, vector<1x16xf32>,
        %parallel_loop3A_1270 = arith.index_cast %parallel_loop3A_846 : i32 to index
        %parallel_loop3A_1271 = arith.constant 752 : index
        %parallel_loop3A_1272 = tpu.vector_load %arg7[%parallel_loop3A_1270, %parallel_loop3A_1271] {strides = array<i32>} : memref<24x768xf32, #tpu.memory_space<vmem>>, vector<1x16xf32>,
        %parallel_loop3A_1273 = vector.shape_cast %parallel_loop3A_1272 : vector<1x16xf32> to vector<16xf32>
        %parallel_loop3A_1274 = arith.index_cast %parallel_loop3A_846 : i32 to index
        %parallel_loop3A_1275 = arith.constant 752 : index
        %parallel_loop3A_1276 = tpu.vector_load %arg10[%parallel_loop3A_1274, %parallel_loop3A_1275] {strides = array<i32>} : memref<24x768xf32, #tpu.memory_space<vmem>>, vector<1x16xf32>,
        %parallel_loop3A_1277 = vector.shape_cast %parallel_loop3A_1276 : vector<1x16xf32> to vector<16xf32>
        %parallel_loop3A_1278 = vector.shape_cast %parallel_loop3A_1273 : vector<16xf32> to vector<1x16xf32>
        tpu.vector_store %arg10[%parallel_loop3A_1274, %parallel_loop3A_1275], %parallel_loop3A_1278 {add = true, strides = array<i32>} : memref<24x768xf32, #tpu.memory_space<vmem>>, vector<1x16xf32>,
      } {sc.loop_unroll_factor = 2 : i64, sc.parallel_access}
      %mul3A_773 = arith.constant 24 : i32
      %mul3A_774 = arith.muli %add3A_762, %mul3A_773 : i32
      %add3A_775 = arith.addi %mul3A_2, %mul3A_774 : i32
      %dma_start3A_776 = arith.constant 0 : i32
      %dma_start3A_777 = tpu.memref_slice %arg5[%add3A_775, %dma_start3A_776] : memref<36864x768xf32, #tpu.memory_space<hbm>> -> memref<24x768xf32, #tpu.memory_space<hbm>>
      %dma_start3A_778 = arith.constant 0 : i32
      %dma_start3A_779 = tpu.memref_slice %arg5[%add3A_775, %dma_start3A_778] : memref<36864x768xf32, #tpu.memory_space<hbm>> -> memref<24x768xf32, #tpu.memory_space<hbm>>
      tpu.enqueue_dma source(%arg10 : memref<24x768xf32, #tpu.memory_space<vmem>>) target(%dma_start3A_779 : memref<24x768xf32, #tpu.memory_space<hbm>>) target_semaphore(%arg19 : memref<!tpu.dma_semaphore, #tpu.memory_space<semaphore_mem>>)
      %gt3A = arith.constant 0 : i32
      %gt3A_780 = arith.cmpi sgt, %scan3A_758, %gt3A : i32
      %convert_element_type3A = arith.extui %gt3A_780 : i1 to i32
      %cond3A = arith.constant 0 : i32
      %cond3A_781 = arith.cmpi ne, %convert_element_type3A, %cond3A : i32
      scf.if %cond3A_781 {
        %dma_wait3A_846 = arith.constant 0 : i32
        %dma_wait3A_847 = tpu.memref_slice %arg5[%mul3A_2, %dma_wait3A_846] : memref<36864x768xf32, #tpu.memory_space<hbm>> -> memref<24x768xf32, #tpu.memory_space<hbm>>
        %dma_wait3A_848 = arith.constant 0 : i32
        %dma_wait3A_849 = tpu.memref_slice %arg5[%mul3A_2, %dma_wait3A_848] : memref<36864x768xf32, #tpu.memory_space<hbm>> -> memref<24x768xf32, #tpu.memory_space<hbm>>
        tpu.wait_dma2 semaphore(%arg21 : memref<!tpu.dma_semaphore, #tpu.memory_space<semaphore_mem>>) src(%arg12 : memref<24x768xf32, #tpu.memory_space<vmem>>) dst(%dma_wait3A_849 : memref<24x768xf32, #tpu.memory_space<hbm>>)
      } else {
      }
      %add3A_782 = arith.constant 2 : i32
      %add3A_783 = arith.addi %add3A_762, %add3A_782 : i32
      %mul3A_784 = arith.constant 24 : i32
      %mul3A_785 = arith.muli %add3A_783, %mul3A_784 : i32
      %add3A_786 = arith.addi %mul3A_2, %mul3A_785 : i32
      %dma_start3A_787 = arith.constant 0 : i32
      %dma_start3A_788 = tpu.memref_slice %arg2[%add3A_786, %dma_start3A_787] : memref<36864x768xf32, #tpu.memory_space<hbm>> -> memref<24x768xf32, #tpu.memory_space<hbm>>
      %dma_start3A_789 = arith.constant 0 : i32
      %dma_start3A_790 = tpu.memref_slice %arg2[%add3A_786, %dma_start3A_789] : memref<36864x768xf32, #tpu.memory_space<hbm>> -> memref<24x768xf32, #tpu.memory_space<hbm>>
      tpu.enqueue_dma source(%dma_start3A_790 : memref<24x768xf32, #tpu.memory_space<hbm>>) target(%arg9 : memref<24x768xf32, #tpu.memory_space<vmem>>) target_semaphore(%arg15 : memref<!tpu.dma_semaphore, #tpu.memory_space<semaphore_mem>>)
      %mul3A_791 = arith.constant 24 : i32
      %mul3A_792 = arith.muli %add3A_783, %mul3A_791 : i32
      %dma_start3A_793 = tpu.memref_slice %arg6[%mul3A_792] : memref<1152xi32, #tpu.memory_space<vmem>> -> memref<24xi32, #tpu.memory_space<vmem>>
      %dma_start3A_794 = arith.constant 0 : i32
      %dma_start3A_795 = arith.constant 0 : i32
      %dma_start3A_796 = tpu.memref_slice %arg4[%dma_start3A_794, %dma_start3A_795] : memref<577x768xf32, #tpu.memory_space<hbm>> -> memref<577x768xf32, #tpu.memory_space<hbm>>
      tpu.enqueue_indirect_dma source(%dma_start3A_796 : memref<577x768xf32, #tpu.memory_space<hbm>>) target(%arg12 : memref<24x768xf32, #tpu.memory_space<vmem>>) offsets(%dma_start3A_793 : memref<24xi32, #tpu.memory_space<vmem>>) semaphore(%arg18 : memref<!tpu.dma_semaphore, #tpu.memory_space<semaphore_mem>>)
      %add3A_797 = arith.constant 1 : i32
      %add3A_798 = arith.addi %mul3A_760, %add3A_797 : i32
      %dma_wait3A_799 = arith.constant 0 : i32
      %dma_wait3A_800 = tpu.memref_slice %arg2[%mul3A_2, %dma_wait3A_799] : memref<36864x768xf32, #tpu.memory_space<hbm>> -> memref<24x768xf32, #tpu.memory_space<hbm>>
      %dma_wait3A_801 = arith.constant 0 : i32
      %dma_wait3A_802 = tpu.memref_slice %arg2[%mul3A_2, %dma_wait3A_801] : memref<36864x768xf32, #tpu.memory_space<hbm>> -> memref<24x768xf32, #tpu.memory_space<hbm>>
      tpu.wait_dma2 semaphore(%arg14 : memref<!tpu.dma_semaphore, #tpu.memory_space<semaphore_mem>>) src(%dma_wait3A_802 : memref<24x768xf32, #tpu.memory_space<hbm>>) dst(%arg8 : memref<24x768xf32, #tpu.memory_space<vmem>>)
      %dma_wait3A_803 = arith.constant 0 : i32
      %dma_wait3A_804 = tpu.memref_slice %arg2[%mul3A_2, %dma_wait3A_803] : memref<36864x768xf32, #tpu.memory_space<hbm>> -> memref<24x768xf32, #tpu.memory_space<hbm>>
      %dma_wait3A_805 = arith.constant 0 : i32
      %dma_wait3A_806 = tpu.memref_slice %arg2[%mul3A_2, %dma_wait3A_805] : memref<36864x768xf32, #tpu.memory_space<hbm>> -> memref<24x768xf32, #tpu.memory_space<hbm>>
      tpu.wait_dma2 semaphore(%arg17 : memref<!tpu.dma_semaphore, #tpu.memory_space<semaphore_mem>>) src(%dma_wait3A_806 : memref<24x768xf32, #tpu.memory_space<hbm>>) dst(%arg11 : memref<24x768xf32, #tpu.memory_space<vmem>>)
      %parallel_loop3A_807 = arith.constant 0 : i32
      %parallel_loop3A_808 = arith.constant 24 : i32
      %parallel_loop3A_809 = arith.constant 1 : i32
      scf.for %parallel_loop3A_846 = %parallel_loop3A_807 to %parallel_loop3A_808 step %parallel_loop3A_809  : i32 {
        %parallel_loop3A_847 = arith.index_cast %parallel_loop3A_846 : i32 to index
        %parallel_loop3A_848 = arith.constant 0 : index
        %parallel_loop3A_849 = tpu.vector_load %arg8[%parallel_loop3A_847, %parallel_loop3A_848] {strides = array<i32>} : memref<24x768xf32, #tpu.memory_space<vmem>>, vector<1x16xf32>,
        %parallel_loop3A_850 = vector.shape_cast %parallel_loop3A_849 : vector<1x16xf32> to vector<16xf32>
        %parallel_loop3A_851 = arith.index_cast %parallel_loop3A_846 : i32 to index
        %parallel_loop3A_852 = arith.constant 0 : index
        %parallel_loop3A_853 = tpu.vector_load %arg11[%parallel_loop3A_851, %parallel_loop3A_852] {strides = array<i32>} : memref<24x768xf32, #tpu.memory_space<vmem>>, vector<1x16xf32>,
        %parallel_loop3A_854 = vector.shape_cast %parallel_loop3A_853 : vector<1x16xf32> to vector<16xf32>
        %parallel_loop3A_855 = vector.shape_cast %parallel_loop3A_850 : vector<16xf32> to vector<1x16xf32>
        tpu.vector_store %arg11[%parallel_loop3A_851, %parallel_loop3A_852], %parallel_loop3A_855 {add = true, strides = array<i32>} : memref<24x768xf32, #tpu.memory_space<vmem>>, vector<1x16xf32>,
        %parallel_loop3A_856 = arith.index_cast %parallel_loop3A_846 : i32 to index
        %parallel_loop3A_857 = arith.constant 16 : index
        %parallel_loop3A_858 = tpu.vector_load %arg8[%parallel_loop3A_856, %parallel_loop3A_857] {strides = array<i32>} : memref<24x768xf32, #tpu.memory_space<vmem>>, vector<1x16xf32>,
        %parallel_loop3A_859 = vector.shape_cast %parallel_loop3A_858 : vector<1x16xf32> to vector<16xf32>
        %parallel_loop3A_860 = arith.index_cast %parallel_loop3A_846 : i32 to index
        %parallel_loop3A_861 = arith.constant 16 : index
        %parallel_loop3A_862 = tpu.vector_load %arg11[%parallel_loop3A_860, %parallel_loop3A_861] {strides = array<i32>} : memref<24x768xf32, #tpu.memory_space<vmem>>, vector<1x16xf32>,
        %parallel_loop3A_863 = vector.shape_cast %parallel_loop3A_862 : vector<1x16xf32> to vector<16xf32>
        %parallel_loop3A_864 = vector.shape_cast %parallel_loop3A_859 : vector<16xf32> to vector<1x16xf32>
        tpu.vector_store %arg11[%parallel_loop3A_860, %parallel_loop3A_861], %parallel_loop3A_864 {add = true, strides = array<i32>} : memref<24x768xf32, #tpu.memory_space<vmem>>, vector<1x16xf32>,
        %parallel_loop3A_865 = arith.index_cast %parallel_loop3A_846 : i32 to index
        %parallel_loop3A_866 = arith.constant 32 : index
        %parallel_loop3A_867 = tpu.vector_load %arg8[%parallel_loop3A_865, %parallel_loop3A_866] {strides = array<i32>} : memref<24x768xf32, #tpu.memory_space<vmem>>, vector<1x16xf32>,
        %parallel_loop3A_868 = vector.shape_cast %parallel_loop3A_867 : vector<1x16xf32> to vector<16xf32>
        %parallel_loop3A_869 = arith.index_cast %parallel_loop3A_846 : i32 to index
        %parallel_loop3A_870 = arith.constant 32 : index
        %parallel_loop3A_871 = tpu.vector_load %arg11[%parallel_loop3A_869, %parallel_loop3A_870] {strides = array<i32>} : memref<24x768xf32, #tpu.memory_space<vmem>>, vector<1x16xf32>,
        %parallel_loop3A_872 = vector.shape_cast %parallel_loop3A_871 : vector<1x16xf32> to vector<16xf32>
        %parallel_loop3A_873 = vector.shape_cast %parallel_loop3A_868 : vector<16xf32> to vector<1x16xf32>
        tpu.vector_store %arg11[%parallel_loop3A_869, %parallel_loop3A_870], %parallel_loop3A_873 {add = true, strides = array<i32>} : memref<24x768xf32, #tpu.memory_space<vmem>>, vector<1x16xf32>,
        %parallel_loop3A_874 = arith.index_cast %parallel_loop3A_846 : i32 to index
        %parallel_loop3A_875 = arith.constant 48 : index
        %parallel_loop3A_876 = tpu.vector_load %arg8[%parallel_loop3A_874, %parallel_loop3A_875] {strides = array<i32>} : memref<24x768xf32, #tpu.memory_space<vmem>>, vector<1x16xf32>,
        %parallel_loop3A_877 = vector.shape_cast %parallel_loop3A_876 : vector<1x16xf32> to vector<16xf32>
        %parallel_loop3A_878 = arith.index_cast %parallel_loop3A_846 : i32 to index
        %parallel_loop3A_879 = arith.constant 48 : index
        %parallel_loop3A_880 = tpu.vector_load %arg11[%parallel_loop3A_878, %parallel_loop3A_879] {strides = array<i32>} : memref<24x768xf32, #tpu.memory_space<vmem>>, vector<1x16xf32>,
        %parallel_loop3A_881 = vector.shape_cast %parallel_loop3A_880 : vector<1x16xf32> to vector<16xf32>
        %parallel_loop3A_882 = vector.shape_cast %parallel_loop3A_877 : vector<16xf32> to vector<1x16xf32>
        tpu.vector_store %arg11[%parallel_loop3A_878, %parallel_loop3A_879], %parallel_loop3A_882 {add = true, strides = array<i32>} : memref<24x768xf32, #tpu.memory_space<vmem>>, vector<1x16xf32>,
        %parallel_loop3A_883 = arith.index_cast %parallel_loop3A_846 : i32 to index
        %parallel_loop3A_884 = arith.constant 64 : index
        %parallel_loop3A_885 = tpu.vector_load %arg8[%parallel_loop3A_883, %parallel_loop3A_884] {strides = array<i32>} : memref<24x768xf32, #tpu.memory_space<vmem>>, vector<1x16xf32>,
        %parallel_loop3A_886 = vector.shape_cast %parallel_loop3A_885 : vector<1x16xf32> to vector<16xf32>
        %parallel_loop3A_887 = arith.index_cast %parallel_loop3A_846 : i32 to index
        %parallel_loop3A_888 = arith.constant 64 : index
        %parallel_loop3A_889 = tpu.vector_load %arg11[%parallel_loop3A_887, %parallel_loop3A_888] {strides = array<i32>} : memref<24x768xf32, #tpu.memory_space<vmem>>, vector<1x16xf32>,
        %parallel_loop3A_890 = vector.shape_cast %parallel_loop3A_889 : vector<1x16xf32> to vector<16xf32>
        %parallel_loop3A_891 = vector.shape_cast %parallel_loop3A_886 : vector<16xf32> to vector<1x16xf32>
        tpu.vector_store %arg11[%parallel_loop3A_887, %parallel_loop3A_888], %parallel_loop3A_891 {add = true, strides = array<i32>} : memref<24x768xf32, #tpu.memory_space<vmem>>, vector<1x16xf32>,
        %parallel_loop3A_892 = arith.index_cast %parallel_loop3A_846 : i32 to index
        %parallel_loop3A_893 = arith.constant 80 : index
        %parallel_loop3A_894 = tpu.vector_load %arg8[%parallel_loop3A_892, %parallel_loop3A_893] {strides = array<i32>} : memref<24x768xf32, #tpu.memory_space<vmem>>, vector<1x16xf32>,
        %parallel_loop3A_895 = vector.shape_cast %parallel_loop3A_894 : vector<1x16xf32> to vector<16xf32>
        %parallel_loop3A_896 = arith.index_cast %parallel_loop3A_846 : i32 to index
        %parallel_loop3A_897 = arith.constant 80 : index
        %parallel_loop3A_898 = tpu.vector_load %arg11[%parallel_loop3A_896, %parallel_loop3A_897] {strides = array<i32>} : memref<24x768xf32, #tpu.memory_space<vmem>>, vector<1x16xf32>,
        %parallel_loop3A_899 = vector.shape_cast %parallel_loop3A_898 : vector<1x16xf32> to vector<16xf32>
        %parallel_loop3A_900 = vector.shape_cast %parallel_loop3A_895 : vector<16xf32> to vector<1x16xf32>
        tpu.vector_store %arg11[%parallel_loop3A_896, %parallel_loop3A_897], %parallel_loop3A_900 {add = true, strides = array<i32>} : memref<24x768xf32, #tpu.memory_space<vmem>>, vector<1x16xf32>,
        %parallel_loop3A_901 = arith.index_cast %parallel_loop3A_846 : i32 to index
        %parallel_loop3A_902 = arith.constant 96 : index
        %parallel_loop3A_903 = tpu.vector_load %arg8[%parallel_loop3A_901, %parallel_loop3A_902] {strides = array<i32>} : memref<24x768xf32, #tpu.memory_space<vmem>>, vector<1x16xf32>,
        %parallel_loop3A_904 = vector.shape_cast %parallel_loop3A_903 : vector<1x16xf32> to vector<16xf32>
        %parallel_loop3A_905 = arith.index_cast %parallel_loop3A_846 : i32 to index
        %parallel_loop3A_906 = arith.constant 96 : index
        %parallel_loop3A_907 = tpu.vector_load %arg11[%parallel_loop3A_905, %parallel_loop3A_906] {strides = array<i32>} : memref<24x768xf32, #tpu.memory_space<vmem>>, vector<1x16xf32>,
        %parallel_loop3A_908 = vector.shape_cast %parallel_loop3A_907 : vector<1x16xf32> to vector<16xf32>
        %parallel_loop3A_909 = vector.shape_cast %parallel_loop3A_904 : vector<16xf32> to vector<1x16xf32>
        tpu.vector_store %arg11[%parallel_loop3A_905, %parallel_loop3A_906], %parallel_loop3A_909 {add = true, strides = array<i32>} : memref<24x768xf32, #tpu.memory_space<vmem>>, vector<1x16xf32>,
        %parallel_loop3A_910 = arith.index_cast %parallel_loop3A_846 : i32 to index
        %parallel_loop3A_911 = arith.constant 112 : index
        %parallel_loop3A_912 = tpu.vector_load %arg8[%parallel_loop3A_910, %parallel_loop3A_911] {strides = array<i32>} : memref<24x768xf32, #tpu.memory_space<vmem>>, vector<1x16xf32>,
        %parallel_loop3A_913 = vector.shape_cast %parallel_loop3A_912 : vector<1x16xf32> to vector<16xf32>
        %parallel_loop3A_914 = arith.index_cast %parallel_loop3A_846 : i32 to index
        %parallel_loop3A_915 = arith.constant 112 : index
        %parallel_loop3A_916 = tpu.vector_load %arg11[%parallel_loop3A_914, %parallel_loop3A_915] {strides = array<i32>} : memref<24x768xf32, #tpu.memory_space<vmem>>, vector<1x16xf32>,
        %parallel_loop3A_917 = vector.shape_cast %parallel_loop3A_916 : vector<1x16xf32> to vector<16xf32>
        %parallel_loop3A_918 = vector.shape_cast %parallel_loop3A_913 : vector<16xf32> to vector<1x16xf32>
        tpu.vector_store %arg11[%parallel_loop3A_914, %parallel_loop3A_915], %parallel_loop3A_918 {add = true, strides = array<i32>} : memref<24x768xf32, #tpu.memory_space<vmem>>, vector<1x16xf32>,
        %parallel_loop3A_919 = arith.index_cast %parallel_loop3A_846 : i32 to index
        %parallel_loop3A_920 = arith.constant 128 : index
        %parallel_loop3A_921 = tpu.vector_load %arg8[%parallel_loop3A_919, %parallel_loop3A_920] {strides = array<i32>} : memref<24x768xf32, #tpu.memory_space<vmem>>, vector<1x16xf32>,
        %parallel_loop3A_922 = vector.shape_cast %parallel_loop3A_921 : vector<1x16xf32> to vector<16xf32>
        %parallel_loop3A_923 = arith.index_cast %parallel_loop3A_846 : i32 to index
        %parallel_loop3A_924 = arith.constant 128 : index
        %parallel_loop3A_925 = tpu.vector_load %arg11[%parallel_loop3A_923, %parallel_loop3A_924] {strides = array<i32>} : memref<24x768xf32, #tpu.memory_space<vmem>>, vector<1x16xf32>,
        %parallel_loop3A_926 = vector.shape_cast %parallel_loop3A_925 : vector<1x16xf32> to vector<16xf32>
        %parallel_loop3A_927 = vector.shape_cast %parallel_loop3A_922 : vector<16xf32> to vector<1x16xf32>
        tpu.vector_store %arg11[%parallel_loop3A_923, %parallel_loop3A_924], %parallel_loop3A_927 {add = true, strides = array<i32>} : memref<24x768xf32, #tpu.memory_space<vmem>>, vector<1x16xf32>,
        %parallel_loop3A_928 = arith.index_cast %parallel_loop3A_846 : i32 to index
        %parallel_loop3A_929 = arith.constant 144 : index
        %parallel_loop3A_930 = tpu.vector_load %arg8[%parallel_loop3A_928, %parallel_loop3A_929] {strides = array<i32>} : memref<24x768xf32, #tpu.memory_space<vmem>>, vector<1x16xf32>,
        %parallel_loop3A_931 = vector.shape_cast %parallel_loop3A_930 : vector<1x16xf32> to vector<16xf32>
        %parallel_loop3A_932 = arith.index_cast %parallel_loop3A_846 : i32 to index
        %parallel_loop3A_933 = arith.constant 144 : index
        %parallel_loop3A_934 = tpu.vector_load %arg11[%parallel_loop3A_932, %parallel_loop3A_933] {strides = array<i32>} : memref<24x768xf32, #tpu.memory_space<vmem>>, vector<1x16xf32>,
        %parallel_loop3A_935 = vector.shape_cast %parallel_loop3A_934 : vector<1x16xf32> to vector<16xf32>
        %parallel_loop3A_936 = vector.shape_cast %parallel_loop3A_931 : vector<16xf32> to vector<1x16xf32>
        tpu.vector_store %arg11[%parallel_loop3A_932, %parallel_loop3A_933], %parallel_loop3A_936 {add = true, strides = array<i32>} : memref<24x768xf32, #tpu.memory_space<vmem>>, vector<1x16xf32>,
        %parallel_loop3A_937 = arith.index_cast %parallel_loop3A_846 : i32 to index
        %parallel_loop3A_938 = arith.constant 160 : index
        %parallel_loop3A_939 = tpu.vector_load %arg8[%parallel_loop3A_937, %parallel_loop3A_938] {strides = array<i32>} : memref<24x768xf32, #tpu.memory_space<vmem>>, vector<1x16xf32>,
        %parallel_loop3A_940 = vector.shape_cast %parallel_loop3A_939 : vector<1x16xf32> to vector<16xf32>
        %parallel_loop3A_941 = arith.index_cast %parallel_loop3A_846 : i32 to index
        %parallel_loop3A_942 = arith.constant 160 : index
        %parallel_loop3A_943 = tpu.vector_load %arg11[%parallel_loop3A_941, %parallel_loop3A_942] {strides = array<i32>} : memref<24x768xf32, #tpu.memory_space<vmem>>, vector<1x16xf32>,
        %parallel_loop3A_944 = vector.shape_cast %parallel_loop3A_943 : vector<1x16xf32> to vector<16xf32>
        %parallel_loop3A_945 = vector.shape_cast %parallel_loop3A_940 : vector<16xf32> to vector<1x16xf32>
        tpu.vector_store %arg11[%parallel_loop3A_941, %parallel_loop3A_942], %parallel_loop3A_945 {add = true, strides = array<i32>} : memref<24x768xf32, #tpu.memory_space<vmem>>, vector<1x16xf32>,
        %parallel_loop3A_946 = arith.index_cast %parallel_loop3A_846 : i32 to index
        %parallel_loop3A_947 = arith.constant 176 : index
        %parallel_loop3A_948 = tpu.vector_load %arg8[%parallel_loop3A_946, %parallel_loop3A_947] {strides = array<i32>} : memref<24x768xf32, #tpu.memory_space<vmem>>, vector<1x16xf32>,
        %parallel_loop3A_949 = vector.shape_cast %parallel_loop3A_948 : vector<1x16xf32> to vector<16xf32>
        %parallel_loop3A_950 = arith.index_cast %parallel_loop3A_846 : i32 to index
        %parallel_loop3A_951 = arith.constant 176 : index
        %parallel_loop3A_952 = tpu.vector_load %arg11[%parallel_loop3A_950, %parallel_loop3A_951] {strides = array<i32>} : memref<24x768xf32, #tpu.memory_space<vmem>>, vector<1x16xf32>,
        %parallel_loop3A_953 = vector.shape_cast %parallel_loop3A_952 : vector<1x16xf32> to vector<16xf32>
        %parallel_loop3A_954 = vector.shape_cast %parallel_loop3A_949 : vector<16xf32> to vector<1x16xf32>
        tpu.vector_store %arg11[%parallel_loop3A_950, %parallel_loop3A_951], %parallel_loop3A_954 {add = true, strides = array<i32>} : memref<24x768xf32, #tpu.memory_space<vmem>>, vector<1x16xf32>,
        %parallel_loop3A_955 = arith.index_cast %parallel_loop3A_846 : i32 to index
        %parallel_loop3A_956 = arith.constant 192 : index
        %parallel_loop3A_957 = tpu.vector_load %arg8[%parallel_loop3A_955, %parallel_loop3A_956] {strides = array<i32>} : memref<24x768xf32, #tpu.memory_space<vmem>>, vector<1x16xf32>,
        %parallel_loop3A_958 = vector.shape_cast %parallel_loop3A_957 : vector<1x16xf32> to vector<16xf32>
        %parallel_loop3A_959 = arith.index_cast %parallel_loop3A_846 : i32 to index
        %parallel_loop3A_960 = arith.constant 192 : index
        %parallel_loop3A_961 = tpu.vector_load %arg11[%parallel_loop3A_959, %parallel_loop3A_960] {strides = array<i32>} : memref<24x768xf32, #tpu.memory_space<vmem>>, vector<1x16xf32>,
        %parallel_loop3A_962 = vector.shape_cast %parallel_loop3A_961 : vector<1x16xf32> to vector<16xf32>
        %parallel_loop3A_963 = vector.shape_cast %parallel_loop3A_958 : vector<16xf32> to vector<1x16xf32>
        tpu.vector_store %arg11[%parallel_loop3A_959, %parallel_loop3A_960], %parallel_loop3A_963 {add = true, strides = array<i32>} : memref<24x768xf32, #tpu.memory_space<vmem>>, vector<1x16xf32>,
        %parallel_loop3A_964 = arith.index_cast %parallel_loop3A_846 : i32 to index
        %parallel_loop3A_965 = arith.constant 208 : index
        %parallel_loop3A_966 = tpu.vector_load %arg8[%parallel_loop3A_964, %parallel_loop3A_965] {strides = array<i32>} : memref<24x768xf32, #tpu.memory_space<vmem>>, vector<1x16xf32>,
        %parallel_loop3A_967 = vector.shape_cast %parallel_loop3A_966 : vector<1x16xf32> to vector<16xf32>
        %parallel_loop3A_968 = arith.index_cast %parallel_loop3A_846 : i32 to index
        %parallel_loop3A_969 = arith.constant 208 : index
        %parallel_loop3A_970 = tpu.vector_load %arg11[%parallel_loop3A_968, %parallel_loop3A_969] {strides = array<i32>} : memref<24x768xf32, #tpu.memory_space<vmem>>, vector<1x16xf32>,
        %parallel_loop3A_971 = vector.shape_cast %parallel_loop3A_970 : vector<1x16xf32> to vector<16xf32>
        %parallel_loop3A_972 = vector.shape_cast %parallel_loop3A_967 : vector<16xf32> to vector<1x16xf32>
        tpu.vector_store %arg11[%parallel_loop3A_968, %parallel_loop3A_969], %parallel_loop3A_972 {add = true, strides = array<i32>} : memref<24x768xf32, #tpu.memory_space<vmem>>, vector<1x16xf32>,
        %parallel_loop3A_973 = arith.index_cast %parallel_loop3A_846 : i32 to index
        %parallel_loop3A_974 = arith.constant 224 : index
        %parallel_loop3A_975 = tpu.vector_load %arg8[%parallel_loop3A_973, %parallel_loop3A_974] {strides = array<i32>} : memref<24x768xf32, #tpu.memory_space<vmem>>, vector<1x16xf32>,
        %parallel_loop3A_976 = vector.shape_cast %parallel_loop3A_975 : vector<1x16xf32> to vector<16xf32>
        %parallel_loop3A_977 = arith.index_cast %parallel_loop3A_846 : i32 to index
        %parallel_loop3A_978 = arith.constant 224 : index
        %parallel_loop3A_979 = tpu.vector_load %arg11[%parallel_loop3A_977, %parallel_loop3A_978] {strides = array<i32>} : memref<24x768xf32, #tpu.memory_space<vmem>>, vector<1x16xf32>,
        %parallel_loop3A_980 = vector.shape_cast %parallel_loop3A_979 : vector<1x16xf32> to vector<16xf32>
        %parallel_loop3A_981 = vector.shape_cast %parallel_loop3A_976 : vector<16xf32> to vector<1x16xf32>
        tpu.vector_store %arg11[%parallel_loop3A_977, %parallel_loop3A_978], %parallel_loop3A_981 {add = true, strides = array<i32>} : memref<24x768xf32, #tpu.memory_space<vmem>>, vector<1x16xf32>,
        %parallel_loop3A_982 = arith.index_cast %parallel_loop3A_846 : i32 to index
        %parallel_loop3A_983 = arith.constant 240 : index
        %parallel_loop3A_984 = tpu.vector_load %arg8[%parallel_loop3A_982, %parallel_loop3A_983] {strides = array<i32>} : memref<24x768xf32, #tpu.memory_space<vmem>>, vector<1x16xf32>,
        %parallel_loop3A_985 = vector.shape_cast %parallel_loop3A_984 : vector<1x16xf32> to vector<16xf32>
        %parallel_loop3A_986 = arith.index_cast %parallel_loop3A_846 : i32 to index
        %parallel_loop3A_987 = arith.constant 240 : index
        %parallel_loop3A_988 = tpu.vector_load %arg11[%parallel_loop3A_986, %parallel_loop3A_987] {strides = array<i32>} : memref<24x768xf32, #tpu.memory_space<vmem>>, vector<1x16xf32>,
        %parallel_loop3A_989 = vector.shape_cast %parallel_loop3A_988 : vector<1x16xf32> to vector<16xf32>
        %parallel_loop3A_990 = vector.shape_cast %parallel_loop3A_985 : vector<16xf32> to vector<1x16xf32>
        tpu.vector_store %arg11[%parallel_loop3A_986, %parallel_loop3A_987], %parallel_loop3A_990 {add = true, strides = array<i32>} : memref<24x768xf32, #tpu.memory_space<vmem>>, vector<1x16xf32>,
        %parallel_loop3A_991 = arith.index_cast %parallel_loop3A_846 : i32 to index
        %parallel_loop3A_992 = arith.constant 256 : index
        %parallel_loop3A_993 = tpu.vector_load %arg8[%parallel_loop3A_991, %parallel_loop3A_992] {strides = array<i32>} : memref<24x768xf32, #tpu.memory_space<vmem>>, vector<1x16xf32>,
        %parallel_loop3A_994 = vector.shape_cast %parallel_loop3A_993 : vector<1x16xf32> to vector<16xf32>
        %parallel_loop3A_995 = arith.index_cast %parallel_loop3A_846 : i32 to index
        %parallel_loop3A_996 = arith.constant 256 : index
        %parallel_loop3A_997 = tpu.vector_load %arg11[%parallel_loop3A_995, %parallel_loop3A_996] {strides = array<i32>} : memref<24x768xf32, #tpu.memory_space<vmem>>, vector<1x16xf32>,
        %parallel_loop3A_998 = vector.shape_cast %parallel_loop3A_997 : vector<1x16xf32> to vector<16xf32>
        %parallel_loop3A_999 = vector.shape_cast %parallel_loop3A_994 : vector<16xf32> to vector<1x16xf32>
        tpu.vector_store %arg11[%parallel_loop3A_995, %parallel_loop3A_996], %parallel_loop3A_999 {add = true, strides = array<i32>} : memref<24x768xf32, #tpu.memory_space<vmem>>, vector<1x16xf32>,
        %parallel_loop3A_1000 = arith.index_cast %parallel_loop3A_846 : i32 to index
        %parallel_loop3A_1001 = arith.constant 272 : index
        %parallel_loop3A_1002 = tpu.vector_load %arg8[%parallel_loop3A_1000, %parallel_loop3A_1001] {strides = array<i32>} : memref<24x768xf32, #tpu.memory_space<vmem>>, vector<1x16xf32>,
        %parallel_loop3A_1003 = vector.shape_cast %parallel_loop3A_1002 : vector<1x16xf32> to vector<16xf32>
        %parallel_loop3A_1004 = arith.index_cast %parallel_loop3A_846 : i32 to index
        %parallel_loop3A_1005 = arith.constant 272 : index
        %parallel_loop3A_1006 = tpu.vector_load %arg11[%parallel_loop3A_1004, %parallel_loop3A_1005] {strides = array<i32>} : memref<24x768xf32, #tpu.memory_space<vmem>>, vector<1x16xf32>,
        %parallel_loop3A_1007 = vector.shape_cast %parallel_loop3A_1006 : vector<1x16xf32> to vector<16xf32>
        %parallel_loop3A_1008 = vector.shape_cast %parallel_loop3A_1003 : vector<16xf32> to vector<1x16xf32>
        tpu.vector_store %arg11[%parallel_loop3A_1004, %parallel_loop3A_1005], %parallel_loop3A_1008 {add = true, strides = array<i32>} : memref<24x768xf32, #tpu.memory_space<vmem>>, vector<1x16xf32>,
        %parallel_loop3A_1009 = arith.index_cast %parallel_loop3A_846 : i32 to index
        %parallel_loop3A_1010 = arith.constant 288 : index
        %parallel_loop3A_1011 = tpu.vector_load %arg8[%parallel_loop3A_1009, %parallel_loop3A_1010] {strides = array<i32>} : memref<24x768xf32, #tpu.memory_space<vmem>>, vector<1x16xf32>,
        %parallel_loop3A_1012 = vector.shape_cast %parallel_loop3A_1011 : vector<1x16xf32> to vector<16xf32>
        %parallel_loop3A_1013 = arith.index_cast %parallel_loop3A_846 : i32 to index
        %parallel_loop3A_1014 = arith.constant 288 : index
        %parallel_loop3A_1015 = tpu.vector_load %arg11[%parallel_loop3A_1013, %parallel_loop3A_1014] {strides = array<i32>} : memref<24x768xf32, #tpu.memory_space<vmem>>, vector<1x16xf32>,
        %parallel_loop3A_1016 = vector.shape_cast %parallel_loop3A_1015 : vector<1x16xf32> to vector<16xf32>
        %parallel_loop3A_1017 = vector.shape_cast %parallel_loop3A_1012 : vector<16xf32> to vector<1x16xf32>
        tpu.vector_store %arg11[%parallel_loop3A_1013, %parallel_loop3A_1014], %parallel_loop3A_1017 {add = true, strides = array<i32>} : memref<24x768xf32, #tpu.memory_space<vmem>>, vector<1x16xf32>,
        %parallel_loop3A_1018 = arith.index_cast %parallel_loop3A_846 : i32 to index
        %parallel_loop3A_1019 = arith.constant 304 : index
        %parallel_loop3A_1020 = tpu.vector_load %arg8[%parallel_loop3A_1018, %parallel_loop3A_1019] {strides = array<i32>} : memref<24x768xf32, #tpu.memory_space<vmem>>, vector<1x16xf32>,
        %parallel_loop3A_1021 = vector.shape_cast %parallel_loop3A_1020 : vector<1x16xf32> to vector<16xf32>
        %parallel_loop3A_1022 = arith.index_cast %parallel_loop3A_846 : i32 to index
        %parallel_loop3A_1023 = arith.constant 304 : index
        %parallel_loop3A_1024 = tpu.vector_load %arg11[%parallel_loop3A_1022, %parallel_loop3A_1023] {strides = array<i32>} : memref<24x768xf32, #tpu.memory_space<vmem>>, vector<1x16xf32>,
        %parallel_loop3A_1025 = vector.shape_cast %parallel_loop3A_1024 : vector<1x16xf32> to vector<16xf32>
        %parallel_loop3A_1026 = vector.shape_cast %parallel_loop3A_1021 : vector<16xf32> to vector<1x16xf32>
        tpu.vector_store %arg11[%parallel_loop3A_1022, %parallel_loop3A_1023], %parallel_loop3A_1026 {add = true, strides = array<i32>} : memref<24x768xf32, #tpu.memory_space<vmem>>, vector<1x16xf32>,
        %parallel_loop3A_1027 = arith.index_cast %parallel_loop3A_846 : i32 to index
        %parallel_loop3A_1028 = arith.constant 320 : index
        %parallel_loop3A_1029 = tpu.vector_load %arg8[%parallel_loop3A_1027, %parallel_loop3A_1028] {strides = array<i32>} : memref<24x768xf32, #tpu.memory_space<vmem>>, vector<1x16xf32>,
        %parallel_loop3A_1030 = vector.shape_cast %parallel_loop3A_1029 : vector<1x16xf32> to vector<16xf32>
        %parallel_loop3A_1031 = arith.index_cast %parallel_loop3A_846 : i32 to index
        %parallel_loop3A_1032 = arith.constant 320 : index
        %parallel_loop3A_1033 = tpu.vector_load %arg11[%parallel_loop3A_1031, %parallel_loop3A_1032] {strides = array<i32>} : memref<24x768xf32, #tpu.memory_space<vmem>>, vector<1x16xf32>,
        %parallel_loop3A_1034 = vector.shape_cast %parallel_loop3A_1033 : vector<1x16xf32> to vector<16xf32>
        %parallel_loop3A_1035 = vector.shape_cast %parallel_loop3A_1030 : vector<16xf32> to vector<1x16xf32>
        tpu.vector_store %arg11[%parallel_loop3A_1031, %parallel_loop3A_1032], %parallel_loop3A_1035 {add = true, strides = array<i32>} : memref<24x768xf32, #tpu.memory_space<vmem>>, vector<1x16xf32>,
        %parallel_loop3A_1036 = arith.index_cast %parallel_loop3A_846 : i32 to index
        %parallel_loop3A_1037 = arith.constant 336 : index
        %parallel_loop3A_1038 = tpu.vector_load %arg8[%parallel_loop3A_1036, %parallel_loop3A_1037] {strides = array<i32>} : memref<24x768xf32, #tpu.memory_space<vmem>>, vector<1x16xf32>,
        %parallel_loop3A_1039 = vector.shape_cast %parallel_loop3A_1038 : vector<1x16xf32> to vector<16xf32>
        %parallel_loop3A_1040 = arith.index_cast %parallel_loop3A_846 : i32 to index
        %parallel_loop3A_1041 = arith.constant 336 : index
        %parallel_loop3A_1042 = tpu.vector_load %arg11[%parallel_loop3A_1040, %parallel_loop3A_1041] {strides = array<i32>} : memref<24x768xf32, #tpu.memory_space<vmem>>, vector<1x16xf32>,
        %parallel_loop3A_1043 = vector.shape_cast %parallel_loop3A_1042 : vector<1x16xf32> to vector<16xf32>
        %parallel_loop3A_1044 = vector.shape_cast %parallel_loop3A_1039 : vector<16xf32> to vector<1x16xf32>
        tpu.vector_store %arg11[%parallel_loop3A_1040, %parallel_loop3A_1041], %parallel_loop3A_1044 {add = true, strides = array<i32>} : memref<24x768xf32, #tpu.memory_space<vmem>>, vector<1x16xf32>,
        %parallel_loop3A_1045 = arith.index_cast %parallel_loop3A_846 : i32 to index
        %parallel_loop3A_1046 = arith.constant 352 : index
        %parallel_loop3A_1047 = tpu.vector_load %arg8[%parallel_loop3A_1045, %parallel_loop3A_1046] {strides = array<i32>} : memref<24x768xf32, #tpu.memory_space<vmem>>, vector<1x16xf32>,
        %parallel_loop3A_1048 = vector.shape_cast %parallel_loop3A_1047 : vector<1x16xf32> to vector<16xf32>
        %parallel_loop3A_1049 = arith.index_cast %parallel_loop3A_846 : i32 to index
        %parallel_loop3A_1050 = arith.constant 352 : index
        %parallel_loop3A_1051 = tpu.vector_load %arg11[%parallel_loop3A_1049, %parallel_loop3A_1050] {strides = array<i32>} : memref<24x768xf32, #tpu.memory_space<vmem>>, vector<1x16xf32>,
        %parallel_loop3A_1052 = vector.shape_cast %parallel_loop3A_1051 : vector<1x16xf32> to vector<16xf32>
        %parallel_loop3A_1053 = vector.shape_cast %parallel_loop3A_1048 : vector<16xf32> to vector<1x16xf32>
        tpu.vector_store %arg11[%parallel_loop3A_1049, %parallel_loop3A_1050], %parallel_loop3A_1053 {add = true, strides = array<i32>} : memref<24x768xf32, #tpu.memory_space<vmem>>, vector<1x16xf32>,
        %parallel_loop3A_1054 = arith.index_cast %parallel_loop3A_846 : i32 to index
        %parallel_loop3A_1055 = arith.constant 368 : index
        %parallel_loop3A_1056 = tpu.vector_load %arg8[%parallel_loop3A_1054, %parallel_loop3A_1055] {strides = array<i32>} : memref<24x768xf32, #tpu.memory_space<vmem>>, vector<1x16xf32>,
        %parallel_loop3A_1057 = vector.shape_cast %parallel_loop3A_1056 : vector<1x16xf32> to vector<16xf32>
        %parallel_loop3A_1058 = arith.index_cast %parallel_loop3A_846 : i32 to index
        %parallel_loop3A_1059 = arith.constant 368 : index
        %parallel_loop3A_1060 = tpu.vector_load %arg11[%parallel_loop3A_1058, %parallel_loop3A_1059] {strides = array<i32>} : memref<24x768xf32, #tpu.memory_space<vmem>>, vector<1x16xf32>,
        %parallel_loop3A_1061 = vector.shape_cast %parallel_loop3A_1060 : vector<1x16xf32> to vector<16xf32>
        %parallel_loop3A_1062 = vector.shape_cast %parallel_loop3A_1057 : vector<16xf32> to vector<1x16xf32>
        tpu.vector_store %arg11[%parallel_loop3A_1058, %parallel_loop3A_1059], %parallel_loop3A_1062 {add = true, strides = array<i32>} : memref<24x768xf32, #tpu.memory_space<vmem>>, vector<1x16xf32>,
        %parallel_loop3A_1063 = arith.index_cast %parallel_loop3A_846 : i32 to index
        %parallel_loop3A_1064 = arith.constant 384 : index
        %parallel_loop3A_1065 = tpu.vector_load %arg8[%parallel_loop3A_1063, %parallel_loop3A_1064] {strides = array<i32>} : memref<24x768xf32, #tpu.memory_space<vmem>>, vector<1x16xf32>,
        %parallel_loop3A_1066 = vector.shape_cast %parallel_loop3A_1065 : vector<1x16xf32> to vector<16xf32>
        %parallel_loop3A_1067 = arith.index_cast %parallel_loop3A_846 : i32 to index
        %parallel_loop3A_1068 = arith.constant 384 : index
        %parallel_loop3A_1069 = tpu.vector_load %arg11[%parallel_loop3A_1067, %parallel_loop3A_1068] {strides = array<i32>} : memref<24x768xf32, #tpu.memory_space<vmem>>, vector<1x16xf32>,
        %parallel_loop3A_1070 = vector.shape_cast %parallel_loop3A_1069 : vector<1x16xf32> to vector<16xf32>
        %parallel_loop3A_1071 = vector.shape_cast %parallel_loop3A_1066 : vector<16xf32> to vector<1x16xf32>
        tpu.vector_store %arg11[%parallel_loop3A_1067, %parallel_loop3A_1068], %parallel_loop3A_1071 {add = true, strides = array<i32>} : memref<24x768xf32, #tpu.memory_space<vmem>>, vector<1x16xf32>,
        %parallel_loop3A_1072 = arith.index_cast %parallel_loop3A_846 : i32 to index
        %parallel_loop3A_1073 = arith.constant 400 : index
        %parallel_loop3A_1074 = tpu.vector_load %arg8[%parallel_loop3A_1072, %parallel_loop3A_1073] {strides = array<i32>} : memref<24x768xf32, #tpu.memory_space<vmem>>, vector<1x16xf32>,
        %parallel_loop3A_1075 = vector.shape_cast %parallel_loop3A_1074 : vector<1x16xf32> to vector<16xf32>
        %parallel_loop3A_1076 = arith.index_cast %parallel_loop3A_846 : i32 to index
        %parallel_loop3A_1077 = arith.constant 400 : index
        %parallel_loop3A_1078 = tpu.vector_load %arg11[%parallel_loop3A_1076, %parallel_loop3A_1077] {strides = array<i32>} : memref<24x768xf32, #tpu.memory_space<vmem>>, vector<1x16xf32>,
        %parallel_loop3A_1079 = vector.shape_cast %parallel_loop3A_1078 : vector<1x16xf32> to vector<16xf32>
        %parallel_loop3A_1080 = vector.shape_cast %parallel_loop3A_1075 : vector<16xf32> to vector<1x16xf32>
        tpu.vector_store %arg11[%parallel_loop3A_1076, %parallel_loop3A_1077], %parallel_loop3A_1080 {add = true, strides = array<i32>} : memref<24x768xf32, #tpu.memory_space<vmem>>, vector<1x16xf32>,
        %parallel_loop3A_1081 = arith.index_cast %parallel_loop3A_846 : i32 to index
        %parallel_loop3A_1082 = arith.constant 416 : index
        %parallel_loop3A_1083 = tpu.vector_load %arg8[%parallel_loop3A_1081, %parallel_loop3A_1082] {strides = array<i32>} : memref<24x768xf32, #tpu.memory_space<vmem>>, vector<1x16xf32>,
        %parallel_loop3A_1084 = vector.shape_cast %parallel_loop3A_1083 : vector<1x16xf32> to vector<16xf32>
        %parallel_loop3A_1085 = arith.index_cast %parallel_loop3A_846 : i32 to index
        %parallel_loop3A_1086 = arith.constant 416 : index
        %parallel_loop3A_1087 = tpu.vector_load %arg11[%parallel_loop3A_1085, %parallel_loop3A_1086] {strides = array<i32>} : memref<24x768xf32, #tpu.memory_space<vmem>>, vector<1x16xf32>,
        %parallel_loop3A_1088 = vector.shape_cast %parallel_loop3A_1087 : vector<1x16xf32> to vector<16xf32>
        %parallel_loop3A_1089 = vector.shape_cast %parallel_loop3A_1084 : vector<16xf32> to vector<1x16xf32>
        tpu.vector_store %arg11[%parallel_loop3A_1085, %parallel_loop3A_1086], %parallel_loop3A_1089 {add = true, strides = array<i32>} : memref<24x768xf32, #tpu.memory_space<vmem>>, vector<1x16xf32>,
        %parallel_loop3A_1090 = arith.index_cast %parallel_loop3A_846 : i32 to index
        %parallel_loop3A_1091 = arith.constant 432 : index
        %parallel_loop3A_1092 = tpu.vector_load %arg8[%parallel_loop3A_1090, %parallel_loop3A_1091] {strides = array<i32>} : memref<24x768xf32, #tpu.memory_space<vmem>>, vector<1x16xf32>,
        %parallel_loop3A_1093 = vector.shape_cast %parallel_loop3A_1092 : vector<1x16xf32> to vector<16xf32>
        %parallel_loop3A_1094 = arith.index_cast %parallel_loop3A_846 : i32 to index
        %parallel_loop3A_1095 = arith.constant 432 : index
        %parallel_loop3A_1096 = tpu.vector_load %arg11[%parallel_loop3A_1094, %parallel_loop3A_1095] {strides = array<i32>} : memref<24x768xf32, #tpu.memory_space<vmem>>, vector<1x16xf32>,
        %parallel_loop3A_1097 = vector.shape_cast %parallel_loop3A_1096 : vector<1x16xf32> to vector<16xf32>
        %parallel_loop3A_1098 = vector.shape_cast %parallel_loop3A_1093 : vector<16xf32> to vector<1x16xf32>
        tpu.vector_store %arg11[%parallel_loop3A_1094, %parallel_loop3A_1095], %parallel_loop3A_1098 {add = true, strides = array<i32>} : memref<24x768xf32, #tpu.memory_space<vmem>>, vector<1x16xf32>,
        %parallel_loop3A_1099 = arith.index_cast %parallel_loop3A_846 : i32 to index
        %parallel_loop3A_1100 = arith.constant 448 : index
        %parallel_loop3A_1101 = tpu.vector_load %arg8[%parallel_loop3A_1099, %parallel_loop3A_1100] {strides = array<i32>} : memref<24x768xf32, #tpu.memory_space<vmem>>, vector<1x16xf32>,
        %parallel_loop3A_1102 = vector.shape_cast %parallel_loop3A_1101 : vector<1x16xf32> to vector<16xf32>
        %parallel_loop3A_1103 = arith.index_cast %parallel_loop3A_846 : i32 to index
        %parallel_loop3A_1104 = arith.constant 448 : index
        %parallel_loop3A_1105 = tpu.vector_load %arg11[%parallel_loop3A_1103, %parallel_loop3A_1104] {strides = array<i32>} : memref<24x768xf32, #tpu.memory_space<vmem>>, vector<1x16xf32>,
        %parallel_loop3A_1106 = vector.shape_cast %parallel_loop3A_1105 : vector<1x16xf32> to vector<16xf32>
        %parallel_loop3A_1107 = vector.shape_cast %parallel_loop3A_1102 : vector<16xf32> to vector<1x16xf32>
        tpu.vector_store %arg11[%parallel_loop3A_1103, %parallel_loop3A_1104], %parallel_loop3A_1107 {add = true, strides = array<i32>} : memref<24x768xf32, #tpu.memory_space<vmem>>, vector<1x16xf32>,
        %parallel_loop3A_1108 = arith.index_cast %parallel_loop3A_846 : i32 to index
        %parallel_loop3A_1109 = arith.constant 464 : index
        %parallel_loop3A_1110 = tpu.vector_load %arg8[%parallel_loop3A_1108, %parallel_loop3A_1109] {strides = array<i32>} : memref<24x768xf32, #tpu.memory_space<vmem>>, vector<1x16xf32>,
        %parallel_loop3A_1111 = vector.shape_cast %parallel_loop3A_1110 : vector<1x16xf32> to vector<16xf32>
        %parallel_loop3A_1112 = arith.index_cast %parallel_loop3A_846 : i32 to index
        %parallel_loop3A_1113 = arith.constant 464 : index
        %parallel_loop3A_1114 = tpu.vector_load %arg11[%parallel_loop3A_1112, %parallel_loop3A_1113] {strides = array<i32>} : memref<24x768xf32, #tpu.memory_space<vmem>>, vector<1x16xf32>,
        %parallel_loop3A_1115 = vector.shape_cast %parallel_loop3A_1114 : vector<1x16xf32> to vector<16xf32>
        %parallel_loop3A_1116 = vector.shape_cast %parallel_loop3A_1111 : vector<16xf32> to vector<1x16xf32>
        tpu.vector_store %arg11[%parallel_loop3A_1112, %parallel_loop3A_1113], %parallel_loop3A_1116 {add = true, strides = array<i32>} : memref<24x768xf32, #tpu.memory_space<vmem>>, vector<1x16xf32>,
        %parallel_loop3A_1117 = arith.index_cast %parallel_loop3A_846 : i32 to index
        %parallel_loop3A_1118 = arith.constant 480 : index
        %parallel_loop3A_1119 = tpu.vector_load %arg8[%parallel_loop3A_1117, %parallel_loop3A_1118] {strides = array<i32>} : memref<24x768xf32, #tpu.memory_space<vmem>>, vector<1x16xf32>,
        %parallel_loop3A_1120 = vector.shape_cast %parallel_loop3A_1119 : vector<1x16xf32> to vector<16xf32>
        %parallel_loop3A_1121 = arith.index_cast %parallel_loop3A_846 : i32 to index
        %parallel_loop3A_1122 = arith.constant 480 : index
        %parallel_loop3A_1123 = tpu.vector_load %arg11[%parallel_loop3A_1121, %parallel_loop3A_1122] {strides = array<i32>} : memref<24x768xf32, #tpu.memory_space<vmem>>, vector<1x16xf32>,
        %parallel_loop3A_1124 = vector.shape_cast %parallel_loop3A_1123 : vector<1x16xf32> to vector<16xf32>
        %parallel_loop3A_1125 = vector.shape_cast %parallel_loop3A_1120 : vector<16xf32> to vector<1x16xf32>
        tpu.vector_store %arg11[%parallel_loop3A_1121, %parallel_loop3A_1122], %parallel_loop3A_1125 {add = true, strides = array<i32>} : memref<24x768xf32, #tpu.memory_space<vmem>>, vector<1x16xf32>,
        %parallel_loop3A_1126 = arith.index_cast %parallel_loop3A_846 : i32 to index
        %parallel_loop3A_1127 = arith.constant 496 : index
        %parallel_loop3A_1128 = tpu.vector_load %arg8[%parallel_loop3A_1126, %parallel_loop3A_1127] {strides = array<i32>} : memref<24x768xf32, #tpu.memory_space<vmem>>, vector<1x16xf32>,
        %parallel_loop3A_1129 = vector.shape_cast %parallel_loop3A_1128 : vector<1x16xf32> to vector<16xf32>
        %parallel_loop3A_1130 = arith.index_cast %parallel_loop3A_846 : i32 to index
        %parallel_loop3A_1131 = arith.constant 496 : index
        %parallel_loop3A_1132 = tpu.vector_load %arg11[%parallel_loop3A_1130, %parallel_loop3A_1131] {strides = array<i32>} : memref<24x768xf32, #tpu.memory_space<vmem>>, vector<1x16xf32>,
        %parallel_loop3A_1133 = vector.shape_cast %parallel_loop3A_1132 : vector<1x16xf32> to vector<16xf32>
        %parallel_loop3A_1134 = vector.shape_cast %parallel_loop3A_1129 : vector<16xf32> to vector<1x16xf32>
        tpu.vector_store %arg11[%parallel_loop3A_1130, %parallel_loop3A_1131], %parallel_loop3A_1134 {add = true, strides = array<i32>} : memref<24x768xf32, #tpu.memory_space<vmem>>, vector<1x16xf32>,
        %parallel_loop3A_1135 = arith.index_cast %parallel_loop3A_846 : i32 to index
        %parallel_loop3A_1136 = arith.constant 512 : index
        %parallel_loop3A_1137 = tpu.vector_load %arg8[%parallel_loop3A_1135, %parallel_loop3A_1136] {strides = array<i32>} : memref<24x768xf32, #tpu.memory_space<vmem>>, vector<1x16xf32>,
        %parallel_loop3A_1138 = vector.shape_cast %parallel_loop3A_1137 : vector<1x16xf32> to vector<16xf32>
        %parallel_loop3A_1139 = arith.index_cast %parallel_loop3A_846 : i32 to index
        %parallel_loop3A_1140 = arith.constant 512 : index
        %parallel_loop3A_1141 = tpu.vector_load %arg11[%parallel_loop3A_1139, %parallel_loop3A_1140] {strides = array<i32>} : memref<24x768xf32, #tpu.memory_space<vmem>>, vector<1x16xf32>,
        %parallel_loop3A_1142 = vector.shape_cast %parallel_loop3A_1141 : vector<1x16xf32> to vector<16xf32>
        %parallel_loop3A_1143 = vector.shape_cast %parallel_loop3A_1138 : vector<16xf32> to vector<1x16xf32>
        tpu.vector_store %arg11[%parallel_loop3A_1139, %parallel_loop3A_1140], %parallel_loop3A_1143 {add = true, strides = array<i32>} : memref<24x768xf32, #tpu.memory_space<vmem>>, vector<1x16xf32>,
        %parallel_loop3A_1144 = arith.index_cast %parallel_loop3A_846 : i32 to index
        %parallel_loop3A_1145 = arith.constant 528 : index
        %parallel_loop3A_1146 = tpu.vector_load %arg8[%parallel_loop3A_1144, %parallel_loop3A_1145] {strides = array<i32>} : memref<24x768xf32, #tpu.memory_space<vmem>>, vector<1x16xf32>,
        %parallel_loop3A_1147 = vector.shape_cast %parallel_loop3A_1146 : vector<1x16xf32> to vector<16xf32>
        %parallel_loop3A_1148 = arith.index_cast %parallel_loop3A_846 : i32 to index
        %parallel_loop3A_1149 = arith.constant 528 : index
        %parallel_loop3A_1150 = tpu.vector_load %arg11[%parallel_loop3A_1148, %parallel_loop3A_1149] {strides = array<i32>} : memref<24x768xf32, #tpu.memory_space<vmem>>, vector<1x16xf32>,
        %parallel_loop3A_1151 = vector.shape_cast %parallel_loop3A_1150 : vector<1x16xf32> to vector<16xf32>
        %parallel_loop3A_1152 = vector.shape_cast %parallel_loop3A_1147 : vector<16xf32> to vector<1x16xf32>
        tpu.vector_store %arg11[%parallel_loop3A_1148, %parallel_loop3A_1149], %parallel_loop3A_1152 {add = true, strides = array<i32>} : memref<24x768xf32, #tpu.memory_space<vmem>>, vector<1x16xf32>,
        %parallel_loop3A_1153 = arith.index_cast %parallel_loop3A_846 : i32 to index
        %parallel_loop3A_1154 = arith.constant 544 : index
        %parallel_loop3A_1155 = tpu.vector_load %arg8[%parallel_loop3A_1153, %parallel_loop3A_1154] {strides = array<i32>} : memref<24x768xf32, #tpu.memory_space<vmem>>, vector<1x16xf32>,
        %parallel_loop3A_1156 = vector.shape_cast %parallel_loop3A_1155 : vector<1x16xf32> to vector<16xf32>
        %parallel_loop3A_1157 = arith.index_cast %parallel_loop3A_846 : i32 to index
        %parallel_loop3A_1158 = arith.constant 544 : index
        %parallel_loop3A_1159 = tpu.vector_load %arg11[%parallel_loop3A_1157, %parallel_loop3A_1158] {strides = array<i32>} : memref<24x768xf32, #tpu.memory_space<vmem>>, vector<1x16xf32>,
        %parallel_loop3A_1160 = vector.shape_cast %parallel_loop3A_1159 : vector<1x16xf32> to vector<16xf32>
        %parallel_loop3A_1161 = vector.shape_cast %parallel_loop3A_1156 : vector<16xf32> to vector<1x16xf32>
        tpu.vector_store %arg11[%parallel_loop3A_1157, %parallel_loop3A_1158], %parallel_loop3A_1161 {add = true, strides = array<i32>} : memref<24x768xf32, #tpu.memory_space<vmem>>, vector<1x16xf32>,
        %parallel_loop3A_1162 = arith.index_cast %parallel_loop3A_846 : i32 to index
        %parallel_loop3A_1163 = arith.constant 560 : index
        %parallel_loop3A_1164 = tpu.vector_load %arg8[%parallel_loop3A_1162, %parallel_loop3A_1163] {strides = array<i32>} : memref<24x768xf32, #tpu.memory_space<vmem>>, vector<1x16xf32>,
        %parallel_loop3A_1165 = vector.shape_cast %parallel_loop3A_1164 : vector<1x16xf32> to vector<16xf32>
        %parallel_loop3A_1166 = arith.index_cast %parallel_loop3A_846 : i32 to index
        %parallel_loop3A_1167 = arith.constant 560 : index
        %parallel_loop3A_1168 = tpu.vector_load %arg11[%parallel_loop3A_1166, %parallel_loop3A_1167] {strides = array<i32>} : memref<24x768xf32, #tpu.memory_space<vmem>>, vector<1x16xf32>,
        %parallel_loop3A_1169 = vector.shape_cast %parallel_loop3A_1168 : vector<1x16xf32> to vector<16xf32>
        %parallel_loop3A_1170 = vector.shape_cast %parallel_loop3A_1165 : vector<16xf32> to vector<1x16xf32>
        tpu.vector_store %arg11[%parallel_loop3A_1166, %parallel_loop3A_1167], %parallel_loop3A_1170 {add = true, strides = array<i32>} : memref<24x768xf32, #tpu.memory_space<vmem>>, vector<1x16xf32>,
        %parallel_loop3A_1171 = arith.index_cast %parallel_loop3A_846 : i32 to index
        %parallel_loop3A_1172 = arith.constant 576 : index
        %parallel_loop3A_1173 = tpu.vector_load %arg8[%parallel_loop3A_1171, %parallel_loop3A_1172] {strides = array<i32>} : memref<24x768xf32, #tpu.memory_space<vmem>>, vector<1x16xf32>,
        %parallel_loop3A_1174 = vector.shape_cast %parallel_loop3A_1173 : vector<1x16xf32> to vector<16xf32>
        %parallel_loop3A_1175 = arith.index_cast %parallel_loop3A_846 : i32 to index
        %parallel_loop3A_1176 = arith.constant 576 : index
        %parallel_loop3A_1177 = tpu.vector_load %arg11[%parallel_loop3A_1175, %parallel_loop3A_1176] {strides = array<i32>} : memref<24x768xf32, #tpu.memory_space<vmem>>, vector<1x16xf32>,
        %parallel_loop3A_1178 = vector.shape_cast %parallel_loop3A_1177 : vector<1x16xf32> to vector<16xf32>
        %parallel_loop3A_1179 = vector.shape_cast %parallel_loop3A_1174 : vector<16xf32> to vector<1x16xf32>
        tpu.vector_store %arg11[%parallel_loop3A_1175, %parallel_loop3A_1176], %parallel_loop3A_1179 {add = true, strides = array<i32>} : memref<24x768xf32, #tpu.memory_space<vmem>>, vector<1x16xf32>,
        %parallel_loop3A_1180 = arith.index_cast %parallel_loop3A_846 : i32 to index
        %parallel_loop3A_1181 = arith.constant 592 : index
        %parallel_loop3A_1182 = tpu.vector_load %arg8[%parallel_loop3A_1180, %parallel_loop3A_1181] {strides = array<i32>} : memref<24x768xf32, #tpu.memory_space<vmem>>, vector<1x16xf32>,
        %parallel_loop3A_1183 = vector.shape_cast %parallel_loop3A_1182 : vector<1x16xf32> to vector<16xf32>
        %parallel_loop3A_1184 = arith.index_cast %parallel_loop3A_846 : i32 to index
        %parallel_loop3A_1185 = arith.constant 592 : index
        %parallel_loop3A_1186 = tpu.vector_load %arg11[%parallel_loop3A_1184, %parallel_loop3A_1185] {strides = array<i32>} : memref<24x768xf32, #tpu.memory_space<vmem>>, vector<1x16xf32>,
        %parallel_loop3A_1187 = vector.shape_cast %parallel_loop3A_1186 : vector<1x16xf32> to vector<16xf32>
        %parallel_loop3A_1188 = vector.shape_cast %parallel_loop3A_1183 : vector<16xf32> to vector<1x16xf32>
        tpu.vector_store %arg11[%parallel_loop3A_1184, %parallel_loop3A_1185], %parallel_loop3A_1188 {add = true, strides = array<i32>} : memref<24x768xf32, #tpu.memory_space<vmem>>, vector<1x16xf32>,
        %parallel_loop3A_1189 = arith.index_cast %parallel_loop3A_846 : i32 to index
        %parallel_loop3A_1190 = arith.constant 608 : index
        %parallel_loop3A_1191 = tpu.vector_load %arg8[%parallel_loop3A_1189, %parallel_loop3A_1190] {strides = array<i32>} : memref<24x768xf32, #tpu.memory_space<vmem>>, vector<1x16xf32>,
        %parallel_loop3A_1192 = vector.shape_cast %parallel_loop3A_1191 : vector<1x16xf32> to vector<16xf32>
        %parallel_loop3A_1193 = arith.index_cast %parallel_loop3A_846 : i32 to index
        %parallel_loop3A_1194 = arith.constant 608 : index
        %parallel_loop3A_1195 = tpu.vector_load %arg11[%parallel_loop3A_1193, %parallel_loop3A_1194] {strides = array<i32>} : memref<24x768xf32, #tpu.memory_space<vmem>>, vector<1x16xf32>,
        %parallel_loop3A_1196 = vector.shape_cast %parallel_loop3A_1195 : vector<1x16xf32> to vector<16xf32>
        %parallel_loop3A_1197 = vector.shape_cast %parallel_loop3A_1192 : vector<16xf32> to vector<1x16xf32>
        tpu.vector_store %arg11[%parallel_loop3A_1193, %parallel_loop3A_1194], %parallel_loop3A_1197 {add = true, strides = array<i32>} : memref<24x768xf32, #tpu.memory_space<vmem>>, vector<1x16xf32>,
        %parallel_loop3A_1198 = arith.index_cast %parallel_loop3A_846 : i32 to index
        %parallel_loop3A_1199 = arith.constant 624 : index
        %parallel_loop3A_1200 = tpu.vector_load %arg8[%parallel_loop3A_1198, %parallel_loop3A_1199] {strides = array<i32>} : memref<24x768xf32, #tpu.memory_space<vmem>>, vector<1x16xf32>,
        %parallel_loop3A_1201 = vector.shape_cast %parallel_loop3A_1200 : vector<1x16xf32> to vector<16xf32>
        %parallel_loop3A_1202 = arith.index_cast %parallel_loop3A_846 : i32 to index
        %parallel_loop3A_1203 = arith.constant 624 : index
        %parallel_loop3A_1204 = tpu.vector_load %arg11[%parallel_loop3A_1202, %parallel_loop3A_1203] {strides = array<i32>} : memref<24x768xf32, #tpu.memory_space<vmem>>, vector<1x16xf32>,
        %parallel_loop3A_1205 = vector.shape_cast %parallel_loop3A_1204 : vector<1x16xf32> to vector<16xf32>
        %parallel_loop3A_1206 = vector.shape_cast %parallel_loop3A_1201 : vector<16xf32> to vector<1x16xf32>
        tpu.vector_store %arg11[%parallel_loop3A_1202, %parallel_loop3A_1203], %parallel_loop3A_1206 {add = true, strides = array<i32>} : memref<24x768xf32, #tpu.memory_space<vmem>>, vector<1x16xf32>,
        %parallel_loop3A_1207 = arith.index_cast %parallel_loop3A_846 : i32 to index
        %parallel_loop3A_1208 = arith.constant 640 : index
        %parallel_loop3A_1209 = tpu.vector_load %arg8[%parallel_loop3A_1207, %parallel_loop3A_1208] {strides = array<i32>} : memref<24x768xf32, #tpu.memory_space<vmem>>, vector<1x16xf32>,
        %parallel_loop3A_1210 = vector.shape_cast %parallel_loop3A_1209 : vector<1x16xf32> to vector<16xf32>
        %parallel_loop3A_1211 = arith.index_cast %parallel_loop3A_846 : i32 to index
        %parallel_loop3A_1212 = arith.constant 640 : index
        %parallel_loop3A_1213 = tpu.vector_load %arg11[%parallel_loop3A_1211, %parallel_loop3A_1212] {strides = array<i32>} : memref<24x768xf32, #tpu.memory_space<vmem>>, vector<1x16xf32>,
        %parallel_loop3A_1214 = vector.shape_cast %parallel_loop3A_1213 : vector<1x16xf32> to vector<16xf32>
        %parallel_loop3A_1215 = vector.shape_cast %parallel_loop3A_1210 : vector<16xf32> to vector<1x16xf32>
        tpu.vector_store %arg11[%parallel_loop3A_1211, %parallel_loop3A_1212], %parallel_loop3A_1215 {add = true, strides = array<i32>} : memref<24x768xf32, #tpu.memory_space<vmem>>, vector<1x16xf32>,
        %parallel_loop3A_1216 = arith.index_cast %parallel_loop3A_846 : i32 to index
        %parallel_loop3A_1217 = arith.constant 656 : index
        %parallel_loop3A_1218 = tpu.vector_load %arg8[%parallel_loop3A_1216, %parallel_loop3A_1217] {strides = array<i32>} : memref<24x768xf32, #tpu.memory_space<vmem>>, vector<1x16xf32>,
        %parallel_loop3A_1219 = vector.shape_cast %parallel_loop3A_1218 : vector<1x16xf32> to vector<16xf32>
        %parallel_loop3A_1220 = arith.index_cast %parallel_loop3A_846 : i32 to index
        %parallel_loop3A_1221 = arith.constant 656 : index
        %parallel_loop3A_1222 = tpu.vector_load %arg11[%parallel_loop3A_1220, %parallel_loop3A_1221] {strides = array<i32>} : memref<24x768xf32, #tpu.memory_space<vmem>>, vector<1x16xf32>,
        %parallel_loop3A_1223 = vector.shape_cast %parallel_loop3A_1222 : vector<1x16xf32> to vector<16xf32>
        %parallel_loop3A_1224 = vector.shape_cast %parallel_loop3A_1219 : vector<16xf32> to vector<1x16xf32>
        tpu.vector_store %arg11[%parallel_loop3A_1220, %parallel_loop3A_1221], %parallel_loop3A_1224 {add = true, strides = array<i32>} : memref<24x768xf32, #tpu.memory_space<vmem>>, vector<1x16xf32>,
        %parallel_loop3A_1225 = arith.index_cast %parallel_loop3A_846 : i32 to index
        %parallel_loop3A_1226 = arith.constant 672 : index
        %parallel_loop3A_1227 = tpu.vector_load %arg8[%parallel_loop3A_1225, %parallel_loop3A_1226] {strides = array<i32>} : memref<24x768xf32, #tpu.memory_space<vmem>>, vector<1x16xf32>,
        %parallel_loop3A_1228 = vector.shape_cast %parallel_loop3A_1227 : vector<1x16xf32> to vector<16xf32>
        %parallel_loop3A_1229 = arith.index_cast %parallel_loop3A_846 : i32 to index
        %parallel_loop3A_1230 = arith.constant 672 : index
        %parallel_loop3A_1231 = tpu.vector_load %arg11[%parallel_loop3A_1229, %parallel_loop3A_1230] {strides = array<i32>} : memref<24x768xf32, #tpu.memory_space<vmem>>, vector<1x16xf32>,
        %parallel_loop3A_1232 = vector.shape_cast %parallel_loop3A_1231 : vector<1x16xf32> to vector<16xf32>
        %parallel_loop3A_1233 = vector.shape_cast %parallel_loop3A_1228 : vector<16xf32> to vector<1x16xf32>
        tpu.vector_store %arg11[%parallel_loop3A_1229, %parallel_loop3A_1230], %parallel_loop3A_1233 {add = true, strides = array<i32>} : memref<24x768xf32, #tpu.memory_space<vmem>>, vector<1x16xf32>,
        %parallel_loop3A_1234 = arith.index_cast %parallel_loop3A_846 : i32 to index
        %parallel_loop3A_1235 = arith.constant 688 : index
        %parallel_loop3A_1236 = tpu.vector_load %arg8[%parallel_loop3A_1234, %parallel_loop3A_1235] {strides = array<i32>} : memref<24x768xf32, #tpu.memory_space<vmem>>, vector<1x16xf32>,
        %parallel_loop3A_1237 = vector.shape_cast %parallel_loop3A_1236 : vector<1x16xf32> to vector<16xf32>
        %parallel_loop3A_1238 = arith.index_cast %parallel_loop3A_846 : i32 to index
        %parallel_loop3A_1239 = arith.constant 688 : index
        %parallel_loop3A_1240 = tpu.vector_load %arg11[%parallel_loop3A_1238, %parallel_loop3A_1239] {strides = array<i32>} : memref<24x768xf32, #tpu.memory_space<vmem>>, vector<1x16xf32>,
        %parallel_loop3A_1241 = vector.shape_cast %parallel_loop3A_1240 : vector<1x16xf32> to vector<16xf32>
        %parallel_loop3A_1242 = vector.shape_cast %parallel_loop3A_1237 : vector<16xf32> to vector<1x16xf32>
        tpu.vector_store %arg11[%parallel_loop3A_1238, %parallel_loop3A_1239], %parallel_loop3A_1242 {add = true, strides = array<i32>} : memref<24x768xf32, #tpu.memory_space<vmem>>, vector<1x16xf32>,
        %parallel_loop3A_1243 = arith.index_cast %parallel_loop3A_846 : i32 to index
        %parallel_loop3A_1244 = arith.constant 704 : index
        %parallel_loop3A_1245 = tpu.vector_load %arg8[%parallel_loop3A_1243, %parallel_loop3A_1244] {strides = array<i32>} : memref<24x768xf32, #tpu.memory_space<vmem>>, vector<1x16xf32>,
        %parallel_loop3A_1246 = vector.shape_cast %parallel_loop3A_1245 : vector<1x16xf32> to vector<16xf32>
        %parallel_loop3A_1247 = arith.index_cast %parallel_loop3A_846 : i32 to index
        %parallel_loop3A_1248 = arith.constant 704 : index
        %parallel_loop3A_1249 = tpu.vector_load %arg11[%parallel_loop3A_1247, %parallel_loop3A_1248] {strides = array<i32>} : memref<24x768xf32, #tpu.memory_space<vmem>>, vector<1x16xf32>,
        %parallel_loop3A_1250 = vector.shape_cast %parallel_loop3A_1249 : vector<1x16xf32> to vector<16xf32>
        %parallel_loop3A_1251 = vector.shape_cast %parallel_loop3A_1246 : vector<16xf32> to vector<1x16xf32>
        tpu.vector_store %arg11[%parallel_loop3A_1247, %parallel_loop3A_1248], %parallel_loop3A_1251 {add = true, strides = array<i32>} : memref<24x768xf32, #tpu.memory_space<vmem>>, vector<1x16xf32>,
        %parallel_loop3A_1252 = arith.index_cast %parallel_loop3A_846 : i32 to index
        %parallel_loop3A_1253 = arith.constant 720 : index
        %parallel_loop3A_1254 = tpu.vector_load %arg8[%parallel_loop3A_1252, %parallel_loop3A_1253] {strides = array<i32>} : memref<24x768xf32, #tpu.memory_space<vmem>>, vector<1x16xf32>,
        %parallel_loop3A_1255 = vector.shape_cast %parallel_loop3A_1254 : vector<1x16xf32> to vector<16xf32>
        %parallel_loop3A_1256 = arith.index_cast %parallel_loop3A_846 : i32 to index
        %parallel_loop3A_1257 = arith.constant 720 : index
        %parallel_loop3A_1258 = tpu.vector_load %arg11[%parallel_loop3A_1256, %parallel_loop3A_1257] {strides = array<i32>} : memref<24x768xf32, #tpu.memory_space<vmem>>, vector<1x16xf32>,
        %parallel_loop3A_1259 = vector.shape_cast %parallel_loop3A_1258 : vector<1x16xf32> to vector<16xf32>
        %parallel_loop3A_1260 = vector.shape_cast %parallel_loop3A_1255 : vector<16xf32> to vector<1x16xf32>
        tpu.vector_store %arg11[%parallel_loop3A_1256, %parallel_loop3A_1257], %parallel_loop3A_1260 {add = true, strides = array<i32>} : memref<24x768xf32, #tpu.memory_space<vmem>>, vector<1x16xf32>,
        %parallel_loop3A_1261 = arith.index_cast %parallel_loop3A_846 : i32 to index
        %parallel_loop3A_1262 = arith.constant 736 : index
        %parallel_loop3A_1263 = tpu.vector_load %arg8[%parallel_loop3A_1261, %parallel_loop3A_1262] {strides = array<i32>} : memref<24x768xf32, #tpu.memory_space<vmem>>, vector<1x16xf32>,
        %parallel_loop3A_1264 = vector.shape_cast %parallel_loop3A_1263 : vector<1x16xf32> to vector<16xf32>
        %parallel_loop3A_1265 = arith.index_cast %parallel_loop3A_846 : i32 to index
        %parallel_loop3A_1266 = arith.constant 736 : index
        %parallel_loop3A_1267 = tpu.vector_load %arg11[%parallel_loop3A_1265, %parallel_loop3A_1266] {strides = array<i32>} : memref<24x768xf32, #tpu.memory_space<vmem>>, vector<1x16xf32>,
        %parallel_loop3A_1268 = vector.shape_cast %parallel_loop3A_1267 : vector<1x16xf32> to vector<16xf32>
        %parallel_loop3A_1269 = vector.shape_cast %parallel_loop3A_1264 : vector<16xf32> to vector<1x16xf32>
        tpu.vector_store %arg11[%parallel_loop3A_1265, %parallel_loop3A_1266], %parallel_loop3A_1269 {add = true, strides = array<i32>} : memref<24x768xf32, #tpu.memory_space<vmem>>, vector<1x16xf32>,
        %parallel_loop3A_1270 = arith.index_cast %parallel_loop3A_846 : i32 to index
        %parallel_loop3A_1271 = arith.constant 752 : index
        %parallel_loop3A_1272 = tpu.vector_load %arg8[%parallel_loop3A_1270, %parallel_loop3A_1271] {strides = array<i32>} : memref<24x768xf32, #tpu.memory_space<vmem>>, vector<1x16xf32>,
        %parallel_loop3A_1273 = vector.shape_cast %parallel_loop3A_1272 : vector<1x16xf32> to vector<16xf32>
        %parallel_loop3A_1274 = arith.index_cast %parallel_loop3A_846 : i32 to index
        %parallel_loop3A_1275 = arith.constant 752 : index
        %parallel_loop3A_1276 = tpu.vector_load %arg11[%parallel_loop3A_1274, %parallel_loop3A_1275] {strides = array<i32>} : memref<24x768xf32, #tpu.memory_space<vmem>>, vector<1x16xf32>,
        %parallel_loop3A_1277 = vector.shape_cast %parallel_loop3A_1276 : vector<1x16xf32> to vector<16xf32>
        %parallel_loop3A_1278 = vector.shape_cast %parallel_loop3A_1273 : vector<16xf32> to vector<1x16xf32>
        tpu.vector_store %arg11[%parallel_loop3A_1274, %parallel_loop3A_1275], %parallel_loop3A_1278 {add = true, strides = array<i32>} : memref<24x768xf32, #tpu.memory_space<vmem>>, vector<1x16xf32>,
      } {sc.loop_unroll_factor = 2 : i64, sc.parallel_access}
      %mul3A_810 = arith.constant 24 : i32
      %mul3A_811 = arith.muli %add3A_798, %mul3A_810 : i32
      %add3A_812 = arith.addi %mul3A_2, %mul3A_811 : i32
      %dma_start3A_813 = arith.constant 0 : i32
      %dma_start3A_814 = tpu.memref_slice %arg5[%add3A_812, %dma_start3A_813] : memref<36864x768xf32, #tpu.memory_space<hbm>> -> memref<24x768xf32, #tpu.memory_space<hbm>>
      %dma_start3A_815 = arith.constant 0 : i32
      %dma_start3A_816 = tpu.memref_slice %arg5[%add3A_812, %dma_start3A_815] : memref<36864x768xf32, #tpu.memory_space<hbm>> -> memref<24x768xf32, #tpu.memory_space<hbm>>
      tpu.enqueue_dma source(%arg11 : memref<24x768xf32, #tpu.memory_space<vmem>>) target(%dma_start3A_816 : memref<24x768xf32, #tpu.memory_space<hbm>>) target_semaphore(%arg20 : memref<!tpu.dma_semaphore, #tpu.memory_space<semaphore_mem>>)
      %lt3A = arith.constant 15 : i32
      %lt3A_817 = arith.cmpi slt, %scan3A_758, %lt3A : i32
      %convert_element_type3A_818 = arith.extui %lt3A_817 : i1 to i32
      %cond3A_819 = arith.constant 0 : i32
      %cond3A_820 = arith.cmpi ne, %convert_element_type3A_818, %cond3A_819 : i32
      scf.if %cond3A_820 {
        %dma_wait3A_846 = arith.constant 0 : i32
        %dma_wait3A_847 = tpu.memref_slice %arg5[%mul3A_2, %dma_wait3A_846] : memref<36864x768xf32, #tpu.memory_space<hbm>> -> memref<24x768xf32, #tpu.memory_space<hbm>>
        %dma_wait3A_848 = arith.constant 0 : i32
        %dma_wait3A_849 = tpu.memref_slice %arg5[%mul3A_2, %dma_wait3A_848] : memref<36864x768xf32, #tpu.memory_space<hbm>> -> memref<24x768xf32, #tpu.memory_space<hbm>>
        tpu.wait_dma2 semaphore(%arg19 : memref<!tpu.dma_semaphore, #tpu.memory_space<semaphore_mem>>) src(%arg10 : memref<24x768xf32, #tpu.memory_space<vmem>>) dst(%dma_wait3A_849 : memref<24x768xf32, #tpu.memory_space<hbm>>)
        %add3A_850 = arith.constant 2 : i32
        %add3A_851 = arith.addi %add3A_798, %add3A_850 : i32
        %mul3A_852 = arith.constant 24 : i32
        %mul3A_853 = arith.muli %add3A_851, %mul3A_852 : i32
        %add3A_854 = arith.addi %mul3A_2, %mul3A_853 : i32
        %dma_start3A_855 = arith.constant 0 : i32
        %dma_start3A_856 = tpu.memref_slice %arg2[%add3A_854, %dma_start3A_855] : memref<36864x768xf32, #tpu.memory_space<hbm>> -> memref<24x768xf32, #tpu.memory_space<hbm>>
        %dma_start3A_857 = arith.constant 0 : i32
        %dma_start3A_858 = tpu.memref_slice %arg2[%add3A_854, %dma_start3A_857] : memref<36864x768xf32, #tpu.memory_space<hbm>> -> memref<24x768xf32, #tpu.memory_space<hbm>>
        tpu.enqueue_dma source(%dma_start3A_858 : memref<24x768xf32, #tpu.memory_space<hbm>>) target(%arg7 : memref<24x768xf32, #tpu.memory_space<vmem>>) target_semaphore(%arg13 : memref<!tpu.dma_semaphore, #tpu.memory_space<semaphore_mem>>)
        %mul3A_859 = arith.constant 24 : i32
        %mul3A_860 = arith.muli %add3A_851, %mul3A_859 : i32
        %dma_start3A_861 = tpu.memref_slice %arg6[%mul3A_860] : memref<1152xi32, #tpu.memory_space<vmem>> -> memref<24xi32, #tpu.memory_space<vmem>>
        %dma_start3A_862 = arith.constant 0 : i32
        %dma_start3A_863 = arith.constant 0 : i32
        %dma_start3A_864 = tpu.memref_slice %arg4[%dma_start3A_862, %dma_start3A_863] : memref<577x768xf32, #tpu.memory_space<hbm>> -> memref<577x768xf32, #tpu.memory_space<hbm>>
        tpu.enqueue_indirect_dma source(%dma_start3A_864 : memref<577x768xf32, #tpu.memory_space<hbm>>) target(%arg10 : memref<24x768xf32, #tpu.memory_space<vmem>>) offsets(%dma_start3A_861 : memref<24xi32, #tpu.memory_space<vmem>>) semaphore(%arg16 : memref<!tpu.dma_semaphore, #tpu.memory_space<semaphore_mem>>)
      } else {
      }
      %add3A_821 = arith.constant 2 : i32
      %add3A_822 = arith.addi %mul3A_760, %add3A_821 : i32
      %dma_wait3A_823 = arith.constant 0 : i32
      %dma_wait3A_824 = tpu.memref_slice %arg2[%mul3A_2, %dma_wait3A_823] : memref<36864x768xf32, #tpu.memory_space<hbm>> -> memref<24x768xf32, #tpu.memory_space<hbm>>
      %dma_wait3A_825 = arith.constant 0 : i32
      %dma_wait3A_826 = tpu.memref_slice %arg2[%mul3A_2, %dma_wait3A_825] : memref<36864x768xf32, #tpu.memory_space<hbm>> -> memref<24x768xf32, #tpu.memory_space<hbm>>
      tpu.wait_dma2 semaphore(%arg15 : memref<!tpu.dma_semaphore, #tpu.memory_space<semaphore_mem>>) src(%dma_wait3A_826 : memref<24x768xf32, #tpu.memory_space<hbm>>) dst(%arg9 : memref<24x768xf32, #tpu.memory_space<vmem>>)
      %dma_wait3A_827 = arith.constant 0 : i32
      %dma_wait3A_828 = tpu.memref_slice %arg2[%mul3A_2, %dma_wait3A_827] : memref<36864x768xf32, #tpu.memory_space<hbm>> -> memref<24x768xf32, #tpu.memory_space<hbm>>
      %dma_wait3A_829 = arith.constant 0 : i32
      %dma_wait3A_830 = tpu.memref_slice %arg2[%mul3A_2, %dma_wait3A_829] : memref<36864x768xf32, #tpu.memory_space<hbm>> -> memref<24x768xf32, #tpu.memory_space<hbm>>
      tpu.wait_dma2 semaphore(%arg18 : memref<!tpu.dma_semaphore, #tpu.memory_space<semaphore_mem>>) src(%dma_wait3A_830 : memref<24x768xf32, #tpu.memory_space<hbm>>) dst(%arg12 : memref<24x768xf32, #tpu.memory_space<vmem>>)
      %parallel_loop3A_831 = arith.constant 0 : i32
      %parallel_loop3A_832 = arith.constant 24 : i32
      %parallel_loop3A_833 = arith.constant 1 : i32
      scf.for %parallel_loop3A_846 = %parallel_loop3A_831 to %parallel_loop3A_832 step %parallel_loop3A_833  : i32 {
        %parallel_loop3A_847 = arith.index_cast %parallel_loop3A_846 : i32 to index
        %parallel_loop3A_848 = arith.constant 0 : index
        %parallel_loop3A_849 = tpu.vector_load %arg9[%parallel_loop3A_847, %parallel_loop3A_848] {strides = array<i32>} : memref<24x768xf32, #tpu.memory_space<vmem>>, vector<1x16xf32>,
        %parallel_loop3A_850 = vector.shape_cast %parallel_loop3A_849 : vector<1x16xf32> to vector<16xf32>
        %parallel_loop3A_851 = arith.index_cast %parallel_loop3A_846 : i32 to index
        %parallel_loop3A_852 = arith.constant 0 : index
        %parallel_loop3A_853 = tpu.vector_load %arg12[%parallel_loop3A_851, %parallel_loop3A_852] {strides = array<i32>} : memref<24x768xf32, #tpu.memory_space<vmem>>, vector<1x16xf32>,
        %parallel_loop3A_854 = vector.shape_cast %parallel_loop3A_853 : vector<1x16xf32> to vector<16xf32>
        %parallel_loop3A_855 = vector.shape_cast %parallel_loop3A_850 : vector<16xf32> to vector<1x16xf32>
        tpu.vector_store %arg12[%parallel_loop3A_851, %parallel_loop3A_852], %parallel_loop3A_855 {add = true, strides = array<i32>} : memref<24x768xf32, #tpu.memory_space<vmem>>, vector<1x16xf32>,
        %parallel_loop3A_856 = arith.index_cast %parallel_loop3A_846 : i32 to index
        %parallel_loop3A_857 = arith.constant 16 : index
        %parallel_loop3A_858 = tpu.vector_load %arg9[%parallel_loop3A_856, %parallel_loop3A_857] {strides = array<i32>} : memref<24x768xf32, #tpu.memory_space<vmem>>, vector<1x16xf32>,
        %parallel_loop3A_859 = vector.shape_cast %parallel_loop3A_858 : vector<1x16xf32> to vector<16xf32>
        %parallel_loop3A_860 = arith.index_cast %parallel_loop3A_846 : i32 to index
        %parallel_loop3A_861 = arith.constant 16 : index
        %parallel_loop3A_862 = tpu.vector_load %arg12[%parallel_loop3A_860, %parallel_loop3A_861] {strides = array<i32>} : memref<24x768xf32, #tpu.memory_space<vmem>>, vector<1x16xf32>,
        %parallel_loop3A_863 = vector.shape_cast %parallel_loop3A_862 : vector<1x16xf32> to vector<16xf32>
        %parallel_loop3A_864 = vector.shape_cast %parallel_loop3A_859 : vector<16xf32> to vector<1x16xf32>
        tpu.vector_store %arg12[%parallel_loop3A_860, %parallel_loop3A_861], %parallel_loop3A_864 {add = true, strides = array<i32>} : memref<24x768xf32, #tpu.memory_space<vmem>>, vector<1x16xf32>,
        %parallel_loop3A_865 = arith.index_cast %parallel_loop3A_846 : i32 to index
        %parallel_loop3A_866 = arith.constant 32 : index
        %parallel_loop3A_867 = tpu.vector_load %arg9[%parallel_loop3A_865, %parallel_loop3A_866] {strides = array<i32>} : memref<24x768xf32, #tpu.memory_space<vmem>>, vector<1x16xf32>,
        %parallel_loop3A_868 = vector.shape_cast %parallel_loop3A_867 : vector<1x16xf32> to vector<16xf32>
        %parallel_loop3A_869 = arith.index_cast %parallel_loop3A_846 : i32 to index
        %parallel_loop3A_870 = arith.constant 32 : index
        %parallel_loop3A_871 = tpu.vector_load %arg12[%parallel_loop3A_869, %parallel_loop3A_870] {strides = array<i32>} : memref<24x768xf32, #tpu.memory_space<vmem>>, vector<1x16xf32>,
        %parallel_loop3A_872 = vector.shape_cast %parallel_loop3A_871 : vector<1x16xf32> to vector<16xf32>
        %parallel_loop3A_873 = vector.shape_cast %parallel_loop3A_868 : vector<16xf32> to vector<1x16xf32>
        tpu.vector_store %arg12[%parallel_loop3A_869, %parallel_loop3A_870], %parallel_loop3A_873 {add = true, strides = array<i32>} : memref<24x768xf32, #tpu.memory_space<vmem>>, vector<1x16xf32>,
        %parallel_loop3A_874 = arith.index_cast %parallel_loop3A_846 : i32 to index
        %parallel_loop3A_875 = arith.constant 48 : index
        %parallel_loop3A_876 = tpu.vector_load %arg9[%parallel_loop3A_874, %parallel_loop3A_875] {strides = array<i32>} : memref<24x768xf32, #tpu.memory_space<vmem>>, vector<1x16xf32>,
        %parallel_loop3A_877 = vector.shape_cast %parallel_loop3A_876 : vector<1x16xf32> to vector<16xf32>
        %parallel_loop3A_878 = arith.index_cast %parallel_loop3A_846 : i32 to index
        %parallel_loop3A_879 = arith.constant 48 : index
        %parallel_loop3A_880 = tpu.vector_load %arg12[%parallel_loop3A_878, %parallel_loop3A_879] {strides = array<i32>} : memref<24x768xf32, #tpu.memory_space<vmem>>, vector<1x16xf32>,
        %parallel_loop3A_881 = vector.shape_cast %parallel_loop3A_880 : vector<1x16xf32> to vector<16xf32>
        %parallel_loop3A_882 = vector.shape_cast %parallel_loop3A_877 : vector<16xf32> to vector<1x16xf32>
        tpu.vector_store %arg12[%parallel_loop3A_878, %parallel_loop3A_879], %parallel_loop3A_882 {add = true, strides = array<i32>} : memref<24x768xf32, #tpu.memory_space<vmem>>, vector<1x16xf32>,
        %parallel_loop3A_883 = arith.index_cast %parallel_loop3A_846 : i32 to index
        %parallel_loop3A_884 = arith.constant 64 : index
        %parallel_loop3A_885 = tpu.vector_load %arg9[%parallel_loop3A_883, %parallel_loop3A_884] {strides = array<i32>} : memref<24x768xf32, #tpu.memory_space<vmem>>, vector<1x16xf32>,
        %parallel_loop3A_886 = vector.shape_cast %parallel_loop3A_885 : vector<1x16xf32> to vector<16xf32>
        %parallel_loop3A_887 = arith.index_cast %parallel_loop3A_846 : i32 to index
        %parallel_loop3A_888 = arith.constant 64 : index
        %parallel_loop3A_889 = tpu.vector_load %arg12[%parallel_loop3A_887, %parallel_loop3A_888] {strides = array<i32>} : memref<24x768xf32, #tpu.memory_space<vmem>>, vector<1x16xf32>,
        %parallel_loop3A_890 = vector.shape_cast %parallel_loop3A_889 : vector<1x16xf32> to vector<16xf32>
        %parallel_loop3A_891 = vector.shape_cast %parallel_loop3A_886 : vector<16xf32> to vector<1x16xf32>
        tpu.vector_store %arg12[%parallel_loop3A_887, %parallel_loop3A_888], %parallel_loop3A_891 {add = true, strides = array<i32>} : memref<24x768xf32, #tpu.memory_space<vmem>>, vector<1x16xf32>,
        %parallel_loop3A_892 = arith.index_cast %parallel_loop3A_846 : i32 to index
        %parallel_loop3A_893 = arith.constant 80 : index
        %parallel_loop3A_894 = tpu.vector_load %arg9[%parallel_loop3A_892, %parallel_loop3A_893] {strides = array<i32>} : memref<24x768xf32, #tpu.memory_space<vmem>>, vector<1x16xf32>,
        %parallel_loop3A_895 = vector.shape_cast %parallel_loop3A_894 : vector<1x16xf32> to vector<16xf32>
        %parallel_loop3A_896 = arith.index_cast %parallel_loop3A_846 : i32 to index
        %parallel_loop3A_897 = arith.constant 80 : index
        %parallel_loop3A_898 = tpu.vector_load %arg12[%parallel_loop3A_896, %parallel_loop3A_897] {strides = array<i32>} : memref<24x768xf32, #tpu.memory_space<vmem>>, vector<1x16xf32>,
        %parallel_loop3A_899 = vector.shape_cast %parallel_loop3A_898 : vector<1x16xf32> to vector<16xf32>
        %parallel_loop3A_900 = vector.shape_cast %parallel_loop3A_895 : vector<16xf32> to vector<1x16xf32>
        tpu.vector_store %arg12[%parallel_loop3A_896, %parallel_loop3A_897], %parallel_loop3A_900 {add = true, strides = array<i32>} : memref<24x768xf32, #tpu.memory_space<vmem>>, vector<1x16xf32>,
        %parallel_loop3A_901 = arith.index_cast %parallel_loop3A_846 : i32 to index
        %parallel_loop3A_902 = arith.constant 96 : index
        %parallel_loop3A_903 = tpu.vector_load %arg9[%parallel_loop3A_901, %parallel_loop3A_902] {strides = array<i32>} : memref<24x768xf32, #tpu.memory_space<vmem>>, vector<1x16xf32>,
        %parallel_loop3A_904 = vector.shape_cast %parallel_loop3A_903 : vector<1x16xf32> to vector<16xf32>
        %parallel_loop3A_905 = arith.index_cast %parallel_loop3A_846 : i32 to index
        %parallel_loop3A_906 = arith.constant 96 : index
        %parallel_loop3A_907 = tpu.vector_load %arg12[%parallel_loop3A_905, %parallel_loop3A_906] {strides = array<i32>} : memref<24x768xf32, #tpu.memory_space<vmem>>, vector<1x16xf32>,
        %parallel_loop3A_908 = vector.shape_cast %parallel_loop3A_907 : vector<1x16xf32> to vector<16xf32>
        %parallel_loop3A_909 = vector.shape_cast %parallel_loop3A_904 : vector<16xf32> to vector<1x16xf32>
        tpu.vector_store %arg12[%parallel_loop3A_905, %parallel_loop3A_906], %parallel_loop3A_909 {add = true, strides = array<i32>} : memref<24x768xf32, #tpu.memory_space<vmem>>, vector<1x16xf32>,
        %parallel_loop3A_910 = arith.index_cast %parallel_loop3A_846 : i32 to index
        %parallel_loop3A_911 = arith.constant 112 : index
        %parallel_loop3A_912 = tpu.vector_load %arg9[%parallel_loop3A_910, %parallel_loop3A_911] {strides = array<i32>} : memref<24x768xf32, #tpu.memory_space<vmem>>, vector<1x16xf32>,
        %parallel_loop3A_913 = vector.shape_cast %parallel_loop3A_912 : vector<1x16xf32> to vector<16xf32>
        %parallel_loop3A_914 = arith.index_cast %parallel_loop3A_846 : i32 to index
        %parallel_loop3A_915 = arith.constant 112 : index
        %parallel_loop3A_916 = tpu.vector_load %arg12[%parallel_loop3A_914, %parallel_loop3A_915] {strides = array<i32>} : memref<24x768xf32, #tpu.memory_space<vmem>>, vector<1x16xf32>,
        %parallel_loop3A_917 = vector.shape_cast %parallel_loop3A_916 : vector<1x16xf32> to vector<16xf32>
        %parallel_loop3A_918 = vector.shape_cast %parallel_loop3A_913 : vector<16xf32> to vector<1x16xf32>
        tpu.vector_store %arg12[%parallel_loop3A_914, %parallel_loop3A_915], %parallel_loop3A_918 {add = true, strides = array<i32>} : memref<24x768xf32, #tpu.memory_space<vmem>>, vector<1x16xf32>,
        %parallel_loop3A_919 = arith.index_cast %parallel_loop3A_846 : i32 to index
        %parallel_loop3A_920 = arith.constant 128 : index
        %parallel_loop3A_921 = tpu.vector_load %arg9[%parallel_loop3A_919, %parallel_loop3A_920] {strides = array<i32>} : memref<24x768xf32, #tpu.memory_space<vmem>>, vector<1x16xf32>,
        %parallel_loop3A_922 = vector.shape_cast %parallel_loop3A_921 : vector<1x16xf32> to vector<16xf32>
        %parallel_loop3A_923 = arith.index_cast %parallel_loop3A_846 : i32 to index
        %parallel_loop3A_924 = arith.constant 128 : index
        %parallel_loop3A_925 = tpu.vector_load %arg12[%parallel_loop3A_923, %parallel_loop3A_924] {strides = array<i32>} : memref<24x768xf32, #tpu.memory_space<vmem>>, vector<1x16xf32>,
        %parallel_loop3A_926 = vector.shape_cast %parallel_loop3A_925 : vector<1x16xf32> to vector<16xf32>
        %parallel_loop3A_927 = vector.shape_cast %parallel_loop3A_922 : vector<16xf32> to vector<1x16xf32>
        tpu.vector_store %arg12[%parallel_loop3A_923, %parallel_loop3A_924], %parallel_loop3A_927 {add = true, strides = array<i32>} : memref<24x768xf32, #tpu.memory_space<vmem>>, vector<1x16xf32>,
        %parallel_loop3A_928 = arith.index_cast %parallel_loop3A_846 : i32 to index
        %parallel_loop3A_929 = arith.constant 144 : index
        %parallel_loop3A_930 = tpu.vector_load %arg9[%parallel_loop3A_928, %parallel_loop3A_929] {strides = array<i32>} : memref<24x768xf32, #tpu.memory_space<vmem>>, vector<1x16xf32>,
        %parallel_loop3A_931 = vector.shape_cast %parallel_loop3A_930 : vector<1x16xf32> to vector<16xf32>
        %parallel_loop3A_932 = arith.index_cast %parallel_loop3A_846 : i32 to index
        %parallel_loop3A_933 = arith.constant 144 : index
        %parallel_loop3A_934 = tpu.vector_load %arg12[%parallel_loop3A_932, %parallel_loop3A_933] {strides = array<i32>} : memref<24x768xf32, #tpu.memory_space<vmem>>, vector<1x16xf32>,
        %parallel_loop3A_935 = vector.shape_cast %parallel_loop3A_934 : vector<1x16xf32> to vector<16xf32>
        %parallel_loop3A_936 = vector.shape_cast %parallel_loop3A_931 : vector<16xf32> to vector<1x16xf32>
        tpu.vector_store %arg12[%parallel_loop3A_932, %parallel_loop3A_933], %parallel_loop3A_936 {add = true, strides = array<i32>} : memref<24x768xf32, #tpu.memory_space<vmem>>, vector<1x16xf32>,
        %parallel_loop3A_937 = arith.index_cast %parallel_loop3A_846 : i32 to index
        %parallel_loop3A_938 = arith.constant 160 : index
        %parallel_loop3A_939 = tpu.vector_load %arg9[%parallel_loop3A_937, %parallel_loop3A_938] {strides = array<i32>} : memref<24x768xf32, #tpu.memory_space<vmem>>, vector<1x16xf32>,
        %parallel_loop3A_940 = vector.shape_cast %parallel_loop3A_939 : vector<1x16xf32> to vector<16xf32>
        %parallel_loop3A_941 = arith.index_cast %parallel_loop3A_846 : i32 to index
        %parallel_loop3A_942 = arith.constant 160 : index
        %parallel_loop3A_943 = tpu.vector_load %arg12[%parallel_loop3A_941, %parallel_loop3A_942] {strides = array<i32>} : memref<24x768xf32, #tpu.memory_space<vmem>>, vector<1x16xf32>,
        %parallel_loop3A_944 = vector.shape_cast %parallel_loop3A_943 : vector<1x16xf32> to vector<16xf32>
        %parallel_loop3A_945 = vector.shape_cast %parallel_loop3A_940 : vector<16xf32> to vector<1x16xf32>
        tpu.vector_store %arg12[%parallel_loop3A_941, %parallel_loop3A_942], %parallel_loop3A_945 {add = true, strides = array<i32>} : memref<24x768xf32, #tpu.memory_space<vmem>>, vector<1x16xf32>,
        %parallel_loop3A_946 = arith.index_cast %parallel_loop3A_846 : i32 to index
        %parallel_loop3A_947 = arith.constant 176 : index
        %parallel_loop3A_948 = tpu.vector_load %arg9[%parallel_loop3A_946, %parallel_loop3A_947] {strides = array<i32>} : memref<24x768xf32, #tpu.memory_space<vmem>>, vector<1x16xf32>,
        %parallel_loop3A_949 = vector.shape_cast %parallel_loop3A_948 : vector<1x16xf32> to vector<16xf32>
        %parallel_loop3A_950 = arith.index_cast %parallel_loop3A_846 : i32 to index
        %parallel_loop3A_951 = arith.constant 176 : index
        %parallel_loop3A_952 = tpu.vector_load %arg12[%parallel_loop3A_950, %parallel_loop3A_951] {strides = array<i32>} : memref<24x768xf32, #tpu.memory_space<vmem>>, vector<1x16xf32>,
        %parallel_loop3A_953 = vector.shape_cast %parallel_loop3A_952 : vector<1x16xf32> to vector<16xf32>
        %parallel_loop3A_954 = vector.shape_cast %parallel_loop3A_949 : vector<16xf32> to vector<1x16xf32>
        tpu.vector_store %arg12[%parallel_loop3A_950, %parallel_loop3A_951], %parallel_loop3A_954 {add = true, strides = array<i32>} : memref<24x768xf32, #tpu.memory_space<vmem>>, vector<1x16xf32>,
        %parallel_loop3A_955 = arith.index_cast %parallel_loop3A_846 : i32 to index
        %parallel_loop3A_956 = arith.constant 192 : index
        %parallel_loop3A_957 = tpu.vector_load %arg9[%parallel_loop3A_955, %parallel_loop3A_956] {strides = array<i32>} : memref<24x768xf32, #tpu.memory_space<vmem>>, vector<1x16xf32>,
        %parallel_loop3A_958 = vector.shape_cast %parallel_loop3A_957 : vector<1x16xf32> to vector<16xf32>
        %parallel_loop3A_959 = arith.index_cast %parallel_loop3A_846 : i32 to index
        %parallel_loop3A_960 = arith.constant 192 : index
        %parallel_loop3A_961 = tpu.vector_load %arg12[%parallel_loop3A_959, %parallel_loop3A_960] {strides = array<i32>} : memref<24x768xf32, #tpu.memory_space<vmem>>, vector<1x16xf32>,
        %parallel_loop3A_962 = vector.shape_cast %parallel_loop3A_961 : vector<1x16xf32> to vector<16xf32>
        %parallel_loop3A_963 = vector.shape_cast %parallel_loop3A_958 : vector<16xf32> to vector<1x16xf32>
        tpu.vector_store %arg12[%parallel_loop3A_959, %parallel_loop3A_960], %parallel_loop3A_963 {add = true, strides = array<i32>} : memref<24x768xf32, #tpu.memory_space<vmem>>, vector<1x16xf32>,
        %parallel_loop3A_964 = arith.index_cast %parallel_loop3A_846 : i32 to index
        %parallel_loop3A_965 = arith.constant 208 : index
        %parallel_loop3A_966 = tpu.vector_load %arg9[%parallel_loop3A_964, %parallel_loop3A_965] {strides = array<i32>} : memref<24x768xf32, #tpu.memory_space<vmem>>, vector<1x16xf32>,
        %parallel_loop3A_967 = vector.shape_cast %parallel_loop3A_966 : vector<1x16xf32> to vector<16xf32>
        %parallel_loop3A_968 = arith.index_cast %parallel_loop3A_846 : i32 to index
        %parallel_loop3A_969 = arith.constant 208 : index
        %parallel_loop3A_970 = tpu.vector_load %arg12[%parallel_loop3A_968, %parallel_loop3A_969] {strides = array<i32>} : memref<24x768xf32, #tpu.memory_space<vmem>>, vector<1x16xf32>,
        %parallel_loop3A_971 = vector.shape_cast %parallel_loop3A_970 : vector<1x16xf32> to vector<16xf32>
        %parallel_loop3A_972 = vector.shape_cast %parallel_loop3A_967 : vector<16xf32> to vector<1x16xf32>
        tpu.vector_store %arg12[%parallel_loop3A_968, %parallel_loop3A_969], %parallel_loop3A_972 {add = true, strides = array<i32>} : memref<24x768xf32, #tpu.memory_space<vmem>>, vector<1x16xf32>,
        %parallel_loop3A_973 = arith.index_cast %parallel_loop3A_846 : i32 to index
        %parallel_loop3A_974 = arith.constant 224 : index
        %parallel_loop3A_975 = tpu.vector_load %arg9[%parallel_loop3A_973, %parallel_loop3A_974] {strides = array<i32>} : memref<24x768xf32, #tpu.memory_space<vmem>>, vector<1x16xf32>,
        %parallel_loop3A_976 = vector.shape_cast %parallel_loop3A_975 : vector<1x16xf32> to vector<16xf32>
        %parallel_loop3A_977 = arith.index_cast %parallel_loop3A_846 : i32 to index
        %parallel_loop3A_978 = arith.constant 224 : index
        %parallel_loop3A_979 = tpu.vector_load %arg12[%parallel_loop3A_977, %parallel_loop3A_978] {strides = array<i32>} : memref<24x768xf32, #tpu.memory_space<vmem>>, vector<1x16xf32>,
        %parallel_loop3A_980 = vector.shape_cast %parallel_loop3A_979 : vector<1x16xf32> to vector<16xf32>
        %parallel_loop3A_981 = vector.shape_cast %parallel_loop3A_976 : vector<16xf32> to vector<1x16xf32>
        tpu.vector_store %arg12[%parallel_loop3A_977, %parallel_loop3A_978], %parallel_loop3A_981 {add = true, strides = array<i32>} : memref<24x768xf32, #tpu.memory_space<vmem>>, vector<1x16xf32>,
        %parallel_loop3A_982 = arith.index_cast %parallel_loop3A_846 : i32 to index
        %parallel_loop3A_983 = arith.constant 240 : index
        %parallel_loop3A_984 = tpu.vector_load %arg9[%parallel_loop3A_982, %parallel_loop3A_983] {strides = array<i32>} : memref<24x768xf32, #tpu.memory_space<vmem>>, vector<1x16xf32>,
        %parallel_loop3A_985 = vector.shape_cast %parallel_loop3A_984 : vector<1x16xf32> to vector<16xf32>
        %parallel_loop3A_986 = arith.index_cast %parallel_loop3A_846 : i32 to index
        %parallel_loop3A_987 = arith.constant 240 : index
        %parallel_loop3A_988 = tpu.vector_load %arg12[%parallel_loop3A_986, %parallel_loop3A_987] {strides = array<i32>} : memref<24x768xf32, #tpu.memory_space<vmem>>, vector<1x16xf32>,
        %parallel_loop3A_989 = vector.shape_cast %parallel_loop3A_988 : vector<1x16xf32> to vector<16xf32>
        %parallel_loop3A_990 = vector.shape_cast %parallel_loop3A_985 : vector<16xf32> to vector<1x16xf32>
        tpu.vector_store %arg12[%parallel_loop3A_986, %parallel_loop3A_987], %parallel_loop3A_990 {add = true, strides = array<i32>} : memref<24x768xf32, #tpu.memory_space<vmem>>, vector<1x16xf32>,
        %parallel_loop3A_991 = arith.index_cast %parallel_loop3A_846 : i32 to index
        %parallel_loop3A_992 = arith.constant 256 : index
        %parallel_loop3A_993 = tpu.vector_load %arg9[%parallel_loop3A_991, %parallel_loop3A_992] {strides = array<i32>} : memref<24x768xf32, #tpu.memory_space<vmem>>, vector<1x16xf32>,
        %parallel_loop3A_994 = vector.shape_cast %parallel_loop3A_993 : vector<1x16xf32> to vector<16xf32>
        %parallel_loop3A_995 = arith.index_cast %parallel_loop3A_846 : i32 to index
        %parallel_loop3A_996 = arith.constant 256 : index
        %parallel_loop3A_997 = tpu.vector_load %arg12[%parallel_loop3A_995, %parallel_loop3A_996] {strides = array<i32>} : memref<24x768xf32, #tpu.memory_space<vmem>>, vector<1x16xf32>,
        %parallel_loop3A_998 = vector.shape_cast %parallel_loop3A_997 : vector<1x16xf32> to vector<16xf32>
        %parallel_loop3A_999 = vector.shape_cast %parallel_loop3A_994 : vector<16xf32> to vector<1x16xf32>
        tpu.vector_store %arg12[%parallel_loop3A_995, %parallel_loop3A_996], %parallel_loop3A_999 {add = true, strides = array<i32>} : memref<24x768xf32, #tpu.memory_space<vmem>>, vector<1x16xf32>,
        %parallel_loop3A_1000 = arith.index_cast %parallel_loop3A_846 : i32 to index
        %parallel_loop3A_1001 = arith.constant 272 : index
        %parallel_loop3A_1002 = tpu.vector_load %arg9[%parallel_loop3A_1000, %parallel_loop3A_1001] {strides = array<i32>} : memref<24x768xf32, #tpu.memory_space<vmem>>, vector<1x16xf32>,
        %parallel_loop3A_1003 = vector.shape_cast %parallel_loop3A_1002 : vector<1x16xf32> to vector<16xf32>
        %parallel_loop3A_1004 = arith.index_cast %parallel_loop3A_846 : i32 to index
        %parallel_loop3A_1005 = arith.constant 272 : index
        %parallel_loop3A_1006 = tpu.vector_load %arg12[%parallel_loop3A_1004, %parallel_loop3A_1005] {strides = array<i32>} : memref<24x768xf32, #tpu.memory_space<vmem>>, vector<1x16xf32>,
        %parallel_loop3A_1007 = vector.shape_cast %parallel_loop3A_1006 : vector<1x16xf32> to vector<16xf32>
        %parallel_loop3A_1008 = vector.shape_cast %parallel_loop3A_1003 : vector<16xf32> to vector<1x16xf32>
        tpu.vector_store %arg12[%parallel_loop3A_1004, %parallel_loop3A_1005], %parallel_loop3A_1008 {add = true, strides = array<i32>} : memref<24x768xf32, #tpu.memory_space<vmem>>, vector<1x16xf32>,
        %parallel_loop3A_1009 = arith.index_cast %parallel_loop3A_846 : i32 to index
        %parallel_loop3A_1010 = arith.constant 288 : index
        %parallel_loop3A_1011 = tpu.vector_load %arg9[%parallel_loop3A_1009, %parallel_loop3A_1010] {strides = array<i32>} : memref<24x768xf32, #tpu.memory_space<vmem>>, vector<1x16xf32>,
        %parallel_loop3A_1012 = vector.shape_cast %parallel_loop3A_1011 : vector<1x16xf32> to vector<16xf32>
        %parallel_loop3A_1013 = arith.index_cast %parallel_loop3A_846 : i32 to index
        %parallel_loop3A_1014 = arith.constant 288 : index
        %parallel_loop3A_1015 = tpu.vector_load %arg12[%parallel_loop3A_1013, %parallel_loop3A_1014] {strides = array<i32>} : memref<24x768xf32, #tpu.memory_space<vmem>>, vector<1x16xf32>,
        %parallel_loop3A_1016 = vector.shape_cast %parallel_loop3A_1015 : vector<1x16xf32> to vector<16xf32>
        %parallel_loop3A_1017 = vector.shape_cast %parallel_loop3A_1012 : vector<16xf32> to vector<1x16xf32>
        tpu.vector_store %arg12[%parallel_loop3A_1013, %parallel_loop3A_1014], %parallel_loop3A_1017 {add = true, strides = array<i32>} : memref<24x768xf32, #tpu.memory_space<vmem>>, vector<1x16xf32>,
        %parallel_loop3A_1018 = arith.index_cast %parallel_loop3A_846 : i32 to index
        %parallel_loop3A_1019 = arith.constant 304 : index
        %parallel_loop3A_1020 = tpu.vector_load %arg9[%parallel_loop3A_1018, %parallel_loop3A_1019] {strides = array<i32>} : memref<24x768xf32, #tpu.memory_space<vmem>>, vector<1x16xf32>,
        %parallel_loop3A_1021 = vector.shape_cast %parallel_loop3A_1020 : vector<1x16xf32> to vector<16xf32>
        %parallel_loop3A_1022 = arith.index_cast %parallel_loop3A_846 : i32 to index
        %parallel_loop3A_1023 = arith.constant 304 : index
        %parallel_loop3A_1024 = tpu.vector_load %arg12[%parallel_loop3A_1022, %parallel_loop3A_1023] {strides = array<i32>} : memref<24x768xf32, #tpu.memory_space<vmem>>, vector<1x16xf32>,
        %parallel_loop3A_1025 = vector.shape_cast %parallel_loop3A_1024 : vector<1x16xf32> to vector<16xf32>
        %parallel_loop3A_1026 = vector.shape_cast %parallel_loop3A_1021 : vector<16xf32> to vector<1x16xf32>
        tpu.vector_store %arg12[%parallel_loop3A_1022, %parallel_loop3A_1023], %parallel_loop3A_1026 {add = true, strides = array<i32>} : memref<24x768xf32, #tpu.memory_space<vmem>>, vector<1x16xf32>,
        %parallel_loop3A_1027 = arith.index_cast %parallel_loop3A_846 : i32 to index
        %parallel_loop3A_1028 = arith.constant 320 : index
        %parallel_loop3A_1029 = tpu.vector_load %arg9[%parallel_loop3A_1027, %parallel_loop3A_1028] {strides = array<i32>} : memref<24x768xf32, #tpu.memory_space<vmem>>, vector<1x16xf32>,
        %parallel_loop3A_1030 = vector.shape_cast %parallel_loop3A_1029 : vector<1x16xf32> to vector<16xf32>
        %parallel_loop3A_1031 = arith.index_cast %parallel_loop3A_846 : i32 to index
        %parallel_loop3A_1032 = arith.constant 320 : index
        %parallel_loop3A_1033 = tpu.vector_load %arg12[%parallel_loop3A_1031, %parallel_loop3A_1032] {strides = array<i32>} : memref<24x768xf32, #tpu.memory_space<vmem>>, vector<1x16xf32>,
        %parallel_loop3A_1034 = vector.shape_cast %parallel_loop3A_1033 : vector<1x16xf32> to vector<16xf32>
        %parallel_loop3A_1035 = vector.shape_cast %parallel_loop3A_1030 : vector<16xf32> to vector<1x16xf32>
        tpu.vector_store %arg12[%parallel_loop3A_1031, %parallel_loop3A_1032], %parallel_loop3A_1035 {add = true, strides = array<i32>} : memref<24x768xf32, #tpu.memory_space<vmem>>, vector<1x16xf32>,
        %parallel_loop3A_1036 = arith.index_cast %parallel_loop3A_846 : i32 to index
        %parallel_loop3A_1037 = arith.constant 336 : index
        %parallel_loop3A_1038 = tpu.vector_load %arg9[%parallel_loop3A_1036, %parallel_loop3A_1037] {strides = array<i32>} : memref<24x768xf32, #tpu.memory_space<vmem>>, vector<1x16xf32>,
        %parallel_loop3A_1039 = vector.shape_cast %parallel_loop3A_1038 : vector<1x16xf32> to vector<16xf32>
        %parallel_loop3A_1040 = arith.index_cast %parallel_loop3A_846 : i32 to index
        %parallel_loop3A_1041 = arith.constant 336 : index
        %parallel_loop3A_1042 = tpu.vector_load %arg12[%parallel_loop3A_1040, %parallel_loop3A_1041] {strides = array<i32>} : memref<24x768xf32, #tpu.memory_space<vmem>>, vector<1x16xf32>,
        %parallel_loop3A_1043 = vector.shape_cast %parallel_loop3A_1042 : vector<1x16xf32> to vector<16xf32>
        %parallel_loop3A_1044 = vector.shape_cast %parallel_loop3A_1039 : vector<16xf32> to vector<1x16xf32>
        tpu.vector_store %arg12[%parallel_loop3A_1040, %parallel_loop3A_1041], %parallel_loop3A_1044 {add = true, strides = array<i32>} : memref<24x768xf32, #tpu.memory_space<vmem>>, vector<1x16xf32>,
        %parallel_loop3A_1045 = arith.index_cast %parallel_loop3A_846 : i32 to index
        %parallel_loop3A_1046 = arith.constant 352 : index
        %parallel_loop3A_1047 = tpu.vector_load %arg9[%parallel_loop3A_1045, %parallel_loop3A_1046] {strides = array<i32>} : memref<24x768xf32, #tpu.memory_space<vmem>>, vector<1x16xf32>,
        %parallel_loop3A_1048 = vector.shape_cast %parallel_loop3A_1047 : vector<1x16xf32> to vector<16xf32>
        %parallel_loop3A_1049 = arith.index_cast %parallel_loop3A_846 : i32 to index
        %parallel_loop3A_1050 = arith.constant 352 : index
        %parallel_loop3A_1051 = tpu.vector_load %arg12[%parallel_loop3A_1049, %parallel_loop3A_1050] {strides = array<i32>} : memref<24x768xf32, #tpu.memory_space<vmem>>, vector<1x16xf32>,
        %parallel_loop3A_1052 = vector.shape_cast %parallel_loop3A_1051 : vector<1x16xf32> to vector<16xf32>
        %parallel_loop3A_1053 = vector.shape_cast %parallel_loop3A_1048 : vector<16xf32> to vector<1x16xf32>
        tpu.vector_store %arg12[%parallel_loop3A_1049, %parallel_loop3A_1050], %parallel_loop3A_1053 {add = true, strides = array<i32>} : memref<24x768xf32, #tpu.memory_space<vmem>>, vector<1x16xf32>,
        %parallel_loop3A_1054 = arith.index_cast %parallel_loop3A_846 : i32 to index
        %parallel_loop3A_1055 = arith.constant 368 : index
        %parallel_loop3A_1056 = tpu.vector_load %arg9[%parallel_loop3A_1054, %parallel_loop3A_1055] {strides = array<i32>} : memref<24x768xf32, #tpu.memory_space<vmem>>, vector<1x16xf32>,
        %parallel_loop3A_1057 = vector.shape_cast %parallel_loop3A_1056 : vector<1x16xf32> to vector<16xf32>
        %parallel_loop3A_1058 = arith.index_cast %parallel_loop3A_846 : i32 to index
        %parallel_loop3A_1059 = arith.constant 368 : index
        %parallel_loop3A_1060 = tpu.vector_load %arg12[%parallel_loop3A_1058, %parallel_loop3A_1059] {strides = array<i32>} : memref<24x768xf32, #tpu.memory_space<vmem>>, vector<1x16xf32>,
        %parallel_loop3A_1061 = vector.shape_cast %parallel_loop3A_1060 : vector<1x16xf32> to vector<16xf32>
        %parallel_loop3A_1062 = vector.shape_cast %parallel_loop3A_1057 : vector<16xf32> to vector<1x16xf32>
        tpu.vector_store %arg12[%parallel_loop3A_1058, %parallel_loop3A_1059], %parallel_loop3A_1062 {add = true, strides = array<i32>} : memref<24x768xf32, #tpu.memory_space<vmem>>, vector<1x16xf32>,
        %parallel_loop3A_1063 = arith.index_cast %parallel_loop3A_846 : i32 to index
        %parallel_loop3A_1064 = arith.constant 384 : index
        %parallel_loop3A_1065 = tpu.vector_load %arg9[%parallel_loop3A_1063, %parallel_loop3A_1064] {strides = array<i32>} : memref<24x768xf32, #tpu.memory_space<vmem>>, vector<1x16xf32>,
        %parallel_loop3A_1066 = vector.shape_cast %parallel_loop3A_1065 : vector<1x16xf32> to vector<16xf32>
        %parallel_loop3A_1067 = arith.index_cast %parallel_loop3A_846 : i32 to index
        %parallel_loop3A_1068 = arith.constant 384 : index
        %parallel_loop3A_1069 = tpu.vector_load %arg12[%parallel_loop3A_1067, %parallel_loop3A_1068] {strides = array<i32>} : memref<24x768xf32, #tpu.memory_space<vmem>>, vector<1x16xf32>,
        %parallel_loop3A_1070 = vector.shape_cast %parallel_loop3A_1069 : vector<1x16xf32> to vector<16xf32>
        %parallel_loop3A_1071 = vector.shape_cast %parallel_loop3A_1066 : vector<16xf32> to vector<1x16xf32>
        tpu.vector_store %arg12[%parallel_loop3A_1067, %parallel_loop3A_1068], %parallel_loop3A_1071 {add = true, strides = array<i32>} : memref<24x768xf32, #tpu.memory_space<vmem>>, vector<1x16xf32>,
        %parallel_loop3A_1072 = arith.index_cast %parallel_loop3A_846 : i32 to index
        %parallel_loop3A_1073 = arith.constant 400 : index
        %parallel_loop3A_1074 = tpu.vector_load %arg9[%parallel_loop3A_1072, %parallel_loop3A_1073] {strides = array<i32>} : memref<24x768xf32, #tpu.memory_space<vmem>>, vector<1x16xf32>,
        %parallel_loop3A_1075 = vector.shape_cast %parallel_loop3A_1074 : vector<1x16xf32> to vector<16xf32>
        %parallel_loop3A_1076 = arith.index_cast %parallel_loop3A_846 : i32 to index
        %parallel_loop3A_1077 = arith.constant 400 : index
        %parallel_loop3A_1078 = tpu.vector_load %arg12[%parallel_loop3A_1076, %parallel_loop3A_1077] {strides = array<i32>} : memref<24x768xf32, #tpu.memory_space<vmem>>, vector<1x16xf32>,
        %parallel_loop3A_1079 = vector.shape_cast %parallel_loop3A_1078 : vector<1x16xf32> to vector<16xf32>
        %parallel_loop3A_1080 = vector.shape_cast %parallel_loop3A_1075 : vector<16xf32> to vector<1x16xf32>
        tpu.vector_store %arg12[%parallel_loop3A_1076, %parallel_loop3A_1077], %parallel_loop3A_1080 {add = true, strides = array<i32>} : memref<24x768xf32, #tpu.memory_space<vmem>>, vector<1x16xf32>,
        %parallel_loop3A_1081 = arith.index_cast %parallel_loop3A_846 : i32 to index
        %parallel_loop3A_1082 = arith.constant 416 : index
        %parallel_loop3A_1083 = tpu.vector_load %arg9[%parallel_loop3A_1081, %parallel_loop3A_1082] {strides = array<i32>} : memref<24x768xf32, #tpu.memory_space<vmem>>, vector<1x16xf32>,
        %parallel_loop3A_1084 = vector.shape_cast %parallel_loop3A_1083 : vector<1x16xf32> to vector<16xf32>
        %parallel_loop3A_1085 = arith.index_cast %parallel_loop3A_846 : i32 to index
        %parallel_loop3A_1086 = arith.constant 416 : index
        %parallel_loop3A_1087 = tpu.vector_load %arg12[%parallel_loop3A_1085, %parallel_loop3A_1086] {strides = array<i32>} : memref<24x768xf32, #tpu.memory_space<vmem>>, vector<1x16xf32>,
        %parallel_loop3A_1088 = vector.shape_cast %parallel_loop3A_1087 : vector<1x16xf32> to vector<16xf32>
        %parallel_loop3A_1089 = vector.shape_cast %parallel_loop3A_1084 : vector<16xf32> to vector<1x16xf32>
        tpu.vector_store %arg12[%parallel_loop3A_1085, %parallel_loop3A_1086], %parallel_loop3A_1089 {add = true, strides = array<i32>} : memref<24x768xf32, #tpu.memory_space<vmem>>, vector<1x16xf32>,
        %parallel_loop3A_1090 = arith.index_cast %parallel_loop3A_846 : i32 to index
        %parallel_loop3A_1091 = arith.constant 432 : index
        %parallel_loop3A_1092 = tpu.vector_load %arg9[%parallel_loop3A_1090, %parallel_loop3A_1091] {strides = array<i32>} : memref<24x768xf32, #tpu.memory_space<vmem>>, vector<1x16xf32>,
        %parallel_loop3A_1093 = vector.shape_cast %parallel_loop3A_1092 : vector<1x16xf32> to vector<16xf32>
        %parallel_loop3A_1094 = arith.index_cast %parallel_loop3A_846 : i32 to index
        %parallel_loop3A_1095 = arith.constant 432 : index
        %parallel_loop3A_1096 = tpu.vector_load %arg12[%parallel_loop3A_1094, %parallel_loop3A_1095] {strides = array<i32>} : memref<24x768xf32, #tpu.memory_space<vmem>>, vector<1x16xf32>,
        %parallel_loop3A_1097 = vector.shape_cast %parallel_loop3A_1096 : vector<1x16xf32> to vector<16xf32>
        %parallel_loop3A_1098 = vector.shape_cast %parallel_loop3A_1093 : vector<16xf32> to vector<1x16xf32>
        tpu.vector_store %arg12[%parallel_loop3A_1094, %parallel_loop3A_1095], %parallel_loop3A_1098 {add = true, strides = array<i32>} : memref<24x768xf32, #tpu.memory_space<vmem>>, vector<1x16xf32>,
        %parallel_loop3A_1099 = arith.index_cast %parallel_loop3A_846 : i32 to index
        %parallel_loop3A_1100 = arith.constant 448 : index
        %parallel_loop3A_1101 = tpu.vector_load %arg9[%parallel_loop3A_1099, %parallel_loop3A_1100] {strides = array<i32>} : memref<24x768xf32, #tpu.memory_space<vmem>>, vector<1x16xf32>,
        %parallel_loop3A_1102 = vector.shape_cast %parallel_loop3A_1101 : vector<1x16xf32> to vector<16xf32>
        %parallel_loop3A_1103 = arith.index_cast %parallel_loop3A_846 : i32 to index
        %parallel_loop3A_1104 = arith.constant 448 : index
        %parallel_loop3A_1105 = tpu.vector_load %arg12[%parallel_loop3A_1103, %parallel_loop3A_1104] {strides = array<i32>} : memref<24x768xf32, #tpu.memory_space<vmem>>, vector<1x16xf32>,
        %parallel_loop3A_1106 = vector.shape_cast %parallel_loop3A_1105 : vector<1x16xf32> to vector<16xf32>
        %parallel_loop3A_1107 = vector.shape_cast %parallel_loop3A_1102 : vector<16xf32> to vector<1x16xf32>
        tpu.vector_store %arg12[%parallel_loop3A_1103, %parallel_loop3A_1104], %parallel_loop3A_1107 {add = true, strides = array<i32>} : memref<24x768xf32, #tpu.memory_space<vmem>>, vector<1x16xf32>,
        %parallel_loop3A_1108 = arith.index_cast %parallel_loop3A_846 : i32 to index
        %parallel_loop3A_1109 = arith.constant 464 : index
        %parallel_loop3A_1110 = tpu.vector_load %arg9[%parallel_loop3A_1108, %parallel_loop3A_1109] {strides = array<i32>} : memref<24x768xf32, #tpu.memory_space<vmem>>, vector<1x16xf32>,
        %parallel_loop3A_1111 = vector.shape_cast %parallel_loop3A_1110 : vector<1x16xf32> to vector<16xf32>
        %parallel_loop3A_1112 = arith.index_cast %parallel_loop3A_846 : i32 to index
        %parallel_loop3A_1113 = arith.constant 464 : index
        %parallel_loop3A_1114 = tpu.vector_load %arg12[%parallel_loop3A_1112, %parallel_loop3A_1113] {strides = array<i32>} : memref<24x768xf32, #tpu.memory_space<vmem>>, vector<1x16xf32>,
        %parallel_loop3A_1115 = vector.shape_cast %parallel_loop3A_1114 : vector<1x16xf32> to vector<16xf32>
        %parallel_loop3A_1116 = vector.shape_cast %parallel_loop3A_1111 : vector<16xf32> to vector<1x16xf32>
        tpu.vector_store %arg12[%parallel_loop3A_1112, %parallel_loop3A_1113], %parallel_loop3A_1116 {add = true, strides = array<i32>} : memref<24x768xf32, #tpu.memory_space<vmem>>, vector<1x16xf32>,
        %parallel_loop3A_1117 = arith.index_cast %parallel_loop3A_846 : i32 to index
        %parallel_loop3A_1118 = arith.constant 480 : index
        %parallel_loop3A_1119 = tpu.vector_load %arg9[%parallel_loop3A_1117, %parallel_loop3A_1118] {strides = array<i32>} : memref<24x768xf32, #tpu.memory_space<vmem>>, vector<1x16xf32>,
        %parallel_loop3A_1120 = vector.shape_cast %parallel_loop3A_1119 : vector<1x16xf32> to vector<16xf32>
        %parallel_loop3A_1121 = arith.index_cast %parallel_loop3A_846 : i32 to index
        %parallel_loop3A_1122 = arith.constant 480 : index
        %parallel_loop3A_1123 = tpu.vector_load %arg12[%parallel_loop3A_1121, %parallel_loop3A_1122] {strides = array<i32>} : memref<24x768xf32, #tpu.memory_space<vmem>>, vector<1x16xf32>,
        %parallel_loop3A_1124 = vector.shape_cast %parallel_loop3A_1123 : vector<1x16xf32> to vector<16xf32>
        %parallel_loop3A_1125 = vector.shape_cast %parallel_loop3A_1120 : vector<16xf32> to vector<1x16xf32>
        tpu.vector_store %arg12[%parallel_loop3A_1121, %parallel_loop3A_1122], %parallel_loop3A_1125 {add = true, strides = array<i32>} : memref<24x768xf32, #tpu.memory_space<vmem>>, vector<1x16xf32>,
        %parallel_loop3A_1126 = arith.index_cast %parallel_loop3A_846 : i32 to index
        %parallel_loop3A_1127 = arith.constant 496 : index
        %parallel_loop3A_1128 = tpu.vector_load %arg9[%parallel_loop3A_1126, %parallel_loop3A_1127] {strides = array<i32>} : memref<24x768xf32, #tpu.memory_space<vmem>>, vector<1x16xf32>,
        %parallel_loop3A_1129 = vector.shape_cast %parallel_loop3A_1128 : vector<1x16xf32> to vector<16xf32>
        %parallel_loop3A_1130 = arith.index_cast %parallel_loop3A_846 : i32 to index
        %parallel_loop3A_1131 = arith.constant 496 : index
        %parallel_loop3A_1132 = tpu.vector_load %arg12[%parallel_loop3A_1130, %parallel_loop3A_1131] {strides = array<i32>} : memref<24x768xf32, #tpu.memory_space<vmem>>, vector<1x16xf32>,
        %parallel_loop3A_1133 = vector.shape_cast %parallel_loop3A_1132 : vector<1x16xf32> to vector<16xf32>
        %parallel_loop3A_1134 = vector.shape_cast %parallel_loop3A_1129 : vector<16xf32> to vector<1x16xf32>
        tpu.vector_store %arg12[%parallel_loop3A_1130, %parallel_loop3A_1131], %parallel_loop3A_1134 {add = true, strides = array<i32>} : memref<24x768xf32, #tpu.memory_space<vmem>>, vector<1x16xf32>,
        %parallel_loop3A_1135 = arith.index_cast %parallel_loop3A_846 : i32 to index
        %parallel_loop3A_1136 = arith.constant 512 : index
        %parallel_loop3A_1137 = tpu.vector_load %arg9[%parallel_loop3A_1135, %parallel_loop3A_1136] {strides = array<i32>} : memref<24x768xf32, #tpu.memory_space<vmem>>, vector<1x16xf32>,
        %parallel_loop3A_1138 = vector.shape_cast %parallel_loop3A_1137 : vector<1x16xf32> to vector<16xf32>
        %parallel_loop3A_1139 = arith.index_cast %parallel_loop3A_846 : i32 to index
        %parallel_loop3A_1140 = arith.constant 512 : index
        %parallel_loop3A_1141 = tpu.vector_load %arg12[%parallel_loop3A_1139, %parallel_loop3A_1140] {strides = array<i32>} : memref<24x768xf32, #tpu.memory_space<vmem>>, vector<1x16xf32>,
        %parallel_loop3A_1142 = vector.shape_cast %parallel_loop3A_1141 : vector<1x16xf32> to vector<16xf32>
        %parallel_loop3A_1143 = vector.shape_cast %parallel_loop3A_1138 : vector<16xf32> to vector<1x16xf32>
        tpu.vector_store %arg12[%parallel_loop3A_1139, %parallel_loop3A_1140], %parallel_loop3A_1143 {add = true, strides = array<i32>} : memref<24x768xf32, #tpu.memory_space<vmem>>, vector<1x16xf32>,
        %parallel_loop3A_1144 = arith.index_cast %parallel_loop3A_846 : i32 to index
        %parallel_loop3A_1145 = arith.constant 528 : index
        %parallel_loop3A_1146 = tpu.vector_load %arg9[%parallel_loop3A_1144, %parallel_loop3A_1145] {strides = array<i32>} : memref<24x768xf32, #tpu.memory_space<vmem>>, vector<1x16xf32>,
        %parallel_loop3A_1147 = vector.shape_cast %parallel_loop3A_1146 : vector<1x16xf32> to vector<16xf32>
        %parallel_loop3A_1148 = arith.index_cast %parallel_loop3A_846 : i32 to index
        %parallel_loop3A_1149 = arith.constant 528 : index
        %parallel_loop3A_1150 = tpu.vector_load %arg12[%parallel_loop3A_1148, %parallel_loop3A_1149] {strides = array<i32>} : memref<24x768xf32, #tpu.memory_space<vmem>>, vector<1x16xf32>,
        %parallel_loop3A_1151 = vector.shape_cast %parallel_loop3A_1150 : vector<1x16xf32> to vector<16xf32>
        %parallel_loop3A_1152 = vector.shape_cast %parallel_loop3A_1147 : vector<16xf32> to vector<1x16xf32>
        tpu.vector_store %arg12[%parallel_loop3A_1148, %parallel_loop3A_1149], %parallel_loop3A_1152 {add = true, strides = array<i32>} : memref<24x768xf32, #tpu.memory_space<vmem>>, vector<1x16xf32>,
        %parallel_loop3A_1153 = arith.index_cast %parallel_loop3A_846 : i32 to index
        %parallel_loop3A_1154 = arith.constant 544 : index
        %parallel_loop3A_1155 = tpu.vector_load %arg9[%parallel_loop3A_1153, %parallel_loop3A_1154] {strides = array<i32>} : memref<24x768xf32, #tpu.memory_space<vmem>>, vector<1x16xf32>,
        %parallel_loop3A_1156 = vector.shape_cast %parallel_loop3A_1155 : vector<1x16xf32> to vector<16xf32>
        %parallel_loop3A_1157 = arith.index_cast %parallel_loop3A_846 : i32 to index
        %parallel_loop3A_1158 = arith.constant 544 : index
        %parallel_loop3A_1159 = tpu.vector_load %arg12[%parallel_loop3A_1157, %parallel_loop3A_1158] {strides = array<i32>} : memref<24x768xf32, #tpu.memory_space<vmem>>, vector<1x16xf32>,
        %parallel_loop3A_1160 = vector.shape_cast %parallel_loop3A_1159 : vector<1x16xf32> to vector<16xf32>
        %parallel_loop3A_1161 = vector.shape_cast %parallel_loop3A_1156 : vector<16xf32> to vector<1x16xf32>
        tpu.vector_store %arg12[%parallel_loop3A_1157, %parallel_loop3A_1158], %parallel_loop3A_1161 {add = true, strides = array<i32>} : memref<24x768xf32, #tpu.memory_space<vmem>>, vector<1x16xf32>,
        %parallel_loop3A_1162 = arith.index_cast %parallel_loop3A_846 : i32 to index
        %parallel_loop3A_1163 = arith.constant 560 : index
        %parallel_loop3A_1164 = tpu.vector_load %arg9[%parallel_loop3A_1162, %parallel_loop3A_1163] {strides = array<i32>} : memref<24x768xf32, #tpu.memory_space<vmem>>, vector<1x16xf32>,
        %parallel_loop3A_1165 = vector.shape_cast %parallel_loop3A_1164 : vector<1x16xf32> to vector<16xf32>
        %parallel_loop3A_1166 = arith.index_cast %parallel_loop3A_846 : i32 to index
        %parallel_loop3A_1167 = arith.constant 560 : index
        %parallel_loop3A_1168 = tpu.vector_load %arg12[%parallel_loop3A_1166, %parallel_loop3A_1167] {strides = array<i32>} : memref<24x768xf32, #tpu.memory_space<vmem>>, vector<1x16xf32>,
        %parallel_loop3A_1169 = vector.shape_cast %parallel_loop3A_1168 : vector<1x16xf32> to vector<16xf32>
        %parallel_loop3A_1170 = vector.shape_cast %parallel_loop3A_1165 : vector<16xf32> to vector<1x16xf32>
        tpu.vector_store %arg12[%parallel_loop3A_1166, %parallel_loop3A_1167], %parallel_loop3A_1170 {add = true, strides = array<i32>} : memref<24x768xf32, #tpu.memory_space<vmem>>, vector<1x16xf32>,
        %parallel_loop3A_1171 = arith.index_cast %parallel_loop3A_846 : i32 to index
        %parallel_loop3A_1172 = arith.constant 576 : index
        %parallel_loop3A_1173 = tpu.vector_load %arg9[%parallel_loop3A_1171, %parallel_loop3A_1172] {strides = array<i32>} : memref<24x768xf32, #tpu.memory_space<vmem>>, vector<1x16xf32>,
        %parallel_loop3A_1174 = vector.shape_cast %parallel_loop3A_1173 : vector<1x16xf32> to vector<16xf32>
        %parallel_loop3A_1175 = arith.index_cast %parallel_loop3A_846 : i32 to index
        %parallel_loop3A_1176 = arith.constant 576 : index
        %parallel_loop3A_1177 = tpu.vector_load %arg12[%parallel_loop3A_1175, %parallel_loop3A_1176] {strides = array<i32>} : memref<24x768xf32, #tpu.memory_space<vmem>>, vector<1x16xf32>,
        %parallel_loop3A_1178 = vector.shape_cast %parallel_loop3A_1177 : vector<1x16xf32> to vector<16xf32>
        %parallel_loop3A_1179 = vector.shape_cast %parallel_loop3A_1174 : vector<16xf32> to vector<1x16xf32>
        tpu.vector_store %arg12[%parallel_loop3A_1175, %parallel_loop3A_1176], %parallel_loop3A_1179 {add = true, strides = array<i32>} : memref<24x768xf32, #tpu.memory_space<vmem>>, vector<1x16xf32>,
        %parallel_loop3A_1180 = arith.index_cast %parallel_loop3A_846 : i32 to index
        %parallel_loop3A_1181 = arith.constant 592 : index
        %parallel_loop3A_1182 = tpu.vector_load %arg9[%parallel_loop3A_1180, %parallel_loop3A_1181] {strides = array<i32>} : memref<24x768xf32, #tpu.memory_space<vmem>>, vector<1x16xf32>,
        %parallel_loop3A_1183 = vector.shape_cast %parallel_loop3A_1182 : vector<1x16xf32> to vector<16xf32>
        %parallel_loop3A_1184 = arith.index_cast %parallel_loop3A_846 : i32 to index
        %parallel_loop3A_1185 = arith.constant 592 : index
        %parallel_loop3A_1186 = tpu.vector_load %arg12[%parallel_loop3A_1184, %parallel_loop3A_1185] {strides = array<i32>} : memref<24x768xf32, #tpu.memory_space<vmem>>, vector<1x16xf32>,
        %parallel_loop3A_1187 = vector.shape_cast %parallel_loop3A_1186 : vector<1x16xf32> to vector<16xf32>
        %parallel_loop3A_1188 = vector.shape_cast %parallel_loop3A_1183 : vector<16xf32> to vector<1x16xf32>
        tpu.vector_store %arg12[%parallel_loop3A_1184, %parallel_loop3A_1185], %parallel_loop3A_1188 {add = true, strides = array<i32>} : memref<24x768xf32, #tpu.memory_space<vmem>>, vector<1x16xf32>,
        %parallel_loop3A_1189 = arith.index_cast %parallel_loop3A_846 : i32 to index
        %parallel_loop3A_1190 = arith.constant 608 : index
        %parallel_loop3A_1191 = tpu.vector_load %arg9[%parallel_loop3A_1189, %parallel_loop3A_1190] {strides = array<i32>} : memref<24x768xf32, #tpu.memory_space<vmem>>, vector<1x16xf32>,
        %parallel_loop3A_1192 = vector.shape_cast %parallel_loop3A_1191 : vector<1x16xf32> to vector<16xf32>
        %parallel_loop3A_1193 = arith.index_cast %parallel_loop3A_846 : i32 to index
        %parallel_loop3A_1194 = arith.constant 608 : index
        %parallel_loop3A_1195 = tpu.vector_load %arg12[%parallel_loop3A_1193, %parallel_loop3A_1194] {strides = array<i32>} : memref<24x768xf32, #tpu.memory_space<vmem>>, vector<1x16xf32>,
        %parallel_loop3A_1196 = vector.shape_cast %parallel_loop3A_1195 : vector<1x16xf32> to vector<16xf32>
        %parallel_loop3A_1197 = vector.shape_cast %parallel_loop3A_1192 : vector<16xf32> to vector<1x16xf32>
        tpu.vector_store %arg12[%parallel_loop3A_1193, %parallel_loop3A_1194], %parallel_loop3A_1197 {add = true, strides = array<i32>} : memref<24x768xf32, #tpu.memory_space<vmem>>, vector<1x16xf32>,
        %parallel_loop3A_1198 = arith.index_cast %parallel_loop3A_846 : i32 to index
        %parallel_loop3A_1199 = arith.constant 624 : index
        %parallel_loop3A_1200 = tpu.vector_load %arg9[%parallel_loop3A_1198, %parallel_loop3A_1199] {strides = array<i32>} : memref<24x768xf32, #tpu.memory_space<vmem>>, vector<1x16xf32>,
        %parallel_loop3A_1201 = vector.shape_cast %parallel_loop3A_1200 : vector<1x16xf32> to vector<16xf32>
        %parallel_loop3A_1202 = arith.index_cast %parallel_loop3A_846 : i32 to index
        %parallel_loop3A_1203 = arith.constant 624 : index
        %parallel_loop3A_1204 = tpu.vector_load %arg12[%parallel_loop3A_1202, %parallel_loop3A_1203] {strides = array<i32>} : memref<24x768xf32, #tpu.memory_space<vmem>>, vector<1x16xf32>,
        %parallel_loop3A_1205 = vector.shape_cast %parallel_loop3A_1204 : vector<1x16xf32> to vector<16xf32>
        %parallel_loop3A_1206 = vector.shape_cast %parallel_loop3A_1201 : vector<16xf32> to vector<1x16xf32>
        tpu.vector_store %arg12[%parallel_loop3A_1202, %parallel_loop3A_1203], %parallel_loop3A_1206 {add = true, strides = array<i32>} : memref<24x768xf32, #tpu.memory_space<vmem>>, vector<1x16xf32>,
        %parallel_loop3A_1207 = arith.index_cast %parallel_loop3A_846 : i32 to index
        %parallel_loop3A_1208 = arith.constant 640 : index
        %parallel_loop3A_1209 = tpu.vector_load %arg9[%parallel_loop3A_1207, %parallel_loop3A_1208] {strides = array<i32>} : memref<24x768xf32, #tpu.memory_space<vmem>>, vector<1x16xf32>,
        %parallel_loop3A_1210 = vector.shape_cast %parallel_loop3A_1209 : vector<1x16xf32> to vector<16xf32>
        %parallel_loop3A_1211 = arith.index_cast %parallel_loop3A_846 : i32 to index
        %parallel_loop3A_1212 = arith.constant 640 : index
        %parallel_loop3A_1213 = tpu.vector_load %arg12[%parallel_loop3A_1211, %parallel_loop3A_1212] {strides = array<i32>} : memref<24x768xf32, #tpu.memory_space<vmem>>, vector<1x16xf32>,
        %parallel_loop3A_1214 = vector.shape_cast %parallel_loop3A_1213 : vector<1x16xf32> to vector<16xf32>
        %parallel_loop3A_1215 = vector.shape_cast %parallel_loop3A_1210 : vector<16xf32> to vector<1x16xf32>
        tpu.vector_store %arg12[%parallel_loop3A_1211, %parallel_loop3A_1212], %parallel_loop3A_1215 {add = true, strides = array<i32>} : memref<24x768xf32, #tpu.memory_space<vmem>>, vector<1x16xf32>,
        %parallel_loop3A_1216 = arith.index_cast %parallel_loop3A_846 : i32 to index
        %parallel_loop3A_1217 = arith.constant 656 : index
        %parallel_loop3A_1218 = tpu.vector_load %arg9[%parallel_loop3A_1216, %parallel_loop3A_1217] {strides = array<i32>} : memref<24x768xf32, #tpu.memory_space<vmem>>, vector<1x16xf32>,
        %parallel_loop3A_1219 = vector.shape_cast %parallel_loop3A_1218 : vector<1x16xf32> to vector<16xf32>
        %parallel_loop3A_1220 = arith.index_cast %parallel_loop3A_846 : i32 to index
        %parallel_loop3A_1221 = arith.constant 656 : index
        %parallel_loop3A_1222 = tpu.vector_load %arg12[%parallel_loop3A_1220, %parallel_loop3A_1221] {strides = array<i32>} : memref<24x768xf32, #tpu.memory_space<vmem>>, vector<1x16xf32>,
        %parallel_loop3A_1223 = vector.shape_cast %parallel_loop3A_1222 : vector<1x16xf32> to vector<16xf32>
        %parallel_loop3A_1224 = vector.shape_cast %parallel_loop3A_1219 : vector<16xf32> to vector<1x16xf32>
        tpu.vector_store %arg12[%parallel_loop3A_1220, %parallel_loop3A_1221], %parallel_loop3A_1224 {add = true, strides = array<i32>} : memref<24x768xf32, #tpu.memory_space<vmem>>, vector<1x16xf32>,
        %parallel_loop3A_1225 = arith.index_cast %parallel_loop3A_846 : i32 to index
        %parallel_loop3A_1226 = arith.constant 672 : index
        %parallel_loop3A_1227 = tpu.vector_load %arg9[%parallel_loop3A_1225, %parallel_loop3A_1226] {strides = array<i32>} : memref<24x768xf32, #tpu.memory_space<vmem>>, vector<1x16xf32>,
        %parallel_loop3A_1228 = vector.shape_cast %parallel_loop3A_1227 : vector<1x16xf32> to vector<16xf32>
        %parallel_loop3A_1229 = arith.index_cast %parallel_loop3A_846 : i32 to index
        %parallel_loop3A_1230 = arith.constant 672 : index
        %parallel_loop3A_1231 = tpu.vector_load %arg12[%parallel_loop3A_1229, %parallel_loop3A_1230] {strides = array<i32>} : memref<24x768xf32, #tpu.memory_space<vmem>>, vector<1x16xf32>,
        %parallel_loop3A_1232 = vector.shape_cast %parallel_loop3A_1231 : vector<1x16xf32> to vector<16xf32>
        %parallel_loop3A_1233 = vector.shape_cast %parallel_loop3A_1228 : vector<16xf32> to vector<1x16xf32>
        tpu.vector_store %arg12[%parallel_loop3A_1229, %parallel_loop3A_1230], %parallel_loop3A_1233 {add = true, strides = array<i32>} : memref<24x768xf32, #tpu.memory_space<vmem>>, vector<1x16xf32>,
        %parallel_loop3A_1234 = arith.index_cast %parallel_loop3A_846 : i32 to index
        %parallel_loop3A_1235 = arith.constant 688 : index
        %parallel_loop3A_1236 = tpu.vector_load %arg9[%parallel_loop3A_1234, %parallel_loop3A_1235] {strides = array<i32>} : memref<24x768xf32, #tpu.memory_space<vmem>>, vector<1x16xf32>,
        %parallel_loop3A_1237 = vector.shape_cast %parallel_loop3A_1236 : vector<1x16xf32> to vector<16xf32>
        %parallel_loop3A_1238 = arith.index_cast %parallel_loop3A_846 : i32 to index
        %parallel_loop3A_1239 = arith.constant 688 : index
        %parallel_loop3A_1240 = tpu.vector_load %arg12[%parallel_loop3A_1238, %parallel_loop3A_1239] {strides = array<i32>} : memref<24x768xf32, #tpu.memory_space<vmem>>, vector<1x16xf32>,
        %parallel_loop3A_1241 = vector.shape_cast %parallel_loop3A_1240 : vector<1x16xf32> to vector<16xf32>
        %parallel_loop3A_1242 = vector.shape_cast %parallel_loop3A_1237 : vector<16xf32> to vector<1x16xf32>
        tpu.vector_store %arg12[%parallel_loop3A_1238, %parallel_loop3A_1239], %parallel_loop3A_1242 {add = true, strides = array<i32>} : memref<24x768xf32, #tpu.memory_space<vmem>>, vector<1x16xf32>,
        %parallel_loop3A_1243 = arith.index_cast %parallel_loop3A_846 : i32 to index
        %parallel_loop3A_1244 = arith.constant 704 : index
        %parallel_loop3A_1245 = tpu.vector_load %arg9[%parallel_loop3A_1243, %parallel_loop3A_1244] {strides = array<i32>} : memref<24x768xf32, #tpu.memory_space<vmem>>, vector<1x16xf32>,
        %parallel_loop3A_1246 = vector.shape_cast %parallel_loop3A_1245 : vector<1x16xf32> to vector<16xf32>
        %parallel_loop3A_1247 = arith.index_cast %parallel_loop3A_846 : i32 to index
        %parallel_loop3A_1248 = arith.constant 704 : index
        %parallel_loop3A_1249 = tpu.vector_load %arg12[%parallel_loop3A_1247, %parallel_loop3A_1248] {strides = array<i32>} : memref<24x768xf32, #tpu.memory_space<vmem>>, vector<1x16xf32>,
        %parallel_loop3A_1250 = vector.shape_cast %parallel_loop3A_1249 : vector<1x16xf32> to vector<16xf32>
        %parallel_loop3A_1251 = vector.shape_cast %parallel_loop3A_1246 : vector<16xf32> to vector<1x16xf32>
        tpu.vector_store %arg12[%parallel_loop3A_1247, %parallel_loop3A_1248], %parallel_loop3A_1251 {add = true, strides = array<i32>} : memref<24x768xf32, #tpu.memory_space<vmem>>, vector<1x16xf32>,
        %parallel_loop3A_1252 = arith.index_cast %parallel_loop3A_846 : i32 to index
        %parallel_loop3A_1253 = arith.constant 720 : index
        %parallel_loop3A_1254 = tpu.vector_load %arg9[%parallel_loop3A_1252, %parallel_loop3A_1253] {strides = array<i32>} : memref<24x768xf32, #tpu.memory_space<vmem>>, vector<1x16xf32>,
        %parallel_loop3A_1255 = vector.shape_cast %parallel_loop3A_1254 : vector<1x16xf32> to vector<16xf32>
        %parallel_loop3A_1256 = arith.index_cast %parallel_loop3A_846 : i32 to index
        %parallel_loop3A_1257 = arith.constant 720 : index
        %parallel_loop3A_1258 = tpu.vector_load %arg12[%parallel_loop3A_1256, %parallel_loop3A_1257] {strides = array<i32>} : memref<24x768xf32, #tpu.memory_space<vmem>>, vector<1x16xf32>,
        %parallel_loop3A_1259 = vector.shape_cast %parallel_loop3A_1258 : vector<1x16xf32> to vector<16xf32>
        %parallel_loop3A_1260 = vector.shape_cast %parallel_loop3A_1255 : vector<16xf32> to vector<1x16xf32>
        tpu.vector_store %arg12[%parallel_loop3A_1256, %parallel_loop3A_1257], %parallel_loop3A_1260 {add = true, strides = array<i32>} : memref<24x768xf32, #tpu.memory_space<vmem>>, vector<1x16xf32>,
        %parallel_loop3A_1261 = arith.index_cast %parallel_loop3A_846 : i32 to index
        %parallel_loop3A_1262 = arith.constant 736 : index
        %parallel_loop3A_1263 = tpu.vector_load %arg9[%parallel_loop3A_1261, %parallel_loop3A_1262] {strides = array<i32>} : memref<24x768xf32, #tpu.memory_space<vmem>>, vector<1x16xf32>,
        %parallel_loop3A_1264 = vector.shape_cast %parallel_loop3A_1263 : vector<1x16xf32> to vector<16xf32>
        %parallel_loop3A_1265 = arith.index_cast %parallel_loop3A_846 : i32 to index
        %parallel_loop3A_1266 = arith.constant 736 : index
        %parallel_loop3A_1267 = tpu.vector_load %arg12[%parallel_loop3A_1265, %parallel_loop3A_1266] {strides = array<i32>} : memref<24x768xf32, #tpu.memory_space<vmem>>, vector<1x16xf32>,
        %parallel_loop3A_1268 = vector.shape_cast %parallel_loop3A_1267 : vector<1x16xf32> to vector<16xf32>
        %parallel_loop3A_1269 = vector.shape_cast %parallel_loop3A_1264 : vector<16xf32> to vector<1x16xf32>
        tpu.vector_store %arg12[%parallel_loop3A_1265, %parallel_loop3A_1266], %parallel_loop3A_1269 {add = true, strides = array<i32>} : memref<24x768xf32, #tpu.memory_space<vmem>>, vector<1x16xf32>,
        %parallel_loop3A_1270 = arith.index_cast %parallel_loop3A_846 : i32 to index
        %parallel_loop3A_1271 = arith.constant 752 : index
        %parallel_loop3A_1272 = tpu.vector_load %arg9[%parallel_loop3A_1270, %parallel_loop3A_1271] {strides = array<i32>} : memref<24x768xf32, #tpu.memory_space<vmem>>, vector<1x16xf32>,
        %parallel_loop3A_1273 = vector.shape_cast %parallel_loop3A_1272 : vector<1x16xf32> to vector<16xf32>
        %parallel_loop3A_1274 = arith.index_cast %parallel_loop3A_846 : i32 to index
        %parallel_loop3A_1275 = arith.constant 752 : index
        %parallel_loop3A_1276 = tpu.vector_load %arg12[%parallel_loop3A_1274, %parallel_loop3A_1275] {strides = array<i32>} : memref<24x768xf32, #tpu.memory_space<vmem>>, vector<1x16xf32>,
        %parallel_loop3A_1277 = vector.shape_cast %parallel_loop3A_1276 : vector<1x16xf32> to vector<16xf32>
        %parallel_loop3A_1278 = vector.shape_cast %parallel_loop3A_1273 : vector<16xf32> to vector<1x16xf32>
        tpu.vector_store %arg12[%parallel_loop3A_1274, %parallel_loop3A_1275], %parallel_loop3A_1278 {add = true, strides = array<i32>} : memref<24x768xf32, #tpu.memory_space<vmem>>, vector<1x16xf32>,
      } {sc.loop_unroll_factor = 2 : i64, sc.parallel_access}
      %mul3A_834 = arith.constant 24 : i32
      %mul3A_835 = arith.muli %add3A_822, %mul3A_834 : i32
      %add3A_836 = arith.addi %mul3A_2, %mul3A_835 : i32
      %dma_start3A_837 = arith.constant 0 : i32
      %dma_start3A_838 = tpu.memref_slice %arg5[%add3A_836, %dma_start3A_837] : memref<36864x768xf32, #tpu.memory_space<hbm>> -> memref<24x768xf32, #tpu.memory_space<hbm>>
      %dma_start3A_839 = arith.constant 0 : i32
      %dma_start3A_840 = tpu.memref_slice %arg5[%add3A_836, %dma_start3A_839] : memref<36864x768xf32, #tpu.memory_space<hbm>> -> memref<24x768xf32, #tpu.memory_space<hbm>>
      tpu.enqueue_dma source(%arg12 : memref<24x768xf32, #tpu.memory_space<vmem>>) target(%dma_start3A_840 : memref<24x768xf32, #tpu.memory_space<hbm>>) target_semaphore(%arg21 : memref<!tpu.dma_semaphore, #tpu.memory_space<semaphore_mem>>)
      %lt3A_841 = arith.constant 15 : i32
      %lt3A_842 = arith.cmpi slt, %scan3A_758, %lt3A_841 : i32
      %convert_element_type3A_843 = arith.extui %lt3A_842 : i1 to i32
      %cond3A_844 = arith.constant 0 : i32
      %cond3A_845 = arith.cmpi ne, %convert_element_type3A_843, %cond3A_844 : i32
      scf.if %cond3A_845 {
        %dma_wait3A_846 = arith.constant 0 : i32
        %dma_wait3A_847 = tpu.memref_slice %arg5[%mul3A_2, %dma_wait3A_846] : memref<36864x768xf32, #tpu.memory_space<hbm>> -> memref<24x768xf32, #tpu.memory_space<hbm>>
        %dma_wait3A_848 = arith.constant 0 : i32
        %dma_wait3A_849 = tpu.memref_slice %arg5[%mul3A_2, %dma_wait3A_848] : memref<36864x768xf32, #tpu.memory_space<hbm>> -> memref<24x768xf32, #tpu.memory_space<hbm>>
        tpu.wait_dma2 semaphore(%arg20 : memref<!tpu.dma_semaphore, #tpu.memory_space<semaphore_mem>>) src(%arg11 : memref<24x768xf32, #tpu.memory_space<vmem>>) dst(%dma_wait3A_849 : memref<24x768xf32, #tpu.memory_space<hbm>>)
        %add3A_850 = arith.constant 2 : i32
        %add3A_851 = arith.addi %add3A_822, %add3A_850 : i32
        %mul3A_852 = arith.constant 24 : i32
        %mul3A_853 = arith.muli %add3A_851, %mul3A_852 : i32
        %add3A_854 = arith.addi %mul3A_2, %mul3A_853 : i32
        %dma_start3A_855 = arith.constant 0 : i32
        %dma_start3A_856 = tpu.memref_slice %arg2[%add3A_854, %dma_start3A_855] : memref<36864x768xf32, #tpu.memory_space<hbm>> -> memref<24x768xf32, #tpu.memory_space<hbm>>
        %dma_start3A_857 = arith.constant 0 : i32
        %dma_start3A_858 = tpu.memref_slice %arg2[%add3A_854, %dma_start3A_857] : memref<36864x768xf32, #tpu.memory_space<hbm>> -> memref<24x768xf32, #tpu.memory_space<hbm>>
        tpu.enqueue_dma source(%dma_start3A_858 : memref<24x768xf32, #tpu.memory_space<hbm>>) target(%arg8 : memref<24x768xf32, #tpu.memory_space<vmem>>) target_semaphore(%arg14 : memref<!tpu.dma_semaphore, #tpu.memory_space<semaphore_mem>>)
        %mul3A_859 = arith.constant 24 : i32
        %mul3A_860 = arith.muli %add3A_851, %mul3A_859 : i32
        %dma_start3A_861 = tpu.memref_slice %arg6[%mul3A_860] : memref<1152xi32, #tpu.memory_space<vmem>> -> memref<24xi32, #tpu.memory_space<vmem>>
        %dma_start3A_862 = arith.constant 0 : i32
        %dma_start3A_863 = arith.constant 0 : i32
        %dma_start3A_864 = tpu.memref_slice %arg4[%dma_start3A_862, %dma_start3A_863] : memref<577x768xf32, #tpu.memory_space<hbm>> -> memref<577x768xf32, #tpu.memory_space<hbm>>
        tpu.enqueue_indirect_dma source(%dma_start3A_864 : memref<577x768xf32, #tpu.memory_space<hbm>>) target(%arg11 : memref<24x768xf32, #tpu.memory_space<vmem>>) offsets(%dma_start3A_861 : memref<24xi32, #tpu.memory_space<vmem>>) semaphore(%arg17 : memref<!tpu.dma_semaphore, #tpu.memory_space<semaphore_mem>>)
      } else {
      }
    }
    %scan3A_746 = arith.constant 16 : i32
    %dma_wait3A = arith.constant 0 : i32
    %dma_wait3A_747 = tpu.memref_slice %arg5[%mul3A_2, %dma_wait3A] : memref<36864x768xf32, #tpu.memory_space<hbm>> -> memref<24x768xf32, #tpu.memory_space<hbm>>
    %dma_wait3A_748 = arith.constant 0 : i32
    %dma_wait3A_749 = tpu.memref_slice %arg5[%mul3A_2, %dma_wait3A_748] : memref<36864x768xf32, #tpu.memory_space<hbm>> -> memref<24x768xf32, #tpu.memory_space<hbm>>
    tpu.wait_dma2 semaphore(%arg19 : memref<!tpu.dma_semaphore, #tpu.memory_space<semaphore_mem>>) src(%arg10 : memref<24x768xf32, #tpu.memory_space<vmem>>) dst(%dma_wait3A_749 : memref<24x768xf32, #tpu.memory_space<hbm>>)
    %dma_wait3A_750 = arith.constant 0 : i32
    %dma_wait3A_751 = tpu.memref_slice %arg5[%mul3A_2, %dma_wait3A_750] : memref<36864x768xf32, #tpu.memory_space<hbm>> -> memref<24x768xf32, #tpu.memory_space<hbm>>
    %dma_wait3A_752 = arith.constant 0 : i32
    %dma_wait3A_753 = tpu.memref_slice %arg5[%mul3A_2, %dma_wait3A_752] : memref<36864x768xf32, #tpu.memory_space<hbm>> -> memref<24x768xf32, #tpu.memory_space<hbm>>
    tpu.wait_dma2 semaphore(%arg20 : memref<!tpu.dma_semaphore, #tpu.memory_space<semaphore_mem>>) src(%arg11 : memref<24x768xf32, #tpu.memory_space<vmem>>) dst(%dma_wait3A_753 : memref<24x768xf32, #tpu.memory_space<hbm>>)
    %dma_wait3A_754 = arith.constant 0 : i32
    %dma_wait3A_755 = tpu.memref_slice %arg5[%mul3A_2, %dma_wait3A_754] : memref<36864x768xf32, #tpu.memory_space<hbm>> -> memref<24x768xf32, #tpu.memory_space<hbm>>
    %dma_wait3A_756 = arith.constant 0 : i32
    %dma_wait3A_757 = tpu.memref_slice %arg5[%mul3A_2, %dma_wait3A_756] : memref<36864x768xf32, #tpu.memory_space<hbm>> -> memref<24x768xf32, #tpu.memory_space<hbm>>
    tpu.wait_dma2 semaphore(%arg21 : memref<!tpu.dma_semaphore, #tpu.memory_space<semaphore_mem>>) src(%arg12 : memref<24x768xf32, #tpu.memory_space<vmem>>) dst(%dma_wait3A_757 : memref<24x768xf32, #tpu.memory_space<hbm>>)
    return
  }
}

</mosaic_0001>

<sc_bundles>
// kernel: kernel.3.cloned.1.call-start
scs
__scs_entry_jumppad:
0x0: {  	(pc) =	sbr.rel $0x88, $3  }
0x1: {  	(tag) =	ssettag $0x0;
	lr =	simm.s32 $0x1  }
0x2: {  	[smem:$0x3F9E] =	sst lr;
	_ =	strace $0xD0000000  }
0x3: {  	_ = 	snop  }
0x4: {  	_ = 	snop  }
0x5: {  	_ = 	snop  }
0x6: {  	_ = 	snop  }
0x7: {  	_ = 	snop  }
__scs_overlays_trampoline_lowered:
0x8: {  	[smem:$0x3FAD] =	sst s0  }
0x9: {  	[smem:$0x3FAE] =	sst s1  }
0xa: {  	[smem:$0x3FAF] =	sst s2  }
0xb: {  	[smem:$0x3FB0] =	sst s3  }
0xc: {  	[smem:$0x3FB1] =	sst s4  }
0xd: {  	[smem:$0x3FB2] =	sst s5  }
0xe: {  	[smem:$0x3FB3] =	sst s6  }
0xf: {  	[smem:$0x3FB4] =	sst s7  }
0x10: {  	[smem:$0x3FB5] =	sst s8  }
0x11: {  	[smem:$0x3FB6] =	sst s9;
	s0 =	simm.s32 @!p0 $0x0  }
0x12: {  	s1 =	sld [smem:$0x3F9C];
	s0 =	simm.s32 @p0 $0x1  }
0x13: {  	[smem:$0x3FB7] =	sst s0;
	s0 =	simm.s32 @!p1 $0x0  }
0x14: {  	s2 =	sld [smem:$0x3F9B];
	s0 =	simm.s32 @p1 $0x1  }
0x15: {  	[smem:$0x3FB8] =	sst s0;
	s0 =	simm.s32 @!p2 $0x0  }
0x16: {  	s3 =	sld [smem:$0x3FDB];
	s0 =	simm.s32 @p2 $0x1  }
0x17: {  	s4 =	simm.s32 $0x1BF5;
	[smem:$0x3FBA] =	sst s0  }
0x18: {  	s0 =	sld [smem:$0x3F9D];
	_ =	swait.ge [sflag:s4], $0x0  }
0x19: {  	s7 =	sld [smem:$0x3F9E]  }
0x1a: {  	s8 =	sadd.s32 $0xFFFFE003, lr  }
0x1b: {  	s9 =	sadd.s32 $0xFFFFFEF7, lr;
	s5 =	simm.s32 $0xFFFFFFFF;
	p2 =	slt.u32 s8, $0xFFFFF086  }
0x1c: {  	p1 =	slt.u32 s9, $0xF7A;
	s5 =	simm.s32 @!p2 $0x0  }
0x1d: {  	s5 =	simm.s32 @p1 $0x1;
	p0 =	seq.s32 s7, s2  }
0x1e: {  	s7 =	smul.u32 @!p0 $0xF7A, s2;
	p2 =	seq.s32 @!p0 s5, $0x0  }
0x1f: {  	s9 =	smul.u32 $0xF7A, s1;
	s8 =	simm.s32 @!p0 $0x1BF5;
	p2 =	por !p2, p0  }
0x20: {  	[sflag:s8] =	ssyncset.s32 @!p0 $0xFFFFF086;
	s6 =	sadd.s32 @!p0 s3, s7;
	s7 =	simm.s32 @!p0 $0x108  }
0x21: {  	s3 =	sadd.s32 s3, s9;
	s6 =	sadd.s32 @!p0 $0x88, s6;
	s7 =	simm.s32 @p2 $0x1082  }
0x22: {  	[simem:s7], [sflag:s8] =	dma.local @!p0 [hbm:s6], $0xF7A  }
0x23: {  	s9 =	sor.u32 $0xD0000000, s2;
	s6 =	simm.s32 $0x108;
	_ =	swait.ge @!p0 [sflag:s8], $0x0  }
0x24: {  	s3 =	sadd.s32 $0x88, s3;
	s6 =	simm.s32 @!p1 $0x1082;
	[sflag:s4] =	ssyncset.s32 $0xFFFFF086  }
0x25: {  	[simem:s6], [sflag:s4] =	dma.local [hbm:s3], $0xF7A  }
0x26: {  	[smem:$0x3F9E] =	sst s1;
	(tag) =	ssettag s2;
	_ =	strace s9  }
0x27: {  	s1 =	sld [smem:$0x3FAE]  }
0x28: {  	s2 =	sld [smem:$0x3FAF]  }
0x29: {  	s4 =	sld [smem:$0x3FB1]  }
0x2a: {  	p0 =	seq.s32 s5, $0x0;
	s5 =	sld [smem:$0x3FB2]  }
0x2b: {  	s6 =	sld [smem:$0x3FB3]  }
0x2c: {  	s7 =	sld [smem:$0x3FB4]  }
0x2d: {  	s3 =	simm.s32 $0x108;
	s8 =	sld [smem:$0x3FB5]  }
0x2e: {  	s3 =	simm.s32 @!p0 $0x1082;
	s9 =	sld [smem:$0x3FB6]  }
0x2f: {  	lr =	sadd.s32 s0, s3;
	s0 =	sld [smem:$0x3FAD]  }
0x30: {  	s3 =	sld [smem:$0x3FB0]  }
0x31: {  	[smem:$0x3FB9] =	sst s10  }
0x32: {  	s10 =	sld [smem:$0x3FB7];
	_ =	sdelay $0x3  }
0x33: {  	p0 =	seq.s32 s10, $0x1;
	s10 =	sld [smem:$0x3FB9];
	_ =	sdelay $0x3  }
0x34: {  	[smem:$0x3FB9] =	sst s10  }
0x35: {  	s10 =	sld [smem:$0x3FB8];
	_ =	sdelay $0x3  }
0x36: {  	p1 =	seq.s32 s10, $0x1;
	s10 =	sld [smem:$0x3FB9];
	_ =	sdelay $0x3  }
0x37: {  	[smem:$0x3FB9] =	sst s10  }
0x38: {  	s10 =	sld [smem:$0x3FBA]  }
0x39: {  	_ = 	snop;
	(pc) =	sbr.ind lr, $3  }
0x3a: {  	_ = 	snop  }
0x3b: {  	_ = 	snop  }
0x3c: {  	p2 =	seq.s32 s10, $0x1;
	s10 =	sld [smem:$0x3FB9]  }
0x3d: {  	_ =	shalt  }
0x3e: {  	_ =	shalt  }
0x3f: {  	_ =	shalt  }
0x40: {  	_ =	shalt  }
0x41: {  	_ =	shalt  }
0x42: {  	_ =	shalt  }
0x43: {  	_ =	shalt  }
0x44: {  	_ =	shalt  }
0x45: {  	_ =	shalt  }
0x46: {  	_ =	shalt  }
0x47: {  	_ =	shalt  }
0x48: {  	_ =	shalt  }
0x49: {  	_ =	shalt  }
0x4a: {  	_ =	shalt  }
0x4b: {  	_ =	shalt  }
0x4c: {  	_ =	shalt  }
0x4d: {  	_ =	shalt  }
0x4e: {  	_ =	shalt  }
0x4f: {  	_ =	shalt  }
0x50: {  	_ =	shalt  }
0x51: {  	_ =	shalt  }
0x52: {  	_ =	shalt  }
0x53: {  	_ =	shalt  }
0x54: {  	_ =	shalt  }
0x55: {  	_ =	shalt  }
0x56: {  	_ =	shalt  }
0x57: {  	_ =	shalt  }
0x58: {  	_ =	shalt  }
0x59: {  	_ =	shalt  }
0x5a: {  	_ =	shalt  }
0x5b: {  	_ =	shalt  }
0x5c: {  	_ =	shalt  }
0x5d: {  	_ =	shalt  }
0x5e: {  	_ =	shalt  }
0x5f: {  	_ =	shalt  }
0x60: {  	_ =	shalt  }
0x61: {  	_ =	shalt  }
0x62: {  	_ =	shalt  }
0x63: {  	_ =	shalt  }
0x64: {  	_ =	shalt  }
0x65: {  	_ =	shalt  }
0x66: {  	_ =	shalt  }
0x67: {  	_ =	shalt  }
0x68: {  	_ =	shalt  }
0x69: {  	_ =	shalt  }
0x6a: {  	_ =	shalt  }
0x6b: {  	_ =	shalt  }
0x6c: {  	_ =	shalt  }
0x6d: {  	_ =	shalt  }
0x6e: {  	_ =	shalt  }
0x6f: {  	_ =	shalt  }
0x70: {  	_ =	shalt  }
0x71: {  	_ =	shalt  }
0x72: {  	_ =	shalt  }
0x73: {  	_ =	shalt  }
0x74: {  	_ =	shalt  }
0x75: {  	_ =	shalt  }
0x76: {  	_ =	shalt  }
0x77: {  	_ =	shalt  }
0x78: {  	_ =	shalt  }
0x79: {  	_ =	shalt  }
0x7a: {  	_ =	shalt  }
0x7b: {  	_ =	shalt  }
0x7c: {  	_ =	shalt  }
0x7d: {  	_ =	shalt  }
0x7e: {  	_ =	shalt  }
0x7f: {  	_ =	shalt  }
0x80: {  	_ =	shalt  }
0x81: {  	_ =	shalt  }
0x82: {  	_ =	shalt  }
0x83: {  	_ =	shalt  }
0x84: {  	_ =	shalt  }
0x85: {  	_ =	shalt  }
0x86: {  	_ =	shalt  }
0x87: {  	_ =	shalt  }
.Lfunc_end0:
.L_simem_size_0:
called_computation_lowered:
.L_overlay_start_0:
0x88: {  	s2 =	sld [smem:$0x3FD9]  }
0x89: {  	s3 =	sld [smem:$0x3FFE];
	_ =	sdelay $0x1  }
0x8a: {  	s1 =	srdreg.scid  }
0x8b: {  	s0 =	sand.u32 $0x1, s1  }
0x8c: {  	s17 =	sshll.u32 s0, $0xA;
	s2 =	sadd.s32 s3, s2  }
0x8d: {  	s2 =	sadd.s32 s2, s17  }
0x8e: {  	[smem:$0x3FC5] =	sst s2  }
0x8f: {  	_ = 	snop  }
0x90: {  	s2 =	sld [smem:$0x3FC9]  }
0x91: {  	s18 =	sld [smem:$0x3FD0];
	(tm) =	ssettm $0x1  }
0x92: {  	s4 =	sld [smem:$0x3FFB];
	_ =	sdelay $0x3  }
0x93: {  	_ =	strace s4  }
0x94: {  	s4 =	sld [smem:$0x3FFC];
	_ =	sdelay $0x3  }
0x95: {  	_ =	strace s4  }
0x96: {  	s4 =	sld [smem:$0x3FFD];
	_ =	sdelay $0x3  }
0x97: {  	_ =	strace s4  }
0x98: {  	_ =	strace $0x8FFFFFFF  }
0x99: {  	s19 =	sld [smem:$0x3FDB];
	_ =	sdelay $0x1  }
0x9a: {  	s5 =	simm.s32 $_scs_section_size  }
0x9b: {  	s6 =	simm.s32 $_size__tile_overlayer_lowered;
	s7 =	simm.s32 $_tile_overlayer_lowered  }
0x9c: {  	s22 =	simm.s32 $0x1BFF;
	s21 =	sshll.u32 s7, $0x1;
	s4 =	sadd.s32 s5, s19  }
0x9d: {  	s8 =	simm.s32 $0x0;
	s20 =	sshll.u32 s6, $0x1;
	s6 =	sadd.s32 s21, s4  }
0x9e: {  	[timem:s8], [sflag:s22] =	dma.local [hbm:s6], s20  }
0x9f: {  	_ =	swait.ge [sflag:s22], s20  }
0xa0: {  	s5 =	ssub.s32 $0x0, s20;
	[sflag:s22] =	ssyncset.done $0x0  }
0xa1: {  	[sflag:s22] =	ssyncadd.s32 s5;
	_ =	sdelay $0x1  }
0xa2: {  	s23 =	simm.s32 $0x1B8B  }
0xa3: {  	_ =	swait.ge [sflag:s23], $0x1  }
0xa4: {  	[sflag:s23] =	ssyncset.done $0x0  }
0xa5: {  	s25 =	simm.s32 $0x1B8E;
	s24 =	sld [smem:$0x3FFE];
	[sflag:s23] =	ssyncadd.s32 $0xFFFFFFFF  }
0xa6: {  	s26 =	simm.s32 $execute0_lowered;
	[smem:$0x3FD2] =	sst s25  }
0xa7: {  	s6 =	sshll.u32 s26, $0x1;
	_ =	strace $0x80000046;
	[dreg:$0x1] =	wrdreg $0xFFFFFFFF  }
0xa8: {  	s28 =	simm.s32 $_size_execute0_lowered;
	s4 =	sadd.s32 s4, s6;
	[dreg:$0x0] =	wrdreg $0x0  }
0xa9: {  	s6 =	sshll.u32 s28, $0x1;
	[dreg:$0x2] =	wrdreg s4  }
0xaa: {  	[dreg:$0x3] =	wrdreg s6  }
0xab: {  	[dreg:$0x4] =	wrdreg $0xC0  }
0xac: {  	_ =	task [dreg:s8], $0x5FFFF  }
0xad: {  	[dreg:$0x1] =	wrdreg $0xFFFFFFFF  }
0xae: {  	[dreg:$0x0] =	wrdreg $0x60  }
0xaf: {  	[dreg:$0x2] =	wrdreg s2  }
0xb0: {  	[dreg:$0x3] =	wrdreg s24  }
0xb1: {  	[dreg:$0x4] =	wrdreg s18  }
0xb2: {  	[dreg:$0x5] =	wrdreg $0x9  }
0xb3: {  	_ =	task.clear_ibuf [dreg:s8], $0x6FFFF;
	_ =	strace $0x90000046  }
0xb4: {  	s29 =	simm.s32 $0x9;
	_ =	strace $0x80000048  }
0xb5: {  	_ =	swait.ge [sflag:s29], $0x1  }
0xb6: {  	[sflag:s29] =	ssyncadd.s32 $0xFFFFFFFF  }
0xb7: {  	_ =	strace $0x90000048  }
0xb8: {  	_ =	sfence  }
0xb9: {  	s30 =	sld [smem:$0x0];
	_ =	sdelay $0x2  }
0xba: {  	s31 =	sshll.u32 s1, $0xD;
	s1 =	sshrl.u32 s1, $0x2  }
0xbb: {  	s3 =	sand.u32 $0x4000, s31;
	s1 =	sadd.s32 s1, s30  }
0xbc: {  	s0 =	sor.u32 s3, s0;
	s1 =	sshll.u32 s1, $0x11  }
0xbd: {  	s0 =	sor.u32 s1, s0  }
0xbe: {  	s0 =	sadd.s32 $0x8F2B, s0  }
0xbf: {  	[sflag:s0] =	ssyncadd.remote.s32 $0x1  }
0xc0: {  	_ =	sfence.sel $0xFFFF  }
0xc1: {  	[dreg:$0x0] =	wrdreg $0xFFFFFFFF;
	(pc) =	sbr.abs _section_cstart, $3  }
0xc2: {  	[dreg:$0x1] =	wrdreg $0xFFFFFFFF  }
0xc3: {  	_ =	task.clear_ibuf [dreg:s8], $0x2FFFF;
	_ =	strace $0x9FFFFFFF  }
0xc4: {  	(tm) =	ssettm $0x7FFFFFFF  }
0xc5: {  	_ =	shalt  }
tec
execute0_lowered:
.L_overlay_start_1:
0x0: {  	(tag) =	ssettag $0x1  }
0x1: {  	s1 =	rddreg [dreg:$0x0]  }
0x2: {  	s0 =	srdreg.scid;
	s7 =	rddreg [dreg:$0x1]  }
0x3: {  	s2 =	stileid.u32;
	s3 =	rddreg [dreg:$0x2]  }
0x4: {  	s5 =	simm.s32 $0x0;
	s18 =	simm.s32 $0x1;
	s19 =	simm.s32 $0x4  }
0x5: {  	s21 =	simm.s32 $0x16C80;
	s0 =	sand.u32 $0x1, s0;
	s2 =	sshll.u32 s2, $0x1  }
0x6: {  	s25 =	simm.s32 $0x2;
	s28 =	simm.s32 $0x5;
	s2 =	sor.u32 s0, s2  }
0x7: {  	s29 =	simm.s32 $0x3;
	s30 =	simm.s32 $0x6;
	s4 =	smul.u32 $0x480, s2  }
0x8: {  	s31 =	simm.s32 $0x8;
	[smem:$0x7FF] =	sst s5;
	s0 =	ssub.s32 $0x2, s0  }
0x9: {  	s6 =	sadd.s32 $0x1600, s7;
	s8 =	sshrl.u32 s0, $0x1;
	s2 =	sshrl.u32 s4, $0x3  }
0xa: {  	s10 =	sadd.s32 $0x1800, s7;
	s0 =	ssub.s32 s0, s8;
	s9 =	smul.u32 $0x300, s2  }
.Ltmp0:
0xb: {  	s0 =	smax.u32 s0, $0x1;
	s2 =	sadd.s32 s2, s7;
	(pc) =	sbr.rel .LBB2_1-.Ltmp0, $4  }
0xc: {  	_ =	strace $0x80000047;
	[dreg:$0x7] =	wrdreg s0;
	s2 =	sadd.s32 $0x400, s2  }
0xd: {  	v2 =	vlaneseq.u32;
	s12 =	sor.u32 $0x18, s4;
	[dreg:$0x4] =	wrdreg s2;
	s26 =	sadd.s32 s1, s9  }
0xe: {  	vm0 =	vmmov $0xffff;
	v1 =	vshrl.u32 v2, $0x3;
	s9 =	sadd.s32 $0x1700, s7;
	[dreg:$0x5] =	wrdreg s26;
	s2 =	sadd.s32 $0x900, s26  }
0xf: {  	v0 =	vand.u32 $0x7, v2;
	v2 =	vor.u32 $0x8, v2;
	v1 =	vmul.u32 $0x8, v1;
	s7 =	simm.s32 $0x0;
	s26 =	simm.s32 $0x12480;
	[dreg:$0x6] =	wrdreg s2  }
.LBB2_10:
0x10: {  	s0 =	simm.s32 $0x7  }
0x11: {  	_ =	swait.ge [sflag:s0], $0x4800  }
0x12: {  	[sflag:s0] =	ssyncset.done $0x0  }
0x13: {  	[sflag:s0] =	ssyncadd.s32 $0xFFFFB800  }
0x14: {  	_ =	swait.ge [sflag:s31], $0x4800  }
0x15: {  	[sflag:s31] =	ssyncset.done $0x0  }
0x16: {  	s2 =	simm.s32 $0x9;
	[sflag:s31] =	ssyncadd.s32 $0xFFFFB800  }
0x17: {  	_ =	swait.ge [sflag:s2], $0x4800  }
0x18: {  	s7 =	rddreg [dreg:$0x8]  }
0x19: {  	s24 =	rddreg [dreg:$0x7];
	s7 =	sadd.s32 $0x1, s7  }
0x1a: {  	p0 =	sne.s32 s7, s24  }
.Ltmp1:
0x1b: {  	_ = 	snop;
	(pc) =	sbr.rel @!p0 .LBB2_11-.Ltmp1, $3  }
0x1c: {  	_ =	sdelay $0x1  }
0x1d: {  	[sflag:s2] =	ssyncset.done $0x0  }
0x1e: {  	[sflag:s2] =	ssyncadd.s32 $0xFFFFB800  }
.LBB2_1:
0x1f: {  	[dreg:$0x8] =	wrdreg s7  }
0x20: {  	s0 =	rddreg [dreg:$0x4];
	s14 =	simm.s32 $0xA  }
0x21: {  	[tilespmem:s5], [sflag:$0xA] =	stream.linear.gather [hbm4b:s0+s5], $0x480, $0x38;
	[tilespmem:$0x1B480] =	vst v63  }
0x22: {  	_ =	swait.ge [sflag:s14], $0x480  }
0x23: {  	[sflag:s14] =	ssyncset.done $0x0  }
0x24: {  	[sflag:s14] =	ssyncadd.s32 $0xFFFFFB80  }
0x25: {  	v3 =	vld [tilespmem:$0x0]  }
0x26: {  	v4 =	vld [tilespmem:$0x10]  }
0x27: {  	v5 =	vld [tilespmem:$0x20]  }
0x28: {  	v6 =	vld [tilespmem:$0x30]  }
0x29: {  	v7 =	vld [tilespmem:$0x40]  }
0x2a: {  	v8 =	vld [tilespmem:$0x50];
	v3 =	vadd.s32 $0x1, v3  }
0x2b: {  	v46 =	vld [tilespmem:$0x60];
	[tilespmem:$0x0] =	vst v3;
	v3 =	vadd.s32 $0x1, v4  }
0x2c: {  	v47 =	vld [tilespmem:$0x70];
	[tilespmem:$0x10] =	vst v3;
	v3 =	vadd.s32 $0x1, v5  }
0x2d: {  	v48 =	vld [tilespmem:$0x80];
	[tilespmem:$0x20] =	vst v3;
	v3 =	vadd.s32 $0x1, v6  }
0x2e: {  	v49 =	vld [tilespmem:$0x90];
	[tilespmem:$0x30] =	vst v3;
	v3 =	vadd.s32 $0x1, v7  }
0x2f: {  	v50 =	vld [tilespmem:$0xA0];
	[tilespmem:$0x40] =	vst v3;
	v3 =	vadd.s32 $0x1, v8  }
0x30: {  	v51 =	vld [tilespmem:$0xB0];
	[tilespmem:$0x50] =	vst v3;
	v3 =	vadd.s32 $0x1, v46  }
0x31: {  	v52 =	vld [tilespmem:$0xC0];
	[tilespmem:$0x60] =	vst v3;
	v3 =	vadd.s32 $0x1, v47  }
0x32: {  	v53 =	vld [tilespmem:$0xD0];
	[tilespmem:$0x70] =	vst v3;
	v3 =	vadd.s32 $0x1, v48  }
0x33: {  	v54 =	vld [tilespmem:$0xE0];
	[tilespmem:$0x80] =	vst v3;
	v3 =	vadd.s32 $0x1, v49  }
0x34: {  	v55 =	vld [tilespmem:$0xF0];
	[tilespmem:$0x90] =	vst v3;
	v3 =	vadd.s32 $0x1, v50  }
0x35: {  	v56 =	vld [tilespmem:$0x100];
	[tilespmem:$0xA0] =	vst v3;
	v3 =	vadd.s32 $0x1, v51  }
0x36: {  	v57 =	vld [tilespmem:$0x110];
	[tilespmem:$0xB0] =	vst v3;
	v3 =	vadd.s32 $0x1, v52  }
0x37: {  	v58 =	vld [tilespmem:$0x120];
	[tilespmem:$0xC0] =	vst v3;
	v3 =	vadd.s32 $0x1, v53  }
0x38: {  	v59 =	vld [tilespmem:$0x130];
	[tilespmem:$0xD0] =	vst v3;
	v3 =	vadd.s32 $0x1, v54  }
0x39: {  	v60 =	vld [tilespmem:$0x140];
	[tilespmem:$0xE0] =	vst v3;
	v3 =	vadd.s32 $0x1, v55  }
0x3a: {  	v61 =	vld [tilespmem:$0x150];
	[tilespmem:$0xF0] =	vst v3;
	v3 =	vadd.s32 $0x1, v56  }
0x3b: {  	v62 =	vld [tilespmem:$0x160];
	[tilespmem:$0x100] =	vst v3;
	v3 =	vadd.s32 $0x1, v57  }
0x3c: {  	v63 =	vld [tilespmem:$0x170];
	[tilespmem:$0x110] =	vst v3;
	v3 =	vadd.s32 $0x1, v58  }
0x3d: {  	v12 =	vld [tilespmem:$0x180];
	[tilespmem:$0x120] =	vst v3;
	v3 =	vadd.s32 $0x1, v59  }
0x3e: {  	v13 =	vld [tilespmem:$0x190];
	[tilespmem:$0x130] =	vst v3;
	v3 =	vadd.s32 $0x1, v60  }
0x3f: {  	v14 =	vld [tilespmem:$0x1A0];
	[tilespmem:$0x140] =	vst v3;
	v3 =	vadd.s32 $0x1, v61  }
0x40: {  	v15 =	vld [tilespmem:$0x1B0];
	[tilespmem:$0x150] =	vst v3;
	v3 =	vadd.s32 $0x1, v62  }
0x41: {  	v16 =	vld [tilespmem:$0x1C0];
	[tilespmem:$0x160] =	vst v3;
	v3 =	vadd.s32 $0x1, v63  }
0x42: {  	v17 =	vld [tilespmem:$0x1D0];
	[tilespmem:$0x170] =	vst v3;
	v3 =	vadd.s32 $0x1, v12  }
0x43: {  	v18 =	vld [tilespmem:$0x1E0];
	[tilespmem:$0x180] =	vst v3;
	v3 =	vadd.s32 $0x1, v13  }
0x44: {  	v19 =	vld [tilespmem:$0x1F0];
	[tilespmem:$0x190] =	vst v3;
	v3 =	vadd.s32 $0x1, v14  }
0x45: {  	v20 =	vld [tilespmem:$0x200];
	[tilespmem:$0x1A0] =	vst v3;
	v3 =	vadd.s32 $0x1, v15  }
0x46: {  	v21 =	vld [tilespmem:$0x210];
	[tilespmem:$0x1B0] =	vst v3;
	v3 =	vadd.s32 $0x1, v16  }
0x47: {  	v22 =	vld [tilespmem:$0x220];
	[tilespmem:$0x1C0] =	vst v3;
	v3 =	vadd.s32 $0x1, v17  }
0x48: {  	v23 =	vld [tilespmem:$0x230];
	[tilespmem:$0x1D0] =	vst v3;
	v3 =	vadd.s32 $0x1, v18  }
0x49: {  	v24 =	vld [tilespmem:$0x240];
	[tilespmem:$0x1E0] =	vst v3;
	v3 =	vadd.s32 $0x1, v19  }
0x4a: {  	v25 =	vld [tilespmem:$0x250];
	[tilespmem:$0x1F0] =	vst v3;
	v3 =	vadd.s32 $0x1, v20  }
0x4b: {  	v26 =	vld [tilespmem:$0x260];
	[tilespmem:$0x200] =	vst v3;
	v3 =	vadd.s32 $0x1, v21  }
0x4c: {  	v27 =	vld [tilespmem:$0x270];
	[tilespmem:$0x210] =	vst v3;
	v3 =	vadd.s32 $0x1, v22  }
0x4d: {  	v28 =	vld [tilespmem:$0x280];
	[tilespmem:$0x220] =	vst v3;
	v3 =	vadd.s32 $0x1, v23  }
0x4e: {  	v29 =	vld [tilespmem:$0x290];
	[tilespmem:$0x230] =	vst v3;
	v3 =	vadd.s32 $0x1, v24  }
0x4f: {  	v30 =	vld [tilespmem:$0x2A0];
	[tilespmem:$0x240] =	vst v3;
	v3 =	vadd.s32 $0x1, v25  }
0x50: {  	v31 =	vld [tilespmem:$0x2B0];
	[tilespmem:$0x250] =	vst v3;
	v3 =	vadd.s32 $0x1, v26  }
0x51: {  	v32 =	vld [tilespmem:$0x2C0];
	[tilespmem:$0x260] =	vst v3;
	v3 =	vadd.s32 $0x1, v27  }
0x52: {  	v33 =	vld [tilespmem:$0x2D0];
	[tilespmem:$0x270] =	vst v3;
	v3 =	vadd.s32 $0x1, v28  }
0x53: {  	v34 =	vld [tilespmem:$0x2E0];
	[tilespmem:$0x280] =	vst v3;
	v3 =	vadd.s32 $0x1, v29  }
0x54: {  	v35 =	vld [tilespmem:$0x2F0];
	[tilespmem:$0x290] =	vst v3;
	v3 =	vadd.s32 $0x1, v30  }
0x55: {  	v36 =	vld [tilespmem:$0x300];
	[tilespmem:$0x2A0] =	vst v3;
	v3 =	vadd.s32 $0x1, v31  }
0x56: {  	v37 =	vld [tilespmem:$0x310];
	[tilespmem:$0x2B0] =	vst v3;
	v3 =	vadd.s32 $0x1, v32  }
0x57: {  	v38 =	vld [tilespmem:$0x320];
	[tilespmem:$0x2C0] =	vst v3;
	v3 =	vadd.s32 $0x1, v33  }
0x58: {  	v39 =	vld [tilespmem:$0x330];
	[tilespmem:$0x2D0] =	vst v3;
	v3 =	vadd.s32 $0x1, v34  }
0x59: {  	v40 =	vld [tilespmem:$0x340];
	[tilespmem:$0x2E0] =	vst v3;
	v3 =	vadd.s32 $0x1, v35  }
0x5a: {  	v41 =	vld [tilespmem:$0x350];
	[tilespmem:$0x2F0] =	vst v3;
	v3 =	vadd.s32 $0x1, v36  }
0x5b: {  	v42 =	vld [tilespmem:$0x360];
	[tilespmem:$0x300] =	vst v3;
	v3 =	vadd.s32 $0x1, v37  }
0x5c: {  	v43 =	vld [tilespmem:$0x370];
	[tilespmem:$0x310] =	vst v3;
	v3 =	vadd.s32 $0x1, v38  }
0x5d: {  	v44 =	vld [tilespmem:$0x380];
	[tilespmem:$0x320] =	vst v3;
	v3 =	vadd.s32 $0x1, v39  }
0x5e: {  	v45 =	vld [tilespmem:$0x390];
	[tilespmem:$0x330] =	vst v3;
	v3 =	vadd.s32 $0x1, v40  }
0x5f: {  	v46 =	vld [tilespmem:$0x3A0];
	[tilespmem:$0x340] =	vst v3;
	v3 =	vadd.s32 $0x1, v41  }
0x60: {  	v47 =	vld [tilespmem:$0x3B0];
	[tilespmem:$0x350] =	vst v3;
	v3 =	vadd.s32 $0x1, v42  }
0x61: {  	v48 =	vld [tilespmem:$0x3C0];
	[tilespmem:$0x360] =	vst v3;
	v3 =	vadd.s32 $0x1, v43  }
0x62: {  	v49 =	vld [tilespmem:$0x3D0];
	[tilespmem:$0x370] =	vst v3;
	v3 =	vadd.s32 $0x1, v44  }
0x63: {  	v50 =	vld [tilespmem:$0x3E0];
	[tilespmem:$0x380] =	vst v3;
	v3 =	vadd.s32 $0x1, v45  }
0x64: {  	v51 =	vld [tilespmem:$0x3F0];
	[tilespmem:$0x390] =	vst v3;
	v3 =	vadd.s32 $0x1, v46  }
0x65: {  	v52 =	vld [tilespmem:$0x400];
	[tilespmem:$0x3A0] =	vst v3;
	v3 =	vadd.s32 $0x1, v47  }
0x66: {  	v53 =	vld [tilespmem:$0x410];
	[tilespmem:$0x3B0] =	vst v3;
	v3 =	vadd.s32 $0x1, v48  }
0x67: {  	v54 =	vld [tilespmem:$0x420];
	[tilespmem:$0x3C0] =	vst v3;
	v3 =	vadd.s32 $0x1, v49  }
0x68: {  	v55 =	vld [tilespmem:$0x430];
	[tilespmem:$0x3D0] =	vst v3;
	v3 =	vadd.s32 $0x1, v50  }
0x69: {  	v56 =	vld [tilespmem:$0x440];
	[tilespmem:$0x3E0] =	vst v3;
	v3 =	vadd.s32 $0x1, v51  }
0x6a: {  	v57 =	vld [tilespmem:$0x450];
	[tilespmem:$0x3F0] =	vst v3;
	v3 =	vadd.s32 $0x1, v52  }
0x6b: {  	v58 =	vld [tilespmem:$0x460];
	[tilespmem:$0x400] =	vst v3;
	v3 =	vadd.s32 $0x1, v53  }
0x6c: {  	v59 =	vld [tilespmem:$0x470];
	[tilespmem:$0x410] =	vst v3;
	v3 =	vadd.s32 $0x1, v54  }
0x6d: {  	[tilespmem:$0x420] =	vst v3;
	v3 =	vadd.s32 $0x1, v55  }
0x6e: {  	[tilespmem:$0x430] =	vst v3;
	v3 =	vadd.s32 $0x1, v56  }
0x6f: {  	[tilespmem:$0x440] =	vst v3;
	v3 =	vadd.s32 $0x1, v57  }
0x70: {  	[tilespmem:$0x450] =	vst v3;
	v3 =	vadd.s32 $0x1, v58  }
0x71: {  	[tilespmem:$0x460] =	vst v3;
	v3 =	vadd.s32 $0x1, v59  }
0x72: {  	s2 =	simm.s32 $0x480;
	s15 =	rddreg [dreg:$0x5];
	[tilespmem:$0x470] =	vst v3  }
0x73: {  	[tilespmem:s2], [sflag:$0x1] =	stream.linear.gather [hbm4b:s15+s5], $0x4800, $0x38;
	[tilespmem:$0x1B480] =	vst v63  }
0x74: {  	v3 =	vld [tilespmem:$0x0];
	_ =	sdelay $0x4  }
0x75: {  	v60 =	vshrl.u32 v3, $0x3  }
0x76: {  	v4 =	vmul.u32 $0x30, v60  }
0x77: {  	v3 =	vand.u32 $0x7, v3  }
0x78: {  	v3 =	vor.u32 v3, v4  }
0x79: {  	v4 =	vperm.xlane v3, v0;
	_ =	sdelay $0x1  }
0x7a: {  	v4 =	vadd.s32 v1, v4;
	_ =	sdelay $0x3  }
0x7b: {  	s16 =	simm.s32 $0xDC80;
	v3 =	vperm.xlane v3, v2  }
0x7c: {  	[tilespmem:s16], [sflag:$0x4] =	stream.indirect_vreg.gather [hbm4b:s6+s5], $0x80, v4, vm0, $0xb8;
	[tilespmem:$0x1B480] =	vst v63  }
0x7d: {  	s17 =	simm.s32 $0xE480;
	v3 =	vadd.s32 v1, v3  }
0x7e: {  	[tilespmem:s17], [sflag:$0x4] =	stream.indirect_vreg.gather [hbm4b:s9+s5], $0x80, v4, vm0, $0xb8;
	[tilespmem:$0x1B480] =	vst v63  }
0x7f: {  	s20 =	simm.s32 $0xEC80  }
0x80: {  	[tilespmem:s20], [sflag:$0x4] =	stream.indirect_vreg.gather [hbm4b:s10+s5], $0x80, v4, vm0, $0xb8;
	[tilespmem:$0x1B480] =	vst v63  }
0x81: {  	s22 =	simm.s32 $0xF480  }
0x82: {  	[tilespmem:s22], [sflag:$0x4] =	stream.indirect_vreg.gather [hbm4b:s6+s5], $0x80, v3, vm0, $0xb8;
	[tilespmem:$0x1B480] =	vst v63  }
0x83: {  	s23 =	simm.s32 $0xFC80  }
0x84: {  	[tilespmem:s23], [sflag:$0x4] =	stream.indirect_vreg.gather [hbm4b:s9+s5], $0x80, v3, vm0, $0xb8;
	[tilespmem:$0x1B480] =	vst v63  }
0x85: {  	s24 =	simm.s32 $0x10480  }
0x86: {  	[tilespmem:s24], [sflag:$0x4] =	stream.indirect_vreg.gather [hbm4b:s10+s5], $0x80, v3, vm0, $0xb8;
	[tilespmem:$0x1B480] =	vst v63  }
0x87: {  	v3 =	vld.msk [tilespmem:$0x10], $0xff;
	_ =	sdelay $0x4  }
0x88: {  	v61 =	vshrl.u32 v3, $0x3  }
0x89: {  	v4 =	vmul.u32 $0x30, v61  }
0x8a: {  	v3 =	vand.u32 $0x7, v3  }
0x8b: {  	v3 =	vor.u32 v3, v4  }
0x8c: {  	v3 =	vperm.xlane v3, v0;
	_ =	sdelay $0x1  }
0x8d: {  	v3 =	vadd.s32 v1, v3;
	_ =	sdelay $0x3  }
0x8e: {  	s2 =	simm.s32 $0x10C80  }
0x8f: {  	[tilespmem:s2], [sflag:$0x4] =	stream.indirect_vreg.gather [hbm4b:s6+s5], $0x80, v3, vm0, $0xb8;
	[tilespmem:$0x1B480] =	vst v63  }
0x90: {  	s7 =	simm.s32 $0x11480  }
0x91: {  	[tilespmem:s7], [sflag:$0x4] =	stream.indirect_vreg.gather [hbm4b:s9+s5], $0x80, v3, vm0, $0xb8;
	[tilespmem:$0x1B480] =	vst v63  }
0x92: {  	s8 =	simm.s32 $0x11C80  }
0x93: {  	[tilespmem:s8], [sflag:$0x4] =	stream.indirect_vreg.gather [hbm4b:s10+s5], $0x80, v3, vm0, $0xb8;
	[tilespmem:$0x1B480] =	vst v63  }
0x94: {  	s13 =	simm.s32 $0x4C80;
	s11 =	rddreg [dreg:$0x6]  }
0x95: {  	[tilespmem:s13], [sflag:$0x2] =	stream.linear.gather [hbm4b:s11+s5], $0x4800, $0x38;
	[tilespmem:$0x1B480] =	vst v63  }
0x96: {  	v3 =	vld [tilespmem:$0x18];
	_ =	sdelay $0x4  }
0x97: {  	v62 =	vshrl.u32 v3, $0x3  }
0x98: {  	v4 =	vmul.u32 $0x30, v62  }
0x99: {  	v3 =	vand.u32 $0x7, v3  }
0x9a: {  	v3 =	vor.u32 v3, v4  }
0x9b: {  	v4 =	vperm.xlane v3, v0;
	_ =	sdelay $0x1  }
0x9c: {  	v4 =	vadd.s32 v1, v4;
	_ =	sdelay $0x3  }
0x9d: {  	v3 =	vperm.xlane v3, v2  }
0x9e: {  	[tilespmem:s26], [sflag:$0x5] =	stream.indirect_vreg.gather [hbm4b:s6+s5], $0x80, v4, vm0, $0xb8;
	[tilespmem:$0x1B480] =	vst v63  }
0x9f: {  	s14 =	simm.s32 $0x12C80;
	v3 =	vadd.s32 v1, v3  }
0xa0: {  	[tilespmem:s14], [sflag:$0x5] =	stream.indirect_vreg.gather [hbm4b:s9+s5], $0x80, v4, vm0, $0xb8;
	[tilespmem:$0x1B480] =	vst v63  }
0xa1: {  	s15 =	simm.s32 $0x13480  }
0xa2: {  	[tilespmem:s15], [sflag:$0x5] =	stream.indirect_vreg.gather [hbm4b:s10+s5], $0x80, v4, vm0, $0xb8;
	[tilespmem:$0x1B480] =	vst v63  }
0xa3: {  	s16 =	simm.s32 $0x13C80  }
0xa4: {  	[tilespmem:s16], [sflag:$0x5] =	stream.indirect_vreg.gather [hbm4b:s6+s5], $0x80, v3, vm0, $0xb8;
	[tilespmem:$0x1B480] =	vst v63  }
0xa5: {  	s17 =	simm.s32 $0x14480  }
0xa6: {  	[tilespmem:s17], [sflag:$0x5] =	stream.indirect_vreg.gather [hbm4b:s9+s5], $0x80, v3, vm0, $0xb8;
	[tilespmem:$0x1B480] =	vst v63  }
0xa7: {  	s20 =	simm.s32 $0x14C80  }
0xa8: {  	[tilespmem:s20], [sflag:$0x5] =	stream.indirect_vreg.gather [hbm4b:s10+s5], $0x80, v3, vm0, $0xb8;
	[tilespmem:$0x1B480] =	vst v63  }
0xa9: {  	v3 =	vld.msk [tilespmem:$0x28], $0xff;
	_ =	sdelay $0x4  }
0xaa: {  	v63 =	vshrl.u32 v3, $0x3  }
0xab: {  	v4 =	vmul.u32 $0x30, v63  }
0xac: {  	v3 =	vand.u32 $0x7, v3  }
0xad: {  	v3 =	vor.u32 v3, v4  }
0xae: {  	v3 =	vperm.xlane v3, v0;
	_ =	sdelay $0x1  }
0xaf: {  	v3 =	vadd.s32 v1, v3;
	_ =	sdelay $0x3  }
0xb0: {  	s22 =	simm.s32 $0x15480  }
0xb1: {  	[tilespmem:s22], [sflag:$0x5] =	stream.indirect_vreg.gather [hbm4b:s6+s5], $0x80, v3, vm0, $0xb8;
	[tilespmem:$0x1B480] =	vst v63  }
0xb2: {  	s23 =	simm.s32 $0x15C80  }
0xb3: {  	[tilespmem:s23], [sflag:$0x5] =	stream.indirect_vreg.gather [hbm4b:s9+s5], $0x80, v3, vm0, $0xb8;
	[tilespmem:$0x1B480] =	vst v63  }
0xb4: {  	s24 =	simm.s32 $0x16480;
	s2 =	simm.s32 $0x0  }
0xb5: {  	[tilespmem:s24], [sflag:$0x5] =	stream.indirect_vreg.gather [hbm4b:s10+s5], $0x80, v3, vm0, $0xb8;
	[tilespmem:$0x1B480] =	vst v63  }
.LBB2_2:
0xb6: {  	_ =	swait.ge [sflag:s18], $0x4800  }
0xb7: {  	[sflag:s18] =	ssyncset.done $0x0  }
0xb8: {  	s0 =	simm.s32 $0x0;
	s7 =	simm.s32 $0x0;
	[sflag:s18] =	ssyncadd.s32 $0xFFFFB800  }
0xb9: {  	s8 =	smul.u32 $0x1800, s7;
	s7 =	sand.u32 $0x300, s0;
	_ =	swait.ge [sflag:s19], $0x4800  }
0xba: {  	s14 =	sor.u32 $0x80, s7;
	[sflag:s19] =	ssyncset.done $0x0  }
0xbb: {  	s13 =	sor.u32 s8, s14;
	[sflag:s19] =	ssyncadd.s32 $0xFFFFB800  }
0xbc: {  	v3 =	vld [tilespmem:s13+$0x480]  }
0xbd: {  	v4 =	vld [tilespmem:s13+$0x490]  }
0xbe: {  	v5 =	vld [tilespmem:s13+$0x4A0]  }
0xbf: {  	v6 =	vld [tilespmem:s13+$0x4B0]  }
0xc0: {  	v7 =	vld [tilespmem:s13+$0x4C0]  }
0xc1: {  	v8 =	vld [tilespmem:s13+$0x4D0]  }
0xc2: {  	v9 =	vld [tilespmem:s13+$0x4E0]  }
0xc3: {  	v10 =	vld [tilespmem:s13+$0x4F0]  }
0xc4: {  	v11 =	vld [tilespmem:s13+$0x880]  }
0xc5: {  	v12 =	vld [tilespmem:s13+$0x890]  }
0xc6: {  	v13 =	vld [tilespmem:s13+$0x8A0]  }
0xc7: {  	v14 =	vld [tilespmem:s13+$0x8B0]  }
0xc8: {  	v15 =	vld [tilespmem:s13+$0x8C0]  }
0xc9: {  	v16 =	vld [tilespmem:s13+$0x8D0]  }
0xca: {  	s11 =	sadd.s32 $0x800, s8;
	s24 =	sadd.s32 $0xC00, s8;
	v17 =	vld [tilespmem:s13+$0x8E0]  }
0xcb: {  	s16 =	sadd.s32 $0x1000, s8;
	s20 =	sadd.s32 $0x1400, s8;
	s8 =	sor.u32 s7, s8;
	v18 =	vld [tilespmem:s13+$0x8F0]  }
0xcc: {  	v52 =	vld [tilespmem:s8+$0x4E0]  }
0xcd: {  	v53 =	vld [tilespmem:s8+$0x4F0]  }
0xce: {  	v54 =	vld [tilespmem:s8+$0x880]  }
0xcf: {  	v55 =	vld [tilespmem:s8+$0x890]  }
0xd0: {  	v56 =	vld [tilespmem:s8+$0x8A0]  }
0xd1: {  	v57 =	vld [tilespmem:s8+$0x8B0]  }
0xd2: {  	v58 =	vld [tilespmem:s8+$0x8C0]  }
0xd3: {  	v59 =	vld [tilespmem:s8+$0x8D0]  }
0xd4: {  	v60 =	vld [tilespmem:s8+$0x8E0]  }
0xd5: {  	v61 =	vld [tilespmem:s8+$0x8F0]  }
0xd6: {  	[tilespmem:s13+$0xDC80] =	vst.add.f32.msk $0xffff, v3  }
0xd7: {  	[tilespmem:s13+$0xDC90] =	vst.add.f32.msk $0xffff, v4  }
0xd8: {  	[tilespmem:s13+$0xDCA0] =	vst.add.f32.msk $0xffff, v5  }
0xd9: {  	[tilespmem:s13+$0xDCB0] =	vst.add.f32.msk $0xffff, v6  }
0xda: {  	[tilespmem:s13+$0xDCC0] =	vst.add.f32.msk $0xffff, v7  }
0xdb: {  	[tilespmem:s13+$0xDCD0] =	vst.add.f32.msk $0xffff, v8  }
0xdc: {  	[tilespmem:s13+$0xDCE0] =	vst.add.f32.msk $0xffff, v9  }
0xdd: {  	[tilespmem:s13+$0xDCF0] =	vst.add.f32.msk $0xffff, v10  }
0xde: {  	[tilespmem:s13+$0xE080] =	vst.add.f32.msk $0xffff, v11  }
0xdf: {  	[tilespmem:s13+$0xE090] =	vst.add.f32.msk $0xffff, v12  }
0xe0: {  	[tilespmem:s13+$0xE0A0] =	vst.add.f32.msk $0xffff, v13  }
0xe1: {  	[tilespmem:s13+$0xE0B0] =	vst.add.f32.msk $0xffff, v14  }
0xe2: {  	[tilespmem:s13+$0xE0C0] =	vst.add.f32.msk $0xffff, v15  }
0xe3: {  	[tilespmem:s13+$0xE0D0] =	vst.add.f32.msk $0xffff, v16  }
0xe4: {  	[tilespmem:s13+$0xE0E0] =	vst.add.f32.msk $0xffff, v17  }
0xe5: {  	[tilespmem:s13+$0xE0F0] =	vst.add.f32.msk $0xffff, v18  }
0xe6: {  	[tilespmem:s8+$0xDCE0] =	vst.add.f32.msk $0xffff, v52  }
0xe7: {  	[tilespmem:s8+$0xDCF0] =	vst.add.f32.msk $0xffff, v53  }
0xe8: {  	[tilespmem:s8+$0xE080] =	vst.add.f32.msk $0xffff, v54  }
0xe9: {  	[tilespmem:s8+$0xE090] =	vst.add.f32.msk $0xffff, v55  }
0xea: {  	[tilespmem:s8+$0xE0A0] =	vst.add.f32.msk $0xffff, v56  }
0xeb: {  	[tilespmem:s8+$0xE0B0] =	vst.add.f32.msk $0xffff, v57  }
0xec: {  	[tilespmem:s8+$0xE0C0] =	vst.add.f32.msk $0xffff, v58  }
0xed: {  	[tilespmem:s8+$0xE0D0] =	vst.add.f32.msk $0xffff, v59  }
0xee: {  	[tilespmem:s8+$0xE0E0] =	vst.add.f32.msk $0xffff, v60  }
0xef: {  	s15 =	sor.u32 s14, s11;
	[tilespmem:s8+$0xE0F0] =	vst.add.f32.msk $0xffff, v61  }
0xf0: {  	v3 =	vld [tilespmem:s15+$0x480]  }
0xf1: {  	v4 =	vld [tilespmem:s15+$0x490]  }
0xf2: {  	v5 =	vld [tilespmem:s15+$0x4A0]  }
0xf3: {  	v6 =	vld [tilespmem:s15+$0x4B0]  }
0xf4: {  	v7 =	vld [tilespmem:s15+$0x4C0]  }
0xf5: {  	v8 =	vld [tilespmem:s15+$0x4D0]  }
0xf6: {  	v9 =	vld [tilespmem:s15+$0x4E0]  }
0xf7: {  	v10 =	vld [tilespmem:s15+$0x4F0]  }
0xf8: {  	[tilespmem:s15+$0xDC80] =	vst.add.f32.msk $0xffff, v3  }
0xf9: {  	[tilespmem:s15+$0xDC90] =	vst.add.f32.msk $0xffff, v4  }
0xfa: {  	[tilespmem:s15+$0xDCA0] =	vst.add.f32.msk $0xffff, v5  }
0xfb: {  	[tilespmem:s15+$0xDCB0] =	vst.add.f32.msk $0xffff, v6  }
0xfc: {  	[tilespmem:s15+$0xDCC0] =	vst.add.f32.msk $0xffff, v7  }
0xfd: {  	[tilespmem:s15+$0xDCD0] =	vst.add.f32.msk $0xffff, v8  }
0xfe: {  	[tilespmem:s15+$0xDCE0] =	vst.add.f32.msk $0xffff, v9  }
0xff: {  	s17 =	sor.u32 s14, s24;
	[tilespmem:s15+$0xDCF0] =	vst.add.f32.msk $0xffff, v10  }
0x100: {  	v3 =	vld [tilespmem:s17+$0x480]  }
0x101: {  	v4 =	vld [tilespmem:s17+$0x490]  }
0x102: {  	v5 =	vld [tilespmem:s17+$0x4A0]  }
0x103: {  	v6 =	vld [tilespmem:s17+$0x4B0]  }
0x104: {  	v7 =	vld [tilespmem:s17+$0x4C0]  }
0x105: {  	v8 =	vld [tilespmem:s17+$0x4D0]  }
0x106: {  	v9 =	vld [tilespmem:s17+$0x4E0]  }
0x107: {  	v10 =	vld [tilespmem:s17+$0x4F0]  }
0x108: {  	[tilespmem:s17+$0xDC80] =	vst.add.f32.msk $0xffff, v3  }
0x109: {  	[tilespmem:s17+$0xDC90] =	vst.add.f32.msk $0xffff, v4  }
0x10a: {  	[tilespmem:s17+$0xDCA0] =	vst.add.f32.msk $0xffff, v5  }
0x10b: {  	[tilespmem:s17+$0xDCB0] =	vst.add.f32.msk $0xffff, v6  }
0x10c: {  	[tilespmem:s17+$0xDCC0] =	vst.add.f32.msk $0xffff, v7  }
0x10d: {  	[tilespmem:s17+$0xDCD0] =	vst.add.f32.msk $0xffff, v8  }
0x10e: {  	[tilespmem:s17+$0xDCE0] =	vst.add.f32.msk $0xffff, v9  }
0x10f: {  	s22 =	sor.u32 s14, s16;
	[tilespmem:s17+$0xDCF0] =	vst.add.f32.msk $0xffff, v10  }
0x110: {  	v3 =	vld [tilespmem:s22+$0x480]  }
0x111: {  	v4 =	vld [tilespmem:s22+$0x490]  }
0x112: {  	v5 =	vld [tilespmem:s22+$0x4A0]  }
0x113: {  	v6 =	vld [tilespmem:s22+$0x4B0]  }
0x114: {  	v7 =	vld [tilespmem:s22+$0x4C0]  }
0x115: {  	v8 =	vld [tilespmem:s22+$0x4D0]  }
0x116: {  	v9 =	vld [tilespmem:s22+$0x4E0]  }
0x117: {  	v10 =	vld [tilespmem:s22+$0x4F0]  }
0x118: {  	[tilespmem:s22+$0xDC80] =	vst.add.f32.msk $0xffff, v3  }
0x119: {  	[tilespmem:s22+$0xDC90] =	vst.add.f32.msk $0xffff, v4  }
0x11a: {  	[tilespmem:s22+$0xDCA0] =	vst.add.f32.msk $0xffff, v5  }
0x11b: {  	[tilespmem:s22+$0xDCB0] =	vst.add.f32.msk $0xffff, v6  }
0x11c: {  	[tilespmem:s22+$0xDCC0] =	vst.add.f32.msk $0xffff, v7  }
0x11d: {  	[tilespmem:s22+$0xDCD0] =	vst.add.f32.msk $0xffff, v8  }
0x11e: {  	[tilespmem:s22+$0xDCE0] =	vst.add.f32.msk $0xffff, v9  }
0x11f: {  	[tilespmem:s22+$0xDCF0] =	vst.add.f32.msk $0xffff, v10  }
0x120: {  	v4 =	vld [tilespmem:s8+$0x480]  }
0x121: {  	v5 =	vld [tilespmem:s8+$0x490]  }
0x122: {  	v6 =	vld [tilespmem:s8+$0x4A0]  }
0x123: {  	v7 =	vld [tilespmem:s8+$0x4B0]  }
0x124: {  	s17 =	sor.u32 s14, s20;
	v8 =	vld [tilespmem:s8+$0x4D0]  }
0x125: {  	v3 =	vld [tilespmem:s17+$0x4F0]  }
0x126: {  	v62 =	vld [tilespmem:s17+$0x480]  }
0x127: {  	v63 =	vld [tilespmem:s17+$0x490]  }
0x128: {  	[tilespmem:s8+$0xDC80] =	vst.add.f32.msk $0xffff, v4  }
0x129: {  	[tilespmem:s8+$0xDC90] =	vst.add.f32.msk $0xffff, v5  }
0x12a: {  	[tilespmem:s8+$0xDCA0] =	vst.add.f32.msk $0xffff, v6  }
0x12b: {  	[tilespmem:s17+$0xDCF0] =	vst.add.f32.msk $0xffff, v3  }
0x12c: {  	v3 =	vld [tilespmem:s8+$0x4C0]  }
0x12d: {  	[tilespmem:s8+$0xDCB0] =	vst.add.f32.msk $0xffff, v7  }
0x12e: {  	[tilespmem:s8+$0xDCD0] =	vst.add.f32.msk $0xffff, v8  }
0x12f: {  	[tilespmem:s17+$0xDC80] =	vst.add.f32.msk $0xffff, v62  }
0x130: {  	[tilespmem:s17+$0xDC90] =	vst.add.f32.msk $0xffff, v63  }
0x131: {  	s11 =	sor.u32 s7, s11;
	[tilespmem:s8+$0xDCC0] =	vst.add.f32.msk $0xffff, v3  }
0x132: {  	v3 =	vld [tilespmem:s11+$0x480]  }
0x133: {  	v4 =	vld [tilespmem:s11+$0x490]  }
0x134: {  	v5 =	vld [tilespmem:s11+$0x4A0]  }
0x135: {  	v6 =	vld [tilespmem:s11+$0x4B0]  }
0x136: {  	v7 =	vld [tilespmem:s11+$0x4C0]  }
0x137: {  	v8 =	vld [tilespmem:s11+$0x4D0]  }
0x138: {  	v9 =	vld [tilespmem:s11+$0x4E0]  }
0x139: {  	v10 =	vld [tilespmem:s11+$0x4F0]  }
0x13a: {  	[tilespmem:s11+$0xDC80] =	vst.add.f32.msk $0xffff, v3  }
0x13b: {  	[tilespmem:s11+$0xDC90] =	vst.add.f32.msk $0xffff, v4  }
0x13c: {  	[tilespmem:s11+$0xDCA0] =	vst.add.f32.msk $0xffff, v5  }
0x13d: {  	[tilespmem:s11+$0xDCB0] =	vst.add.f32.msk $0xffff, v6  }
0x13e: {  	[tilespmem:s11+$0xDCC0] =	vst.add.f32.msk $0xffff, v7  }
0x13f: {  	[tilespmem:s11+$0xDCD0] =	vst.add.f32.msk $0xffff, v8  }
0x140: {  	[tilespmem:s11+$0xDCE0] =	vst.add.f32.msk $0xffff, v9  }
0x141: {  	s23 =	sor.u32 s7, s24;
	[tilespmem:s11+$0xDCF0] =	vst.add.f32.msk $0xffff, v10  }
0x142: {  	v3 =	vld [tilespmem:s23+$0x480]  }
0x143: {  	v4 =	vld [tilespmem:s23+$0x490]  }
0x144: {  	v5 =	vld [tilespmem:s23+$0x4A0]  }
0x145: {  	v6 =	vld [tilespmem:s23+$0x4B0]  }
0x146: {  	v7 =	vld [tilespmem:s23+$0x4C0]  }
0x147: {  	v8 =	vld [tilespmem:s23+$0x4D0]  }
0x148: {  	v9 =	vld [tilespmem:s23+$0x4E0]  }
0x149: {  	v10 =	vld [tilespmem:s23+$0x4F0]  }
0x14a: {  	[tilespmem:s23+$0xDC80] =	vst.add.f32.msk $0xffff, v3  }
0x14b: {  	[tilespmem:s23+$0xDC90] =	vst.add.f32.msk $0xffff, v4  }
0x14c: {  	[tilespmem:s23+$0xDCA0] =	vst.add.f32.msk $0xffff, v5  }
0x14d: {  	[tilespmem:s23+$0xDCB0] =	vst.add.f32.msk $0xffff, v6  }
0x14e: {  	[tilespmem:s23+$0xDCC0] =	vst.add.f32.msk $0xffff, v7  }
0x14f: {  	[tilespmem:s23+$0xDCD0] =	vst.add.f32.msk $0xffff, v8  }
0x150: {  	[tilespmem:s23+$0xDCE0] =	vst.add.f32.msk $0xffff, v9  }
0x151: {  	s24 =	sor.u32 s7, s16;
	[tilespmem:s23+$0xDCF0] =	vst.add.f32.msk $0xffff, v10  }
0x152: {  	v3 =	vld [tilespmem:s24+$0x480]  }
0x153: {  	v4 =	vld [tilespmem:s24+$0x490]  }
0x154: {  	v5 =	vld [tilespmem:s24+$0x4A0]  }
0x155: {  	v6 =	vld [tilespmem:s24+$0x4B0]  }
0x156: {  	v7 =	vld [tilespmem:s24+$0x4C0]  }
0x157: {  	v8 =	vld [tilespmem:s24+$0x4D0]  }
0x158: {  	v9 =	vld [tilespmem:s24+$0x4E0]  }
0x159: {  	v10 =	vld [tilespmem:s24+$0x4F0]  }
0x15a: {  	[tilespmem:s24+$0xDC80] =	vst.add.f32.msk $0xffff, v3  }
0x15b: {  	[tilespmem:s24+$0xDC90] =	vst.add.f32.msk $0xffff, v4  }
0x15c: {  	[tilespmem:s24+$0xDCA0] =	vst.add.f32.msk $0xffff, v5  }
0x15d: {  	[tilespmem:s24+$0xDCB0] =	vst.add.f32.msk $0xffff, v6  }
0x15e: {  	[tilespmem:s24+$0xDCC0] =	vst.add.f32.msk $0xffff, v7  }
0x15f: {  	[tilespmem:s24+$0xDCD0] =	vst.add.f32.msk $0xffff, v8  }
0x160: {  	[tilespmem:s24+$0xDCE0] =	vst.add.f32.msk $0xffff, v9  }
0x161: {  	[tilespmem:s24+$0xDCF0] =	vst.add.f32.msk $0xffff, v10  }
0x162: {  	v7 =	vld [tilespmem:s17+$0x4A0]  }
0x163: {  	v6 =	vld [tilespmem:s17+$0x4B0]  }
0x164: {  	v5 =	vld [tilespmem:s17+$0x4C0]  }
0x165: {  	v4 =	vld [tilespmem:s17+$0x4D0]  }
0x166: {  	s7 =	sor.u32 s7, s20;
	v3 =	vld [tilespmem:s17+$0x4E0]  }
0x167: {  	v8 =	vld [tilespmem:s7+$0x480]  }
0x168: {  	v9 =	vld [tilespmem:s7+$0x490]  }
0x169: {  	v10 =	vld [tilespmem:s7+$0x4A0]  }
0x16a: {  	v11 =	vld [tilespmem:s7+$0x4B0]  }
0x16b: {  	v12 =	vld [tilespmem:s7+$0x4C0]  }
0x16c: {  	v13 =	vld [tilespmem:s7+$0x4D0]  }
0x16d: {  	v14 =	vld [tilespmem:s7+$0x4E0]  }
0x16e: {  	v15 =	vld [tilespmem:s7+$0x4F0]  }
0x16f: {  	[tilespmem:s7+$0xDC80] =	vst.add.f32.msk $0xffff, v8  }
0x170: {  	[tilespmem:s7+$0xDC90] =	vst.add.f32.msk $0xffff, v9  }
0x171: {  	[tilespmem:s7+$0xDCA0] =	vst.add.f32.msk $0xffff, v10  }
0x172: {  	[tilespmem:s7+$0xDCB0] =	vst.add.f32.msk $0xffff, v11  }
0x173: {  	[tilespmem:s7+$0xDCC0] =	vst.add.f32.msk $0xffff, v12  }
0x174: {  	[tilespmem:s7+$0xDCD0] =	vst.add.f32.msk $0xffff, v13  }
0x175: {  	[tilespmem:s7+$0xDCE0] =	vst.add.f32.msk $0xffff, v14  }
0x176: {  	s15 =	simm.s32 $0x0;
	[tilespmem:s7+$0xDCF0] =	vst.add.f32.msk $0xffff, v15  }
.LBB2_3:
0x177: {  	s15 =	sadd.s32 $0x2, s15;
	[tilespmem:s17+$0xDCA0] =	vst.add.f32.msk $0xffff, v7  }
0x178: {  	s0 =	sadd.s32 $0x100, s0;
	s7 =	sshrl.u32 s15, $0x3;
	p0 =	slt.u32 s15, $0x16;
	[tilespmem:s17+$0xDCB0] =	vst.add.f32.msk $0xffff, v6  }
0x179: {  	s13 =	sand.u32 $0x300, s0;
	s8 =	smul.u32 $0x1800, s7;
	[tilespmem:s17+$0xDCC0] =	vst.add.f32.msk $0xffff, v5  }
0x17a: {  	s24 =	sor.u32 $0x80, s13;
	[tilespmem:s17+$0xDCD0] =	vst.add.f32.msk $0xffff, v4  }
0x17b: {  	s20 =	sor.u32 s13, s8;
	s7 =	sor.u32 s8, s24;
	[tilespmem:s17+$0xDCE0] =	vst.add.f32.msk $0xffff, v3  }
0x17c: {  	v3 =	vld [tilespmem:s7+$0x480]  }
0x17d: {  	v4 =	vld [tilespmem:s7+$0x490]  }
0x17e: {  	v5 =	vld [tilespmem:s7+$0x4A0]  }
0x17f: {  	v6 =	vld [tilespmem:s7+$0x4B0]  }
0x180: {  	v7 =	vld [tilespmem:s7+$0x4C0]  }
0x181: {  	v8 =	vld [tilespmem:s7+$0x4D0]  }
0x182: {  	v9 =	vld [tilespmem:s7+$0x4E0]  }
0x183: {  	v10 =	vld [tilespmem:s7+$0x4F0]  }
0x184: {  	v11 =	vld [tilespmem:s7+$0x880]  }
0x185: {  	v12 =	vld [tilespmem:s7+$0x890]  }
0x186: {  	v13 =	vld [tilespmem:s7+$0x8A0]  }
0x187: {  	v14 =	vld [tilespmem:s7+$0x8B0]  }
0x188: {  	v15 =	vld [tilespmem:s7+$0x8C0]  }
0x189: {  	v16 =	vld [tilespmem:s7+$0x8D0]  }
0x18a: {  	v17 =	vld [tilespmem:s7+$0x8E0]  }
0x18b: {  	v18 =	vld [tilespmem:s7+$0x8F0]  }
0x18c: {  	[tilespmem:s7+$0xDC80] =	vst.add.f32.msk $0xffff, v3  }
0x18d: {  	[tilespmem:s7+$0xDC90] =	vst.add.f32.msk $0xffff, v4  }
0x18e: {  	[tilespmem:s7+$0xDCA0] =	vst.add.f32.msk $0xffff, v5  }
0x18f: {  	[tilespmem:s7+$0xDCB0] =	vst.add.f32.msk $0xffff, v6  }
0x190: {  	[tilespmem:s7+$0xDCC0] =	vst.add.f32.msk $0xffff, v7  }
0x191: {  	[tilespmem:s7+$0xDCD0] =	vst.add.f32.msk $0xffff, v8  }
0x192: {  	[tilespmem:s7+$0xDCE0] =	vst.add.f32.msk $0xffff, v9  }
0x193: {  	[tilespmem:s7+$0xDCF0] =	vst.add.f32.msk $0xffff, v10  }
0x194: {  	[tilespmem:s7+$0xE080] =	vst.add.f32.msk $0xffff, v11  }
0x195: {  	[tilespmem:s7+$0xE090] =	vst.add.f32.msk $0xffff, v12  }
0x196: {  	[tilespmem:s7+$0xE0A0] =	vst.add.f32.msk $0xffff, v13  }
0x197: {  	[tilespmem:s7+$0xE0B0] =	vst.add.f32.msk $0xffff, v14  }
0x198: {  	[tilespmem:s7+$0xE0C0] =	vst.add.f32.msk $0xffff, v15  }
0x199: {  	[tilespmem:s7+$0xE0D0] =	vst.add.f32.msk $0xffff, v16  }
0x19a: {  	s11 =	sadd.s32 $0x800, s8;
	[tilespmem:s7+$0xE0E0] =	vst.add.f32.msk $0xffff, v17  }
0x19b: {  	s23 =	sor.u32 s13, s11;
	s11 =	sor.u32 s24, s11;
	[tilespmem:s7+$0xE0F0] =	vst.add.f32.msk $0xffff, v18  }
0x19c: {  	v3 =	vld [tilespmem:s11+$0x480]  }
0x19d: {  	v4 =	vld [tilespmem:s11+$0x490]  }
0x19e: {  	v5 =	vld [tilespmem:s11+$0x4A0]  }
0x19f: {  	v6 =	vld [tilespmem:s11+$0x4B0]  }
0x1a0: {  	v7 =	vld [tilespmem:s11+$0x4C0]  }
0x1a1: {  	v8 =	vld [tilespmem:s11+$0x4D0]  }
0x1a2: {  	v9 =	vld [tilespmem:s11+$0x4E0]  }
0x1a3: {  	v10 =	vld [tilespmem:s11+$0x4F0]  }
0x1a4: {  	[tilespmem:s11+$0xDC80] =	vst.add.f32.msk $0xffff, v3  }
0x1a5: {  	[tilespmem:s11+$0xDC90] =	vst.add.f32.msk $0xffff, v4  }
0x1a6: {  	[tilespmem:s11+$0xDCA0] =	vst.add.f32.msk $0xffff, v5  }
0x1a7: {  	[tilespmem:s11+$0xDCB0] =	vst.add.f32.msk $0xffff, v6  }
0x1a8: {  	[tilespmem:s11+$0xDCC0] =	vst.add.f32.msk $0xffff, v7  }
0x1a9: {  	[tilespmem:s11+$0xDCD0] =	vst.add.f32.msk $0xffff, v8  }
0x1aa: {  	s14 =	sadd.s32 $0xC00, s8;
	[tilespmem:s11+$0xDCE0] =	vst.add.f32.msk $0xffff, v9  }
0x1ab: {  	s7 =	sor.u32 s13, s14;
	s14 =	sor.u32 s24, s14;
	[tilespmem:s11+$0xDCF0] =	vst.add.f32.msk $0xffff, v10  }
0x1ac: {  	v3 =	vld [tilespmem:s14+$0x480]  }
0x1ad: {  	v4 =	vld [tilespmem:s14+$0x490]  }
0x1ae: {  	v5 =	vld [tilespmem:s14+$0x4A0]  }
0x1af: {  	v6 =	vld [tilespmem:s14+$0x4B0]  }
0x1b0: {  	v7 =	vld [tilespmem:s14+$0x4C0]  }
0x1b1: {  	v8 =	vld [tilespmem:s14+$0x4D0]  }
0x1b2: {  	v9 =	vld [tilespmem:s14+$0x4E0]  }
0x1b3: {  	v10 =	vld [tilespmem:s14+$0x4F0]  }
0x1b4: {  	[tilespmem:s14+$0xDC80] =	vst.add.f32.msk $0xffff, v3  }
0x1b5: {  	[tilespmem:s14+$0xDC90] =	vst.add.f32.msk $0xffff, v4  }
0x1b6: {  	[tilespmem:s14+$0xDCA0] =	vst.add.f32.msk $0xffff, v5  }
0x1b7: {  	[tilespmem:s14+$0xDCB0] =	vst.add.f32.msk $0xffff, v6  }
0x1b8: {  	[tilespmem:s14+$0xDCC0] =	vst.add.f32.msk $0xffff, v7  }
0x1b9: {  	[tilespmem:s14+$0xDCD0] =	vst.add.f32.msk $0xffff, v8  }
0x1ba: {  	s17 =	sadd.s32 $0x1000, s8;
	[tilespmem:s14+$0xDCE0] =	vst.add.f32.msk $0xffff, v9  }
0x1bb: {  	s11 =	sor.u32 s13, s17;
	[tilespmem:s14+$0xDCF0] =	vst.add.f32.msk $0xffff, v10;
	s14 =	sor.u32 s24, s17  }
0x1bc: {  	v3 =	vld [tilespmem:s14+$0x480]  }
0x1bd: {  	v4 =	vld [tilespmem:s14+$0x490]  }
0x1be: {  	v5 =	vld [tilespmem:s14+$0x4A0]  }
0x1bf: {  	v6 =	vld [tilespmem:s14+$0x4B0]  }
0x1c0: {  	v7 =	vld [tilespmem:s14+$0x4C0]  }
0x1c1: {  	v8 =	vld [tilespmem:s14+$0x4D0]  }
0x1c2: {  	v9 =	vld [tilespmem:s14+$0x4E0]  }
0x1c3: {  	v10 =	vld [tilespmem:s14+$0x4F0]  }
0x1c4: {  	[tilespmem:s14+$0xDC80] =	vst.add.f32.msk $0xffff, v3  }
0x1c5: {  	[tilespmem:s14+$0xDC90] =	vst.add.f32.msk $0xffff, v4  }
0x1c6: {  	[tilespmem:s14+$0xDCA0] =	vst.add.f32.msk $0xffff, v5  }
0x1c7: {  	[tilespmem:s14+$0xDCB0] =	vst.add.f32.msk $0xffff, v6  }
0x1c8: {  	[tilespmem:s14+$0xDCC0] =	vst.add.f32.msk $0xffff, v7  }
0x1c9: {  	[tilespmem:s14+$0xDCD0] =	vst.add.f32.msk $0xffff, v8  }
0x1ca: {  	s8 =	sadd.s32 $0x1400, s8;
	[tilespmem:s14+$0xDCE0] =	vst.add.f32.msk $0xffff, v9  }
0x1cb: {  	s22 =	sor.u32 s13, s8;
	s17 =	sor.u32 s24, s8;
	[tilespmem:s14+$0xDCF0] =	vst.add.f32.msk $0xffff, v10  }
0x1cc: {  	v3 =	vld [tilespmem:s17+$0x4F0]  }
0x1cd: {  	v4 =	vld [tilespmem:s20+$0x480]  }
0x1ce: {  	v5 =	vld [tilespmem:s20+$0x490]  }
0x1cf: {  	v6 =	vld [tilespmem:s20+$0x4A0]  }
0x1d0: {  	v7 =	vld [tilespmem:s20+$0x4B0]  }
0x1d1: {  	[tilespmem:s17+$0xDCF0] =	vst.add.f32.msk $0xffff, v3  }
0x1d2: {  	v3 =	vld [tilespmem:s20+$0x4C0]  }
0x1d3: {  	v8 =	vld [tilespmem:s20+$0x4D0]  }
0x1d4: {  	v9 =	vld [tilespmem:s20+$0x4E0]  }
0x1d5: {  	v10 =	vld [tilespmem:s20+$0x4F0]  }
0x1d6: {  	v11 =	vld [tilespmem:s20+$0x880]  }
0x1d7: {  	v12 =	vld [tilespmem:s20+$0x890]  }
0x1d8: {  	v13 =	vld [tilespmem:s20+$0x8A0]  }
0x1d9: {  	v14 =	vld [tilespmem:s20+$0x8B0]  }
0x1da: {  	v15 =	vld [tilespmem:s20+$0x8C0]  }
0x1db: {  	v16 =	vld [tilespmem:s20+$0x8D0]  }
0x1dc: {  	v17 =	vld [tilespmem:s20+$0x8E0]  }
0x1dd: {  	v18 =	vld [tilespmem:s20+$0x8F0]  }
0x1de: {  	[tilespmem:s20+$0xDC80] =	vst.add.f32.msk $0xffff, v4  }
0x1df: {  	[tilespmem:s20+$0xDC90] =	vst.add.f32.msk $0xffff, v5  }
0x1e0: {  	[tilespmem:s20+$0xDCA0] =	vst.add.f32.msk $0xffff, v6  }
0x1e1: {  	[tilespmem:s20+$0xDCB0] =	vst.add.f32.msk $0xffff, v7  }
0x1e2: {  	[tilespmem:s20+$0xDCC0] =	vst.add.f32.msk $0xffff, v3  }
0x1e3: {  	[tilespmem:s20+$0xDCD0] =	vst.add.f32.msk $0xffff, v8  }
0x1e4: {  	[tilespmem:s20+$0xDCE0] =	vst.add.f32.msk $0xffff, v9  }
0x1e5: {  	[tilespmem:s20+$0xDCF0] =	vst.add.f32.msk $0xffff, v10  }
0x1e6: {  	[tilespmem:s20+$0xE080] =	vst.add.f32.msk $0xffff, v11  }
0x1e7: {  	[tilespmem:s20+$0xE090] =	vst.add.f32.msk $0xffff, v12  }
0x1e8: {  	[tilespmem:s20+$0xE0A0] =	vst.add.f32.msk $0xffff, v13  }
0x1e9: {  	[tilespmem:s20+$0xE0B0] =	vst.add.f32.msk $0xffff, v14  }
0x1ea: {  	[tilespmem:s20+$0xE0C0] =	vst.add.f32.msk $0xffff, v15  }
0x1eb: {  	[tilespmem:s20+$0xE0D0] =	vst.add.f32.msk $0xffff, v16  }
0x1ec: {  	[tilespmem:s20+$0xE0E0] =	vst.add.f32.msk $0xffff, v17  }
0x1ed: {  	[tilespmem:s20+$0xE0F0] =	vst.add.f32.msk $0xffff, v18  }
0x1ee: {  	v3 =	vld [tilespmem:s23+$0x480]  }
0x1ef: {  	v4 =	vld [tilespmem:s23+$0x490]  }
0x1f0: {  	v5 =	vld [tilespmem:s23+$0x4A0]  }
0x1f1: {  	v6 =	vld [tilespmem:s23+$0x4B0]  }
0x1f2: {  	v7 =	vld [tilespmem:s23+$0x4C0]  }
0x1f3: {  	v8 =	vld [tilespmem:s23+$0x4D0]  }
0x1f4: {  	v9 =	vld [tilespmem:s23+$0x4E0]  }
0x1f5: {  	v10 =	vld [tilespmem:s23+$0x4F0]  }
0x1f6: {  	[tilespmem:s23+$0xDC80] =	vst.add.f32.msk $0xffff, v3  }
0x1f7: {  	[tilespmem:s23+$0xDC90] =	vst.add.f32.msk $0xffff, v4  }
0x1f8: {  	[tilespmem:s23+$0xDCA0] =	vst.add.f32.msk $0xffff, v5  }
0x1f9: {  	[tilespmem:s23+$0xDCB0] =	vst.add.f32.msk $0xffff, v6  }
0x1fa: {  	[tilespmem:s23+$0xDCC0] =	vst.add.f32.msk $0xffff, v7  }
0x1fb: {  	[tilespmem:s23+$0xDCD0] =	vst.add.f32.msk $0xffff, v8  }
0x1fc: {  	[tilespmem:s23+$0xDCE0] =	vst.add.f32.msk $0xffff, v9  }
0x1fd: {  	[tilespmem:s23+$0xDCF0] =	vst.add.f32.msk $0xffff, v10  }
0x1fe: {  	v3 =	vld [tilespmem:s7+$0x480]  }
0x1ff: {  	v4 =	vld [tilespmem:s7+$0x490]  }
0x200: {  	v5 =	vld [tilespmem:s7+$0x4A0]  }
0x201: {  	v6 =	vld [tilespmem:s7+$0x4B0]  }
0x202: {  	v7 =	vld [tilespmem:s7+$0x4C0]  }
0x203: {  	v8 =	vld [tilespmem:s7+$0x4D0]  }
0x204: {  	v9 =	vld [tilespmem:s7+$0x4E0]  }
0x205: {  	v10 =	vld [tilespmem:s7+$0x4F0]  }
0x206: {  	[tilespmem:s7+$0xDC80] =	vst.add.f32.msk $0xffff, v3  }
0x207: {  	[tilespmem:s7+$0xDC90] =	vst.add.f32.msk $0xffff, v4  }
0x208: {  	[tilespmem:s7+$0xDCA0] =	vst.add.f32.msk $0xffff, v5  }
0x209: {  	[tilespmem:s7+$0xDCB0] =	vst.add.f32.msk $0xffff, v6  }
0x20a: {  	[tilespmem:s7+$0xDCC0] =	vst.add.f32.msk $0xffff, v7  }
0x20b: {  	[tilespmem:s7+$0xDCD0] =	vst.add.f32.msk $0xffff, v8  }
0x20c: {  	[tilespmem:s7+$0xDCE0] =	vst.add.f32.msk $0xffff, v9  }
0x20d: {  	[tilespmem:s7+$0xDCF0] =	vst.add.f32.msk $0xffff, v10  }
0x20e: {  	v3 =	vld [tilespmem:s11+$0x480]  }
0x20f: {  	v4 =	vld [tilespmem:s11+$0x490]  }
0x210: {  	v5 =	vld [tilespmem:s11+$0x4A0]  }
0x211: {  	v6 =	vld [tilespmem:s11+$0x4B0]  }
0x212: {  	v7 =	vld [tilespmem:s11+$0x4C0]  }
0x213: {  	v8 =	vld [tilespmem:s11+$0x4D0]  }
0x214: {  	v9 =	vld [tilespmem:s11+$0x4E0]  }
0x215: {  	v10 =	vld [tilespmem:s11+$0x4F0]  }
0x216: {  	[tilespmem:s11+$0xDC80] =	vst.add.f32.msk $0xffff, v3  }
0x217: {  	[tilespmem:s11+$0xDC90] =	vst.add.f32.msk $0xffff, v4  }
0x218: {  	[tilespmem:s11+$0xDCA0] =	vst.add.f32.msk $0xffff, v5  }
0x219: {  	[tilespmem:s11+$0xDCB0] =	vst.add.f32.msk $0xffff, v6  }
0x21a: {  	[tilespmem:s11+$0xDCC0] =	vst.add.f32.msk $0xffff, v7  }
0x21b: {  	[tilespmem:s11+$0xDCD0] =	vst.add.f32.msk $0xffff, v8  }
0x21c: {  	[tilespmem:s11+$0xDCE0] =	vst.add.f32.msk $0xffff, v9  }
0x21d: {  	[tilespmem:s11+$0xDCF0] =	vst.add.f32.msk $0xffff, v10  }
0x21e: {  	v8 =	vld [tilespmem:s22+$0x480]  }
0x21f: {  	v9 =	vld [tilespmem:s22+$0x490]  }
0x220: {  	v10 =	vld [tilespmem:s22+$0x4A0]  }
0x221: {  	v11 =	vld [tilespmem:s22+$0x4B0]  }
0x222: {  	v12 =	vld [tilespmem:s22+$0x4C0]  }
0x223: {  	v13 =	vld [tilespmem:s22+$0x4D0]  }
0x224: {  	v14 =	vld [tilespmem:s22+$0x4E0]  }
0x225: {  	v15 =	vld [tilespmem:s22+$0x4F0]  }
0x226: {  	v16 =	vld [tilespmem:s17+$0x480]  }
0x227: {  	v17 =	vld [tilespmem:s17+$0x490]  }
0x228: {  	v7 =	vld [tilespmem:s17+$0x4A0]  }
0x229: {  	v6 =	vld [tilespmem:s17+$0x4B0]  }
0x22a: {  	v5 =	vld [tilespmem:s17+$0x4C0]  }
0x22b: {  	v4 =	vld [tilespmem:s17+$0x4D0]  }
0x22c: {  	v3 =	vld [tilespmem:s17+$0x4E0]  }
0x22d: {  	[tilespmem:s22+$0xDC80] =	vst.add.f32.msk $0xffff, v8  }
0x22e: {  	[tilespmem:s22+$0xDC90] =	vst.add.f32.msk $0xffff, v9  }
0x22f: {  	[tilespmem:s22+$0xDCA0] =	vst.add.f32.msk $0xffff, v10  }
0x230: {  	[tilespmem:s22+$0xDCB0] =	vst.add.f32.msk $0xffff, v11  }
0x231: {  	[tilespmem:s22+$0xDCC0] =	vst.add.f32.msk $0xffff, v12  }
.Ltmp2:
0x232: {  	[tilespmem:s22+$0xDCD0] =	vst.add.f32.msk $0xffff, v13;
	(pc) =	sbr.rel @p0 .LBB2_3-.Ltmp2, $4  }
0x233: {  	[tilespmem:s22+$0xDCE0] =	vst.add.f32.msk $0xffff, v14  }
0x234: {  	[tilespmem:s22+$0xDCF0] =	vst.add.f32.msk $0xffff, v15  }
0x235: {  	[tilespmem:s17+$0xDC80] =	vst.add.f32.msk $0xffff, v16  }
0x236: {  	[tilespmem:s17+$0xDC90] =	vst.add.f32.msk $0xffff, v17  }
0x237: {  	s0 =	smul.u32 $0x48, s2;
	_ =	sdelay $0x1  }
0x238: {  	[tilespmem:s17+$0xDCA0] =	vst.add.f32.msk $0xffff, v7;
	s7 =	sadd.s32 s4, s0  }
0x239: {  	[tilespmem:s17+$0xDCB0] =	vst.add.f32.msk $0xffff, v6;
	s7 =	sshrl.u32 s7, $0x3  }
0x23a: {  	[tilespmem:s17+$0xDCC0] =	vst.add.f32.msk $0xffff, v5;
	s7 =	smul.u32 $0x300, s7  }
0x23b: {  	[tilespmem:s17+$0xDCD0] =	vst.add.f32.msk $0xffff, v4  }
0x23c: {  	[tilespmem:s17+$0xDCE0] =	vst.add.f32.msk $0xffff, v3;
	s8 =	simm.s32 $0xDC80;
	s20 =	sadd.s32 $0x30, s0;
	s7 =	sadd.s32 s3, s7  }
0x23d: {  	[hbm4b:s7+s5] =	stream.linear.scatter [tilespmem:s8], [sflag:$0x7], $0x4800, $0x38;
	[tilespmem:$0x1B480] =	vst v63  }
0x23e: {  	p0 =	seq.s32 s2, $0x0;
	s7 =	sadd.s32 s4, s20  }
0x23f: {  	s8 =	simm.s32 @!p0 $0x9;
	s7 =	sshrl.u32 s7, $0x3  }
0x240: {  	_ =	swait.ge @!p0 [sflag:s8], $0x4800;
	s15 =	smul.u32 $0x300, s7  }
0x241: {  	s17 =	simm.s32 $0x0;
	[sflag:s8] =	ssyncset.done @!p0 $0x0  }
0x242: {  	s22 =	simm.s32 $0x9480;
	[sflag:s8] =	ssyncadd.s32 @!p0 $0xFFFFB800;
	s7 =	sadd.s32 s1, s15  }
0x243: {  	[tilespmem:s22], [sflag:$0x3] =	stream.linear.gather [hbm4b:s7+s17], $0x4800, $0x38;
	[tilespmem:$0x1B480] =	vst v63  }
0x244: {  	v3 =	vld [tilespmem:s0+$0x30];
	_ =	sdelay $0x4  }
0x245: {  	v4 =	vshrl.u32 v3, $0x3  }
0x246: {  	v4 =	vmul.u32 $0x30, v4  }
0x247: {  	v3 =	vand.u32 $0x7, v3  }
0x248: {  	v3 =	vor.u32 v3, v4  }
0x249: {  	v4 =	vperm.xlane v3, v0;
	_ =	sdelay $0x1  }
0x24a: {  	v4 =	vadd.s32 v1, v4;
	_ =	sdelay $0x3  }
0x24b: {  	v3 =	vperm.xlane v3, v2  }
0x24c: {  	[tilespmem:s21], [sflag:$0x6] =	stream.indirect_vreg.gather [hbm4b:s6+s17], $0x80, v4, vm0, $0xb8;
	[tilespmem:$0x1B480] =	vst v63  }
0x24d: {  	s23 =	simm.s32 $0x17480;
	v3 =	vadd.s32 v1, v3  }
0x24e: {  	[tilespmem:s23], [sflag:$0x6] =	stream.indirect_vreg.gather [hbm4b:s9+s17], $0x80, v4, vm0, $0xb8;
	[tilespmem:$0x1B480] =	vst v63  }
0x24f: {  	s24 =	simm.s32 $0x17C80  }
0x250: {  	[tilespmem:s24], [sflag:$0x6] =	stream.indirect_vreg.gather [hbm4b:s10+s17], $0x80, v4, vm0, $0xb8;
	[tilespmem:$0x1B480] =	vst v63  }
0x251: {  	s8 =	simm.s32 $0x18480  }
0x252: {  	[tilespmem:s8], [sflag:$0x6] =	stream.indirect_vreg.gather [hbm4b:s6+s17], $0x80, v3, vm0, $0xb8;
	[tilespmem:$0x1B480] =	vst v63  }
0x253: {  	s11 =	simm.s32 $0x18C80  }
0x254: {  	[tilespmem:s11], [sflag:$0x6] =	stream.indirect_vreg.gather [hbm4b:s9+s17], $0x80, v3, vm0, $0xb8;
	[tilespmem:$0x1B480] =	vst v63  }
0x255: {  	s13 =	simm.s32 $0x19480  }
0x256: {  	[tilespmem:s13], [sflag:$0x6] =	stream.indirect_vreg.gather [hbm4b:s10+s17], $0x80, v3, vm0, $0xb8;
	[tilespmem:$0x1B480] =	vst v63  }
0x257: {  	v3 =	vld.msk [tilespmem:s0+$0x40], $0xff;
	_ =	sdelay $0x4  }
0x258: {  	v4 =	vshrl.u32 v3, $0x3  }
0x259: {  	v4 =	vmul.u32 $0x30, v4  }
0x25a: {  	v3 =	vand.u32 $0x7, v3  }
0x25b: {  	v3 =	vor.u32 v3, v4  }
0x25c: {  	v3 =	vperm.xlane v3, v0;
	_ =	sdelay $0x1  }
0x25d: {  	v3 =	vadd.s32 v1, v3;
	_ =	sdelay $0x3  }
0x25e: {  	s14 =	simm.s32 $0x19C80  }
0x25f: {  	[tilespmem:s14], [sflag:$0x6] =	stream.indirect_vreg.gather [hbm4b:s6+s17], $0x80, v3, vm0, $0xb8;
	[tilespmem:$0x1B480] =	vst v63  }
0x260: {  	s16 =	simm.s32 $0x1A480  }
0x261: {  	[tilespmem:s16], [sflag:$0x6] =	stream.indirect_vreg.gather [hbm4b:s9+s17], $0x80, v3, vm0, $0xb8;
	[tilespmem:$0x1B480] =	vst v63  }
0x262: {  	s20 =	simm.s32 $0x1AC80  }
0x263: {  	[tilespmem:s20], [sflag:$0x6] =	stream.indirect_vreg.gather [hbm4b:s10+s17], $0x80, v3, vm0, $0xb8;
	[tilespmem:$0x1B480] =	vst v63  }
0x264: {  	_ =	swait.ge [sflag:s25], $0x4800  }
0x265: {  	[sflag:s25] =	ssyncset.done $0x0  }
0x266: {  	s22 =	simm.s32 $0x0;
	[sflag:s25] =	ssyncadd.s32 $0xFFFFB800  }
0x267: {  	s7 =	sand.u32 $0x300, s17;
	s8 =	smul.u32 $0x1800, s22;
	_ =	swait.ge [sflag:s28], $0x4800  }
0x268: {  	s11 =	sor.u32 $0x80, s7;
	[sflag:s28] =	ssyncset.done $0x0  }
0x269: {  	s14 =	sor.u32 s8, s11;
	[sflag:s28] =	ssyncadd.s32 $0xFFFFB800  }
0x26a: {  	v3 =	vld [tilespmem:s14+$0x4C80]  }
0x26b: {  	v4 =	vld [tilespmem:s14+$0x4C90]  }
0x26c: {  	v5 =	vld [tilespmem:s14+$0x4CA0]  }
0x26d: {  	v6 =	vld [tilespmem:s14+$0x4CB0]  }
0x26e: {  	v7 =	vld [tilespmem:s14+$0x4CC0]  }
0x26f: {  	v8 =	vld [tilespmem:s14+$0x4CD0]  }
0x270: {  	v9 =	vld [tilespmem:s14+$0x4CE0]  }
0x271: {  	v10 =	vld [tilespmem:s14+$0x4CF0]  }
0x272: {  	v11 =	vld [tilespmem:s14+$0x5080]  }
0x273: {  	v12 =	vld [tilespmem:s14+$0x5090]  }
0x274: {  	v13 =	vld [tilespmem:s14+$0x50A0]  }
0x275: {  	v14 =	vld [tilespmem:s14+$0x50B0]  }
0x276: {  	v15 =	vld [tilespmem:s14+$0x50C0]  }
0x277: {  	v16 =	vld [tilespmem:s14+$0x50D0]  }
0x278: {  	v17 =	vld [tilespmem:s14+$0x50E0]  }
0x279: {  	s16 =	sor.u32 s7, s8;
	v18 =	vld [tilespmem:s14+$0x50F0]  }
0x27a: {  	v52 =	vld [tilespmem:s16+$0x4CE0]  }
0x27b: {  	v53 =	vld [tilespmem:s16+$0x4CF0]  }
0x27c: {  	v54 =	vld [tilespmem:s16+$0x5080]  }
0x27d: {  	v55 =	vld [tilespmem:s16+$0x5090]  }
0x27e: {  	v56 =	vld [tilespmem:s16+$0x50A0]  }
0x27f: {  	v57 =	vld [tilespmem:s16+$0x50B0]  }
0x280: {  	v58 =	vld [tilespmem:s16+$0x50C0]  }
0x281: {  	v59 =	vld [tilespmem:s16+$0x50D0]  }
0x282: {  	v60 =	vld [tilespmem:s16+$0x50E0]  }
0x283: {  	v61 =	vld [tilespmem:s16+$0x50F0]  }
0x284: {  	[tilespmem:s14+$0x12480] =	vst.add.f32.msk $0xffff, v3  }
0x285: {  	[tilespmem:s14+$0x12490] =	vst.add.f32.msk $0xffff, v4  }
0x286: {  	[tilespmem:s14+$0x124A0] =	vst.add.f32.msk $0xffff, v5  }
0x287: {  	[tilespmem:s14+$0x124B0] =	vst.add.f32.msk $0xffff, v6  }
0x288: {  	[tilespmem:s14+$0x124C0] =	vst.add.f32.msk $0xffff, v7  }
0x289: {  	[tilespmem:s14+$0x124D0] =	vst.add.f32.msk $0xffff, v8  }
0x28a: {  	[tilespmem:s14+$0x124E0] =	vst.add.f32.msk $0xffff, v9  }
0x28b: {  	[tilespmem:s14+$0x124F0] =	vst.add.f32.msk $0xffff, v10  }
0x28c: {  	[tilespmem:s14+$0x12880] =	vst.add.f32.msk $0xffff, v11  }
0x28d: {  	[tilespmem:s14+$0x12890] =	vst.add.f32.msk $0xffff, v12  }
0x28e: {  	[tilespmem:s14+$0x128A0] =	vst.add.f32.msk $0xffff, v13  }
0x28f: {  	[tilespmem:s14+$0x128B0] =	vst.add.f32.msk $0xffff, v14  }
0x290: {  	[tilespmem:s14+$0x128C0] =	vst.add.f32.msk $0xffff, v15  }
0x291: {  	[tilespmem:s14+$0x128D0] =	vst.add.f32.msk $0xffff, v16  }
0x292: {  	[tilespmem:s14+$0x128E0] =	vst.add.f32.msk $0xffff, v17  }
0x293: {  	[tilespmem:s14+$0x128F0] =	vst.add.f32.msk $0xffff, v18  }
0x294: {  	[tilespmem:s16+$0x124E0] =	vst.add.f32.msk $0xffff, v52  }
0x295: {  	[tilespmem:s16+$0x124F0] =	vst.add.f32.msk $0xffff, v53  }
0x296: {  	[tilespmem:s16+$0x12880] =	vst.add.f32.msk $0xffff, v54  }
0x297: {  	[tilespmem:s16+$0x12890] =	vst.add.f32.msk $0xffff, v55  }
0x298: {  	[tilespmem:s16+$0x128A0] =	vst.add.f32.msk $0xffff, v56  }
0x299: {  	[tilespmem:s16+$0x128B0] =	vst.add.f32.msk $0xffff, v57  }
0x29a: {  	[tilespmem:s16+$0x128C0] =	vst.add.f32.msk $0xffff, v58  }
0x29b: {  	[tilespmem:s16+$0x128D0] =	vst.add.f32.msk $0xffff, v59  }
0x29c: {  	s13 =	sadd.s32 $0x800, s8;
	[tilespmem:s16+$0x128E0] =	vst.add.f32.msk $0xffff, v60  }
0x29d: {  	s23 =	sor.u32 s11, s13;
	[tilespmem:s16+$0x128F0] =	vst.add.f32.msk $0xffff, v61  }
0x29e: {  	v3 =	vld [tilespmem:s23+$0x4C80]  }
0x29f: {  	v4 =	vld [tilespmem:s23+$0x4C90]  }
0x2a0: {  	v5 =	vld [tilespmem:s23+$0x4CA0]  }
0x2a1: {  	v6 =	vld [tilespmem:s23+$0x4CB0]  }
0x2a2: {  	v7 =	vld [tilespmem:s23+$0x4CC0]  }
0x2a3: {  	v8 =	vld [tilespmem:s23+$0x4CD0]  }
0x2a4: {  	v9 =	vld [tilespmem:s23+$0x4CE0]  }
0x2a5: {  	v10 =	vld [tilespmem:s23+$0x4CF0]  }
0x2a6: {  	[tilespmem:s23+$0x12480] =	vst.add.f32.msk $0xffff, v3  }
0x2a7: {  	[tilespmem:s23+$0x12490] =	vst.add.f32.msk $0xffff, v4  }
0x2a8: {  	[tilespmem:s23+$0x124A0] =	vst.add.f32.msk $0xffff, v5  }
0x2a9: {  	[tilespmem:s23+$0x124B0] =	vst.add.f32.msk $0xffff, v6  }
0x2aa: {  	[tilespmem:s23+$0x124C0] =	vst.add.f32.msk $0xffff, v7  }
0x2ab: {  	[tilespmem:s23+$0x124D0] =	vst.add.f32.msk $0xffff, v8  }
0x2ac: {  	s20 =	sadd.s32 $0xC00, s8;
	[tilespmem:s23+$0x124E0] =	vst.add.f32.msk $0xffff, v9  }
0x2ad: {  	s22 =	sor.u32 s11, s20;
	[tilespmem:s23+$0x124F0] =	vst.add.f32.msk $0xffff, v10  }
0x2ae: {  	v3 =	vld [tilespmem:s22+$0x4C80]  }
0x2af: {  	v4 =	vld [tilespmem:s22+$0x4C90]  }
0x2b0: {  	v5 =	vld [tilespmem:s22+$0x4CA0]  }
0x2b1: {  	v6 =	vld [tilespmem:s22+$0x4CB0]  }
0x2b2: {  	v7 =	vld [tilespmem:s22+$0x4CC0]  }
0x2b3: {  	v8 =	vld [tilespmem:s22+$0x4CD0]  }
0x2b4: {  	v9 =	vld [tilespmem:s22+$0x4CE0]  }
0x2b5: {  	v10 =	vld [tilespmem:s22+$0x4CF0]  }
0x2b6: {  	[tilespmem:s22+$0x12480] =	vst.add.f32.msk $0xffff, v3  }
0x2b7: {  	[tilespmem:s22+$0x12490] =	vst.add.f32.msk $0xffff, v4  }
0x2b8: {  	[tilespmem:s22+$0x124A0] =	vst.add.f32.msk $0xffff, v5  }
0x2b9: {  	[tilespmem:s22+$0x124B0] =	vst.add.f32.msk $0xffff, v6  }
0x2ba: {  	[tilespmem:s22+$0x124C0] =	vst.add.f32.msk $0xffff, v7  }
0x2bb: {  	[tilespmem:s22+$0x124D0] =	vst.add.f32.msk $0xffff, v8  }
0x2bc: {  	s14 =	sadd.s32 $0x1000, s8;
	[tilespmem:s22+$0x124E0] =	vst.add.f32.msk $0xffff, v9  }
0x2bd: {  	s24 =	sor.u32 s11, s14;
	[tilespmem:s22+$0x124F0] =	vst.add.f32.msk $0xffff, v10  }
0x2be: {  	v3 =	vld [tilespmem:s24+$0x4C80]  }
0x2bf: {  	v4 =	vld [tilespmem:s24+$0x4C90]  }
0x2c0: {  	v5 =	vld [tilespmem:s24+$0x4CA0]  }
0x2c1: {  	v6 =	vld [tilespmem:s24+$0x4CB0]  }
0x2c2: {  	v7 =	vld [tilespmem:s24+$0x4CC0]  }
0x2c3: {  	v8 =	vld [tilespmem:s24+$0x4CD0]  }
0x2c4: {  	v9 =	vld [tilespmem:s24+$0x4CE0]  }
0x2c5: {  	v10 =	vld [tilespmem:s24+$0x4CF0]  }
0x2c6: {  	[tilespmem:s24+$0x12480] =	vst.add.f32.msk $0xffff, v3  }
0x2c7: {  	[tilespmem:s24+$0x12490] =	vst.add.f32.msk $0xffff, v4  }
0x2c8: {  	[tilespmem:s24+$0x124A0] =	vst.add.f32.msk $0xffff, v5  }
0x2c9: {  	[tilespmem:s24+$0x124B0] =	vst.add.f32.msk $0xffff, v6  }
0x2ca: {  	[tilespmem:s24+$0x124C0] =	vst.add.f32.msk $0xffff, v7  }
0x2cb: {  	[tilespmem:s24+$0x124D0] =	vst.add.f32.msk $0xffff, v8  }
0x2cc: {  	[tilespmem:s24+$0x124E0] =	vst.add.f32.msk $0xffff, v9  }
0x2cd: {  	[tilespmem:s24+$0x124F0] =	vst.add.f32.msk $0xffff, v10  }
0x2ce: {  	v3 =	vld [tilespmem:s16+$0x4C80]  }
0x2cf: {  	v4 =	vld [tilespmem:s16+$0x4C90]  }
0x2d0: {  	v5 =	vld [tilespmem:s16+$0x4CA0]  }
0x2d1: {  	v6 =	vld [tilespmem:s16+$0x4CB0]  }
0x2d2: {  	s8 =	sadd.s32 $0x1400, s8;
	v7 =	vld [tilespmem:s16+$0x4CC0]  }
0x2d3: {  	s22 =	sor.u32 s11, s8;
	v8 =	vld [tilespmem:s16+$0x4CD0]  }
0x2d4: {  	v62 =	vld [tilespmem:s22+$0x4C80]  }
0x2d5: {  	v63 =	vld [tilespmem:s22+$0x4C90]  }
0x2d6: {  	[tilespmem:s16+$0x12480] =	vst.add.f32.msk $0xffff, v3  }
0x2d7: {  	[tilespmem:s16+$0x12490] =	vst.add.f32.msk $0xffff, v4  }
0x2d8: {  	[tilespmem:s16+$0x124A0] =	vst.add.f32.msk $0xffff, v5  }
0x2d9: {  	[tilespmem:s16+$0x124B0] =	vst.add.f32.msk $0xffff, v6  }
0x2da: {  	[tilespmem:s16+$0x124C0] =	vst.add.f32.msk $0xffff, v7  }
0x2db: {  	s13 =	sor.u32 s7, s13;
	[tilespmem:s16+$0x124D0] =	vst.add.f32.msk $0xffff, v8  }
0x2dc: {  	v3 =	vld [tilespmem:s13+$0x4C80]  }
0x2dd: {  	v4 =	vld [tilespmem:s13+$0x4C90]  }
0x2de: {  	v5 =	vld [tilespmem:s13+$0x4CA0]  }
0x2df: {  	v6 =	vld [tilespmem:s13+$0x4CB0]  }
0x2e0: {  	v7 =	vld [tilespmem:s13+$0x4CC0]  }
0x2e1: {  	v8 =	vld [tilespmem:s13+$0x4CD0]  }
0x2e2: {  	v9 =	vld [tilespmem:s13+$0x4CE0]  }
0x2e3: {  	v10 =	vld [tilespmem:s13+$0x4CF0]  }
0x2e4: {  	[tilespmem:s22+$0x12480] =	vst.add.f32.msk $0xffff, v62  }
0x2e5: {  	[tilespmem:s22+$0x12490] =	vst.add.f32.msk $0xffff, v63  }
0x2e6: {  	[tilespmem:s13+$0x12480] =	vst.add.f32.msk $0xffff, v3  }
0x2e7: {  	[tilespmem:s13+$0x12490] =	vst.add.f32.msk $0xffff, v4  }
0x2e8: {  	[tilespmem:s13+$0x124A0] =	vst.add.f32.msk $0xffff, v5  }
0x2e9: {  	[tilespmem:s13+$0x124B0] =	vst.add.f32.msk $0xffff, v6  }
0x2ea: {  	[tilespmem:s13+$0x124C0] =	vst.add.f32.msk $0xffff, v7  }
0x2eb: {  	[tilespmem:s13+$0x124D0] =	vst.add.f32.msk $0xffff, v8  }
0x2ec: {  	[tilespmem:s13+$0x124E0] =	vst.add.f32.msk $0xffff, v9  }
0x2ed: {  	s23 =	sor.u32 s7, s20;
	[tilespmem:s13+$0x124F0] =	vst.add.f32.msk $0xffff, v10  }
0x2ee: {  	v3 =	vld [tilespmem:s23+$0x4C80]  }
0x2ef: {  	v4 =	vld [tilespmem:s23+$0x4C90]  }
0x2f0: {  	v5 =	vld [tilespmem:s23+$0x4CA0]  }
0x2f1: {  	v6 =	vld [tilespmem:s23+$0x4CB0]  }
0x2f2: {  	v7 =	vld [tilespmem:s23+$0x4CC0]  }
0x2f3: {  	v8 =	vld [tilespmem:s23+$0x4CD0]  }
0x2f4: {  	v9 =	vld [tilespmem:s23+$0x4CE0]  }
0x2f5: {  	v10 =	vld [tilespmem:s23+$0x4CF0]  }
0x2f6: {  	[tilespmem:s23+$0x12480] =	vst.add.f32.msk $0xffff, v3  }
0x2f7: {  	[tilespmem:s23+$0x12490] =	vst.add.f32.msk $0xffff, v4  }
0x2f8: {  	[tilespmem:s23+$0x124A0] =	vst.add.f32.msk $0xffff, v5  }
0x2f9: {  	[tilespmem:s23+$0x124B0] =	vst.add.f32.msk $0xffff, v6  }
0x2fa: {  	[tilespmem:s23+$0x124C0] =	vst.add.f32.msk $0xffff, v7  }
0x2fb: {  	[tilespmem:s23+$0x124D0] =	vst.add.f32.msk $0xffff, v8  }
0x2fc: {  	[tilespmem:s23+$0x124E0] =	vst.add.f32.msk $0xffff, v9  }
0x2fd: {  	[tilespmem:s23+$0x124F0] =	vst.add.f32.msk $0xffff, v10  }
0x2fe: {  	s24 =	sor.u32 s7, s14;
	v3 =	vld [tilespmem:s22+$0x4CF0]  }
0x2ff: {  	v4 =	vld [tilespmem:s24+$0x4C80]  }
0x300: {  	v5 =	vld [tilespmem:s24+$0x4C90]  }
0x301: {  	v6 =	vld [tilespmem:s24+$0x4CA0]  }
0x302: {  	v7 =	vld [tilespmem:s24+$0x4CB0]  }
0x303: {  	v8 =	vld [tilespmem:s24+$0x4CC0]  }
0x304: {  	v9 =	vld [tilespmem:s24+$0x4CD0]  }
0x305: {  	v10 =	vld [tilespmem:s24+$0x4CE0]  }
0x306: {  	v11 =	vld [tilespmem:s24+$0x4CF0]  }
0x307: {  	[tilespmem:s22+$0x124F0] =	vst.add.f32.msk $0xffff, v3  }
0x308: {  	v3 =	vld [tilespmem:s22+$0x4CE0]  }
0x309: {  	[tilespmem:s24+$0x12480] =	vst.add.f32.msk $0xffff, v4  }
0x30a: {  	[tilespmem:s24+$0x12490] =	vst.add.f32.msk $0xffff, v5  }
0x30b: {  	[tilespmem:s24+$0x124A0] =	vst.add.f32.msk $0xffff, v6  }
0x30c: {  	[tilespmem:s24+$0x124B0] =	vst.add.f32.msk $0xffff, v7  }
0x30d: {  	[tilespmem:s24+$0x124C0] =	vst.add.f32.msk $0xffff, v8  }
0x30e: {  	[tilespmem:s24+$0x124D0] =	vst.add.f32.msk $0xffff, v9  }
0x30f: {  	[tilespmem:s24+$0x124E0] =	vst.add.f32.msk $0xffff, v10  }
0x310: {  	[tilespmem:s24+$0x124F0] =	vst.add.f32.msk $0xffff, v11  }
0x311: {  	v7 =	vld [tilespmem:s22+$0x4CA0]  }
0x312: {  	v6 =	vld [tilespmem:s22+$0x4CB0]  }
0x313: {  	v5 =	vld [tilespmem:s22+$0x4CC0]  }
0x314: {  	s7 =	sor.u32 s7, s8;
	v4 =	vld [tilespmem:s22+$0x4CD0]  }
0x315: {  	v8 =	vld [tilespmem:s7+$0x4C80]  }
0x316: {  	v9 =	vld [tilespmem:s7+$0x4C90]  }
0x317: {  	v10 =	vld [tilespmem:s7+$0x4CA0]  }
0x318: {  	v11 =	vld [tilespmem:s7+$0x4CB0]  }
0x319: {  	v12 =	vld [tilespmem:s7+$0x4CC0]  }
0x31a: {  	v13 =	vld [tilespmem:s7+$0x4CD0]  }
0x31b: {  	v14 =	vld [tilespmem:s7+$0x4CE0]  }
0x31c: {  	v15 =	vld [tilespmem:s7+$0x4CF0]  }
0x31d: {  	[tilespmem:s7+$0x12480] =	vst.add.f32.msk $0xffff, v8  }
0x31e: {  	[tilespmem:s7+$0x12490] =	vst.add.f32.msk $0xffff, v9  }
0x31f: {  	[tilespmem:s7+$0x124A0] =	vst.add.f32.msk $0xffff, v10  }
0x320: {  	[tilespmem:s7+$0x124B0] =	vst.add.f32.msk $0xffff, v11  }
0x321: {  	[tilespmem:s7+$0x124C0] =	vst.add.f32.msk $0xffff, v12  }
0x322: {  	[tilespmem:s7+$0x124D0] =	vst.add.f32.msk $0xffff, v13  }
0x323: {  	[tilespmem:s7+$0x124E0] =	vst.add.f32.msk $0xffff, v14  }
0x324: {  	s20 =	simm.s32 $0x0;
	[tilespmem:s7+$0x124F0] =	vst.add.f32.msk $0xffff, v15  }
.LBB2_5:
0x325: {  	s20 =	sadd.s32 $0x2, s20;
	[tilespmem:s22+$0x124A0] =	vst.add.f32.msk $0xffff, v7  }
0x326: {  	s17 =	sadd.s32 $0x100, s17;
	s7 =	sshrl.u32 s20, $0x3;
	p0 =	slt.u32 s20, $0x16;
	[tilespmem:s22+$0x124B0] =	vst.add.f32.msk $0xffff, v6  }
0x327: {  	s24 =	sand.u32 $0x300, s17;
	s14 =	smul.u32 $0x1800, s7;
	[tilespmem:s22+$0x124C0] =	vst.add.f32.msk $0xffff, v5  }
0x328: {  	s8 =	sor.u32 $0x80, s24;
	[tilespmem:s22+$0x124D0] =	vst.add.f32.msk $0xffff, v4  }
0x329: {  	s23 =	sor.u32 s24, s14;
	s11 =	sor.u32 s14, s8;
	[tilespmem:s22+$0x124E0] =	vst.add.f32.msk $0xffff, v3  }
0x32a: {  	v3 =	vld [tilespmem:s11+$0x4C80]  }
0x32b: {  	v4 =	vld [tilespmem:s11+$0x4C90]  }
0x32c: {  	v5 =	vld [tilespmem:s11+$0x4CA0]  }
0x32d: {  	v6 =	vld [tilespmem:s11+$0x4CB0]  }
0x32e: {  	v7 =	vld [tilespmem:s11+$0x4CC0]  }
0x32f: {  	v8 =	vld [tilespmem:s11+$0x4CD0]  }
0x330: {  	v9 =	vld [tilespmem:s11+$0x4CE0]  }
0x331: {  	v10 =	vld [tilespmem:s11+$0x4CF0]  }
0x332: {  	v11 =	vld [tilespmem:s11+$0x5080]  }
0x333: {  	v12 =	vld [tilespmem:s11+$0x5090]  }
0x334: {  	v13 =	vld [tilespmem:s11+$0x50A0]  }
0x335: {  	v14 =	vld [tilespmem:s11+$0x50B0]  }
0x336: {  	v15 =	vld [tilespmem:s11+$0x50C0]  }
0x337: {  	v16 =	vld [tilespmem:s11+$0x50D0]  }
0x338: {  	v17 =	vld [tilespmem:s11+$0x50E0]  }
0x339: {  	v18 =	vld [tilespmem:s11+$0x50F0]  }
0x33a: {  	[tilespmem:s11+$0x12480] =	vst.add.f32.msk $0xffff, v3  }
0x33b: {  	[tilespmem:s11+$0x12490] =	vst.add.f32.msk $0xffff, v4  }
0x33c: {  	[tilespmem:s11+$0x124A0] =	vst.add.f32.msk $0xffff, v5  }
0x33d: {  	[tilespmem:s11+$0x124B0] =	vst.add.f32.msk $0xffff, v6  }
0x33e: {  	[tilespmem:s11+$0x124C0] =	vst.add.f32.msk $0xffff, v7  }
0x33f: {  	[tilespmem:s11+$0x124D0] =	vst.add.f32.msk $0xffff, v8  }
0x340: {  	[tilespmem:s11+$0x124E0] =	vst.add.f32.msk $0xffff, v9  }
0x341: {  	[tilespmem:s11+$0x124F0] =	vst.add.f32.msk $0xffff, v10  }
0x342: {  	[tilespmem:s11+$0x12880] =	vst.add.f32.msk $0xffff, v11  }
0x343: {  	[tilespmem:s11+$0x12890] =	vst.add.f32.msk $0xffff, v12  }
0x344: {  	[tilespmem:s11+$0x128A0] =	vst.add.f32.msk $0xffff, v13  }
0x345: {  	[tilespmem:s11+$0x128B0] =	vst.add.f32.msk $0xffff, v14  }
0x346: {  	[tilespmem:s11+$0x128C0] =	vst.add.f32.msk $0xffff, v15  }
0x347: {  	[tilespmem:s11+$0x128D0] =	vst.add.f32.msk $0xffff, v16  }
0x348: {  	s13 =	sadd.s32 $0x800, s14;
	[tilespmem:s11+$0x128E0] =	vst.add.f32.msk $0xffff, v17  }
0x349: {  	s7 =	sor.u32 s24, s13;
	s13 =	sor.u32 s8, s13;
	[tilespmem:s11+$0x128F0] =	vst.add.f32.msk $0xffff, v18  }
0x34a: {  	v3 =	vld [tilespmem:s13+$0x4C80]  }
0x34b: {  	v4 =	vld [tilespmem:s13+$0x4C90]  }
0x34c: {  	v5 =	vld [tilespmem:s13+$0x4CA0]  }
0x34d: {  	v6 =	vld [tilespmem:s13+$0x4CB0]  }
0x34e: {  	v7 =	vld [tilespmem:s13+$0x4CC0]  }
0x34f: {  	v8 =	vld [tilespmem:s13+$0x4CD0]  }
0x350: {  	v9 =	vld [tilespmem:s13+$0x4CE0]  }
0x351: {  	v10 =	vld [tilespmem:s13+$0x4CF0]  }
0x352: {  	[tilespmem:s13+$0x12480] =	vst.add.f32.msk $0xffff, v3  }
0x353: {  	[tilespmem:s13+$0x12490] =	vst.add.f32.msk $0xffff, v4  }
0x354: {  	[tilespmem:s13+$0x124A0] =	vst.add.f32.msk $0xffff, v5  }
0x355: {  	[tilespmem:s13+$0x124B0] =	vst.add.f32.msk $0xffff, v6  }
0x356: {  	[tilespmem:s13+$0x124C0] =	vst.add.f32.msk $0xffff, v7  }
0x357: {  	[tilespmem:s13+$0x124D0] =	vst.add.f32.msk $0xffff, v8  }
0x358: {  	s22 =	sadd.s32 $0xC00, s14;
	[tilespmem:s13+$0x124E0] =	vst.add.f32.msk $0xffff, v9  }
0x359: {  	s11 =	sor.u32 s24, s22;
	s22 =	sor.u32 s8, s22;
	[tilespmem:s13+$0x124F0] =	vst.add.f32.msk $0xffff, v10  }
0x35a: {  	v3 =	vld [tilespmem:s22+$0x4C80]  }
0x35b: {  	v4 =	vld [tilespmem:s22+$0x4C90]  }
0x35c: {  	v5 =	vld [tilespmem:s22+$0x4CA0]  }
0x35d: {  	v6 =	vld [tilespmem:s22+$0x4CB0]  }
0x35e: {  	v7 =	vld [tilespmem:s22+$0x4CC0]  }
0x35f: {  	v8 =	vld [tilespmem:s22+$0x4CD0]  }
0x360: {  	v9 =	vld [tilespmem:s22+$0x4CE0]  }
0x361: {  	v10 =	vld [tilespmem:s22+$0x4CF0]  }
0x362: {  	[tilespmem:s22+$0x12480] =	vst.add.f32.msk $0xffff, v3  }
0x363: {  	[tilespmem:s22+$0x12490] =	vst.add.f32.msk $0xffff, v4  }
0x364: {  	[tilespmem:s22+$0x124A0] =	vst.add.f32.msk $0xffff, v5  }
0x365: {  	[tilespmem:s22+$0x124B0] =	vst.add.f32.msk $0xffff, v6  }
0x366: {  	[tilespmem:s22+$0x124C0] =	vst.add.f32.msk $0xffff, v7  }
0x367: {  	[tilespmem:s22+$0x124D0] =	vst.add.f32.msk $0xffff, v8  }
0x368: {  	s16 =	sadd.s32 $0x1000, s14;
	[tilespmem:s22+$0x124E0] =	vst.add.f32.msk $0xffff, v9  }
0x369: {  	s13 =	sor.u32 s24, s16;
	s16 =	sor.u32 s8, s16;
	[tilespmem:s22+$0x124F0] =	vst.add.f32.msk $0xffff, v10  }
0x36a: {  	v3 =	vld [tilespmem:s16+$0x4C80]  }
0x36b: {  	v4 =	vld [tilespmem:s16+$0x4C90]  }
0x36c: {  	v5 =	vld [tilespmem:s16+$0x4CA0]  }
0x36d: {  	v6 =	vld [tilespmem:s16+$0x4CB0]  }
0x36e: {  	v7 =	vld [tilespmem:s16+$0x4CC0]  }
0x36f: {  	v8 =	vld [tilespmem:s16+$0x4CD0]  }
0x370: {  	v9 =	vld [tilespmem:s16+$0x4CE0]  }
0x371: {  	v10 =	vld [tilespmem:s16+$0x4CF0]  }
0x372: {  	[tilespmem:s16+$0x12480] =	vst.add.f32.msk $0xffff, v3  }
0x373: {  	[tilespmem:s16+$0x12490] =	vst.add.f32.msk $0xffff, v4  }
0x374: {  	[tilespmem:s16+$0x124A0] =	vst.add.f32.msk $0xffff, v5  }
0x375: {  	[tilespmem:s16+$0x124B0] =	vst.add.f32.msk $0xffff, v6  }
0x376: {  	[tilespmem:s16+$0x124C0] =	vst.add.f32.msk $0xffff, v7  }
0x377: {  	[tilespmem:s16+$0x124D0] =	vst.add.f32.msk $0xffff, v8  }
0x378: {  	s14 =	sadd.s32 $0x1400, s14;
	[tilespmem:s16+$0x124E0] =	vst.add.f32.msk $0xffff, v9  }
0x379: {  	s24 =	sor.u32 s24, s14;
	s22 =	sor.u32 s8, s14;
	[tilespmem:s16+$0x124F0] =	vst.add.f32.msk $0xffff, v10  }
0x37a: {  	v3 =	vld [tilespmem:s22+$0x4CF0]  }
0x37b: {  	v4 =	vld [tilespmem:s23+$0x4C80]  }
0x37c: {  	v5 =	vld [tilespmem:s23+$0x4C90]  }
0x37d: {  	v6 =	vld [tilespmem:s23+$0x4CA0]  }
0x37e: {  	v7 =	vld [tilespmem:s23+$0x4CB0]  }
0x37f: {  	[tilespmem:s22+$0x124F0] =	vst.add.f32.msk $0xffff, v3  }
0x380: {  	v3 =	vld [tilespmem:s23+$0x4CC0]  }
0x381: {  	v8 =	vld [tilespmem:s23+$0x4CD0]  }
0x382: {  	v9 =	vld [tilespmem:s23+$0x4CE0]  }
0x383: {  	v10 =	vld [tilespmem:s23+$0x4CF0]  }
0x384: {  	v11 =	vld [tilespmem:s23+$0x5080]  }
0x385: {  	v12 =	vld [tilespmem:s23+$0x5090]  }
0x386: {  	v13 =	vld [tilespmem:s23+$0x50A0]  }
0x387: {  	v14 =	vld [tilespmem:s23+$0x50B0]  }
0x388: {  	v15 =	vld [tilespmem:s23+$0x50C0]  }
0x389: {  	v16 =	vld [tilespmem:s23+$0x50D0]  }
0x38a: {  	v17 =	vld [tilespmem:s23+$0x50E0]  }
0x38b: {  	v18 =	vld [tilespmem:s23+$0x50F0]  }
0x38c: {  	[tilespmem:s23+$0x12480] =	vst.add.f32.msk $0xffff, v4  }
0x38d: {  	[tilespmem:s23+$0x12490] =	vst.add.f32.msk $0xffff, v5  }
0x38e: {  	[tilespmem:s23+$0x124A0] =	vst.add.f32.msk $0xffff, v6  }
0x38f: {  	[tilespmem:s23+$0x124B0] =	vst.add.f32.msk $0xffff, v7  }
0x390: {  	[tilespmem:s23+$0x124C0] =	vst.add.f32.msk $0xffff, v3  }
0x391: {  	[tilespmem:s23+$0x124D0] =	vst.add.f32.msk $0xffff, v8  }
0x392: {  	[tilespmem:s23+$0x124E0] =	vst.add.f32.msk $0xffff, v9  }
0x393: {  	[tilespmem:s23+$0x124F0] =	vst.add.f32.msk $0xffff, v10  }
0x394: {  	[tilespmem:s23+$0x12880] =	vst.add.f32.msk $0xffff, v11  }
0x395: {  	[tilespmem:s23+$0x12890] =	vst.add.f32.msk $0xffff, v12  }
0x396: {  	[tilespmem:s23+$0x128A0] =	vst.add.f32.msk $0xffff, v13  }
0x397: {  	[tilespmem:s23+$0x128B0] =	vst.add.f32.msk $0xffff, v14  }
0x398: {  	[tilespmem:s23+$0x128C0] =	vst.add.f32.msk $0xffff, v15  }
0x399: {  	[tilespmem:s23+$0x128D0] =	vst.add.f32.msk $0xffff, v16  }
0x39a: {  	[tilespmem:s23+$0x128E0] =	vst.add.f32.msk $0xffff, v17  }
0x39b: {  	[tilespmem:s23+$0x128F0] =	vst.add.f32.msk $0xffff, v18  }
0x39c: {  	v3 =	vld [tilespmem:s7+$0x4C80]  }
0x39d: {  	v4 =	vld [tilespmem:s7+$0x4C90]  }
0x39e: {  	v5 =	vld [tilespmem:s7+$0x4CA0]  }
0x39f: {  	v6 =	vld [tilespmem:s7+$0x4CB0]  }
0x3a0: {  	v7 =	vld [tilespmem:s7+$0x4CC0]  }
0x3a1: {  	v8 =	vld [tilespmem:s7+$0x4CD0]  }
0x3a2: {  	v9 =	vld [tilespmem:s7+$0x4CE0]  }
0x3a3: {  	v10 =	vld [tilespmem:s7+$0x4CF0]  }
0x3a4: {  	[tilespmem:s7+$0x12480] =	vst.add.f32.msk $0xffff, v3  }
0x3a5: {  	[tilespmem:s7+$0x12490] =	vst.add.f32.msk $0xffff, v4  }
0x3a6: {  	[tilespmem:s7+$0x124A0] =	vst.add.f32.msk $0xffff, v5  }
0x3a7: {  	[tilespmem:s7+$0x124B0] =	vst.add.f32.msk $0xffff, v6  }
0x3a8: {  	[tilespmem:s7+$0x124C0] =	vst.add.f32.msk $0xffff, v7  }
0x3a9: {  	[tilespmem:s7+$0x124D0] =	vst.add.f32.msk $0xffff, v8  }
0x3aa: {  	[tilespmem:s7+$0x124E0] =	vst.add.f32.msk $0xffff, v9  }
0x3ab: {  	[tilespmem:s7+$0x124F0] =	vst.add.f32.msk $0xffff, v10  }
0x3ac: {  	v3 =	vld [tilespmem:s11+$0x4C80]  }
0x3ad: {  	v4 =	vld [tilespmem:s11+$0x4C90]  }
0x3ae: {  	v5 =	vld [tilespmem:s11+$0x4CA0]  }
0x3af: {  	v6 =	vld [tilespmem:s11+$0x4CB0]  }
0x3b0: {  	v7 =	vld [tilespmem:s11+$0x4CC0]  }
0x3b1: {  	v8 =	vld [tilespmem:s11+$0x4CD0]  }
0x3b2: {  	v9 =	vld [tilespmem:s11+$0x4CE0]  }
0x3b3: {  	v10 =	vld [tilespmem:s11+$0x4CF0]  }
0x3b4: {  	[tilespmem:s11+$0x12480] =	vst.add.f32.msk $0xffff, v3  }
0x3b5: {  	[tilespmem:s11+$0x12490] =	vst.add.f32.msk $0xffff, v4  }
0x3b6: {  	[tilespmem:s11+$0x124A0] =	vst.add.f32.msk $0xffff, v5  }
0x3b7: {  	[tilespmem:s11+$0x124B0] =	vst.add.f32.msk $0xffff, v6  }
0x3b8: {  	[tilespmem:s11+$0x124C0] =	vst.add.f32.msk $0xffff, v7  }
0x3b9: {  	[tilespmem:s11+$0x124D0] =	vst.add.f32.msk $0xffff, v8  }
0x3ba: {  	[tilespmem:s11+$0x124E0] =	vst.add.f32.msk $0xffff, v9  }
0x3bb: {  	[tilespmem:s11+$0x124F0] =	vst.add.f32.msk $0xffff, v10  }
0x3bc: {  	v3 =	vld [tilespmem:s13+$0x4C80]  }
0x3bd: {  	v4 =	vld [tilespmem:s13+$0x4C90]  }
0x3be: {  	v5 =	vld [tilespmem:s13+$0x4CA0]  }
0x3bf: {  	v6 =	vld [tilespmem:s13+$0x4CB0]  }
0x3c0: {  	v7 =	vld [tilespmem:s13+$0x4CC0]  }
0x3c1: {  	v8 =	vld [tilespmem:s13+$0x4CD0]  }
0x3c2: {  	v9 =	vld [tilespmem:s13+$0x4CE0]  }
0x3c3: {  	v10 =	vld [tilespmem:s13+$0x4CF0]  }
0x3c4: {  	[tilespmem:s13+$0x12480] =	vst.add.f32.msk $0xffff, v3  }
0x3c5: {  	[tilespmem:s13+$0x12490] =	vst.add.f32.msk $0xffff, v4  }
0x3c6: {  	[tilespmem:s13+$0x124A0] =	vst.add.f32.msk $0xffff, v5  }
0x3c7: {  	[tilespmem:s13+$0x124B0] =	vst.add.f32.msk $0xffff, v6  }
0x3c8: {  	[tilespmem:s13+$0x124C0] =	vst.add.f32.msk $0xffff, v7  }
0x3c9: {  	[tilespmem:s13+$0x124D0] =	vst.add.f32.msk $0xffff, v8  }
0x3ca: {  	[tilespmem:s13+$0x124E0] =	vst.add.f32.msk $0xffff, v9  }
0x3cb: {  	[tilespmem:s13+$0x124F0] =	vst.add.f32.msk $0xffff, v10  }
0x3cc: {  	v8 =	vld [tilespmem:s24+$0x4C80]  }
0x3cd: {  	v9 =	vld [tilespmem:s24+$0x4C90]  }
0x3ce: {  	v10 =	vld [tilespmem:s24+$0x4CA0]  }
0x3cf: {  	v11 =	vld [tilespmem:s24+$0x4CB0]  }
0x3d0: {  	v12 =	vld [tilespmem:s24+$0x4CC0]  }
0x3d1: {  	v13 =	vld [tilespmem:s24+$0x4CD0]  }
0x3d2: {  	v14 =	vld [tilespmem:s24+$0x4CE0]  }
0x3d3: {  	v15 =	vld [tilespmem:s24+$0x4CF0]  }
0x3d4: {  	v16 =	vld [tilespmem:s22+$0x4C80]  }
0x3d5: {  	v17 =	vld [tilespmem:s22+$0x4C90]  }
0x3d6: {  	v7 =	vld [tilespmem:s22+$0x4CA0]  }
0x3d7: {  	v6 =	vld [tilespmem:s22+$0x4CB0]  }
0x3d8: {  	v5 =	vld [tilespmem:s22+$0x4CC0]  }
0x3d9: {  	v4 =	vld [tilespmem:s22+$0x4CD0]  }
0x3da: {  	v3 =	vld [tilespmem:s22+$0x4CE0]  }
0x3db: {  	[tilespmem:s24+$0x12480] =	vst.add.f32.msk $0xffff, v8  }
0x3dc: {  	[tilespmem:s24+$0x12490] =	vst.add.f32.msk $0xffff, v9  }
0x3dd: {  	[tilespmem:s24+$0x124A0] =	vst.add.f32.msk $0xffff, v10  }
0x3de: {  	[tilespmem:s24+$0x124B0] =	vst.add.f32.msk $0xffff, v11  }
0x3df: {  	[tilespmem:s24+$0x124C0] =	vst.add.f32.msk $0xffff, v12  }
.Ltmp3:
0x3e0: {  	[tilespmem:s24+$0x124D0] =	vst.add.f32.msk $0xffff, v13;
	(pc) =	sbr.rel @p0 .LBB2_5-.Ltmp3, $4  }
0x3e1: {  	[tilespmem:s24+$0x124E0] =	vst.add.f32.msk $0xffff, v14  }
0x3e2: {  	[tilespmem:s24+$0x124F0] =	vst.add.f32.msk $0xffff, v15  }
0x3e3: {  	[tilespmem:s22+$0x12480] =	vst.add.f32.msk $0xffff, v16  }
0x3e4: {  	[tilespmem:s22+$0x12490] =	vst.add.f32.msk $0xffff, v17  }
0x3e5: {  	[tilespmem:s22+$0x124A0] =	vst.add.f32.msk $0xffff, v7;
	s7 =	sadd.s32 s0, s12  }
0x3e6: {  	[tilespmem:s22+$0x124B0] =	vst.add.f32.msk $0xffff, v6;
	s7 =	sshrl.u32 s7, $0x3  }
0x3e7: {  	[tilespmem:s22+$0x124C0] =	vst.add.f32.msk $0xffff, v5;
	s7 =	smul.u32 $0x300, s7  }
0x3e8: {  	[tilespmem:s22+$0x124D0] =	vst.add.f32.msk $0xffff, v4  }
0x3e9: {  	[tilespmem:s22+$0x124E0] =	vst.add.f32.msk $0xffff, v3;
	p0 =	seq.s32 s2, $0xF;
	s7 =	sadd.s32 s3, s7  }
0x3ea: {  	[hbm4b:s7+s5] =	stream.linear.scatter [tilespmem:s26], [sflag:$0x8], $0x4800, $0x38;
	[tilespmem:$0x1B480] =	vst v63  }
0x3eb: {  	s7 =	sadd.s32 @!p0 $0x48, s0  }
0x3ec: {  	s7 =	sadd.s32 @!p0 s4, s7  }
0x3ed: {  	s8 =	simm.s32 @!p0 $0x7;
	s7 =	sshrl.u32 @!p0 s7, $0x3  }
0x3ee: {  	_ =	swait.ge @!p0 [sflag:s8], $0x4800;
	s7 =	smul.u32 @!p0 $0x300, s7  }
0x3ef: {  	s11 =	simm.s32 @!p0 $0x480;
	[sflag:s8] =	ssyncset.done @!p0 $0x0  }
0x3f0: {  	[sflag:s8] =	ssyncadd.s32 @!p0 $0xFFFFB800;
	s8 =	simm.s32 @!p0 $0x0;
	s7 =	sadd.s32 @!p0 s1, s7  }
0x3f1: {  	[tilespmem:s11], [sflag:$0x1] =	stream.linear.gather @!p0 [hbm4b:s7+s8], $0x4800, $0x38;
	[tilespmem:$0x1B480] =	vst v63  }
0x3f2: {  	v3 =	vld @!p0 [tilespmem:s0+$0x48];
	_ =	sdelay $0x4  }
0x3f3: {  	v4 =	vshrl.u32 @!p0 v3, $0x3  }
0x3f4: {  	v4 =	vmul.u32 @!p0 $0x30, v4  }
0x3f5: {  	v5 =	vlaneseq.u32 @!p0;
	v3 =	vand.u32 @!p0 $0x7, v3  }
0x3f6: {  	v6 =	vshrl.u32 @!p0 v5, $0x3;
	v3 =	vor.u32 @!p0 v3, v4;
	v4 =	vand.u32 @!p0 $0x7, v5  }
0x3f7: {  	v6 =	vmul.u32 @!p0 $0x8, v6;
	v7 =	vperm.xlane @!p0 v3, v4;
	_ =	sdelay $0x1  }
0x3f8: {  	v7 =	vadd.s32 @!p0 v6, v7;
	_ =	sdelay $0x2  }
0x3f9: {  	v5 =	vor.u32 @!p0 $0x8, v5  }
0x3fa: {  	vm1 =	vmmov @!p0 $0xffff;
	s7 =	simm.s32 @!p0 $0xDC80;
	v3 =	vperm.xlane @!p0 v3, v5  }
0x3fb: {  	[tilespmem:s7], [sflag:$0x4] =	stream.indirect_vreg.gather @!p0 [hbm4b:s6+s8], $0x80, v7, vm1, $0xb8;
	[tilespmem:$0x1B480] =	vst v63  }
0x3fc: {  	v3 =	vadd.s32 @!p0 v6, v3;
	s7 =	simm.s32 @!p0 $0xE480  }
0x3fd: {  	[tilespmem:s7], [sflag:$0x4] =	stream.indirect_vreg.gather @!p0 [hbm4b:s9+s8], $0x80, v7, vm1, $0xb8;
	[tilespmem:$0x1B480] =	vst v63  }
0x3fe: {  	s7 =	simm.s32 @!p0 $0xEC80  }
0x3ff: {  	[tilespmem:s7], [sflag:$0x4] =	stream.indirect_vreg.gather @!p0 [hbm4b:s10+s8], $0x80, v7, vm1, $0xb8;
	[tilespmem:$0x1B480] =	vst v63  }
0x400: {  	s7 =	simm.s32 @!p0 $0xF480  }
0x401: {  	[tilespmem:s7], [sflag:$0x4] =	stream.indirect_vreg.gather @!p0 [hbm4b:s6+s8], $0x80, v3, vm1, $0xb8;
	[tilespmem:$0x1B480] =	vst v63  }
0x402: {  	s7 =	simm.s32 @!p0 $0xFC80  }
0x403: {  	[tilespmem:s7], [sflag:$0x4] =	stream.indirect_vreg.gather @!p0 [hbm4b:s9+s8], $0x80, v3, vm1, $0xb8;
	[tilespmem:$0x1B480] =	vst v63  }
0x404: {  	s7 =	simm.s32 @!p0 $0x10480  }
0x405: {  	[tilespmem:s7], [sflag:$0x4] =	stream.indirect_vreg.gather @!p0 [hbm4b:s10+s8], $0x80, v3, vm1, $0xb8;
	[tilespmem:$0x1B480] =	vst v63  }
0x406: {  	v3 =	vld.msk @!p0 [tilespmem:s0+$0x58], $0xff;
	_ =	sdelay $0x4  }
0x407: {  	v5 =	vshrl.u32 @!p0 v3, $0x3  }
0x408: {  	v5 =	vmul.u32 @!p0 $0x30, v5  }
0x409: {  	v3 =	vand.u32 @!p0 $0x7, v3  }
0x40a: {  	v3 =	vor.u32 @!p0 v3, v5  }
0x40b: {  	v3 =	vperm.xlane @!p0 v3, v4;
	_ =	sdelay $0x1  }
0x40c: {  	v3 =	vadd.s32 @!p0 v6, v3;
	_ =	sdelay $0x3  }
0x40d: {  	s7 =	simm.s32 @!p0 $0x10C80  }
0x40e: {  	[tilespmem:s7], [sflag:$0x4] =	stream.indirect_vreg.gather @!p0 [hbm4b:s6+s8], $0x80, v3, vm1, $0xb8;
	[tilespmem:$0x1B480] =	vst v63  }
0x40f: {  	s7 =	simm.s32 @!p0 $0x11480  }
0x410: {  	[tilespmem:s7], [sflag:$0x4] =	stream.indirect_vreg.gather @!p0 [hbm4b:s9+s8], $0x80, v3, vm1, $0xb8;
	[tilespmem:$0x1B480] =	vst v63  }
0x411: {  	s7 =	simm.s32 @!p0 $0x11C80  }
0x412: {  	[tilespmem:s7], [sflag:$0x4] =	stream.indirect_vreg.gather @!p0 [hbm4b:s10+s8], $0x80, v3, vm1, $0xb8;
	[tilespmem:$0x1B480] =	vst v63  }
0x413: {  	_ =	swait.ge [sflag:s29], $0x4800  }
0x414: {  	[sflag:s29] =	ssyncset.done $0x0  }
0x415: {  	s17 =	simm.s32 $0x0;
	s22 =	simm.s32 $0x0;
	[sflag:s29] =	ssyncadd.s32 $0xFFFFB800  }
0x416: {  	s8 =	smul.u32 $0x1800, s22;
	s7 =	sand.u32 $0x300, s17;
	_ =	swait.ge [sflag:s30], $0x4800  }
0x417: {  	s14 =	sor.u32 $0x80, s7;
	[sflag:s30] =	ssyncset.done $0x0  }
0x418: {  	s13 =	sor.u32 s8, s14;
	[sflag:s30] =	ssyncadd.s32 $0xFFFFB800  }
0x419: {  	v3 =	vld [tilespmem:s13+$0x9480]  }
0x41a: {  	v4 =	vld [tilespmem:s13+$0x9490]  }
0x41b: {  	v5 =	vld [tilespmem:s13+$0x94A0]  }
0x41c: {  	v6 =	vld [tilespmem:s13+$0x94B0]  }
0x41d: {  	v7 =	vld [tilespmem:s13+$0x94C0]  }
0x41e: {  	v8 =	vld [tilespmem:s13+$0x94D0]  }
0x41f: {  	v9 =	vld [tilespmem:s13+$0x94E0]  }
0x420: {  	v10 =	vld [tilespmem:s13+$0x94F0]  }
0x421: {  	v11 =	vld [tilespmem:s13+$0x9880]  }
0x422: {  	v12 =	vld [tilespmem:s13+$0x9890]  }
0x423: {  	v13 =	vld [tilespmem:s13+$0x98A0]  }
0x424: {  	v14 =	vld [tilespmem:s13+$0x98B0]  }
0x425: {  	v15 =	vld [tilespmem:s13+$0x98C0]  }
0x426: {  	v16 =	vld [tilespmem:s13+$0x98D0]  }
0x427: {  	v17 =	vld [tilespmem:s13+$0x98E0]  }
0x428: {  	v18 =	vld [tilespmem:s13+$0x98F0]  }
0x429: {  	[tilespmem:s13+$0x16C80] =	vst.add.f32.msk $0xffff, v3  }
0x42a: {  	[tilespmem:s13+$0x16C90] =	vst.add.f32.msk $0xffff, v4  }
0x42b: {  	[tilespmem:s13+$0x16CA0] =	vst.add.f32.msk $0xffff, v5  }
0x42c: {  	[tilespmem:s13+$0x16CB0] =	vst.add.f32.msk $0xffff, v6  }
0x42d: {  	[tilespmem:s13+$0x16CC0] =	vst.add.f32.msk $0xffff, v7  }
0x42e: {  	[tilespmem:s13+$0x16CD0] =	vst.add.f32.msk $0xffff, v8  }
0x42f: {  	[tilespmem:s13+$0x16CE0] =	vst.add.f32.msk $0xffff, v9  }
0x430: {  	[tilespmem:s13+$0x16CF0] =	vst.add.f32.msk $0xffff, v10  }
0x431: {  	[tilespmem:s13+$0x17080] =	vst.add.f32.msk $0xffff, v11  }
0x432: {  	[tilespmem:s13+$0x17090] =	vst.add.f32.msk $0xffff, v12  }
0x433: {  	[tilespmem:s13+$0x170A0] =	vst.add.f32.msk $0xffff, v13  }
0x434: {  	[tilespmem:s13+$0x170B0] =	vst.add.f32.msk $0xffff, v14  }
0x435: {  	[tilespmem:s13+$0x170C0] =	vst.add.f32.msk $0xffff, v15  }
0x436: {  	[tilespmem:s13+$0x170D0] =	vst.add.f32.msk $0xffff, v16  }
0x437: {  	s11 =	sadd.s32 $0x800, s8;
	[tilespmem:s13+$0x170E0] =	vst.add.f32.msk $0xffff, v17  }
0x438: {  	s16 =	sor.u32 s14, s11;
	[tilespmem:s13+$0x170F0] =	vst.add.f32.msk $0xffff, v18  }
0x439: {  	v3 =	vld [tilespmem:s16+$0x9480]  }
0x43a: {  	v4 =	vld [tilespmem:s16+$0x9490]  }
0x43b: {  	v5 =	vld [tilespmem:s16+$0x94A0]  }
0x43c: {  	v6 =	vld [tilespmem:s16+$0x94B0]  }
0x43d: {  	v7 =	vld [tilespmem:s16+$0x94C0]  }
0x43e: {  	v8 =	vld [tilespmem:s16+$0x94D0]  }
0x43f: {  	v9 =	vld [tilespmem:s16+$0x94E0]  }
0x440: {  	v10 =	vld [tilespmem:s16+$0x94F0]  }
0x441: {  	[tilespmem:s16+$0x16C80] =	vst.add.f32.msk $0xffff, v3  }
0x442: {  	[tilespmem:s16+$0x16C90] =	vst.add.f32.msk $0xffff, v4  }
0x443: {  	[tilespmem:s16+$0x16CA0] =	vst.add.f32.msk $0xffff, v5  }
0x444: {  	[tilespmem:s16+$0x16CB0] =	vst.add.f32.msk $0xffff, v6  }
0x445: {  	[tilespmem:s16+$0x16CC0] =	vst.add.f32.msk $0xffff, v7  }
0x446: {  	[tilespmem:s16+$0x16CD0] =	vst.add.f32.msk $0xffff, v8  }
0x447: {  	s13 =	sadd.s32 $0xC00, s8;
	[tilespmem:s16+$0x16CE0] =	vst.add.f32.msk $0xffff, v9  }
0x448: {  	s23 =	sor.u32 s14, s13;
	[tilespmem:s16+$0x16CF0] =	vst.add.f32.msk $0xffff, v10  }
0x449: {  	v3 =	vld [tilespmem:s23+$0x9480]  }
0x44a: {  	v4 =	vld [tilespmem:s23+$0x9490]  }
0x44b: {  	v5 =	vld [tilespmem:s23+$0x94A0]  }
0x44c: {  	v6 =	vld [tilespmem:s23+$0x94B0]  }
0x44d: {  	v7 =	vld [tilespmem:s23+$0x94C0]  }
0x44e: {  	v8 =	vld [tilespmem:s23+$0x94D0]  }
0x44f: {  	v9 =	vld [tilespmem:s23+$0x94E0]  }
0x450: {  	v10 =	vld [tilespmem:s23+$0x94F0]  }
0x451: {  	[tilespmem:s23+$0x16C80] =	vst.add.f32.msk $0xffff, v3  }
0x452: {  	[tilespmem:s23+$0x16C90] =	vst.add.f32.msk $0xffff, v4  }
0x453: {  	[tilespmem:s23+$0x16CA0] =	vst.add.f32.msk $0xffff, v5  }
0x454: {  	[tilespmem:s23+$0x16CB0] =	vst.add.f32.msk $0xffff, v6  }
0x455: {  	[tilespmem:s23+$0x16CC0] =	vst.add.f32.msk $0xffff, v7  }
0x456: {  	[tilespmem:s23+$0x16CD0] =	vst.add.f32.msk $0xffff, v8  }
0x457: {  	s20 =	sadd.s32 $0x1000, s8;
	[tilespmem:s23+$0x16CE0] =	vst.add.f32.msk $0xffff, v9  }
0x458: {  	s24 =	sor.u32 s14, s20;
	[tilespmem:s23+$0x16CF0] =	vst.add.f32.msk $0xffff, v10  }
0x459: {  	v3 =	vld [tilespmem:s24+$0x9480]  }
0x45a: {  	v4 =	vld [tilespmem:s24+$0x9490]  }
0x45b: {  	v5 =	vld [tilespmem:s24+$0x94A0]  }
0x45c: {  	v6 =	vld [tilespmem:s24+$0x94B0]  }
0x45d: {  	v7 =	vld [tilespmem:s24+$0x94C0]  }
0x45e: {  	v8 =	vld [tilespmem:s24+$0x94D0]  }
0x45f: {  	v9 =	vld [tilespmem:s24+$0x94E0]  }
0x460: {  	s23 =	sadd.s32 $0x1400, s8;
	s8 =	sor.u32 s7, s8;
	v10 =	vld [tilespmem:s24+$0x94F0]  }
0x461: {  	v52 =	vld [tilespmem:s8+$0x94E0]  }
0x462: {  	v53 =	vld [tilespmem:s8+$0x94F0]  }
0x463: {  	v54 =	vld [tilespmem:s8+$0x9880]  }
0x464: {  	v55 =	vld [tilespmem:s8+$0x9890]  }
0x465: {  	v56 =	vld [tilespmem:s8+$0x98A0]  }
0x466: {  	v57 =	vld [tilespmem:s8+$0x98B0]  }
0x467: {  	v58 =	vld [tilespmem:s8+$0x98C0]  }
0x468: {  	v59 =	vld [tilespmem:s8+$0x98D0]  }
0x469: {  	v60 =	vld [tilespmem:s8+$0x98E0]  }
0x46a: {  	v61 =	vld [tilespmem:s8+$0x98F0]  }
0x46b: {  	[tilespmem:s24+$0x16C80] =	vst.add.f32.msk $0xffff, v3  }
0x46c: {  	[tilespmem:s24+$0x16C90] =	vst.add.f32.msk $0xffff, v4  }
0x46d: {  	[tilespmem:s24+$0x16CA0] =	vst.add.f32.msk $0xffff, v5  }
0x46e: {  	[tilespmem:s24+$0x16CB0] =	vst.add.f32.msk $0xffff, v6  }
0x46f: {  	[tilespmem:s24+$0x16CC0] =	vst.add.f32.msk $0xffff, v7  }
0x470: {  	[tilespmem:s24+$0x16CD0] =	vst.add.f32.msk $0xffff, v8  }
0x471: {  	[tilespmem:s24+$0x16CE0] =	vst.add.f32.msk $0xffff, v9  }
0x472: {  	[tilespmem:s24+$0x16CF0] =	vst.add.f32.msk $0xffff, v10  }
0x473: {  	v4 =	vld [tilespmem:s8+$0x9480]  }
0x474: {  	v5 =	vld [tilespmem:s8+$0x9490]  }
0x475: {  	v6 =	vld [tilespmem:s8+$0x94A0]  }
0x476: {  	v7 =	vld [tilespmem:s8+$0x94B0]  }
0x477: {  	v8 =	vld [tilespmem:s8+$0x94D0]  }
0x478: {  	[tilespmem:s8+$0x16CE0] =	vst.add.f32.msk $0xffff, v52  }
0x479: {  	[tilespmem:s8+$0x16CF0] =	vst.add.f32.msk $0xffff, v53  }
0x47a: {  	[tilespmem:s8+$0x17080] =	vst.add.f32.msk $0xffff, v54  }
0x47b: {  	[tilespmem:s8+$0x17090] =	vst.add.f32.msk $0xffff, v55  }
0x47c: {  	[tilespmem:s8+$0x170A0] =	vst.add.f32.msk $0xffff, v56  }
0x47d: {  	[tilespmem:s8+$0x170B0] =	vst.add.f32.msk $0xffff, v57  }
0x47e: {  	[tilespmem:s8+$0x170C0] =	vst.add.f32.msk $0xffff, v58  }
0x47f: {  	[tilespmem:s8+$0x170D0] =	vst.add.f32.msk $0xffff, v59  }
0x480: {  	[tilespmem:s8+$0x170E0] =	vst.add.f32.msk $0xffff, v60  }
0x481: {  	s22 =	sor.u32 s14, s23;
	[tilespmem:s8+$0x170F0] =	vst.add.f32.msk $0xffff, v61  }
0x482: {  	v3 =	vld [tilespmem:s22+$0x94F0]  }
0x483: {  	v62 =	vld [tilespmem:s22+$0x9480]  }
0x484: {  	v63 =	vld [tilespmem:s22+$0x9490]  }
0x485: {  	[tilespmem:s8+$0x16C80] =	vst.add.f32.msk $0xffff, v4  }
0x486: {  	[tilespmem:s8+$0x16C90] =	vst.add.f32.msk $0xffff, v5  }
0x487: {  	[tilespmem:s8+$0x16CA0] =	vst.add.f32.msk $0xffff, v6  }
0x488: {  	[tilespmem:s22+$0x16CF0] =	vst.add.f32.msk $0xffff, v3  }
0x489: {  	v3 =	vld [tilespmem:s8+$0x94C0]  }
0x48a: {  	[tilespmem:s8+$0x16CB0] =	vst.add.f32.msk $0xffff, v7  }
0x48b: {  	[tilespmem:s8+$0x16CD0] =	vst.add.f32.msk $0xffff, v8  }
0x48c: {  	[tilespmem:s22+$0x16C80] =	vst.add.f32.msk $0xffff, v62  }
0x48d: {  	[tilespmem:s22+$0x16C90] =	vst.add.f32.msk $0xffff, v63  }
0x48e: {  	s11 =	sor.u32 s7, s11;
	[tilespmem:s8+$0x16CC0] =	vst.add.f32.msk $0xffff, v3  }
0x48f: {  	v3 =	vld [tilespmem:s11+$0x9480]  }
0x490: {  	v4 =	vld [tilespmem:s11+$0x9490]  }
0x491: {  	v5 =	vld [tilespmem:s11+$0x94A0]  }
0x492: {  	v6 =	vld [tilespmem:s11+$0x94B0]  }
0x493: {  	v7 =	vld [tilespmem:s11+$0x94C0]  }
0x494: {  	v8 =	vld [tilespmem:s11+$0x94D0]  }
0x495: {  	v9 =	vld [tilespmem:s11+$0x94E0]  }
0x496: {  	v10 =	vld [tilespmem:s11+$0x94F0]  }
0x497: {  	[tilespmem:s11+$0x16C80] =	vst.add.f32.msk $0xffff, v3  }
0x498: {  	[tilespmem:s11+$0x16C90] =	vst.add.f32.msk $0xffff, v4  }
0x499: {  	[tilespmem:s11+$0x16CA0] =	vst.add.f32.msk $0xffff, v5  }
0x49a: {  	[tilespmem:s11+$0x16CB0] =	vst.add.f32.msk $0xffff, v6  }
0x49b: {  	[tilespmem:s11+$0x16CC0] =	vst.add.f32.msk $0xffff, v7  }
0x49c: {  	[tilespmem:s11+$0x16CD0] =	vst.add.f32.msk $0xffff, v8  }
0x49d: {  	[tilespmem:s11+$0x16CE0] =	vst.add.f32.msk $0xffff, v9  }
0x49e: {  	s16 =	sor.u32 s7, s13;
	[tilespmem:s11+$0x16CF0] =	vst.add.f32.msk $0xffff, v10  }
0x49f: {  	v3 =	vld [tilespmem:s16+$0x9480]  }
0x4a0: {  	v4 =	vld [tilespmem:s16+$0x9490]  }
0x4a1: {  	v5 =	vld [tilespmem:s16+$0x94A0]  }
0x4a2: {  	v6 =	vld [tilespmem:s16+$0x94B0]  }
0x4a3: {  	v7 =	vld [tilespmem:s16+$0x94C0]  }
0x4a4: {  	v8 =	vld [tilespmem:s16+$0x94D0]  }
0x4a5: {  	v9 =	vld [tilespmem:s16+$0x94E0]  }
0x4a6: {  	v10 =	vld [tilespmem:s16+$0x94F0]  }
0x4a7: {  	[tilespmem:s16+$0x16C80] =	vst.add.f32.msk $0xffff, v3  }
0x4a8: {  	[tilespmem:s16+$0x16C90] =	vst.add.f32.msk $0xffff, v4  }
0x4a9: {  	[tilespmem:s16+$0x16CA0] =	vst.add.f32.msk $0xffff, v5  }
0x4aa: {  	[tilespmem:s16+$0x16CB0] =	vst.add.f32.msk $0xffff, v6  }
0x4ab: {  	[tilespmem:s16+$0x16CC0] =	vst.add.f32.msk $0xffff, v7  }
0x4ac: {  	[tilespmem:s16+$0x16CD0] =	vst.add.f32.msk $0xffff, v8  }
0x4ad: {  	[tilespmem:s16+$0x16CE0] =	vst.add.f32.msk $0xffff, v9  }
0x4ae: {  	s24 =	sor.u32 s7, s20;
	[tilespmem:s16+$0x16CF0] =	vst.add.f32.msk $0xffff, v10  }
0x4af: {  	v3 =	vld [tilespmem:s24+$0x9480]  }
0x4b0: {  	v4 =	vld [tilespmem:s24+$0x9490]  }
0x4b1: {  	v5 =	vld [tilespmem:s24+$0x94A0]  }
0x4b2: {  	v6 =	vld [tilespmem:s24+$0x94B0]  }
0x4b3: {  	v7 =	vld [tilespmem:s24+$0x94C0]  }
0x4b4: {  	v8 =	vld [tilespmem:s24+$0x94D0]  }
0x4b5: {  	v9 =	vld [tilespmem:s24+$0x94E0]  }
0x4b6: {  	v10 =	vld [tilespmem:s24+$0x94F0]  }
0x4b7: {  	[tilespmem:s24+$0x16C80] =	vst.add.f32.msk $0xffff, v3  }
0x4b8: {  	[tilespmem:s24+$0x16C90] =	vst.add.f32.msk $0xffff, v4  }
0x4b9: {  	[tilespmem:s24+$0x16CA0] =	vst.add.f32.msk $0xffff, v5  }
0x4ba: {  	[tilespmem:s24+$0x16CB0] =	vst.add.f32.msk $0xffff, v6  }
0x4bb: {  	[tilespmem:s24+$0x16CC0] =	vst.add.f32.msk $0xffff, v7  }
0x4bc: {  	[tilespmem:s24+$0x16CD0] =	vst.add.f32.msk $0xffff, v8  }
0x4bd: {  	[tilespmem:s24+$0x16CE0] =	vst.add.f32.msk $0xffff, v9  }
0x4be: {  	[tilespmem:s24+$0x16CF0] =	vst.add.f32.msk $0xffff, v10  }
0x4bf: {  	v7 =	vld [tilespmem:s22+$0x94A0]  }
0x4c0: {  	v6 =	vld [tilespmem:s22+$0x94B0]  }
0x4c1: {  	v5 =	vld [tilespmem:s22+$0x94C0]  }
0x4c2: {  	v4 =	vld [tilespmem:s22+$0x94D0]  }
0x4c3: {  	s7 =	sor.u32 s7, s23;
	v3 =	vld [tilespmem:s22+$0x94E0]  }
0x4c4: {  	v8 =	vld [tilespmem:s7+$0x9480]  }
0x4c5: {  	v9 =	vld [tilespmem:s7+$0x9490]  }
0x4c6: {  	v10 =	vld [tilespmem:s7+$0x94A0]  }
0x4c7: {  	v11 =	vld [tilespmem:s7+$0x94B0]  }
0x4c8: {  	v12 =	vld [tilespmem:s7+$0x94C0]  }
0x4c9: {  	v13 =	vld [tilespmem:s7+$0x94D0]  }
0x4ca: {  	v14 =	vld [tilespmem:s7+$0x94E0]  }
0x4cb: {  	v15 =	vld [tilespmem:s7+$0x94F0]  }
0x4cc: {  	[tilespmem:s7+$0x16C80] =	vst.add.f32.msk $0xffff, v8  }
0x4cd: {  	[tilespmem:s7+$0x16C90] =	vst.add.f32.msk $0xffff, v9  }
0x4ce: {  	[tilespmem:s7+$0x16CA0] =	vst.add.f32.msk $0xffff, v10  }
0x4cf: {  	[tilespmem:s7+$0x16CB0] =	vst.add.f32.msk $0xffff, v11  }
0x4d0: {  	[tilespmem:s7+$0x16CC0] =	vst.add.f32.msk $0xffff, v12  }
0x4d1: {  	[tilespmem:s7+$0x16CD0] =	vst.add.f32.msk $0xffff, v13  }
0x4d2: {  	[tilespmem:s7+$0x16CE0] =	vst.add.f32.msk $0xffff, v14  }
0x4d3: {  	s20 =	simm.s32 $0x0;
	[tilespmem:s7+$0x16CF0] =	vst.add.f32.msk $0xffff, v15  }
.LBB2_7:
0x4d4: {  	s20 =	sadd.s32 $0x2, s20;
	[tilespmem:s22+$0x16CA0] =	vst.add.f32.msk $0xffff, v7  }
0x4d5: {  	s17 =	sadd.s32 $0x100, s17;
	s7 =	sshrl.u32 s20, $0x3;
	p1 =	slt.u32 s20, $0x16;
	[tilespmem:s22+$0x16CB0] =	vst.add.f32.msk $0xffff, v6  }
0x4d6: {  	s24 =	sand.u32 $0x300, s17;
	s14 =	smul.u32 $0x1800, s7;
	[tilespmem:s22+$0x16CC0] =	vst.add.f32.msk $0xffff, v5  }
0x4d7: {  	s8 =	sor.u32 $0x80, s24;
	[tilespmem:s22+$0x16CD0] =	vst.add.f32.msk $0xffff, v4  }
0x4d8: {  	s23 =	sor.u32 s24, s14;
	s11 =	sor.u32 s14, s8;
	[tilespmem:s22+$0x16CE0] =	vst.add.f32.msk $0xffff, v3  }
0x4d9: {  	v3 =	vld [tilespmem:s11+$0x9480]  }
0x4da: {  	v4 =	vld [tilespmem:s11+$0x9490]  }
0x4db: {  	v5 =	vld [tilespmem:s11+$0x94A0]  }
0x4dc: {  	v6 =	vld [tilespmem:s11+$0x94B0]  }
0x4dd: {  	v7 =	vld [tilespmem:s11+$0x94C0]  }
0x4de: {  	v8 =	vld [tilespmem:s11+$0x94D0]  }
0x4df: {  	v9 =	vld [tilespmem:s11+$0x94E0]  }
0x4e0: {  	v10 =	vld [tilespmem:s11+$0x94F0]  }
0x4e1: {  	v11 =	vld [tilespmem:s11+$0x9880]  }
0x4e2: {  	v12 =	vld [tilespmem:s11+$0x9890]  }
0x4e3: {  	v13 =	vld [tilespmem:s11+$0x98A0]  }
0x4e4: {  	v14 =	vld [tilespmem:s11+$0x98B0]  }
0x4e5: {  	v15 =	vld [tilespmem:s11+$0x98C0]  }
0x4e6: {  	v16 =	vld [tilespmem:s11+$0x98D0]  }
0x4e7: {  	v17 =	vld [tilespmem:s11+$0x98E0]  }
0x4e8: {  	v18 =	vld [tilespmem:s11+$0x98F0]  }
0x4e9: {  	[tilespmem:s11+$0x16C80] =	vst.add.f32.msk $0xffff, v3  }
0x4ea: {  	[tilespmem:s11+$0x16C90] =	vst.add.f32.msk $0xffff, v4  }
0x4eb: {  	[tilespmem:s11+$0x16CA0] =	vst.add.f32.msk $0xffff, v5  }
0x4ec: {  	[tilespmem:s11+$0x16CB0] =	vst.add.f32.msk $0xffff, v6  }
0x4ed: {  	[tilespmem:s11+$0x16CC0] =	vst.add.f32.msk $0xffff, v7  }
0x4ee: {  	[tilespmem:s11+$0x16CD0] =	vst.add.f32.msk $0xffff, v8  }
0x4ef: {  	[tilespmem:s11+$0x16CE0] =	vst.add.f32.msk $0xffff, v9  }
0x4f0: {  	[tilespmem:s11+$0x16CF0] =	vst.add.f32.msk $0xffff, v10  }
0x4f1: {  	[tilespmem:s11+$0x17080] =	vst.add.f32.msk $0xffff, v11  }
0x4f2: {  	[tilespmem:s11+$0x17090] =	vst.add.f32.msk $0xffff, v12  }
0x4f3: {  	[tilespmem:s11+$0x170A0] =	vst.add.f32.msk $0xffff, v13  }
0x4f4: {  	[tilespmem:s11+$0x170B0] =	vst.add.f32.msk $0xffff, v14  }
0x4f5: {  	[tilespmem:s11+$0x170C0] =	vst.add.f32.msk $0xffff, v15  }
0x4f6: {  	[tilespmem:s11+$0x170D0] =	vst.add.f32.msk $0xffff, v16  }
0x4f7: {  	s13 =	sadd.s32 $0x800, s14;
	[tilespmem:s11+$0x170E0] =	vst.add.f32.msk $0xffff, v17  }
0x4f8: {  	s7 =	sor.u32 s24, s13;
	s13 =	sor.u32 s8, s13;
	[tilespmem:s11+$0x170F0] =	vst.add.f32.msk $0xffff, v18  }
0x4f9: {  	v3 =	vld [tilespmem:s13+$0x9480]  }
0x4fa: {  	v4 =	vld [tilespmem:s13+$0x9490]  }
0x4fb: {  	v5 =	vld [tilespmem:s13+$0x94A0]  }
0x4fc: {  	v6 =	vld [tilespmem:s13+$0x94B0]  }
0x4fd: {  	v7 =	vld [tilespmem:s13+$0x94C0]  }
0x4fe: {  	v8 =	vld [tilespmem:s13+$0x94D0]  }
0x4ff: {  	v9 =	vld [tilespmem:s13+$0x94E0]  }
0x500: {  	v10 =	vld [tilespmem:s13+$0x94F0]  }
0x501: {  	[tilespmem:s13+$0x16C80] =	vst.add.f32.msk $0xffff, v3  }
0x502: {  	[tilespmem:s13+$0x16C90] =	vst.add.f32.msk $0xffff, v4  }
0x503: {  	[tilespmem:s13+$0x16CA0] =	vst.add.f32.msk $0xffff, v5  }
0x504: {  	[tilespmem:s13+$0x16CB0] =	vst.add.f32.msk $0xffff, v6  }
0x505: {  	[tilespmem:s13+$0x16CC0] =	vst.add.f32.msk $0xffff, v7  }
0x506: {  	[tilespmem:s13+$0x16CD0] =	vst.add.f32.msk $0xffff, v8  }
0x507: {  	s16 =	sadd.s32 $0xC00, s14;
	[tilespmem:s13+$0x16CE0] =	vst.add.f32.msk $0xffff, v9  }
0x508: {  	s11 =	sor.u32 s24, s16;
	s16 =	sor.u32 s8, s16;
	[tilespmem:s13+$0x16CF0] =	vst.add.f32.msk $0xffff, v10  }
0x509: {  	v3 =	vld [tilespmem:s16+$0x9480]  }
0x50a: {  	v4 =	vld [tilespmem:s16+$0x9490]  }
0x50b: {  	v5 =	vld [tilespmem:s16+$0x94A0]  }
0x50c: {  	v6 =	vld [tilespmem:s16+$0x94B0]  }
0x50d: {  	v7 =	vld [tilespmem:s16+$0x94C0]  }
0x50e: {  	v8 =	vld [tilespmem:s16+$0x94D0]  }
0x50f: {  	v9 =	vld [tilespmem:s16+$0x94E0]  }
0x510: {  	v10 =	vld [tilespmem:s16+$0x94F0]  }
0x511: {  	[tilespmem:s16+$0x16C80] =	vst.add.f32.msk $0xffff, v3  }
0x512: {  	[tilespmem:s16+$0x16C90] =	vst.add.f32.msk $0xffff, v4  }
0x513: {  	[tilespmem:s16+$0x16CA0] =	vst.add.f32.msk $0xffff, v5  }
0x514: {  	[tilespmem:s16+$0x16CB0] =	vst.add.f32.msk $0xffff, v6  }
0x515: {  	[tilespmem:s16+$0x16CC0] =	vst.add.f32.msk $0xffff, v7  }
0x516: {  	[tilespmem:s16+$0x16CD0] =	vst.add.f32.msk $0xffff, v8  }
0x517: {  	s22 =	sadd.s32 $0x1000, s14;
	[tilespmem:s16+$0x16CE0] =	vst.add.f32.msk $0xffff, v9  }
0x518: {  	s13 =	sor.u32 s24, s22;
	[tilespmem:s16+$0x16CF0] =	vst.add.f32.msk $0xffff, v10;
	s16 =	sor.u32 s8, s22  }
0x519: {  	v3 =	vld [tilespmem:s16+$0x9480]  }
0x51a: {  	v4 =	vld [tilespmem:s16+$0x9490]  }
0x51b: {  	v5 =	vld [tilespmem:s16+$0x94A0]  }
0x51c: {  	v6 =	vld [tilespmem:s16+$0x94B0]  }
0x51d: {  	v7 =	vld [tilespmem:s16+$0x94C0]  }
0x51e: {  	v8 =	vld [tilespmem:s16+$0x94D0]  }
0x51f: {  	v9 =	vld [tilespmem:s16+$0x94E0]  }
0x520: {  	v10 =	vld [tilespmem:s16+$0x94F0]  }
0x521: {  	[tilespmem:s16+$0x16C80] =	vst.add.f32.msk $0xffff, v3  }
0x522: {  	[tilespmem:s16+$0x16C90] =	vst.add.f32.msk $0xffff, v4  }
0x523: {  	[tilespmem:s16+$0x16CA0] =	vst.add.f32.msk $0xffff, v5  }
0x524: {  	[tilespmem:s16+$0x16CB0] =	vst.add.f32.msk $0xffff, v6  }
0x525: {  	[tilespmem:s16+$0x16CC0] =	vst.add.f32.msk $0xffff, v7  }
0x526: {  	[tilespmem:s16+$0x16CD0] =	vst.add.f32.msk $0xffff, v8  }
0x527: {  	s14 =	sadd.s32 $0x1400, s14;
	[tilespmem:s16+$0x16CE0] =	vst.add.f32.msk $0xffff, v9  }
0x528: {  	s24 =	sor.u32 s24, s14;
	s22 =	sor.u32 s8, s14;
	[tilespmem:s16+$0x16CF0] =	vst.add.f32.msk $0xffff, v10  }
0x529: {  	v3 =	vld [tilespmem:s22+$0x94F0]  }
0x52a: {  	v4 =	vld [tilespmem:s23+$0x9480]  }
0x52b: {  	v5 =	vld [tilespmem:s23+$0x9490]  }
0x52c: {  	v6 =	vld [tilespmem:s23+$0x94A0]  }
0x52d: {  	v7 =	vld [tilespmem:s23+$0x94B0]  }
0x52e: {  	[tilespmem:s22+$0x16CF0] =	vst.add.f32.msk $0xffff, v3  }
0x52f: {  	v3 =	vld [tilespmem:s23+$0x94C0]  }
0x530: {  	v8 =	vld [tilespmem:s23+$0x94D0]  }
0x531: {  	v9 =	vld [tilespmem:s23+$0x94E0]  }
0x532: {  	v10 =	vld [tilespmem:s23+$0x94F0]  }
0x533: {  	v11 =	vld [tilespmem:s23+$0x9880]  }
0x534: {  	v12 =	vld [tilespmem:s23+$0x9890]  }
0x535: {  	v13 =	vld [tilespmem:s23+$0x98A0]  }
0x536: {  	v14 =	vld [tilespmem:s23+$0x98B0]  }
0x537: {  	v15 =	vld [tilespmem:s23+$0x98C0]  }
0x538: {  	v16 =	vld [tilespmem:s23+$0x98D0]  }
0x539: {  	v17 =	vld [tilespmem:s23+$0x98E0]  }
0x53a: {  	v18 =	vld [tilespmem:s23+$0x98F0]  }
0x53b: {  	[tilespmem:s23+$0x16C80] =	vst.add.f32.msk $0xffff, v4  }
0x53c: {  	[tilespmem:s23+$0x16C90] =	vst.add.f32.msk $0xffff, v5  }
0x53d: {  	[tilespmem:s23+$0x16CA0] =	vst.add.f32.msk $0xffff, v6  }
0x53e: {  	[tilespmem:s23+$0x16CB0] =	vst.add.f32.msk $0xffff, v7  }
0x53f: {  	[tilespmem:s23+$0x16CC0] =	vst.add.f32.msk $0xffff, v3  }
0x540: {  	[tilespmem:s23+$0x16CD0] =	vst.add.f32.msk $0xffff, v8  }
0x541: {  	[tilespmem:s23+$0x16CE0] =	vst.add.f32.msk $0xffff, v9  }
0x542: {  	[tilespmem:s23+$0x16CF0] =	vst.add.f32.msk $0xffff, v10  }
0x543: {  	[tilespmem:s23+$0x17080] =	vst.add.f32.msk $0xffff, v11  }
0x544: {  	[tilespmem:s23+$0x17090] =	vst.add.f32.msk $0xffff, v12  }
0x545: {  	[tilespmem:s23+$0x170A0] =	vst.add.f32.msk $0xffff, v13  }
0x546: {  	[tilespmem:s23+$0x170B0] =	vst.add.f32.msk $0xffff, v14  }
0x547: {  	[tilespmem:s23+$0x170C0] =	vst.add.f32.msk $0xffff, v15  }
0x548: {  	[tilespmem:s23+$0x170D0] =	vst.add.f32.msk $0xffff, v16  }
0x549: {  	[tilespmem:s23+$0x170E0] =	vst.add.f32.msk $0xffff, v17  }
0x54a: {  	[tilespmem:s23+$0x170F0] =	vst.add.f32.msk $0xffff, v18  }
0x54b: {  	v3 =	vld [tilespmem:s7+$0x9480]  }
0x54c: {  	v4 =	vld [tilespmem:s7+$0x9490]  }
0x54d: {  	v5 =	vld [tilespmem:s7+$0x94A0]  }
0x54e: {  	v6 =	vld [tilespmem:s7+$0x94B0]  }
0x54f: {  	v7 =	vld [tilespmem:s7+$0x94C0]  }
0x550: {  	v8 =	vld [tilespmem:s7+$0x94D0]  }
0x551: {  	v9 =	vld [tilespmem:s7+$0x94E0]  }
0x552: {  	v10 =	vld [tilespmem:s7+$0x94F0]  }
0x553: {  	[tilespmem:s7+$0x16C80] =	vst.add.f32.msk $0xffff, v3  }
0x554: {  	[tilespmem:s7+$0x16C90] =	vst.add.f32.msk $0xffff, v4  }
0x555: {  	[tilespmem:s7+$0x16CA0] =	vst.add.f32.msk $0xffff, v5  }
0x556: {  	[tilespmem:s7+$0x16CB0] =	vst.add.f32.msk $0xffff, v6  }
0x557: {  	[tilespmem:s7+$0x16CC0] =	vst.add.f32.msk $0xffff, v7  }
0x558: {  	[tilespmem:s7+$0x16CD0] =	vst.add.f32.msk $0xffff, v8  }
0x559: {  	[tilespmem:s7+$0x16CE0] =	vst.add.f32.msk $0xffff, v9  }
0x55a: {  	[tilespmem:s7+$0x16CF0] =	vst.add.f32.msk $0xffff, v10  }
0x55b: {  	v3 =	vld [tilespmem:s11+$0x9480]  }
0x55c: {  	v4 =	vld [tilespmem:s11+$0x9490]  }
0x55d: {  	v5 =	vld [tilespmem:s11+$0x94A0]  }
0x55e: {  	v6 =	vld [tilespmem:s11+$0x94B0]  }
0x55f: {  	v7 =	vld [tilespmem:s11+$0x94C0]  }
0x560: {  	v8 =	vld [tilespmem:s11+$0x94D0]  }
0x561: {  	v9 =	vld [tilespmem:s11+$0x94E0]  }
0x562: {  	v10 =	vld [tilespmem:s11+$0x94F0]  }
0x563: {  	[tilespmem:s11+$0x16C80] =	vst.add.f32.msk $0xffff, v3  }
0x564: {  	[tilespmem:s11+$0x16C90] =	vst.add.f32.msk $0xffff, v4  }
0x565: {  	[tilespmem:s11+$0x16CA0] =	vst.add.f32.msk $0xffff, v5  }
0x566: {  	[tilespmem:s11+$0x16CB0] =	vst.add.f32.msk $0xffff, v6  }
0x567: {  	[tilespmem:s11+$0x16CC0] =	vst.add.f32.msk $0xffff, v7  }
0x568: {  	[tilespmem:s11+$0x16CD0] =	vst.add.f32.msk $0xffff, v8  }
0x569: {  	[tilespmem:s11+$0x16CE0] =	vst.add.f32.msk $0xffff, v9  }
0x56a: {  	[tilespmem:s11+$0x16CF0] =	vst.add.f32.msk $0xffff, v10  }
0x56b: {  	v3 =	vld [tilespmem:s13+$0x9480]  }
0x56c: {  	v4 =	vld [tilespmem:s13+$0x9490]  }
0x56d: {  	v5 =	vld [tilespmem:s13+$0x94A0]  }
0x56e: {  	v6 =	vld [tilespmem:s13+$0x94B0]  }
0x56f: {  	v7 =	vld [tilespmem:s13+$0x94C0]  }
0x570: {  	v8 =	vld [tilespmem:s13+$0x94D0]  }
0x571: {  	v9 =	vld [tilespmem:s13+$0x94E0]  }
0x572: {  	v10 =	vld [tilespmem:s13+$0x94F0]  }
0x573: {  	[tilespmem:s13+$0x16C80] =	vst.add.f32.msk $0xffff, v3  }
0x574: {  	[tilespmem:s13+$0x16C90] =	vst.add.f32.msk $0xffff, v4  }
0x575: {  	[tilespmem:s13+$0x16CA0] =	vst.add.f32.msk $0xffff, v5  }
0x576: {  	[tilespmem:s13+$0x16CB0] =	vst.add.f32.msk $0xffff, v6  }
0x577: {  	[tilespmem:s13+$0x16CC0] =	vst.add.f32.msk $0xffff, v7  }
0x578: {  	[tilespmem:s13+$0x16CD0] =	vst.add.f32.msk $0xffff, v8  }
0x579: {  	[tilespmem:s13+$0x16CE0] =	vst.add.f32.msk $0xffff, v9  }
0x57a: {  	[tilespmem:s13+$0x16CF0] =	vst.add.f32.msk $0xffff, v10  }
0x57b: {  	v8 =	vld [tilespmem:s24+$0x9480]  }
0x57c: {  	v9 =	vld [tilespmem:s24+$0x9490]  }
0x57d: {  	v10 =	vld [tilespmem:s24+$0x94A0]  }
0x57e: {  	v11 =	vld [tilespmem:s24+$0x94B0]  }
0x57f: {  	v12 =	vld [tilespmem:s24+$0x94C0]  }
0x580: {  	v13 =	vld [tilespmem:s24+$0x94D0]  }
0x581: {  	v14 =	vld [tilespmem:s24+$0x94E0]  }
0x582: {  	v15 =	vld [tilespmem:s24+$0x94F0]  }
0x583: {  	v16 =	vld [tilespmem:s22+$0x9480]  }
0x584: {  	v17 =	vld [tilespmem:s22+$0x9490]  }
0x585: {  	v7 =	vld [tilespmem:s22+$0x94A0]  }
0x586: {  	v6 =	vld [tilespmem:s22+$0x94B0]  }
0x587: {  	v5 =	vld [tilespmem:s22+$0x94C0]  }
0x588: {  	v4 =	vld [tilespmem:s22+$0x94D0]  }
0x589: {  	v3 =	vld [tilespmem:s22+$0x94E0]  }
0x58a: {  	[tilespmem:s24+$0x16C80] =	vst.add.f32.msk $0xffff, v8  }
0x58b: {  	[tilespmem:s24+$0x16C90] =	vst.add.f32.msk $0xffff, v9  }
0x58c: {  	[tilespmem:s24+$0x16CA0] =	vst.add.f32.msk $0xffff, v10  }
0x58d: {  	[tilespmem:s24+$0x16CB0] =	vst.add.f32.msk $0xffff, v11  }
0x58e: {  	[tilespmem:s24+$0x16CC0] =	vst.add.f32.msk $0xffff, v12  }
.Ltmp4:
0x58f: {  	[tilespmem:s24+$0x16CD0] =	vst.add.f32.msk $0xffff, v13;
	(pc) =	sbr.rel @p1 .LBB2_7-.Ltmp4, $4  }
0x590: {  	[tilespmem:s24+$0x16CE0] =	vst.add.f32.msk $0xffff, v14  }
0x591: {  	[tilespmem:s24+$0x16CF0] =	vst.add.f32.msk $0xffff, v15  }
0x592: {  	[tilespmem:s22+$0x16C80] =	vst.add.f32.msk $0xffff, v16  }
0x593: {  	[tilespmem:s22+$0x16C90] =	vst.add.f32.msk $0xffff, v17  }
0x594: {  	[tilespmem:s22+$0x16CA0] =	vst.add.f32.msk $0xffff, v7  }
.Ltmp5:
0x595: {  	[tilespmem:s22+$0x16CB0] =	vst.add.f32.msk $0xffff, v6;
	(pc) =	sbr.rel @p0 .LBB2_10-.Ltmp5, $4  }
0x596: {  	[tilespmem:s22+$0x16CC0] =	vst.add.f32.msk $0xffff, v5  }
0x597: {  	[tilespmem:s22+$0x16CD0] =	vst.add.f32.msk $0xffff, v4  }
0x598: {  	[tilespmem:s22+$0x16CE0] =	vst.add.f32.msk $0xffff, v3;
	s7 =	sadd.s32 s3, s15  }
0x599: {  	[hbm4b:s7+s5] =	stream.linear.scatter [tilespmem:s21], [sflag:$0x9], $0x4800, $0x38;
	[tilespmem:$0x1B480] =	vst v63  }
0x59a: {  	s7 =	sadd.s32 $0x60, s0  }
0x59b: {  	s7 =	sadd.s32 s4, s7  }
0x59c: {  	s7 =	sshrl.u32 s7, $0x3  }
0x59d: {  	_ =	swait.ge [sflag:s31], $0x4800;
	s7 =	smul.u32 $0x300, s7  }
0x59e: {  	[sflag:s31] =	ssyncset.done $0x0  }
0x59f: {  	s8 =	simm.s32 $0x4C80;
	[sflag:s31] =	ssyncadd.s32 $0xFFFFB800;
	s7 =	sadd.s32 s1, s7  }
0x5a0: {  	[tilespmem:s8], [sflag:$0x2] =	stream.linear.gather [hbm4b:s7+s5], $0x4800, $0x38;
	[tilespmem:$0x1B480] =	vst v63  }
0x5a1: {  	v3 =	vld [tilespmem:s0+$0x60];
	_ =	sdelay $0x4  }
0x5a2: {  	v4 =	vshrl.u32 v3, $0x3  }
0x5a3: {  	v4 =	vmul.u32 $0x30, v4  }
0x5a4: {  	v3 =	vand.u32 $0x7, v3  }
0x5a5: {  	v3 =	vor.u32 v3, v4  }
0x5a6: {  	v4 =	vperm.xlane v3, v0;
	_ =	sdelay $0x1  }
0x5a7: {  	v4 =	vadd.s32 v1, v4;
	_ =	sdelay $0x3  }
0x5a8: {  	v3 =	vperm.xlane v3, v2  }
0x5a9: {  	[tilespmem:s26], [sflag:$0x5] =	stream.indirect_vreg.gather [hbm4b:s6+s5], $0x80, v4, vm0, $0xb8;
	[tilespmem:$0x1B480] =	vst v63  }
0x5aa: {  	s14 =	simm.s32 $0x12C80;
	v3 =	vadd.s32 v1, v3  }
0x5ab: {  	[tilespmem:s14], [sflag:$0x5] =	stream.indirect_vreg.gather [hbm4b:s9+s5], $0x80, v4, vm0, $0xb8;
	[tilespmem:$0x1B480] =	vst v63  }
0x5ac: {  	s15 =	simm.s32 $0x13480  }
0x5ad: {  	[tilespmem:s15], [sflag:$0x5] =	stream.indirect_vreg.gather [hbm4b:s10+s5], $0x80, v4, vm0, $0xb8;
	[tilespmem:$0x1B480] =	vst v63  }
0x5ae: {  	s16 =	simm.s32 $0x13C80  }
0x5af: {  	[tilespmem:s16], [sflag:$0x5] =	stream.indirect_vreg.gather [hbm4b:s6+s5], $0x80, v3, vm0, $0xb8;
	[tilespmem:$0x1B480] =	vst v63  }
0x5b0: {  	s17 =	simm.s32 $0x14480  }
0x5b1: {  	[tilespmem:s17], [sflag:$0x5] =	stream.indirect_vreg.gather [hbm4b:s9+s5], $0x80, v3, vm0, $0xb8;
	[tilespmem:$0x1B480] =	vst v63  }
0x5b2: {  	s20 =	simm.s32 $0x14C80  }
0x5b3: {  	[tilespmem:s20], [sflag:$0x5] =	stream.indirect_vreg.gather [hbm4b:s10+s5], $0x80, v3, vm0, $0xb8;
	[tilespmem:$0x1B480] =	vst v63  }
0x5b4: {  	v3 =	vld.msk [tilespmem:s0+$0x70], $0xff;
	_ =	sdelay $0x4  }
0x5b5: {  	v63 =	vshrl.u32 v3, $0x3  }
0x5b6: {  	v4 =	vmul.u32 $0x30, v63  }
0x5b7: {  	v3 =	vand.u32 $0x7, v3  }
0x5b8: {  	v3 =	vor.u32 v3, v4  }
0x5b9: {  	v3 =	vperm.xlane v3, v0;
	_ =	sdelay $0x1  }
0x5ba: {  	v3 =	vadd.s32 v1, v3;
	_ =	sdelay $0x3  }
0x5bb: {  	s22 =	simm.s32 $0x15480  }
0x5bc: {  	[tilespmem:s22], [sflag:$0x5] =	stream.indirect_vreg.gather [hbm4b:s6+s5], $0x80, v3, vm0, $0xb8;
	[tilespmem:$0x1B480] =	vst v63  }
.Ltmp6:
0x5bd: {  	_ = 	snop;
	(pc) =	sbr.rel .LBB2_2-.Ltmp6, $4  }
0x5be: {  	s23 =	simm.s32 $0x15C80  }
0x5bf: {  	[tilespmem:s23], [sflag:$0x5] =	stream.indirect_vreg.gather [hbm4b:s9+s5], $0x80, v3, vm0, $0xb8;
	[tilespmem:$0x1B480] =	vst v63  }
0x5c0: {  	s24 =	simm.s32 $0x16480;
	s2 =	sadd.s32 $0x1, s2  }
0x5c1: {  	[tilespmem:s24], [sflag:$0x5] =	stream.indirect_vreg.gather [hbm4b:s10+s5], $0x80, v3, vm0, $0xb8;
	[tilespmem:$0x1B480] =	vst v63  }
.LBB2_11:
0x5c2: {  	_ =	sfence.sel $0x180000  }
0x5c3: {  	[bflag:$0x0] =	sbarrier.arrive $0xFFFF  }
0x5c4: {  	_ =	strace $0x90000047  }
0x5c5: {  	s0 =	stileid.u32;
	[bflag:$0x2] =	sbarrier.arrive $0xFFFF  }
0x5c6: {  	p0 =	sne.s32 s0, $0x0;
	s0 =	rddreg [dreg:$0x3]  }
0x5c7: {  	s0 =	sadd.s32 @!p0 $0x100000, s0  }
0x5c8: {  	[sflag:s0] =	ssyncadd.tile.s32 @!p0 $0x1;
	_ =	shalt  }
.Lfunc_end2:
_tile_overlayer_lowered:
.L_overlay_start_2:
0x5c9: {  	(tag) =	ssettag $0x2  }
0x5ca: {  	s0 =	rddreg [dreg:$0x0];
	s2 =	stileid.u32  }
0x5cb: {  	s1 =	rddreg [dreg:$0x1];
	p0 =	sne.s32 s2, $0x0  }
0x5cc: {  	s3 =	rddreg [dreg:$0x2];
	[bflag:$0x3] =	sbarrier.arrive $0xFFFF;
	s2 =	simm.s32 @!p0 $0x1C0A  }
0x5cd: {  	[timem:s3], [sflag:s2] =	dma.local @!p0 [hbm:s0], s1  }
0x5ce: {  	s0 =	simm.s32 @!p0 $0xA  }
0x5cf: {  	_ =	swait.ge @!p0 [sflag:s0], s1  }
0x5d0: {  	s1 =	ssub.s32 @!p0 $0x0, s1;
	[sflag:s0] =	ssyncset.done @!p0 $0x0  }
0x5d1: {  	[sflag:s0] =	ssyncadd.s32 @!p0 s1  }
0x5d2: {  	[bflag:$0x3] =	sbarrier.arrive $0xFFFF  }
0x5d3: {  	_ =	shalt  }

</sc_bundles>
